<compile_context>
chip_gen: v7x
topology: tpu7x:2x2x1
jax: 0.10.2.dev20260603
libtpu: 0.0.44.dev20260713+nightly
codegen_flags: <defaults>
</compile_context>

<pallas_src>
import functools
import math

import jax
import jax.numpy as jnp
from jax import lax
from jax.experimental import pallas as pl
from jax.experimental.pallas import tpu as pltpu
from jax.experimental.pallas import tpu_sc as plsc

_VOCAB = 256
_D = 2048
_NC = 2
_NS = 16
_NW = _NC * _NS
_LANES = 16
_CHUNK = 8
_NBUF = 4
_SCALE = math.sqrt(_D)


def _make_emb(n_tokens):
    bpw = n_tokens // _NW
    nchunk = bpw // _CHUNK
    rows_per_tile = _VOCAB // _NS

    mesh = plsc.VectorSubcoreMesh(core_axis_name="c", subcore_axis_name="s")

    @functools.partial(
        pl.kernel,
        mesh=mesh,
        out_type=[
            jax.ShapeDtypeStruct((n_tokens, _D), jnp.float32),
            jax.ShapeDtypeStruct((_NC, _VOCAB, _D), jnp.float32),
        ],
        scratch_types=[
            pltpu.VMEM((nchunk, _CHUNK), jnp.int32),
            pltpu.VMEM((_NBUF, _CHUNK, _D), jnp.float32),
            pltpu.VMEM((rows_per_tile, _D), jnp.float32),
            pltpu.SemaphoreType.DMA,
            pltpu.SemaphoreType.DMA,
            pltpu.SemaphoreType.DMA,
            pltpu.SemaphoreType.DMA,
            pltpu.SemaphoreType.DMA,
            pltpu.SemaphoreType.DMA,
            pltpu.SemaphoreType.DMA,
            pltpu.SemaphoreType.DMA,
        ],
    )
    def emb(x_hbm, tab_hbm, out_hbm, tabscr_hbm, idx_v, ring, stage,
            g0, g1, g2, g3, s0, s1, s2, s3):
        c = lax.axis_index("c")
        s = lax.axis_index("s")
        wid = s * _NC + c
        gsem = (g0, g1, g2, g3)
        ssem = (s0, s1, s2, s3)

        row0 = s * rows_per_tile
        pltpu.sync_copy(tab_hbm.at[pl.ds(row0, rows_per_tile)], stage)

        def scale_row(r, carry):
            for j in range(_D // _LANES):
                sl = pl.ds(j * _LANES, _LANES)
                stage[r, sl] = stage[r, sl] * _SCALE
            return carry
        lax.fori_loop(0, rows_per_tile, scale_row, 0)

        @pl.when(s == 0)
        def _zero_row0():
            for j in range(_D // _LANES):
                stage[0, pl.ds(j * _LANES, _LANES)] = jnp.zeros(
                    (_LANES,), jnp.float32)

        pltpu.sync_copy(stage, tabscr_hbm.at[c, pl.ds(row0, rows_per_tile)])
        plsc.subcore_barrier()

        pltpu.sync_copy(x_hbm.at[wid], idx_v)

        def gather(k, b):
            return pltpu.make_async_copy(
                tabscr_hbm.at[c].at[idx_v.at[k]], ring.at[b], gsem[b])

        def scatter(k, b):
            base = wid * bpw + k * _CHUNK
            return pltpu.make_async_copy(
                ring.at[b], out_hbm.at[pl.ds(base, _CHUNK)], ssem[b])

        for b in range(_NBUF - 1):
            gather(b, b).start()

        def do_group(g, carry):
            for i in range(_NBUF):
                k = g * _NBUF + i
                b = i
                b2 = (i + _NBUF - 1) % _NBUF
                gather(k, b).wait()
                scatter(k, b).start()

                @pl.when(k >= 1)
                def _drain_prev():
                    scatter(k - 1, b2).wait()

                @pl.when(k + _NBUF - 1 < nchunk)
                def _prefetch():
                    gather(k + _NBUF - 1, b2).start()
            return carry
        lax.fori_loop(0, nchunk // _NBUF, do_group, 0)
        scatter(nchunk - 1, (_NBUF - 1) % _NBUF).wait()

    return emb


def kernel(x, table):
    b, seq = x.shape
    n = b * seq
    x3 = x.astype(jnp.int32).reshape(_NW, n // (_NW * _CHUNK), _CHUNK)
    out, _ = _make_emb(n)(x3, table)
    return out.reshape(b, seq, _D)

# --- scband reference (transcript-rebuilt; emitter-appended) ---
"""Pipeline reference for scband-byte-embedding-31679678775724 (READ-ONLY COPY).

The authoritative reference and input builder live on the scoring server;
editing this copy changes nothing except your own understanding.
"""

import math
import jax, jax.numpy as jnp
import numpy as np

VOCAB = 256
D_MODEL = 2048

def setup_inputs(seed: int = 0) -> dict:
    key = jax.random.key(seed)
    k1, k2 = jax.random.split(key)
    x = jax.random.randint(k1, (4, 4096), 0, VOCAB, dtype=jnp.int64) if jax.config.jax_enable_x64 else jax.random.randint(k1, (4, 4096), 0, VOCAB, dtype=jnp.int32)
    table = jax.random.normal(k2, (VOCAB, D_MODEL), dtype=jnp.float32)
    return {"x": x, "table": table}

def reference(x, table):
    # padding_idx=0: row 0 of the embedding table acts as an all-zero embedding
    table_eff = table.at[0].set(0.0)
    scale = math.sqrt(D_MODEL)
    emb = jnp.take(table_eff, x, axis=0)  # (batch, seq_len, d_model)
    return emb * scale

if __name__ == "__main__":
    import jax
    _d = setup_inputs()
    print(jax.jit(kernel)(*tuple(_d.values())))

</pallas_src>

<mosaic_0001>
#map = affine_map<(d0, d1) -> (0, 0, 0)>
#map1 = affine_map<(d0, d1) -> (0, 0)>
module attributes {stable_mosaic.version = 14 : i64} {
  func.func @emb(%arg0: i32, %arg1: i32, %arg2: memref<32x64x8xi32, #tpu.memory_space<hbm>>, %arg3: memref<256x2048xf32, #tpu.memory_space<hbm>>, %arg4: memref<16384x2048xf32, #tpu.memory_space<hbm>>, %arg5: memref<2x256x2048xf32, #tpu.memory_space<hbm>>, %arg6: memref<64x8xi32, #tpu.memory_space<vmem>>, %arg7: memref<4x8x2048xf32, #tpu.memory_space<vmem>>, %arg8: memref<16x2048xf32, #tpu.memory_space<vmem>>, %arg9: memref<!tpu.dma_semaphore, #tpu.memory_space<semaphore_mem>>, %arg10: memref<!tpu.dma_semaphore, #tpu.memory_space<semaphore_mem>>, %arg11: memref<!tpu.dma_semaphore, #tpu.memory_space<semaphore_mem>>, %arg12: memref<!tpu.dma_semaphore, #tpu.memory_space<semaphore_mem>>, %arg13: memref<!tpu.dma_semaphore, #tpu.memory_space<semaphore_mem>>, %arg14: memref<!tpu.dma_semaphore, #tpu.memory_space<semaphore_mem>>, %arg15: memref<!tpu.dma_semaphore, #tpu.memory_space<semaphore_mem>>, %arg16: memref<!tpu.dma_semaphore, #tpu.memory_space<semaphore_mem>>) attributes {dimension_semantics = [#tpu.dimension_semantics<core_parallel>, #tpu.dimension_semantics<subcore_parallel>], iteration_bounds = array<i64: 2, 16>, scalar_prefetch = 0 : i64, scratch_operands = 11 : i64, tpu.core_type = #tpu.core_type<sc_vector_subcore>, window_params = [{transform_indices = #map}, {transform_indices = #map1}, {transform_indices = #map1}, {transform_indices = #map}]} {
    %mul3A = arith.constant 2 : i32
    %mul3A_0 = arith.muli %arg1, %mul3A : i32
    %add3A = arith.addi %mul3A_0, %arg0 : i32
    %mul3A_1 = arith.constant 16 : i32
    %mul3A_2 = arith.muli %arg1, %mul3A_1 : i32
    "tpu.region"() ({
      %run_scoped3A = tpu.sem_alloc : memref<!tpu.dma_semaphore, #tpu.memory_space<semaphore_mem>>
      %dma_start3A_79 = arith.constant 0 : i32
      %dma_start3A_80 = tpu.memref_slice %arg3[%mul3A_2, %dma_start3A_79] : memref<256x2048xf32, #tpu.memory_space<hbm>> -> memref<16x2048xf32, #tpu.memory_space<hbm>>
      %dma_start3A_81 = arith.constant 0 : i32
      %dma_start3A_82 = tpu.memref_slice %arg3[%mul3A_2, %dma_start3A_81] : memref<256x2048xf32, #tpu.memory_space<hbm>> -> memref<16x2048xf32, #tpu.memory_space<hbm>>
      tpu.enqueue_dma source(%dma_start3A_82 : memref<16x2048xf32, #tpu.memory_space<hbm>>) target(%arg8 : memref<16x2048xf32, #tpu.memory_space<vmem>>) target_semaphore(%run_scoped3A : memref<!tpu.dma_semaphore, #tpu.memory_space<semaphore_mem>>)
      %dma_wait3A_83 = arith.constant 0 : i32
      %dma_wait3A_84 = tpu.memref_slice %arg3[%mul3A_2, %dma_wait3A_83] : memref<256x2048xf32, #tpu.memory_space<hbm>> -> memref<16x2048xf32, #tpu.memory_space<hbm>>
      %dma_wait3A_85 = arith.constant 0 : i32
      %dma_wait3A_86 = tpu.memref_slice %arg3[%mul3A_2, %dma_wait3A_85] : memref<256x2048xf32, #tpu.memory_space<hbm>> -> memref<16x2048xf32, #tpu.memory_space<hbm>>
      tpu.wait_dma2 semaphore(%run_scoped3A : memref<!tpu.dma_semaphore, #tpu.memory_space<semaphore_mem>>) src(%dma_wait3A_86 : memref<16x2048xf32, #tpu.memory_space<hbm>>) dst(%arg8 : memref<16x2048xf32, #tpu.memory_space<vmem>>)
      tpu.yield
    }) : () -> ()
    %scan3A = arith.constant 0 : i32
    %scan3A_3 = arith.constant 0 : i32
    %scan3A_4 = arith.constant 16 : i32
    %scan3A_5 = arith.addi %scan3A_3, %scan3A_4 : i32
    %scan3A_6 = arith.constant 1 : i32
    scf.for %scan3A_79 = %scan3A_3 to %scan3A_5 step %scan3A_6  : i32 {
      %get3A = arith.index_cast %scan3A_79 : i32 to index
      %get3A_80 = arith.constant 0 : index
      %get3A_81 = tpu.vector_load %arg8[%get3A, %get3A_80] {strides = array<i32>} : memref<16x2048xf32, #tpu.memory_space<vmem>>, vector<1x16xf32>,
      %get3A_82 = vector.shape_cast %get3A_81 : vector<1x16xf32> to vector<16xf32>
      %mul3A_83 = arith.constant 45.2548332 : f32
      %mul3A_84 = vector.broadcast %mul3A_83 : f32 to vector<16xf32>
      %mul3A_85 = arith.mulf %get3A_82, %mul3A_84 : vector<16xf32>
      %swap3A = arith.index_cast %scan3A_79 : i32 to index
      %swap3A_86 = arith.constant 0 : index
      %swap3A_87 = tpu.vector_load %arg8[%swap3A, %swap3A_86] {strides = array<i32>} : memref<16x2048xf32, #tpu.memory_space<vmem>>, vector<1x16xf32>,
      %swap3A_88 = vector.shape_cast %swap3A_87 : vector<1x16xf32> to vector<16xf32>
      %swap3A_89 = vector.shape_cast %mul3A_85 : vector<16xf32> to vector<1x16xf32>
      tpu.vector_store %arg8[%swap3A, %swap3A_86], %swap3A_89 {strides = array<i32>} : memref<16x2048xf32, #tpu.memory_space<vmem>>, vector<1x16xf32>,
      %get3A_90 = arith.index_cast %scan3A_79 : i32 to index
      %get3A_91 = arith.constant 16 : index
      %get3A_92 = tpu.vector_load %arg8[%get3A_90, %get3A_91] {strides = array<i32>} : memref<16x2048xf32, #tpu.memory_space<vmem>>, vector<1x16xf32>,
      %get3A_93 = vector.shape_cast %get3A_92 : vector<1x16xf32> to vector<16xf32>
      %mul3A_94 = arith.constant 45.2548332 : f32
      %mul3A_95 = vector.broadcast %mul3A_94 : f32 to vector<16xf32>
      %mul3A_96 = arith.mulf %get3A_93, %mul3A_95 : vector<16xf32>
      %swap3A_97 = arith.index_cast %scan3A_79 : i32 to index
      %swap3A_98 = arith.constant 16 : index
      %swap3A_99 = tpu.vector_load %arg8[%swap3A_97, %swap3A_98] {strides = array<i32>} : memref<16x2048xf32, #tpu.memory_space<vmem>>, vector<1x16xf32>,
      %swap3A_100 = vector.shape_cast %swap3A_99 : vector<1x16xf32> to vector<16xf32>
      %swap3A_101 = vector.shape_cast %mul3A_96 : vector<16xf32> to vector<1x16xf32>
      tpu.vector_store %arg8[%swap3A_97, %swap3A_98], %swap3A_101 {strides = array<i32>} : memref<16x2048xf32, #tpu.memory_space<vmem>>, vector<1x16xf32>,
      %get3A_102 = arith.index_cast %scan3A_79 : i32 to index
      %get3A_103 = arith.constant 32 : index
      %get3A_104 = tpu.vector_load %arg8[%get3A_102, %get3A_103] {strides = array<i32>} : memref<16x2048xf32, #tpu.memory_space<vmem>>, vector<1x16xf32>,
      %get3A_105 = vector.shape_cast %get3A_104 : vector<1x16xf32> to vector<16xf32>
      %mul3A_106 = arith.constant 45.2548332 : f32
      %mul3A_107 = vector.broadcast %mul3A_106 : f32 to vector<16xf32>
      %mul3A_108 = arith.mulf %get3A_105, %mul3A_107 : vector<16xf32>
      %swap3A_109 = arith.index_cast %scan3A_79 : i32 to index
      %swap3A_110 = arith.constant 32 : index
      %swap3A_111 = tpu.vector_load %arg8[%swap3A_109, %swap3A_110] {strides = array<i32>} : memref<16x2048xf32, #tpu.memory_space<vmem>>, vector<1x16xf32>,
      %swap3A_112 = vector.shape_cast %swap3A_111 : vector<1x16xf32> to vector<16xf32>
      %swap3A_113 = vector.shape_cast %mul3A_108 : vector<16xf32> to vector<1x16xf32>
      tpu.vector_store %arg8[%swap3A_109, %swap3A_110], %swap3A_113 {strides = array<i32>} : memref<16x2048xf32, #tpu.memory_space<vmem>>, vector<1x16xf32>,
      %get3A_114 = arith.index_cast %scan3A_79 : i32 to index
      %get3A_115 = arith.constant 48 : index
      %get3A_116 = tpu.vector_load %arg8[%get3A_114, %get3A_115] {strides = array<i32>} : memref<16x2048xf32, #tpu.memory_space<vmem>>, vector<1x16xf32>,
      %get3A_117 = vector.shape_cast %get3A_116 : vector<1x16xf32> to vector<16xf32>
      %mul3A_118 = arith.constant 45.2548332 : f32
      %mul3A_119 = vector.broadcast %mul3A_118 : f32 to vector<16xf32>
      %mul3A_120 = arith.mulf %get3A_117, %mul3A_119 : vector<16xf32>
      %swap3A_121 = arith.index_cast %scan3A_79 : i32 to index
      %swap3A_122 = arith.constant 48 : index
      %swap3A_123 = tpu.vector_load %arg8[%swap3A_121, %swap3A_122] {strides = array<i32>} : memref<16x2048xf32, #tpu.memory_space<vmem>>, vector<1x16xf32>,
      %swap3A_124 = vector.shape_cast %swap3A_123 : vector<1x16xf32> to vector<16xf32>
      %swap3A_125 = vector.shape_cast %mul3A_120 : vector<16xf32> to vector<1x16xf32>
      tpu.vector_store %arg8[%swap3A_121, %swap3A_122], %swap3A_125 {strides = array<i32>} : memref<16x2048xf32, #tpu.memory_space<vmem>>, vector<1x16xf32>,
      %get3A_126 = arith.index_cast %scan3A_79 : i32 to index
      %get3A_127 = arith.constant 64 : index
      %get3A_128 = tpu.vector_load %arg8[%get3A_126, %get3A_127] {strides = array<i32>} : memref<16x2048xf32, #tpu.memory_space<vmem>>, vector<1x16xf32>,
      %get3A_129 = vector.shape_cast %get3A_128 : vector<1x16xf32> to vector<16xf32>
      %mul3A_130 = arith.constant 45.2548332 : f32
      %mul3A_131 = vector.broadcast %mul3A_130 : f32 to vector<16xf32>
      %mul3A_132 = arith.mulf %get3A_129, %mul3A_131 : vector<16xf32>
      %swap3A_133 = arith.index_cast %scan3A_79 : i32 to index
      %swap3A_134 = arith.constant 64 : index
      %swap3A_135 = tpu.vector_load %arg8[%swap3A_133, %swap3A_134] {strides = array<i32>} : memref<16x2048xf32, #tpu.memory_space<vmem>>, vector<1x16xf32>,
      %swap3A_136 = vector.shape_cast %swap3A_135 : vector<1x16xf32> to vector<16xf32>
      %swap3A_137 = vector.shape_cast %mul3A_132 : vector<16xf32> to vector<1x16xf32>
      tpu.vector_store %arg8[%swap3A_133, %swap3A_134], %swap3A_137 {strides = array<i32>} : memref<16x2048xf32, #tpu.memory_space<vmem>>, vector<1x16xf32>,
      %get3A_138 = arith.index_cast %scan3A_79 : i32 to index
      %get3A_139 = arith.constant 80 : index
      %get3A_140 = tpu.vector_load %arg8[%get3A_138, %get3A_139] {strides = array<i32>} : memref<16x2048xf32, #tpu.memory_space<vmem>>, vector<1x16xf32>,
      %get3A_141 = vector.shape_cast %get3A_140 : vector<1x16xf32> to vector<16xf32>
      %mul3A_142 = arith.constant 45.2548332 : f32
      %mul3A_143 = vector.broadcast %mul3A_142 : f32 to vector<16xf32>
      %mul3A_144 = arith.mulf %get3A_141, %mul3A_143 : vector<16xf32>
      %swap3A_145 = arith.index_cast %scan3A_79 : i32 to index
      %swap3A_146 = arith.constant 80 : index
      %swap3A_147 = tpu.vector_load %arg8[%swap3A_145, %swap3A_146] {strides = array<i32>} : memref<16x2048xf32, #tpu.memory_space<vmem>>, vector<1x16xf32>,
      %swap3A_148 = vector.shape_cast %swap3A_147 : vector<1x16xf32> to vector<16xf32>
      %swap3A_149 = vector.shape_cast %mul3A_144 : vector<16xf32> to vector<1x16xf32>
      tpu.vector_store %arg8[%swap3A_145, %swap3A_146], %swap3A_149 {strides = array<i32>} : memref<16x2048xf32, #tpu.memory_space<vmem>>, vector<1x16xf32>,
      %get3A_150 = arith.index_cast %scan3A_79 : i32 to index
      %get3A_151 = arith.constant 96 : index
      %get3A_152 = tpu.vector_load %arg8[%get3A_150, %get3A_151] {strides = array<i32>} : memref<16x2048xf32, #tpu.memory_space<vmem>>, vector<1x16xf32>,
      %get3A_153 = vector.shape_cast %get3A_152 : vector<1x16xf32> to vector<16xf32>
      %mul3A_154 = arith.constant 45.2548332 : f32
      %mul3A_155 = vector.broadcast %mul3A_154 : f32 to vector<16xf32>
      %mul3A_156 = arith.mulf %get3A_153, %mul3A_155 : vector<16xf32>
      %swap3A_157 = arith.index_cast %scan3A_79 : i32 to index
      %swap3A_158 = arith.constant 96 : index
      %swap3A_159 = tpu.vector_load %arg8[%swap3A_157, %swap3A_158] {strides = array<i32>} : memref<16x2048xf32, #tpu.memory_space<vmem>>, vector<1x16xf32>,
      %swap3A_160 = vector.shape_cast %swap3A_159 : vector<1x16xf32> to vector<16xf32>
      %swap3A_161 = vector.shape_cast %mul3A_156 : vector<16xf32> to vector<1x16xf32>
      tpu.vector_store %arg8[%swap3A_157, %swap3A_158], %swap3A_161 {strides = array<i32>} : memref<16x2048xf32, #tpu.memory_space<vmem>>, vector<1x16xf32>,
      %get3A_162 = arith.index_cast %scan3A_79 : i32 to index
      %get3A_163 = arith.constant 112 : index
      %get3A_164 = tpu.vector_load %arg8[%get3A_162, %get3A_163] {strides = array<i32>} : memref<16x2048xf32, #tpu.memory_space<vmem>>, vector<1x16xf32>,
      %get3A_165 = vector.shape_cast %get3A_164 : vector<1x16xf32> to vector<16xf32>
      %mul3A_166 = arith.constant 45.2548332 : f32
      %mul3A_167 = vector.broadcast %mul3A_166 : f32 to vector<16xf32>
      %mul3A_168 = arith.mulf %get3A_165, %mul3A_167 : vector<16xf32>
      %swap3A_169 = arith.index_cast %scan3A_79 : i32 to index
      %swap3A_170 = arith.constant 112 : index
      %swap3A_171 = tpu.vector_load %arg8[%swap3A_169, %swap3A_170] {strides = array<i32>} : memref<16x2048xf32, #tpu.memory_space<vmem>>, vector<1x16xf32>,
      %swap3A_172 = vector.shape_cast %swap3A_171 : vector<1x16xf32> to vector<16xf32>
      %swap3A_173 = vector.shape_cast %mul3A_168 : vector<16xf32> to vector<1x16xf32>
      tpu.vector_store %arg8[%swap3A_169, %swap3A_170], %swap3A_173 {strides = array<i32>} : memref<16x2048xf32, #tpu.memory_space<vmem>>, vector<1x16xf32>,
      %get3A_174 = arith.index_cast %scan3A_79 : i32 to index
      %get3A_175 = arith.constant 128 : index
      %get3A_176 = tpu.vector_load %arg8[%get3A_174, %get3A_175] {strides = array<i32>} : memref<16x2048xf32, #tpu.memory_space<vmem>>, vector<1x16xf32>,
      %get3A_177 = vector.shape_cast %get3A_176 : vector<1x16xf32> to vector<16xf32>
      %mul3A_178 = arith.constant 45.2548332 : f32
      %mul3A_179 = vector.broadcast %mul3A_178 : f32 to vector<16xf32>
      %mul3A_180 = arith.mulf %get3A_177, %mul3A_179 : vector<16xf32>
      %swap3A_181 = arith.index_cast %scan3A_79 : i32 to index
      %swap3A_182 = arith.constant 128 : index
      %swap3A_183 = tpu.vector_load %arg8[%swap3A_181, %swap3A_182] {strides = array<i32>} : memref<16x2048xf32, #tpu.memory_space<vmem>>, vector<1x16xf32>,
      %swap3A_184 = vector.shape_cast %swap3A_183 : vector<1x16xf32> to vector<16xf32>
      %swap3A_185 = vector.shape_cast %mul3A_180 : vector<16xf32> to vector<1x16xf32>
      tpu.vector_store %arg8[%swap3A_181, %swap3A_182], %swap3A_185 {strides = array<i32>} : memref<16x2048xf32, #tpu.memory_space<vmem>>, vector<1x16xf32>,
      %get3A_186 = arith.index_cast %scan3A_79 : i32 to index
      %get3A_187 = arith.constant 144 : index
      %get3A_188 = tpu.vector_load %arg8[%get3A_186, %get3A_187] {strides = array<i32>} : memref<16x2048xf32, #tpu.memory_space<vmem>>, vector<1x16xf32>,
      %get3A_189 = vector.shape_cast %get3A_188 : vector<1x16xf32> to vector<16xf32>
      %mul3A_190 = arith.constant 45.2548332 : f32
      %mul3A_191 = vector.broadcast %mul3A_190 : f32 to vector<16xf32>
      %mul3A_192 = arith.mulf %get3A_189, %mul3A_191 : vector<16xf32>
      %swap3A_193 = arith.index_cast %scan3A_79 : i32 to index
      %swap3A_194 = arith.constant 144 : index
      %swap3A_195 = tpu.vector_load %arg8[%swap3A_193, %swap3A_194] {strides = array<i32>} : memref<16x2048xf32, #tpu.memory_space<vmem>>, vector<1x16xf32>,
      %swap3A_196 = vector.shape_cast %swap3A_195 : vector<1x16xf32> to vector<16xf32>
      %swap3A_197 = vector.shape_cast %mul3A_192 : vector<16xf32> to vector<1x16xf32>
      tpu.vector_store %arg8[%swap3A_193, %swap3A_194], %swap3A_197 {strides = array<i32>} : memref<16x2048xf32, #tpu.memory_space<vmem>>, vector<1x16xf32>,
      %get3A_198 = arith.index_cast %scan3A_79 : i32 to index
      %get3A_199 = arith.constant 160 : index
      %get3A_200 = tpu.vector_load %arg8[%get3A_198, %get3A_199] {strides = array<i32>} : memref<16x2048xf32, #tpu.memory_space<vmem>>, vector<1x16xf32>,
      %get3A_201 = vector.shape_cast %get3A_200 : vector<1x16xf32> to vector<16xf32>
      %mul3A_202 = arith.constant 45.2548332 : f32
      %mul3A_203 = vector.broadcast %mul3A_202 : f32 to vector<16xf32>
      %mul3A_204 = arith.mulf %get3A_201, %mul3A_203 : vector<16xf32>
      %swap3A_205 = arith.index_cast %scan3A_79 : i32 to index
      %swap3A_206 = arith.constant 160 : index
      %swap3A_207 = tpu.vector_load %arg8[%swap3A_205, %swap3A_206] {strides = array<i32>} : memref<16x2048xf32, #tpu.memory_space<vmem>>, vector<1x16xf32>,
      %swap3A_208 = vector.shape_cast %swap3A_207 : vector<1x16xf32> to vector<16xf32>
      %swap3A_209 = vector.shape_cast %mul3A_204 : vector<16xf32> to vector<1x16xf32>
      tpu.vector_store %arg8[%swap3A_205, %swap3A_206], %swap3A_209 {strides = array<i32>} : memref<16x2048xf32, #tpu.memory_space<vmem>>, vector<1x16xf32>,
      %get3A_210 = arith.index_cast %scan3A_79 : i32 to index
      %get3A_211 = arith.constant 176 : index
      %get3A_212 = tpu.vector_load %arg8[%get3A_210, %get3A_211] {strides = array<i32>} : memref<16x2048xf32, #tpu.memory_space<vmem>>, vector<1x16xf32>,
      %get3A_213 = vector.shape_cast %get3A_212 : vector<1x16xf32> to vector<16xf32>
      %mul3A_214 = arith.constant 45.2548332 : f32
      %mul3A_215 = vector.broadcast %mul3A_214 : f32 to vector<16xf32>
      %mul3A_216 = arith.mulf %get3A_213, %mul3A_215 : vector<16xf32>
      %swap3A_217 = arith.index_cast %scan3A_79 : i32 to index
      %swap3A_218 = arith.constant 176 : index
      %swap3A_219 = tpu.vector_load %arg8[%swap3A_217, %swap3A_218] {strides = array<i32>} : memref<16x2048xf32, #tpu.memory_space<vmem>>, vector<1x16xf32>,
      %swap3A_220 = vector.shape_cast %swap3A_219 : vector<1x16xf32> to vector<16xf32>
      %swap3A_221 = vector.shape_cast %mul3A_216 : vector<16xf32> to vector<1x16xf32>
      tpu.vector_store %arg8[%swap3A_217, %swap3A_218], %swap3A_221 {strides = array<i32>} : memref<16x2048xf32, #tpu.memory_space<vmem>>, vector<1x16xf32>,
      %get3A_222 = arith.index_cast %scan3A_79 : i32 to index
      %get3A_223 = arith.constant 192 : index
      %get3A_224 = tpu.vector_load %arg8[%get3A_222, %get3A_223] {strides = array<i32>} : memref<16x2048xf32, #tpu.memory_space<vmem>>, vector<1x16xf32>,
      %get3A_225 = vector.shape_cast %get3A_224 : vector<1x16xf32> to vector<16xf32>
      %mul3A_226 = arith.constant 45.2548332 : f32
      %mul3A_227 = vector.broadcast %mul3A_226 : f32 to vector<16xf32>
      %mul3A_228 = arith.mulf %get3A_225, %mul3A_227 : vector<16xf32>
      %swap3A_229 = arith.index_cast %scan3A_79 : i32 to index
      %swap3A_230 = arith.constant 192 : index
      %swap3A_231 = tpu.vector_load %arg8[%swap3A_229, %swap3A_230] {strides = array<i32>} : memref<16x2048xf32, #tpu.memory_space<vmem>>, vector<1x16xf32>,
      %swap3A_232 = vector.shape_cast %swap3A_231 : vector<1x16xf32> to vector<16xf32>
      %swap3A_233 = vector.shape_cast %mul3A_228 : vector<16xf32> to vector<1x16xf32>
      tpu.vector_store %arg8[%swap3A_229, %swap3A_230], %swap3A_233 {strides = array<i32>} : memref<16x2048xf32, #tpu.memory_space<vmem>>, vector<1x16xf32>,
      %get3A_234 = arith.index_cast %scan3A_79 : i32 to index
      %get3A_235 = arith.constant 208 : index
      %get3A_236 = tpu.vector_load %arg8[%get3A_234, %get3A_235] {strides = array<i32>} : memref<16x2048xf32, #tpu.memory_space<vmem>>, vector<1x16xf32>,
      %get3A_237 = vector.shape_cast %get3A_236 : vector<1x16xf32> to vector<16xf32>
      %mul3A_238 = arith.constant 45.2548332 : f32
      %mul3A_239 = vector.broadcast %mul3A_238 : f32 to vector<16xf32>
      %mul3A_240 = arith.mulf %get3A_237, %mul3A_239 : vector<16xf32>
      %swap3A_241 = arith.index_cast %scan3A_79 : i32 to index
      %swap3A_242 = arith.constant 208 : index
      %swap3A_243 = tpu.vector_load %arg8[%swap3A_241, %swap3A_242] {strides = array<i32>} : memref<16x2048xf32, #tpu.memory_space<vmem>>, vector<1x16xf32>,
      %swap3A_244 = vector.shape_cast %swap3A_243 : vector<1x16xf32> to vector<16xf32>
      %swap3A_245 = vector.shape_cast %mul3A_240 : vector<16xf32> to vector<1x16xf32>
      tpu.vector_store %arg8[%swap3A_241, %swap3A_242], %swap3A_245 {strides = array<i32>} : memref<16x2048xf32, #tpu.memory_space<vmem>>, vector<1x16xf32>,
      %get3A_246 = arith.index_cast %scan3A_79 : i32 to index
      %get3A_247 = arith.constant 224 : index
      %get3A_248 = tpu.vector_load %arg8[%get3A_246, %get3A_247] {strides = array<i32>} : memref<16x2048xf32, #tpu.memory_space<vmem>>, vector<1x16xf32>,
      %get3A_249 = vector.shape_cast %get3A_248 : vector<1x16xf32> to vector<16xf32>
      %mul3A_250 = arith.constant 45.2548332 : f32
      %mul3A_251 = vector.broadcast %mul3A_250 : f32 to vector<16xf32>
      %mul3A_252 = arith.mulf %get3A_249, %mul3A_251 : vector<16xf32>
      %swap3A_253 = arith.index_cast %scan3A_79 : i32 to index
      %swap3A_254 = arith.constant 224 : index
      %swap3A_255 = tpu.vector_load %arg8[%swap3A_253, %swap3A_254] {strides = array<i32>} : memref<16x2048xf32, #tpu.memory_space<vmem>>, vector<1x16xf32>,
      %swap3A_256 = vector.shape_cast %swap3A_255 : vector<1x16xf32> to vector<16xf32>
      %swap3A_257 = vector.shape_cast %mul3A_252 : vector<16xf32> to vector<1x16xf32>
      tpu.vector_store %arg8[%swap3A_253, %swap3A_254], %swap3A_257 {strides = array<i32>} : memref<16x2048xf32, #tpu.memory_space<vmem>>, vector<1x16xf32>,
      %get3A_258 = arith.index_cast %scan3A_79 : i32 to index
      %get3A_259 = arith.constant 240 : index
      %get3A_260 = tpu.vector_load %arg8[%get3A_258, %get3A_259] {strides = array<i32>} : memref<16x2048xf32, #tpu.memory_space<vmem>>, vector<1x16xf32>,
      %get3A_261 = vector.shape_cast %get3A_260 : vector<1x16xf32> to vector<16xf32>
      %mul3A_262 = arith.constant 45.2548332 : f32
      %mul3A_263 = vector.broadcast %mul3A_262 : f32 to vector<16xf32>
      %mul3A_264 = arith.mulf %get3A_261, %mul3A_263 : vector<16xf32>
      %swap3A_265 = arith.index_cast %scan3A_79 : i32 to index
      %swap3A_266 = arith.constant 240 : index
      %swap3A_267 = tpu.vector_load %arg8[%swap3A_265, %swap3A_266] {strides = array<i32>} : memref<16x2048xf32, #tpu.memory_space<vmem>>, vector<1x16xf32>,
      %swap3A_268 = vector.shape_cast %swap3A_267 : vector<1x16xf32> to vector<16xf32>
      %swap3A_269 = vector.shape_cast %mul3A_264 : vector<16xf32> to vector<1x16xf32>
      tpu.vector_store %arg8[%swap3A_265, %swap3A_266], %swap3A_269 {strides = array<i32>} : memref<16x2048xf32, #tpu.memory_space<vmem>>, vector<1x16xf32>,
      %get3A_270 = arith.index_cast %scan3A_79 : i32 to index
      %get3A_271 = arith.constant 256 : index
      %get3A_272 = tpu.vector_load %arg8[%get3A_270, %get3A_271] {strides = array<i32>} : memref<16x2048xf32, #tpu.memory_space<vmem>>, vector<1x16xf32>,
      %get3A_273 = vector.shape_cast %get3A_272 : vector<1x16xf32> to vector<16xf32>
      %mul3A_274 = arith.constant 45.2548332 : f32
      %mul3A_275 = vector.broadcast %mul3A_274 : f32 to vector<16xf32>
      %mul3A_276 = arith.mulf %get3A_273, %mul3A_275 : vector<16xf32>
      %swap3A_277 = arith.index_cast %scan3A_79 : i32 to index
      %swap3A_278 = arith.constant 256 : index
      %swap3A_279 = tpu.vector_load %arg8[%swap3A_277, %swap3A_278] {strides = array<i32>} : memref<16x2048xf32, #tpu.memory_space<vmem>>, vector<1x16xf32>,
      %swap3A_280 = vector.shape_cast %swap3A_279 : vector<1x16xf32> to vector<16xf32>
      %swap3A_281 = vector.shape_cast %mul3A_276 : vector<16xf32> to vector<1x16xf32>
      tpu.vector_store %arg8[%swap3A_277, %swap3A_278], %swap3A_281 {strides = array<i32>} : memref<16x2048xf32, #tpu.memory_space<vmem>>, vector<1x16xf32>,
      %get3A_282 = arith.index_cast %scan3A_79 : i32 to index
      %get3A_283 = arith.constant 272 : index
      %get3A_284 = tpu.vector_load %arg8[%get3A_282, %get3A_283] {strides = array<i32>} : memref<16x2048xf32, #tpu.memory_space<vmem>>, vector<1x16xf32>,
      %get3A_285 = vector.shape_cast %get3A_284 : vector<1x16xf32> to vector<16xf32>
      %mul3A_286 = arith.constant 45.2548332 : f32
      %mul3A_287 = vector.broadcast %mul3A_286 : f32 to vector<16xf32>
      %mul3A_288 = arith.mulf %get3A_285, %mul3A_287 : vector<16xf32>
      %swap3A_289 = arith.index_cast %scan3A_79 : i32 to index
      %swap3A_290 = arith.constant 272 : index
      %swap3A_291 = tpu.vector_load %arg8[%swap3A_289, %swap3A_290] {strides = array<i32>} : memref<16x2048xf32, #tpu.memory_space<vmem>>, vector<1x16xf32>,
      %swap3A_292 = vector.shape_cast %swap3A_291 : vector<1x16xf32> to vector<16xf32>
      %swap3A_293 = vector.shape_cast %mul3A_288 : vector<16xf32> to vector<1x16xf32>
      tpu.vector_store %arg8[%swap3A_289, %swap3A_290], %swap3A_293 {strides = array<i32>} : memref<16x2048xf32, #tpu.memory_space<vmem>>, vector<1x16xf32>,
      %get3A_294 = arith.index_cast %scan3A_79 : i32 to index
      %get3A_295 = arith.constant 288 : index
      %get3A_296 = tpu.vector_load %arg8[%get3A_294, %get3A_295] {strides = array<i32>} : memref<16x2048xf32, #tpu.memory_space<vmem>>, vector<1x16xf32>,
      %get3A_297 = vector.shape_cast %get3A_296 : vector<1x16xf32> to vector<16xf32>
      %mul3A_298 = arith.constant 45.2548332 : f32
      %mul3A_299 = vector.broadcast %mul3A_298 : f32 to vector<16xf32>
      %mul3A_300 = arith.mulf %get3A_297, %mul3A_299 : vector<16xf32>
      %swap3A_301 = arith.index_cast %scan3A_79 : i32 to index
      %swap3A_302 = arith.constant 288 : index
      %swap3A_303 = tpu.vector_load %arg8[%swap3A_301, %swap3A_302] {strides = array<i32>} : memref<16x2048xf32, #tpu.memory_space<vmem>>, vector<1x16xf32>,
      %swap3A_304 = vector.shape_cast %swap3A_303 : vector<1x16xf32> to vector<16xf32>
      %swap3A_305 = vector.shape_cast %mul3A_300 : vector<16xf32> to vector<1x16xf32>
      tpu.vector_store %arg8[%swap3A_301, %swap3A_302], %swap3A_305 {strides = array<i32>} : memref<16x2048xf32, #tpu.memory_space<vmem>>, vector<1x16xf32>,
      %get3A_306 = arith.index_cast %scan3A_79 : i32 to index
      %get3A_307 = arith.constant 304 : index
      %get3A_308 = tpu.vector_load %arg8[%get3A_306, %get3A_307] {strides = array<i32>} : memref<16x2048xf32, #tpu.memory_space<vmem>>, vector<1x16xf32>,
      %get3A_309 = vector.shape_cast %get3A_308 : vector<1x16xf32> to vector<16xf32>
      %mul3A_310 = arith.constant 45.2548332 : f32
      %mul3A_311 = vector.broadcast %mul3A_310 : f32 to vector<16xf32>
      %mul3A_312 = arith.mulf %get3A_309, %mul3A_311 : vector<16xf32>
      %swap3A_313 = arith.index_cast %scan3A_79 : i32 to index
      %swap3A_314 = arith.constant 304 : index
      %swap3A_315 = tpu.vector_load %arg8[%swap3A_313, %swap3A_314] {strides = array<i32>} : memref<16x2048xf32, #tpu.memory_space<vmem>>, vector<1x16xf32>,
      %swap3A_316 = vector.shape_cast %swap3A_315 : vector<1x16xf32> to vector<16xf32>
      %swap3A_317 = vector.shape_cast %mul3A_312 : vector<16xf32> to vector<1x16xf32>
      tpu.vector_store %arg8[%swap3A_313, %swap3A_314], %swap3A_317 {strides = array<i32>} : memref<16x2048xf32, #tpu.memory_space<vmem>>, vector<1x16xf32>,
      %get3A_318 = arith.index_cast %scan3A_79 : i32 to index
      %get3A_319 = arith.constant 320 : index
      %get3A_320 = tpu.vector_load %arg8[%get3A_318, %get3A_319] {strides = array<i32>} : memref<16x2048xf32, #tpu.memory_space<vmem>>, vector<1x16xf32>,
      %get3A_321 = vector.shape_cast %get3A_320 : vector<1x16xf32> to vector<16xf32>
      %mul3A_322 = arith.constant 45.2548332 : f32
      %mul3A_323 = vector.broadcast %mul3A_322 : f32 to vector<16xf32>
      %mul3A_324 = arith.mulf %get3A_321, %mul3A_323 : vector<16xf32>
      %swap3A_325 = arith.index_cast %scan3A_79 : i32 to index
      %swap3A_326 = arith.constant 320 : index
      %swap3A_327 = tpu.vector_load %arg8[%swap3A_325, %swap3A_326] {strides = array<i32>} : memref<16x2048xf32, #tpu.memory_space<vmem>>, vector<1x16xf32>,
      %swap3A_328 = vector.shape_cast %swap3A_327 : vector<1x16xf32> to vector<16xf32>
      %swap3A_329 = vector.shape_cast %mul3A_324 : vector<16xf32> to vector<1x16xf32>
      tpu.vector_store %arg8[%swap3A_325, %swap3A_326], %swap3A_329 {strides = array<i32>} : memref<16x2048xf32, #tpu.memory_space<vmem>>, vector<1x16xf32>,
      %get3A_330 = arith.index_cast %scan3A_79 : i32 to index
      %get3A_331 = arith.constant 336 : index
      %get3A_332 = tpu.vector_load %arg8[%get3A_330, %get3A_331] {strides = array<i32>} : memref<16x2048xf32, #tpu.memory_space<vmem>>, vector<1x16xf32>,
      %get3A_333 = vector.shape_cast %get3A_332 : vector<1x16xf32> to vector<16xf32>
      %mul3A_334 = arith.constant 45.2548332 : f32
      %mul3A_335 = vector.broadcast %mul3A_334 : f32 to vector<16xf32>
      %mul3A_336 = arith.mulf %get3A_333, %mul3A_335 : vector<16xf32>
      %swap3A_337 = arith.index_cast %scan3A_79 : i32 to index
      %swap3A_338 = arith.constant 336 : index
      %swap3A_339 = tpu.vector_load %arg8[%swap3A_337, %swap3A_338] {strides = array<i32>} : memref<16x2048xf32, #tpu.memory_space<vmem>>, vector<1x16xf32>,
      %swap3A_340 = vector.shape_cast %swap3A_339 : vector<1x16xf32> to vector<16xf32>
      %swap3A_341 = vector.shape_cast %mul3A_336 : vector<16xf32> to vector<1x16xf32>
      tpu.vector_store %arg8[%swap3A_337, %swap3A_338], %swap3A_341 {strides = array<i32>} : memref<16x2048xf32, #tpu.memory_space<vmem>>, vector<1x16xf32>,
      %get3A_342 = arith.index_cast %scan3A_79 : i32 to index
      %get3A_343 = arith.constant 352 : index
      %get3A_344 = tpu.vector_load %arg8[%get3A_342, %get3A_343] {strides = array<i32>} : memref<16x2048xf32, #tpu.memory_space<vmem>>, vector<1x16xf32>,
      %get3A_345 = vector.shape_cast %get3A_344 : vector<1x16xf32> to vector<16xf32>
      %mul3A_346 = arith.constant 45.2548332 : f32
      %mul3A_347 = vector.broadcast %mul3A_346 : f32 to vector<16xf32>
      %mul3A_348 = arith.mulf %get3A_345, %mul3A_347 : vector<16xf32>
      %swap3A_349 = arith.index_cast %scan3A_79 : i32 to index
      %swap3A_350 = arith.constant 352 : index
      %swap3A_351 = tpu.vector_load %arg8[%swap3A_349, %swap3A_350] {strides = array<i32>} : memref<16x2048xf32, #tpu.memory_space<vmem>>, vector<1x16xf32>,
      %swap3A_352 = vector.shape_cast %swap3A_351 : vector<1x16xf32> to vector<16xf32>
      %swap3A_353 = vector.shape_cast %mul3A_348 : vector<16xf32> to vector<1x16xf32>
      tpu.vector_store %arg8[%swap3A_349, %swap3A_350], %swap3A_353 {strides = array<i32>} : memref<16x2048xf32, #tpu.memory_space<vmem>>, vector<1x16xf32>,
      %get3A_354 = arith.index_cast %scan3A_79 : i32 to index
      %get3A_355 = arith.constant 368 : index
      %get3A_356 = tpu.vector_load %arg8[%get3A_354, %get3A_355] {strides = array<i32>} : memref<16x2048xf32, #tpu.memory_space<vmem>>, vector<1x16xf32>,
      %get3A_357 = vector.shape_cast %get3A_356 : vector<1x16xf32> to vector<16xf32>
      %mul3A_358 = arith.constant 45.2548332 : f32
      %mul3A_359 = vector.broadcast %mul3A_358 : f32 to vector<16xf32>
      %mul3A_360 = arith.mulf %get3A_357, %mul3A_359 : vector<16xf32>
      %swap3A_361 = arith.index_cast %scan3A_79 : i32 to index
      %swap3A_362 = arith.constant 368 : index
      %swap3A_363 = tpu.vector_load %arg8[%swap3A_361, %swap3A_362] {strides = array<i32>} : memref<16x2048xf32, #tpu.memory_space<vmem>>, vector<1x16xf32>,
      %swap3A_364 = vector.shape_cast %swap3A_363 : vector<1x16xf32> to vector<16xf32>
      %swap3A_365 = vector.shape_cast %mul3A_360 : vector<16xf32> to vector<1x16xf32>
      tpu.vector_store %arg8[%swap3A_361, %swap3A_362], %swap3A_365 {strides = array<i32>} : memref<16x2048xf32, #tpu.memory_space<vmem>>, vector<1x16xf32>,
      %get3A_366 = arith.index_cast %scan3A_79 : i32 to index
      %get3A_367 = arith.constant 384 : index
      %get3A_368 = tpu.vector_load %arg8[%get3A_366, %get3A_367] {strides = array<i32>} : memref<16x2048xf32, #tpu.memory_space<vmem>>, vector<1x16xf32>,
      %get3A_369 = vector.shape_cast %get3A_368 : vector<1x16xf32> to vector<16xf32>
      %mul3A_370 = arith.constant 45.2548332 : f32
      %mul3A_371 = vector.broadcast %mul3A_370 : f32 to vector<16xf32>
      %mul3A_372 = arith.mulf %get3A_369, %mul3A_371 : vector<16xf32>
      %swap3A_373 = arith.index_cast %scan3A_79 : i32 to index
      %swap3A_374 = arith.constant 384 : index
      %swap3A_375 = tpu.vector_load %arg8[%swap3A_373, %swap3A_374] {strides = array<i32>} : memref<16x2048xf32, #tpu.memory_space<vmem>>, vector<1x16xf32>,
      %swap3A_376 = vector.shape_cast %swap3A_375 : vector<1x16xf32> to vector<16xf32>
      %swap3A_377 = vector.shape_cast %mul3A_372 : vector<16xf32> to vector<1x16xf32>
      tpu.vector_store %arg8[%swap3A_373, %swap3A_374], %swap3A_377 {strides = array<i32>} : memref<16x2048xf32, #tpu.memory_space<vmem>>, vector<1x16xf32>,
      %get3A_378 = arith.index_cast %scan3A_79 : i32 to index
      %get3A_379 = arith.constant 400 : index
      %get3A_380 = tpu.vector_load %arg8[%get3A_378, %get3A_379] {strides = array<i32>} : memref<16x2048xf32, #tpu.memory_space<vmem>>, vector<1x16xf32>,
      %get3A_381 = vector.shape_cast %get3A_380 : vector<1x16xf32> to vector<16xf32>
      %mul3A_382 = arith.constant 45.2548332 : f32
      %mul3A_383 = vector.broadcast %mul3A_382 : f32 to vector<16xf32>
      %mul3A_384 = arith.mulf %get3A_381, %mul3A_383 : vector<16xf32>
      %swap3A_385 = arith.index_cast %scan3A_79 : i32 to index
      %swap3A_386 = arith.constant 400 : index
      %swap3A_387 = tpu.vector_load %arg8[%swap3A_385, %swap3A_386] {strides = array<i32>} : memref<16x2048xf32, #tpu.memory_space<vmem>>, vector<1x16xf32>,
      %swap3A_388 = vector.shape_cast %swap3A_387 : vector<1x16xf32> to vector<16xf32>
      %swap3A_389 = vector.shape_cast %mul3A_384 : vector<16xf32> to vector<1x16xf32>
      tpu.vector_store %arg8[%swap3A_385, %swap3A_386], %swap3A_389 {strides = array<i32>} : memref<16x2048xf32, #tpu.memory_space<vmem>>, vector<1x16xf32>,
      %get3A_390 = arith.index_cast %scan3A_79 : i32 to index
      %get3A_391 = arith.constant 416 : index
      %get3A_392 = tpu.vector_load %arg8[%get3A_390, %get3A_391] {strides = array<i32>} : memref<16x2048xf32, #tpu.memory_space<vmem>>, vector<1x16xf32>,
      %get3A_393 = vector.shape_cast %get3A_392 : vector<1x16xf32> to vector<16xf32>
      %mul3A_394 = arith.constant 45.2548332 : f32
      %mul3A_395 = vector.broadcast %mul3A_394 : f32 to vector<16xf32>
      %mul3A_396 = arith.mulf %get3A_393, %mul3A_395 : vector<16xf32>
      %swap3A_397 = arith.index_cast %scan3A_79 : i32 to index
      %swap3A_398 = arith.constant 416 : index
      %swap3A_399 = tpu.vector_load %arg8[%swap3A_397, %swap3A_398] {strides = array<i32>} : memref<16x2048xf32, #tpu.memory_space<vmem>>, vector<1x16xf32>,
      %swap3A_400 = vector.shape_cast %swap3A_399 : vector<1x16xf32> to vector<16xf32>
      %swap3A_401 = vector.shape_cast %mul3A_396 : vector<16xf32> to vector<1x16xf32>
      tpu.vector_store %arg8[%swap3A_397, %swap3A_398], %swap3A_401 {strides = array<i32>} : memref<16x2048xf32, #tpu.memory_space<vmem>>, vector<1x16xf32>,
      %get3A_402 = arith.index_cast %scan3A_79 : i32 to index
      %get3A_403 = arith.constant 432 : index
      %get3A_404 = tpu.vector_load %arg8[%get3A_402, %get3A_403] {strides = array<i32>} : memref<16x2048xf32, #tpu.memory_space<vmem>>, vector<1x16xf32>,
      %get3A_405 = vector.shape_cast %get3A_404 : vector<1x16xf32> to vector<16xf32>
      %mul3A_406 = arith.constant 45.2548332 : f32
      %mul3A_407 = vector.broadcast %mul3A_406 : f32 to vector<16xf32>
      %mul3A_408 = arith.mulf %get3A_405, %mul3A_407 : vector<16xf32>
      %swap3A_409 = arith.index_cast %scan3A_79 : i32 to index
      %swap3A_410 = arith.constant 432 : index
      %swap3A_411 = tpu.vector_load %arg8[%swap3A_409, %swap3A_410] {strides = array<i32>} : memref<16x2048xf32, #tpu.memory_space<vmem>>, vector<1x16xf32>,
      %swap3A_412 = vector.shape_cast %swap3A_411 : vector<1x16xf32> to vector<16xf32>
      %swap3A_413 = vector.shape_cast %mul3A_408 : vector<16xf32> to vector<1x16xf32>
      tpu.vector_store %arg8[%swap3A_409, %swap3A_410], %swap3A_413 {strides = array<i32>} : memref<16x2048xf32, #tpu.memory_space<vmem>>, vector<1x16xf32>,
      %get3A_414 = arith.index_cast %scan3A_79 : i32 to index
      %get3A_415 = arith.constant 448 : index
      %get3A_416 = tpu.vector_load %arg8[%get3A_414, %get3A_415] {strides = array<i32>} : memref<16x2048xf32, #tpu.memory_space<vmem>>, vector<1x16xf32>,
      %get3A_417 = vector.shape_cast %get3A_416 : vector<1x16xf32> to vector<16xf32>
      %mul3A_418 = arith.constant 45.2548332 : f32
      %mul3A_419 = vector.broadcast %mul3A_418 : f32 to vector<16xf32>
      %mul3A_420 = arith.mulf %get3A_417, %mul3A_419 : vector<16xf32>
      %swap3A_421 = arith.index_cast %scan3A_79 : i32 to index
      %swap3A_422 = arith.constant 448 : index
      %swap3A_423 = tpu.vector_load %arg8[%swap3A_421, %swap3A_422] {strides = array<i32>} : memref<16x2048xf32, #tpu.memory_space<vmem>>, vector<1x16xf32>,
      %swap3A_424 = vector.shape_cast %swap3A_423 : vector<1x16xf32> to vector<16xf32>
      %swap3A_425 = vector.shape_cast %mul3A_420 : vector<16xf32> to vector<1x16xf32>
      tpu.vector_store %arg8[%swap3A_421, %swap3A_422], %swap3A_425 {strides = array<i32>} : memref<16x2048xf32, #tpu.memory_space<vmem>>, vector<1x16xf32>,
      %get3A_426 = arith.index_cast %scan3A_79 : i32 to index
      %get3A_427 = arith.constant 464 : index
      %get3A_428 = tpu.vector_load %arg8[%get3A_426, %get3A_427] {strides = array<i32>} : memref<16x2048xf32, #tpu.memory_space<vmem>>, vector<1x16xf32>,
      %get3A_429 = vector.shape_cast %get3A_428 : vector<1x16xf32> to vector<16xf32>
      %mul3A_430 = arith.constant 45.2548332 : f32
      %mul3A_431 = vector.broadcast %mul3A_430 : f32 to vector<16xf32>
      %mul3A_432 = arith.mulf %get3A_429, %mul3A_431 : vector<16xf32>
      %swap3A_433 = arith.index_cast %scan3A_79 : i32 to index
      %swap3A_434 = arith.constant 464 : index
      %swap3A_435 = tpu.vector_load %arg8[%swap3A_433, %swap3A_434] {strides = array<i32>} : memref<16x2048xf32, #tpu.memory_space<vmem>>, vector<1x16xf32>,
      %swap3A_436 = vector.shape_cast %swap3A_435 : vector<1x16xf32> to vector<16xf32>
      %swap3A_437 = vector.shape_cast %mul3A_432 : vector<16xf32> to vector<1x16xf32>
      tpu.vector_store %arg8[%swap3A_433, %swap3A_434], %swap3A_437 {strides = array<i32>} : memref<16x2048xf32, #tpu.memory_space<vmem>>, vector<1x16xf32>,
      %get3A_438 = arith.index_cast %scan3A_79 : i32 to index
      %get3A_439 = arith.constant 480 : index
      %get3A_440 = tpu.vector_load %arg8[%get3A_438, %get3A_439] {strides = array<i32>} : memref<16x2048xf32, #tpu.memory_space<vmem>>, vector<1x16xf32>,
      %get3A_441 = vector.shape_cast %get3A_440 : vector<1x16xf32> to vector<16xf32>
      %mul3A_442 = arith.constant 45.2548332 : f32
      %mul3A_443 = vector.broadcast %mul3A_442 : f32 to vector<16xf32>
      %mul3A_444 = arith.mulf %get3A_441, %mul3A_443 : vector<16xf32>
      %swap3A_445 = arith.index_cast %scan3A_79 : i32 to index
      %swap3A_446 = arith.constant 480 : index
      %swap3A_447 = tpu.vector_load %arg8[%swap3A_445, %swap3A_446] {strides = array<i32>} : memref<16x2048xf32, #tpu.memory_space<vmem>>, vector<1x16xf32>,
      %swap3A_448 = vector.shape_cast %swap3A_447 : vector<1x16xf32> to vector<16xf32>
      %swap3A_449 = vector.shape_cast %mul3A_444 : vector<16xf32> to vector<1x16xf32>
      tpu.vector_store %arg8[%swap3A_445, %swap3A_446], %swap3A_449 {strides = array<i32>} : memref<16x2048xf32, #tpu.memory_space<vmem>>, vector<1x16xf32>,
      %get3A_450 = arith.index_cast %scan3A_79 : i32 to index
      %get3A_451 = arith.constant 496 : index
      %get3A_452 = tpu.vector_load %arg8[%get3A_450, %get3A_451] {strides = array<i32>} : memref<16x2048xf32, #tpu.memory_space<vmem>>, vector<1x16xf32>,
      %get3A_453 = vector.shape_cast %get3A_452 : vector<1x16xf32> to vector<16xf32>
      %mul3A_454 = arith.constant 45.2548332 : f32
      %mul3A_455 = vector.broadcast %mul3A_454 : f32 to vector<16xf32>
      %mul3A_456 = arith.mulf %get3A_453, %mul3A_455 : vector<16xf32>
      %swap3A_457 = arith.index_cast %scan3A_79 : i32 to index
      %swap3A_458 = arith.constant 496 : index
      %swap3A_459 = tpu.vector_load %arg8[%swap3A_457, %swap3A_458] {strides = array<i32>} : memref<16x2048xf32, #tpu.memory_space<vmem>>, vector<1x16xf32>,
      %swap3A_460 = vector.shape_cast %swap3A_459 : vector<1x16xf32> to vector<16xf32>
      %swap3A_461 = vector.shape_cast %mul3A_456 : vector<16xf32> to vector<1x16xf32>
      tpu.vector_store %arg8[%swap3A_457, %swap3A_458], %swap3A_461 {strides = array<i32>} : memref<16x2048xf32, #tpu.memory_space<vmem>>, vector<1x16xf32>,
      %get3A_462 = arith.index_cast %scan3A_79 : i32 to index
      %get3A_463 = arith.constant 512 : index
      %get3A_464 = tpu.vector_load %arg8[%get3A_462, %get3A_463] {strides = array<i32>} : memref<16x2048xf32, #tpu.memory_space<vmem>>, vector<1x16xf32>,
      %get3A_465 = vector.shape_cast %get3A_464 : vector<1x16xf32> to vector<16xf32>
      %mul3A_466 = arith.constant 45.2548332 : f32
      %mul3A_467 = vector.broadcast %mul3A_466 : f32 to vector<16xf32>
      %mul3A_468 = arith.mulf %get3A_465, %mul3A_467 : vector<16xf32>
      %swap3A_469 = arith.index_cast %scan3A_79 : i32 to index
      %swap3A_470 = arith.constant 512 : index
      %swap3A_471 = tpu.vector_load %arg8[%swap3A_469, %swap3A_470] {strides = array<i32>} : memref<16x2048xf32, #tpu.memory_space<vmem>>, vector<1x16xf32>,
      %swap3A_472 = vector.shape_cast %swap3A_471 : vector<1x16xf32> to vector<16xf32>
      %swap3A_473 = vector.shape_cast %mul3A_468 : vector<16xf32> to vector<1x16xf32>
      tpu.vector_store %arg8[%swap3A_469, %swap3A_470], %swap3A_473 {strides = array<i32>} : memref<16x2048xf32, #tpu.memory_space<vmem>>, vector<1x16xf32>,
      %get3A_474 = arith.index_cast %scan3A_79 : i32 to index
      %get3A_475 = arith.constant 528 : index
      %get3A_476 = tpu.vector_load %arg8[%get3A_474, %get3A_475] {strides = array<i32>} : memref<16x2048xf32, #tpu.memory_space<vmem>>, vector<1x16xf32>,
      %get3A_477 = vector.shape_cast %get3A_476 : vector<1x16xf32> to vector<16xf32>
      %mul3A_478 = arith.constant 45.2548332 : f32
      %mul3A_479 = vector.broadcast %mul3A_478 : f32 to vector<16xf32>
      %mul3A_480 = arith.mulf %get3A_477, %mul3A_479 : vector<16xf32>
      %swap3A_481 = arith.index_cast %scan3A_79 : i32 to index
      %swap3A_482 = arith.constant 528 : index
      %swap3A_483 = tpu.vector_load %arg8[%swap3A_481, %swap3A_482] {strides = array<i32>} : memref<16x2048xf32, #tpu.memory_space<vmem>>, vector<1x16xf32>,
      %swap3A_484 = vector.shape_cast %swap3A_483 : vector<1x16xf32> to vector<16xf32>
      %swap3A_485 = vector.shape_cast %mul3A_480 : vector<16xf32> to vector<1x16xf32>
      tpu.vector_store %arg8[%swap3A_481, %swap3A_482], %swap3A_485 {strides = array<i32>} : memref<16x2048xf32, #tpu.memory_space<vmem>>, vector<1x16xf32>,
      %get3A_486 = arith.index_cast %scan3A_79 : i32 to index
      %get3A_487 = arith.constant 544 : index
      %get3A_488 = tpu.vector_load %arg8[%get3A_486, %get3A_487] {strides = array<i32>} : memref<16x2048xf32, #tpu.memory_space<vmem>>, vector<1x16xf32>,
      %get3A_489 = vector.shape_cast %get3A_488 : vector<1x16xf32> to vector<16xf32>
      %mul3A_490 = arith.constant 45.2548332 : f32
      %mul3A_491 = vector.broadcast %mul3A_490 : f32 to vector<16xf32>
      %mul3A_492 = arith.mulf %get3A_489, %mul3A_491 : vector<16xf32>
      %swap3A_493 = arith.index_cast %scan3A_79 : i32 to index
      %swap3A_494 = arith.constant 544 : index
      %swap3A_495 = tpu.vector_load %arg8[%swap3A_493, %swap3A_494] {strides = array<i32>} : memref<16x2048xf32, #tpu.memory_space<vmem>>, vector<1x16xf32>,
      %swap3A_496 = vector.shape_cast %swap3A_495 : vector<1x16xf32> to vector<16xf32>
      %swap3A_497 = vector.shape_cast %mul3A_492 : vector<16xf32> to vector<1x16xf32>
      tpu.vector_store %arg8[%swap3A_493, %swap3A_494], %swap3A_497 {strides = array<i32>} : memref<16x2048xf32, #tpu.memory_space<vmem>>, vector<1x16xf32>,
      %get3A_498 = arith.index_cast %scan3A_79 : i32 to index
      %get3A_499 = arith.constant 560 : index
      %get3A_500 = tpu.vector_load %arg8[%get3A_498, %get3A_499] {strides = array<i32>} : memref<16x2048xf32, #tpu.memory_space<vmem>>, vector<1x16xf32>,
      %get3A_501 = vector.shape_cast %get3A_500 : vector<1x16xf32> to vector<16xf32>
      %mul3A_502 = arith.constant 45.2548332 : f32
      %mul3A_503 = vector.broadcast %mul3A_502 : f32 to vector<16xf32>
      %mul3A_504 = arith.mulf %get3A_501, %mul3A_503 : vector<16xf32>
      %swap3A_505 = arith.index_cast %scan3A_79 : i32 to index
      %swap3A_506 = arith.constant 560 : index
      %swap3A_507 = tpu.vector_load %arg8[%swap3A_505, %swap3A_506] {strides = array<i32>} : memref<16x2048xf32, #tpu.memory_space<vmem>>, vector<1x16xf32>,
      %swap3A_508 = vector.shape_cast %swap3A_507 : vector<1x16xf32> to vector<16xf32>
      %swap3A_509 = vector.shape_cast %mul3A_504 : vector<16xf32> to vector<1x16xf32>
      tpu.vector_store %arg8[%swap3A_505, %swap3A_506], %swap3A_509 {strides = array<i32>} : memref<16x2048xf32, #tpu.memory_space<vmem>>, vector<1x16xf32>,
      %get3A_510 = arith.index_cast %scan3A_79 : i32 to index
      %get3A_511 = arith.constant 576 : index
      %get3A_512 = tpu.vector_load %arg8[%get3A_510, %get3A_511] {strides = array<i32>} : memref<16x2048xf32, #tpu.memory_space<vmem>>, vector<1x16xf32>,
      %get3A_513 = vector.shape_cast %get3A_512 : vector<1x16xf32> to vector<16xf32>
      %mul3A_514 = arith.constant 45.2548332 : f32
      %mul3A_515 = vector.broadcast %mul3A_514 : f32 to vector<16xf32>
      %mul3A_516 = arith.mulf %get3A_513, %mul3A_515 : vector<16xf32>
      %swap3A_517 = arith.index_cast %scan3A_79 : i32 to index
      %swap3A_518 = arith.constant 576 : index
      %swap3A_519 = tpu.vector_load %arg8[%swap3A_517, %swap3A_518] {strides = array<i32>} : memref<16x2048xf32, #tpu.memory_space<vmem>>, vector<1x16xf32>,
      %swap3A_520 = vector.shape_cast %swap3A_519 : vector<1x16xf32> to vector<16xf32>
      %swap3A_521 = vector.shape_cast %mul3A_516 : vector<16xf32> to vector<1x16xf32>
      tpu.vector_store %arg8[%swap3A_517, %swap3A_518], %swap3A_521 {strides = array<i32>} : memref<16x2048xf32, #tpu.memory_space<vmem>>, vector<1x16xf32>,
      %get3A_522 = arith.index_cast %scan3A_79 : i32 to index
      %get3A_523 = arith.constant 592 : index
      %get3A_524 = tpu.vector_load %arg8[%get3A_522, %get3A_523] {strides = array<i32>} : memref<16x2048xf32, #tpu.memory_space<vmem>>, vector<1x16xf32>,
      %get3A_525 = vector.shape_cast %get3A_524 : vector<1x16xf32> to vector<16xf32>
      %mul3A_526 = arith.constant 45.2548332 : f32
      %mul3A_527 = vector.broadcast %mul3A_526 : f32 to vector<16xf32>
      %mul3A_528 = arith.mulf %get3A_525, %mul3A_527 : vector<16xf32>
      %swap3A_529 = arith.index_cast %scan3A_79 : i32 to index
      %swap3A_530 = arith.constant 592 : index
      %swap3A_531 = tpu.vector_load %arg8[%swap3A_529, %swap3A_530] {strides = array<i32>} : memref<16x2048xf32, #tpu.memory_space<vmem>>, vector<1x16xf32>,
      %swap3A_532 = vector.shape_cast %swap3A_531 : vector<1x16xf32> to vector<16xf32>
      %swap3A_533 = vector.shape_cast %mul3A_528 : vector<16xf32> to vector<1x16xf32>
      tpu.vector_store %arg8[%swap3A_529, %swap3A_530], %swap3A_533 {strides = array<i32>} : memref<16x2048xf32, #tpu.memory_space<vmem>>, vector<1x16xf32>,
      %get3A_534 = arith.index_cast %scan3A_79 : i32 to index
      %get3A_535 = arith.constant 608 : index
      %get3A_536 = tpu.vector_load %arg8[%get3A_534, %get3A_535] {strides = array<i32>} : memref<16x2048xf32, #tpu.memory_space<vmem>>, vector<1x16xf32>,
      %get3A_537 = vector.shape_cast %get3A_536 : vector<1x16xf32> to vector<16xf32>
      %mul3A_538 = arith.constant 45.2548332 : f32
      %mul3A_539 = vector.broadcast %mul3A_538 : f32 to vector<16xf32>
      %mul3A_540 = arith.mulf %get3A_537, %mul3A_539 : vector<16xf32>
      %swap3A_541 = arith.index_cast %scan3A_79 : i32 to index
      %swap3A_542 = arith.constant 608 : index
      %swap3A_543 = tpu.vector_load %arg8[%swap3A_541, %swap3A_542] {strides = array<i32>} : memref<16x2048xf32, #tpu.memory_space<vmem>>, vector<1x16xf32>,
      %swap3A_544 = vector.shape_cast %swap3A_543 : vector<1x16xf32> to vector<16xf32>
      %swap3A_545 = vector.shape_cast %mul3A_540 : vector<16xf32> to vector<1x16xf32>
      tpu.vector_store %arg8[%swap3A_541, %swap3A_542], %swap3A_545 {strides = array<i32>} : memref<16x2048xf32, #tpu.memory_space<vmem>>, vector<1x16xf32>,
      %get3A_546 = arith.index_cast %scan3A_79 : i32 to index
      %get3A_547 = arith.constant 624 : index
      %get3A_548 = tpu.vector_load %arg8[%get3A_546, %get3A_547] {strides = array<i32>} : memref<16x2048xf32, #tpu.memory_space<vmem>>, vector<1x16xf32>,
      %get3A_549 = vector.shape_cast %get3A_548 : vector<1x16xf32> to vector<16xf32>
      %mul3A_550 = arith.constant 45.2548332 : f32
      %mul3A_551 = vector.broadcast %mul3A_550 : f32 to vector<16xf32>
      %mul3A_552 = arith.mulf %get3A_549, %mul3A_551 : vector<16xf32>
      %swap3A_553 = arith.index_cast %scan3A_79 : i32 to index
      %swap3A_554 = arith.constant 624 : index
      %swap3A_555 = tpu.vector_load %arg8[%swap3A_553, %swap3A_554] {strides = array<i32>} : memref<16x2048xf32, #tpu.memory_space<vmem>>, vector<1x16xf32>,
      %swap3A_556 = vector.shape_cast %swap3A_555 : vector<1x16xf32> to vector<16xf32>
      %swap3A_557 = vector.shape_cast %mul3A_552 : vector<16xf32> to vector<1x16xf32>
      tpu.vector_store %arg8[%swap3A_553, %swap3A_554], %swap3A_557 {strides = array<i32>} : memref<16x2048xf32, #tpu.memory_space<vmem>>, vector<1x16xf32>,
      %get3A_558 = arith.index_cast %scan3A_79 : i32 to index
      %get3A_559 = arith.constant 640 : index
      %get3A_560 = tpu.vector_load %arg8[%get3A_558, %get3A_559] {strides = array<i32>} : memref<16x2048xf32, #tpu.memory_space<vmem>>, vector<1x16xf32>,
      %get3A_561 = vector.shape_cast %get3A_560 : vector<1x16xf32> to vector<16xf32>
      %mul3A_562 = arith.constant 45.2548332 : f32
      %mul3A_563 = vector.broadcast %mul3A_562 : f32 to vector<16xf32>
      %mul3A_564 = arith.mulf %get3A_561, %mul3A_563 : vector<16xf32>
      %swap3A_565 = arith.index_cast %scan3A_79 : i32 to index
      %swap3A_566 = arith.constant 640 : index
      %swap3A_567 = tpu.vector_load %arg8[%swap3A_565, %swap3A_566] {strides = array<i32>} : memref<16x2048xf32, #tpu.memory_space<vmem>>, vector<1x16xf32>,
      %swap3A_568 = vector.shape_cast %swap3A_567 : vector<1x16xf32> to vector<16xf32>
      %swap3A_569 = vector.shape_cast %mul3A_564 : vector<16xf32> to vector<1x16xf32>
      tpu.vector_store %arg8[%swap3A_565, %swap3A_566], %swap3A_569 {strides = array<i32>} : memref<16x2048xf32, #tpu.memory_space<vmem>>, vector<1x16xf32>,
      %get3A_570 = arith.index_cast %scan3A_79 : i32 to index
      %get3A_571 = arith.constant 656 : index
      %get3A_572 = tpu.vector_load %arg8[%get3A_570, %get3A_571] {strides = array<i32>} : memref<16x2048xf32, #tpu.memory_space<vmem>>, vector<1x16xf32>,
      %get3A_573 = vector.shape_cast %get3A_572 : vector<1x16xf32> to vector<16xf32>
      %mul3A_574 = arith.constant 45.2548332 : f32
      %mul3A_575 = vector.broadcast %mul3A_574 : f32 to vector<16xf32>
      %mul3A_576 = arith.mulf %get3A_573, %mul3A_575 : vector<16xf32>
      %swap3A_577 = arith.index_cast %scan3A_79 : i32 to index
      %swap3A_578 = arith.constant 656 : index
      %swap3A_579 = tpu.vector_load %arg8[%swap3A_577, %swap3A_578] {strides = array<i32>} : memref<16x2048xf32, #tpu.memory_space<vmem>>, vector<1x16xf32>,
      %swap3A_580 = vector.shape_cast %swap3A_579 : vector<1x16xf32> to vector<16xf32>
      %swap3A_581 = vector.shape_cast %mul3A_576 : vector<16xf32> to vector<1x16xf32>
      tpu.vector_store %arg8[%swap3A_577, %swap3A_578], %swap3A_581 {strides = array<i32>} : memref<16x2048xf32, #tpu.memory_space<vmem>>, vector<1x16xf32>,
      %get3A_582 = arith.index_cast %scan3A_79 : i32 to index
      %get3A_583 = arith.constant 672 : index
      %get3A_584 = tpu.vector_load %arg8[%get3A_582, %get3A_583] {strides = array<i32>} : memref<16x2048xf32, #tpu.memory_space<vmem>>, vector<1x16xf32>,
      %get3A_585 = vector.shape_cast %get3A_584 : vector<1x16xf32> to vector<16xf32>
      %mul3A_586 = arith.constant 45.2548332 : f32
      %mul3A_587 = vector.broadcast %mul3A_586 : f32 to vector<16xf32>
      %mul3A_588 = arith.mulf %get3A_585, %mul3A_587 : vector<16xf32>
      %swap3A_589 = arith.index_cast %scan3A_79 : i32 to index
      %swap3A_590 = arith.constant 672 : index
      %swap3A_591 = tpu.vector_load %arg8[%swap3A_589, %swap3A_590] {strides = array<i32>} : memref<16x2048xf32, #tpu.memory_space<vmem>>, vector<1x16xf32>,
      %swap3A_592 = vector.shape_cast %swap3A_591 : vector<1x16xf32> to vector<16xf32>
      %swap3A_593 = vector.shape_cast %mul3A_588 : vector<16xf32> to vector<1x16xf32>
      tpu.vector_store %arg8[%swap3A_589, %swap3A_590], %swap3A_593 {strides = array<i32>} : memref<16x2048xf32, #tpu.memory_space<vmem>>, vector<1x16xf32>,
      %get3A_594 = arith.index_cast %scan3A_79 : i32 to index
      %get3A_595 = arith.constant 688 : index
      %get3A_596 = tpu.vector_load %arg8[%get3A_594, %get3A_595] {strides = array<i32>} : memref<16x2048xf32, #tpu.memory_space<vmem>>, vector<1x16xf32>,
      %get3A_597 = vector.shape_cast %get3A_596 : vector<1x16xf32> to vector<16xf32>
      %mul3A_598 = arith.constant 45.2548332 : f32
      %mul3A_599 = vector.broadcast %mul3A_598 : f32 to vector<16xf32>
      %mul3A_600 = arith.mulf %get3A_597, %mul3A_599 : vector<16xf32>
      %swap3A_601 = arith.index_cast %scan3A_79 : i32 to index
      %swap3A_602 = arith.constant 688 : index
      %swap3A_603 = tpu.vector_load %arg8[%swap3A_601, %swap3A_602] {strides = array<i32>} : memref<16x2048xf32, #tpu.memory_space<vmem>>, vector<1x16xf32>,
      %swap3A_604 = vector.shape_cast %swap3A_603 : vector<1x16xf32> to vector<16xf32>
      %swap3A_605 = vector.shape_cast %mul3A_600 : vector<16xf32> to vector<1x16xf32>
      tpu.vector_store %arg8[%swap3A_601, %swap3A_602], %swap3A_605 {strides = array<i32>} : memref<16x2048xf32, #tpu.memory_space<vmem>>, vector<1x16xf32>,
      %get3A_606 = arith.index_cast %scan3A_79 : i32 to index
      %get3A_607 = arith.constant 704 : index
      %get3A_608 = tpu.vector_load %arg8[%get3A_606, %get3A_607] {strides = array<i32>} : memref<16x2048xf32, #tpu.memory_space<vmem>>, vector<1x16xf32>,
      %get3A_609 = vector.shape_cast %get3A_608 : vector<1x16xf32> to vector<16xf32>
      %mul3A_610 = arith.constant 45.2548332 : f32
      %mul3A_611 = vector.broadcast %mul3A_610 : f32 to vector<16xf32>
      %mul3A_612 = arith.mulf %get3A_609, %mul3A_611 : vector<16xf32>
      %swap3A_613 = arith.index_cast %scan3A_79 : i32 to index
      %swap3A_614 = arith.constant 704 : index
      %swap3A_615 = tpu.vector_load %arg8[%swap3A_613, %swap3A_614] {strides = array<i32>} : memref<16x2048xf32, #tpu.memory_space<vmem>>, vector<1x16xf32>,
      %swap3A_616 = vector.shape_cast %swap3A_615 : vector<1x16xf32> to vector<16xf32>
      %swap3A_617 = vector.shape_cast %mul3A_612 : vector<16xf32> to vector<1x16xf32>
      tpu.vector_store %arg8[%swap3A_613, %swap3A_614], %swap3A_617 {strides = array<i32>} : memref<16x2048xf32, #tpu.memory_space<vmem>>, vector<1x16xf32>,
      %get3A_618 = arith.index_cast %scan3A_79 : i32 to index
      %get3A_619 = arith.constant 720 : index
      %get3A_620 = tpu.vector_load %arg8[%get3A_618, %get3A_619] {strides = array<i32>} : memref<16x2048xf32, #tpu.memory_space<vmem>>, vector<1x16xf32>,
      %get3A_621 = vector.shape_cast %get3A_620 : vector<1x16xf32> to vector<16xf32>
      %mul3A_622 = arith.constant 45.2548332 : f32
      %mul3A_623 = vector.broadcast %mul3A_622 : f32 to vector<16xf32>
      %mul3A_624 = arith.mulf %get3A_621, %mul3A_623 : vector<16xf32>
      %swap3A_625 = arith.index_cast %scan3A_79 : i32 to index
      %swap3A_626 = arith.constant 720 : index
      %swap3A_627 = tpu.vector_load %arg8[%swap3A_625, %swap3A_626] {strides = array<i32>} : memref<16x2048xf32, #tpu.memory_space<vmem>>, vector<1x16xf32>,
      %swap3A_628 = vector.shape_cast %swap3A_627 : vector<1x16xf32> to vector<16xf32>
      %swap3A_629 = vector.shape_cast %mul3A_624 : vector<16xf32> to vector<1x16xf32>
      tpu.vector_store %arg8[%swap3A_625, %swap3A_626], %swap3A_629 {strides = array<i32>} : memref<16x2048xf32, #tpu.memory_space<vmem>>, vector<1x16xf32>,
      %get3A_630 = arith.index_cast %scan3A_79 : i32 to index
      %get3A_631 = arith.constant 736 : index
      %get3A_632 = tpu.vector_load %arg8[%get3A_630, %get3A_631] {strides = array<i32>} : memref<16x2048xf32, #tpu.memory_space<vmem>>, vector<1x16xf32>,
      %get3A_633 = vector.shape_cast %get3A_632 : vector<1x16xf32> to vector<16xf32>
      %mul3A_634 = arith.constant 45.2548332 : f32
      %mul3A_635 = vector.broadcast %mul3A_634 : f32 to vector<16xf32>
      %mul3A_636 = arith.mulf %get3A_633, %mul3A_635 : vector<16xf32>
      %swap3A_637 = arith.index_cast %scan3A_79 : i32 to index
      %swap3A_638 = arith.constant 736 : index
      %swap3A_639 = tpu.vector_load %arg8[%swap3A_637, %swap3A_638] {strides = array<i32>} : memref<16x2048xf32, #tpu.memory_space<vmem>>, vector<1x16xf32>,
      %swap3A_640 = vector.shape_cast %swap3A_639 : vector<1x16xf32> to vector<16xf32>
      %swap3A_641 = vector.shape_cast %mul3A_636 : vector<16xf32> to vector<1x16xf32>
      tpu.vector_store %arg8[%swap3A_637, %swap3A_638], %swap3A_641 {strides = array<i32>} : memref<16x2048xf32, #tpu.memory_space<vmem>>, vector<1x16xf32>,
      %get3A_642 = arith.index_cast %scan3A_79 : i32 to index
      %get3A_643 = arith.constant 752 : index
      %get3A_644 = tpu.vector_load %arg8[%get3A_642, %get3A_643] {strides = array<i32>} : memref<16x2048xf32, #tpu.memory_space<vmem>>, vector<1x16xf32>,
      %get3A_645 = vector.shape_cast %get3A_644 : vector<1x16xf32> to vector<16xf32>
      %mul3A_646 = arith.constant 45.2548332 : f32
      %mul3A_647 = vector.broadcast %mul3A_646 : f32 to vector<16xf32>
      %mul3A_648 = arith.mulf %get3A_645, %mul3A_647 : vector<16xf32>
      %swap3A_649 = arith.index_cast %scan3A_79 : i32 to index
      %swap3A_650 = arith.constant 752 : index
      %swap3A_651 = tpu.vector_load %arg8[%swap3A_649, %swap3A_650] {strides = array<i32>} : memref<16x2048xf32, #tpu.memory_space<vmem>>, vector<1x16xf32>,
      %swap3A_652 = vector.shape_cast %swap3A_651 : vector<1x16xf32> to vector<16xf32>
      %swap3A_653 = vector.shape_cast %mul3A_648 : vector<16xf32> to vector<1x16xf32>
      tpu.vector_store %arg8[%swap3A_649, %swap3A_650], %swap3A_653 {strides = array<i32>} : memref<16x2048xf32, #tpu.memory_space<vmem>>, vector<1x16xf32>,
      %get3A_654 = arith.index_cast %scan3A_79 : i32 to index
      %get3A_655 = arith.constant 768 : index
      %get3A_656 = tpu.vector_load %arg8[%get3A_654, %get3A_655] {strides = array<i32>} : memref<16x2048xf32, #tpu.memory_space<vmem>>, vector<1x16xf32>,
      %get3A_657 = vector.shape_cast %get3A_656 : vector<1x16xf32> to vector<16xf32>
      %mul3A_658 = arith.constant 45.2548332 : f32
      %mul3A_659 = vector.broadcast %mul3A_658 : f32 to vector<16xf32>
      %mul3A_660 = arith.mulf %get3A_657, %mul3A_659 : vector<16xf32>
      %swap3A_661 = arith.index_cast %scan3A_79 : i32 to index
      %swap3A_662 = arith.constant 768 : index
      %swap3A_663 = tpu.vector_load %arg8[%swap3A_661, %swap3A_662] {strides = array<i32>} : memref<16x2048xf32, #tpu.memory_space<vmem>>, vector<1x16xf32>,
      %swap3A_664 = vector.shape_cast %swap3A_663 : vector<1x16xf32> to vector<16xf32>
      %swap3A_665 = vector.shape_cast %mul3A_660 : vector<16xf32> to vector<1x16xf32>
      tpu.vector_store %arg8[%swap3A_661, %swap3A_662], %swap3A_665 {strides = array<i32>} : memref<16x2048xf32, #tpu.memory_space<vmem>>, vector<1x16xf32>,
      %get3A_666 = arith.index_cast %scan3A_79 : i32 to index
      %get3A_667 = arith.constant 784 : index
      %get3A_668 = tpu.vector_load %arg8[%get3A_666, %get3A_667] {strides = array<i32>} : memref<16x2048xf32, #tpu.memory_space<vmem>>, vector<1x16xf32>,
      %get3A_669 = vector.shape_cast %get3A_668 : vector<1x16xf32> to vector<16xf32>
      %mul3A_670 = arith.constant 45.2548332 : f32
      %mul3A_671 = vector.broadcast %mul3A_670 : f32 to vector<16xf32>
      %mul3A_672 = arith.mulf %get3A_669, %mul3A_671 : vector<16xf32>
      %swap3A_673 = arith.index_cast %scan3A_79 : i32 to index
      %swap3A_674 = arith.constant 784 : index
      %swap3A_675 = tpu.vector_load %arg8[%swap3A_673, %swap3A_674] {strides = array<i32>} : memref<16x2048xf32, #tpu.memory_space<vmem>>, vector<1x16xf32>,
      %swap3A_676 = vector.shape_cast %swap3A_675 : vector<1x16xf32> to vector<16xf32>
      %swap3A_677 = vector.shape_cast %mul3A_672 : vector<16xf32> to vector<1x16xf32>
      tpu.vector_store %arg8[%swap3A_673, %swap3A_674], %swap3A_677 {strides = array<i32>} : memref<16x2048xf32, #tpu.memory_space<vmem>>, vector<1x16xf32>,
      %get3A_678 = arith.index_cast %scan3A_79 : i32 to index
      %get3A_679 = arith.constant 800 : index
      %get3A_680 = tpu.vector_load %arg8[%get3A_678, %get3A_679] {strides = array<i32>} : memref<16x2048xf32, #tpu.memory_space<vmem>>, vector<1x16xf32>,
      %get3A_681 = vector.shape_cast %get3A_680 : vector<1x16xf32> to vector<16xf32>
      %mul3A_682 = arith.constant 45.2548332 : f32
      %mul3A_683 = vector.broadcast %mul3A_682 : f32 to vector<16xf32>
      %mul3A_684 = arith.mulf %get3A_681, %mul3A_683 : vector<16xf32>
      %swap3A_685 = arith.index_cast %scan3A_79 : i32 to index
      %swap3A_686 = arith.constant 800 : index
      %swap3A_687 = tpu.vector_load %arg8[%swap3A_685, %swap3A_686] {strides = array<i32>} : memref<16x2048xf32, #tpu.memory_space<vmem>>, vector<1x16xf32>,
      %swap3A_688 = vector.shape_cast %swap3A_687 : vector<1x16xf32> to vector<16xf32>
      %swap3A_689 = vector.shape_cast %mul3A_684 : vector<16xf32> to vector<1x16xf32>
      tpu.vector_store %arg8[%swap3A_685, %swap3A_686], %swap3A_689 {strides = array<i32>} : memref<16x2048xf32, #tpu.memory_space<vmem>>, vector<1x16xf32>,
      %get3A_690 = arith.index_cast %scan3A_79 : i32 to index
      %get3A_691 = arith.constant 816 : index
      %get3A_692 = tpu.vector_load %arg8[%get3A_690, %get3A_691] {strides = array<i32>} : memref<16x2048xf32, #tpu.memory_space<vmem>>, vector<1x16xf32>,
      %get3A_693 = vector.shape_cast %get3A_692 : vector<1x16xf32> to vector<16xf32>
      %mul3A_694 = arith.constant 45.2548332 : f32
      %mul3A_695 = vector.broadcast %mul3A_694 : f32 to vector<16xf32>
      %mul3A_696 = arith.mulf %get3A_693, %mul3A_695 : vector<16xf32>
      %swap3A_697 = arith.index_cast %scan3A_79 : i32 to index
      %swap3A_698 = arith.constant 816 : index
      %swap3A_699 = tpu.vector_load %arg8[%swap3A_697, %swap3A_698] {strides = array<i32>} : memref<16x2048xf32, #tpu.memory_space<vmem>>, vector<1x16xf32>,
      %swap3A_700 = vector.shape_cast %swap3A_699 : vector<1x16xf32> to vector<16xf32>
      %swap3A_701 = vector.shape_cast %mul3A_696 : vector<16xf32> to vector<1x16xf32>
      tpu.vector_store %arg8[%swap3A_697, %swap3A_698], %swap3A_701 {strides = array<i32>} : memref<16x2048xf32, #tpu.memory_space<vmem>>, vector<1x16xf32>,
      %get3A_702 = arith.index_cast %scan3A_79 : i32 to index
      %get3A_703 = arith.constant 832 : index
      %get3A_704 = tpu.vector_load %arg8[%get3A_702, %get3A_703] {strides = array<i32>} : memref<16x2048xf32, #tpu.memory_space<vmem>>, vector<1x16xf32>,
      %get3A_705 = vector.shape_cast %get3A_704 : vector<1x16xf32> to vector<16xf32>
      %mul3A_706 = arith.constant 45.2548332 : f32
      %mul3A_707 = vector.broadcast %mul3A_706 : f32 to vector<16xf32>
      %mul3A_708 = arith.mulf %get3A_705, %mul3A_707 : vector<16xf32>
      %swap3A_709 = arith.index_cast %scan3A_79 : i32 to index
      %swap3A_710 = arith.constant 832 : index
      %swap3A_711 = tpu.vector_load %arg8[%swap3A_709, %swap3A_710] {strides = array<i32>} : memref<16x2048xf32, #tpu.memory_space<vmem>>, vector<1x16xf32>,
      %swap3A_712 = vector.shape_cast %swap3A_711 : vector<1x16xf32> to vector<16xf32>
      %swap3A_713 = vector.shape_cast %mul3A_708 : vector<16xf32> to vector<1x16xf32>
      tpu.vector_store %arg8[%swap3A_709, %swap3A_710], %swap3A_713 {strides = array<i32>} : memref<16x2048xf32, #tpu.memory_space<vmem>>, vector<1x16xf32>,
      %get3A_714 = arith.index_cast %scan3A_79 : i32 to index
      %get3A_715 = arith.constant 848 : index
      %get3A_716 = tpu.vector_load %arg8[%get3A_714, %get3A_715] {strides = array<i32>} : memref<16x2048xf32, #tpu.memory_space<vmem>>, vector<1x16xf32>,
      %get3A_717 = vector.shape_cast %get3A_716 : vector<1x16xf32> to vector<16xf32>
      %mul3A_718 = arith.constant 45.2548332 : f32
      %mul3A_719 = vector.broadcast %mul3A_718 : f32 to vector<16xf32>
      %mul3A_720 = arith.mulf %get3A_717, %mul3A_719 : vector<16xf32>
      %swap3A_721 = arith.index_cast %scan3A_79 : i32 to index
      %swap3A_722 = arith.constant 848 : index
      %swap3A_723 = tpu.vector_load %arg8[%swap3A_721, %swap3A_722] {strides = array<i32>} : memref<16x2048xf32, #tpu.memory_space<vmem>>, vector<1x16xf32>,
      %swap3A_724 = vector.shape_cast %swap3A_723 : vector<1x16xf32> to vector<16xf32>
      %swap3A_725 = vector.shape_cast %mul3A_720 : vector<16xf32> to vector<1x16xf32>
      tpu.vector_store %arg8[%swap3A_721, %swap3A_722], %swap3A_725 {strides = array<i32>} : memref<16x2048xf32, #tpu.memory_space<vmem>>, vector<1x16xf32>,
      %get3A_726 = arith.index_cast %scan3A_79 : i32 to index
      %get3A_727 = arith.constant 864 : index
      %get3A_728 = tpu.vector_load %arg8[%get3A_726, %get3A_727] {strides = array<i32>} : memref<16x2048xf32, #tpu.memory_space<vmem>>, vector<1x16xf32>,
      %get3A_729 = vector.shape_cast %get3A_728 : vector<1x16xf32> to vector<16xf32>
      %mul3A_730 = arith.constant 45.2548332 : f32
      %mul3A_731 = vector.broadcast %mul3A_730 : f32 to vector<16xf32>
      %mul3A_732 = arith.mulf %get3A_729, %mul3A_731 : vector<16xf32>
      %swap3A_733 = arith.index_cast %scan3A_79 : i32 to index
      %swap3A_734 = arith.constant 864 : index
      %swap3A_735 = tpu.vector_load %arg8[%swap3A_733, %swap3A_734] {strides = array<i32>} : memref<16x2048xf32, #tpu.memory_space<vmem>>, vector<1x16xf32>,
      %swap3A_736 = vector.shape_cast %swap3A_735 : vector<1x16xf32> to vector<16xf32>
      %swap3A_737 = vector.shape_cast %mul3A_732 : vector<16xf32> to vector<1x16xf32>
      tpu.vector_store %arg8[%swap3A_733, %swap3A_734], %swap3A_737 {strides = array<i32>} : memref<16x2048xf32, #tpu.memory_space<vmem>>, vector<1x16xf32>,
      %get3A_738 = arith.index_cast %scan3A_79 : i32 to index
      %get3A_739 = arith.constant 880 : index
      %get3A_740 = tpu.vector_load %arg8[%get3A_738, %get3A_739] {strides = array<i32>} : memref<16x2048xf32, #tpu.memory_space<vmem>>, vector<1x16xf32>,
      %get3A_741 = vector.shape_cast %get3A_740 : vector<1x16xf32> to vector<16xf32>
      %mul3A_742 = arith.constant 45.2548332 : f32
      %mul3A_743 = vector.broadcast %mul3A_742 : f32 to vector<16xf32>
      %mul3A_744 = arith.mulf %get3A_741, %mul3A_743 : vector<16xf32>
      %swap3A_745 = arith.index_cast %scan3A_79 : i32 to index
      %swap3A_746 = arith.constant 880 : index
      %swap3A_747 = tpu.vector_load %arg8[%swap3A_745, %swap3A_746] {strides = array<i32>} : memref<16x2048xf32, #tpu.memory_space<vmem>>, vector<1x16xf32>,
      %swap3A_748 = vector.shape_cast %swap3A_747 : vector<1x16xf32> to vector<16xf32>
      %swap3A_749 = vector.shape_cast %mul3A_744 : vector<16xf32> to vector<1x16xf32>
      tpu.vector_store %arg8[%swap3A_745, %swap3A_746], %swap3A_749 {strides = array<i32>} : memref<16x2048xf32, #tpu.memory_space<vmem>>, vector<1x16xf32>,
      %get3A_750 = arith.index_cast %scan3A_79 : i32 to index
      %get3A_751 = arith.constant 896 : index
      %get3A_752 = tpu.vector_load %arg8[%get3A_750, %get3A_751] {strides = array<i32>} : memref<16x2048xf32, #tpu.memory_space<vmem>>, vector<1x16xf32>,
      %get3A_753 = vector.shape_cast %get3A_752 : vector<1x16xf32> to vector<16xf32>
      %mul3A_754 = arith.constant 45.2548332 : f32
      %mul3A_755 = vector.broadcast %mul3A_754 : f32 to vector<16xf32>
      %mul3A_756 = arith.mulf %get3A_753, %mul3A_755 : vector<16xf32>
      %swap3A_757 = arith.index_cast %scan3A_79 : i32 to index
      %swap3A_758 = arith.constant 896 : index
      %swap3A_759 = tpu.vector_load %arg8[%swap3A_757, %swap3A_758] {strides = array<i32>} : memref<16x2048xf32, #tpu.memory_space<vmem>>, vector<1x16xf32>,
      %swap3A_760 = vector.shape_cast %swap3A_759 : vector<1x16xf32> to vector<16xf32>
      %swap3A_761 = vector.shape_cast %mul3A_756 : vector<16xf32> to vector<1x16xf32>
      tpu.vector_store %arg8[%swap3A_757, %swap3A_758], %swap3A_761 {strides = array<i32>} : memref<16x2048xf32, #tpu.memory_space<vmem>>, vector<1x16xf32>,
      %get3A_762 = arith.index_cast %scan3A_79 : i32 to index
      %get3A_763 = arith.constant 912 : index
      %get3A_764 = tpu.vector_load %arg8[%get3A_762, %get3A_763] {strides = array<i32>} : memref<16x2048xf32, #tpu.memory_space<vmem>>, vector<1x16xf32>,
      %get3A_765 = vector.shape_cast %get3A_764 : vector<1x16xf32> to vector<16xf32>
      %mul3A_766 = arith.constant 45.2548332 : f32
      %mul3A_767 = vector.broadcast %mul3A_766 : f32 to vector<16xf32>
      %mul3A_768 = arith.mulf %get3A_765, %mul3A_767 : vector<16xf32>
      %swap3A_769 = arith.index_cast %scan3A_79 : i32 to index
      %swap3A_770 = arith.constant 912 : index
      %swap3A_771 = tpu.vector_load %arg8[%swap3A_769, %swap3A_770] {strides = array<i32>} : memref<16x2048xf32, #tpu.memory_space<vmem>>, vector<1x16xf32>,
      %swap3A_772 = vector.shape_cast %swap3A_771 : vector<1x16xf32> to vector<16xf32>
      %swap3A_773 = vector.shape_cast %mul3A_768 : vector<16xf32> to vector<1x16xf32>
      tpu.vector_store %arg8[%swap3A_769, %swap3A_770], %swap3A_773 {strides = array<i32>} : memref<16x2048xf32, #tpu.memory_space<vmem>>, vector<1x16xf32>,
      %get3A_774 = arith.index_cast %scan3A_79 : i32 to index
      %get3A_775 = arith.constant 928 : index
      %get3A_776 = tpu.vector_load %arg8[%get3A_774, %get3A_775] {strides = array<i32>} : memref<16x2048xf32, #tpu.memory_space<vmem>>, vector<1x16xf32>,
      %get3A_777 = vector.shape_cast %get3A_776 : vector<1x16xf32> to vector<16xf32>
      %mul3A_778 = arith.constant 45.2548332 : f32
      %mul3A_779 = vector.broadcast %mul3A_778 : f32 to vector<16xf32>
      %mul3A_780 = arith.mulf %get3A_777, %mul3A_779 : vector<16xf32>
      %swap3A_781 = arith.index_cast %scan3A_79 : i32 to index
      %swap3A_782 = arith.constant 928 : index
      %swap3A_783 = tpu.vector_load %arg8[%swap3A_781, %swap3A_782] {strides = array<i32>} : memref<16x2048xf32, #tpu.memory_space<vmem>>, vector<1x16xf32>,
      %swap3A_784 = vector.shape_cast %swap3A_783 : vector<1x16xf32> to vector<16xf32>
      %swap3A_785 = vector.shape_cast %mul3A_780 : vector<16xf32> to vector<1x16xf32>
      tpu.vector_store %arg8[%swap3A_781, %swap3A_782], %swap3A_785 {strides = array<i32>} : memref<16x2048xf32, #tpu.memory_space<vmem>>, vector<1x16xf32>,
      %get3A_786 = arith.index_cast %scan3A_79 : i32 to index
      %get3A_787 = arith.constant 944 : index
      %get3A_788 = tpu.vector_load %arg8[%get3A_786, %get3A_787] {strides = array<i32>} : memref<16x2048xf32, #tpu.memory_space<vmem>>, vector<1x16xf32>,
      %get3A_789 = vector.shape_cast %get3A_788 : vector<1x16xf32> to vector<16xf32>
      %mul3A_790 = arith.constant 45.2548332 : f32
      %mul3A_791 = vector.broadcast %mul3A_790 : f32 to vector<16xf32>
      %mul3A_792 = arith.mulf %get3A_789, %mul3A_791 : vector<16xf32>
      %swap3A_793 = arith.index_cast %scan3A_79 : i32 to index
      %swap3A_794 = arith.constant 944 : index
      %swap3A_795 = tpu.vector_load %arg8[%swap3A_793, %swap3A_794] {strides = array<i32>} : memref<16x2048xf32, #tpu.memory_space<vmem>>, vector<1x16xf32>,
      %swap3A_796 = vector.shape_cast %swap3A_795 : vector<1x16xf32> to vector<16xf32>
      %swap3A_797 = vector.shape_cast %mul3A_792 : vector<16xf32> to vector<1x16xf32>
      tpu.vector_store %arg8[%swap3A_793, %swap3A_794], %swap3A_797 {strides = array<i32>} : memref<16x2048xf32, #tpu.memory_space<vmem>>, vector<1x16xf32>,
      %get3A_798 = arith.index_cast %scan3A_79 : i32 to index
      %get3A_799 = arith.constant 960 : index
      %get3A_800 = tpu.vector_load %arg8[%get3A_798, %get3A_799] {strides = array<i32>} : memref<16x2048xf32, #tpu.memory_space<vmem>>, vector<1x16xf32>,
      %get3A_801 = vector.shape_cast %get3A_800 : vector<1x16xf32> to vector<16xf32>
      %mul3A_802 = arith.constant 45.2548332 : f32
      %mul3A_803 = vector.broadcast %mul3A_802 : f32 to vector<16xf32>
      %mul3A_804 = arith.mulf %get3A_801, %mul3A_803 : vector<16xf32>
      %swap3A_805 = arith.index_cast %scan3A_79 : i32 to index
      %swap3A_806 = arith.constant 960 : index
      %swap3A_807 = tpu.vector_load %arg8[%swap3A_805, %swap3A_806] {strides = array<i32>} : memref<16x2048xf32, #tpu.memory_space<vmem>>, vector<1x16xf32>,
      %swap3A_808 = vector.shape_cast %swap3A_807 : vector<1x16xf32> to vector<16xf32>
      %swap3A_809 = vector.shape_cast %mul3A_804 : vector<16xf32> to vector<1x16xf32>
      tpu.vector_store %arg8[%swap3A_805, %swap3A_806], %swap3A_809 {strides = array<i32>} : memref<16x2048xf32, #tpu.memory_space<vmem>>, vector<1x16xf32>,
      %get3A_810 = arith.index_cast %scan3A_79 : i32 to index
      %get3A_811 = arith.constant 976 : index
      %get3A_812 = tpu.vector_load %arg8[%get3A_810, %get3A_811] {strides = array<i32>} : memref<16x2048xf32, #tpu.memory_space<vmem>>, vector<1x16xf32>,
      %get3A_813 = vector.shape_cast %get3A_812 : vector<1x16xf32> to vector<16xf32>
      %mul3A_814 = arith.constant 45.2548332 : f32
      %mul3A_815 = vector.broadcast %mul3A_814 : f32 to vector<16xf32>
      %mul3A_816 = arith.mulf %get3A_813, %mul3A_815 : vector<16xf32>
      %swap3A_817 = arith.index_cast %scan3A_79 : i32 to index
      %swap3A_818 = arith.constant 976 : index
      %swap3A_819 = tpu.vector_load %arg8[%swap3A_817, %swap3A_818] {strides = array<i32>} : memref<16x2048xf32, #tpu.memory_space<vmem>>, vector<1x16xf32>,
      %swap3A_820 = vector.shape_cast %swap3A_819 : vector<1x16xf32> to vector<16xf32>
      %swap3A_821 = vector.shape_cast %mul3A_816 : vector<16xf32> to vector<1x16xf32>
      tpu.vector_store %arg8[%swap3A_817, %swap3A_818], %swap3A_821 {strides = array<i32>} : memref<16x2048xf32, #tpu.memory_space<vmem>>, vector<1x16xf32>,
      %get3A_822 = arith.index_cast %scan3A_79 : i32 to index
      %get3A_823 = arith.constant 992 : index
      %get3A_824 = tpu.vector_load %arg8[%get3A_822, %get3A_823] {strides = array<i32>} : memref<16x2048xf32, #tpu.memory_space<vmem>>, vector<1x16xf32>,
      %get3A_825 = vector.shape_cast %get3A_824 : vector<1x16xf32> to vector<16xf32>
      %mul3A_826 = arith.constant 45.2548332 : f32
      %mul3A_827 = vector.broadcast %mul3A_826 : f32 to vector<16xf32>
      %mul3A_828 = arith.mulf %get3A_825, %mul3A_827 : vector<16xf32>
      %swap3A_829 = arith.index_cast %scan3A_79 : i32 to index
      %swap3A_830 = arith.constant 992 : index
      %swap3A_831 = tpu.vector_load %arg8[%swap3A_829, %swap3A_830] {strides = array<i32>} : memref<16x2048xf32, #tpu.memory_space<vmem>>, vector<1x16xf32>,
      %swap3A_832 = vector.shape_cast %swap3A_831 : vector<1x16xf32> to vector<16xf32>
      %swap3A_833 = vector.shape_cast %mul3A_828 : vector<16xf32> to vector<1x16xf32>
      tpu.vector_store %arg8[%swap3A_829, %swap3A_830], %swap3A_833 {strides = array<i32>} : memref<16x2048xf32, #tpu.memory_space<vmem>>, vector<1x16xf32>,
      %get3A_834 = arith.index_cast %scan3A_79 : i32 to index
      %get3A_835 = arith.constant 1008 : index
      %get3A_836 = tpu.vector_load %arg8[%get3A_834, %get3A_835] {strides = array<i32>} : memref<16x2048xf32, #tpu.memory_space<vmem>>, vector<1x16xf32>,
      %get3A_837 = vector.shape_cast %get3A_836 : vector<1x16xf32> to vector<16xf32>
      %mul3A_838 = arith.constant 45.2548332 : f32
      %mul3A_839 = vector.broadcast %mul3A_838 : f32 to vector<16xf32>
      %mul3A_840 = arith.mulf %get3A_837, %mul3A_839 : vector<16xf32>
      %swap3A_841 = arith.index_cast %scan3A_79 : i32 to index
      %swap3A_842 = arith.constant 1008 : index
      %swap3A_843 = tpu.vector_load %arg8[%swap3A_841, %swap3A_842] {strides = array<i32>} : memref<16x2048xf32, #tpu.memory_space<vmem>>, vector<1x16xf32>,
      %swap3A_844 = vector.shape_cast %swap3A_843 : vector<1x16xf32> to vector<16xf32>
      %swap3A_845 = vector.shape_cast %mul3A_840 : vector<16xf32> to vector<1x16xf32>
      tpu.vector_store %arg8[%swap3A_841, %swap3A_842], %swap3A_845 {strides = array<i32>} : memref<16x2048xf32, #tpu.memory_space<vmem>>, vector<1x16xf32>,
      %get3A_846 = arith.index_cast %scan3A_79 : i32 to index
      %get3A_847 = arith.constant 1024 : index
      %get3A_848 = tpu.vector_load %arg8[%get3A_846, %get3A_847] {strides = array<i32>} : memref<16x2048xf32, #tpu.memory_space<vmem>>, vector<1x16xf32>,
      %get3A_849 = vector.shape_cast %get3A_848 : vector<1x16xf32> to vector<16xf32>
      %mul3A_850 = arith.constant 45.2548332 : f32
      %mul3A_851 = vector.broadcast %mul3A_850 : f32 to vector<16xf32>
      %mul3A_852 = arith.mulf %get3A_849, %mul3A_851 : vector<16xf32>
      %swap3A_853 = arith.index_cast %scan3A_79 : i32 to index
      %swap3A_854 = arith.constant 1024 : index
      %swap3A_855 = tpu.vector_load %arg8[%swap3A_853, %swap3A_854] {strides = array<i32>} : memref<16x2048xf32, #tpu.memory_space<vmem>>, vector<1x16xf32>,
      %swap3A_856 = vector.shape_cast %swap3A_855 : vector<1x16xf32> to vector<16xf32>
      %swap3A_857 = vector.shape_cast %mul3A_852 : vector<16xf32> to vector<1x16xf32>
      tpu.vector_store %arg8[%swap3A_853, %swap3A_854], %swap3A_857 {strides = array<i32>} : memref<16x2048xf32, #tpu.memory_space<vmem>>, vector<1x16xf32>,
      %get3A_858 = arith.index_cast %scan3A_79 : i32 to index
      %get3A_859 = arith.constant 1040 : index
      %get3A_860 = tpu.vector_load %arg8[%get3A_858, %get3A_859] {strides = array<i32>} : memref<16x2048xf32, #tpu.memory_space<vmem>>, vector<1x16xf32>,
      %get3A_861 = vector.shape_cast %get3A_860 : vector<1x16xf32> to vector<16xf32>
      %mul3A_862 = arith.constant 45.2548332 : f32
      %mul3A_863 = vector.broadcast %mul3A_862 : f32 to vector<16xf32>
      %mul3A_864 = arith.mulf %get3A_861, %mul3A_863 : vector<16xf32>
      %swap3A_865 = arith.index_cast %scan3A_79 : i32 to index
      %swap3A_866 = arith.constant 1040 : index
      %swap3A_867 = tpu.vector_load %arg8[%swap3A_865, %swap3A_866] {strides = array<i32>} : memref<16x2048xf32, #tpu.memory_space<vmem>>, vector<1x16xf32>,
      %swap3A_868 = vector.shape_cast %swap3A_867 : vector<1x16xf32> to vector<16xf32>
      %swap3A_869 = vector.shape_cast %mul3A_864 : vector<16xf32> to vector<1x16xf32>
      tpu.vector_store %arg8[%swap3A_865, %swap3A_866], %swap3A_869 {strides = array<i32>} : memref<16x2048xf32, #tpu.memory_space<vmem>>, vector<1x16xf32>,
      %get3A_870 = arith.index_cast %scan3A_79 : i32 to index
      %get3A_871 = arith.constant 1056 : index
      %get3A_872 = tpu.vector_load %arg8[%get3A_870, %get3A_871] {strides = array<i32>} : memref<16x2048xf32, #tpu.memory_space<vmem>>, vector<1x16xf32>,
      %get3A_873 = vector.shape_cast %get3A_872 : vector<1x16xf32> to vector<16xf32>
      %mul3A_874 = arith.constant 45.2548332 : f32
      %mul3A_875 = vector.broadcast %mul3A_874 : f32 to vector<16xf32>
      %mul3A_876 = arith.mulf %get3A_873, %mul3A_875 : vector<16xf32>
      %swap3A_877 = arith.index_cast %scan3A_79 : i32 to index
      %swap3A_878 = arith.constant 1056 : index
      %swap3A_879 = tpu.vector_load %arg8[%swap3A_877, %swap3A_878] {strides = array<i32>} : memref<16x2048xf32, #tpu.memory_space<vmem>>, vector<1x16xf32>,
      %swap3A_880 = vector.shape_cast %swap3A_879 : vector<1x16xf32> to vector<16xf32>
      %swap3A_881 = vector.shape_cast %mul3A_876 : vector<16xf32> to vector<1x16xf32>
      tpu.vector_store %arg8[%swap3A_877, %swap3A_878], %swap3A_881 {strides = array<i32>} : memref<16x2048xf32, #tpu.memory_space<vmem>>, vector<1x16xf32>,
      %get3A_882 = arith.index_cast %scan3A_79 : i32 to index
      %get3A_883 = arith.constant 1072 : index
      %get3A_884 = tpu.vector_load %arg8[%get3A_882, %get3A_883] {strides = array<i32>} : memref<16x2048xf32, #tpu.memory_space<vmem>>, vector<1x16xf32>,
      %get3A_885 = vector.shape_cast %get3A_884 : vector<1x16xf32> to vector<16xf32>
      %mul3A_886 = arith.constant 45.2548332 : f32
      %mul3A_887 = vector.broadcast %mul3A_886 : f32 to vector<16xf32>
      %mul3A_888 = arith.mulf %get3A_885, %mul3A_887 : vector<16xf32>
      %swap3A_889 = arith.index_cast %scan3A_79 : i32 to index
      %swap3A_890 = arith.constant 1072 : index
      %swap3A_891 = tpu.vector_load %arg8[%swap3A_889, %swap3A_890] {strides = array<i32>} : memref<16x2048xf32, #tpu.memory_space<vmem>>, vector<1x16xf32>,
      %swap3A_892 = vector.shape_cast %swap3A_891 : vector<1x16xf32> to vector<16xf32>
      %swap3A_893 = vector.shape_cast %mul3A_888 : vector<16xf32> to vector<1x16xf32>
      tpu.vector_store %arg8[%swap3A_889, %swap3A_890], %swap3A_893 {strides = array<i32>} : memref<16x2048xf32, #tpu.memory_space<vmem>>, vector<1x16xf32>,
      %get3A_894 = arith.index_cast %scan3A_79 : i32 to index
      %get3A_895 = arith.constant 1088 : index
      %get3A_896 = tpu.vector_load %arg8[%get3A_894, %get3A_895] {strides = array<i32>} : memref<16x2048xf32, #tpu.memory_space<vmem>>, vector<1x16xf32>,
      %get3A_897 = vector.shape_cast %get3A_896 : vector<1x16xf32> to vector<16xf32>
      %mul3A_898 = arith.constant 45.2548332 : f32
      %mul3A_899 = vector.broadcast %mul3A_898 : f32 to vector<16xf32>
      %mul3A_900 = arith.mulf %get3A_897, %mul3A_899 : vector<16xf32>
      %swap3A_901 = arith.index_cast %scan3A_79 : i32 to index
      %swap3A_902 = arith.constant 1088 : index
      %swap3A_903 = tpu.vector_load %arg8[%swap3A_901, %swap3A_902] {strides = array<i32>} : memref<16x2048xf32, #tpu.memory_space<vmem>>, vector<1x16xf32>,
      %swap3A_904 = vector.shape_cast %swap3A_903 : vector<1x16xf32> to vector<16xf32>
      %swap3A_905 = vector.shape_cast %mul3A_900 : vector<16xf32> to vector<1x16xf32>
      tpu.vector_store %arg8[%swap3A_901, %swap3A_902], %swap3A_905 {strides = array<i32>} : memref<16x2048xf32, #tpu.memory_space<vmem>>, vector<1x16xf32>,
      %get3A_906 = arith.index_cast %scan3A_79 : i32 to index
      %get3A_907 = arith.constant 1104 : index
      %get3A_908 = tpu.vector_load %arg8[%get3A_906, %get3A_907] {strides = array<i32>} : memref<16x2048xf32, #tpu.memory_space<vmem>>, vector<1x16xf32>,
      %get3A_909 = vector.shape_cast %get3A_908 : vector<1x16xf32> to vector<16xf32>
      %mul3A_910 = arith.constant 45.2548332 : f32
      %mul3A_911 = vector.broadcast %mul3A_910 : f32 to vector<16xf32>
      %mul3A_912 = arith.mulf %get3A_909, %mul3A_911 : vector<16xf32>
      %swap3A_913 = arith.index_cast %scan3A_79 : i32 to index
      %swap3A_914 = arith.constant 1104 : index
      %swap3A_915 = tpu.vector_load %arg8[%swap3A_913, %swap3A_914] {strides = array<i32>} : memref<16x2048xf32, #tpu.memory_space<vmem>>, vector<1x16xf32>,
      %swap3A_916 = vector.shape_cast %swap3A_915 : vector<1x16xf32> to vector<16xf32>
      %swap3A_917 = vector.shape_cast %mul3A_912 : vector<16xf32> to vector<1x16xf32>
      tpu.vector_store %arg8[%swap3A_913, %swap3A_914], %swap3A_917 {strides = array<i32>} : memref<16x2048xf32, #tpu.memory_space<vmem>>, vector<1x16xf32>,
      %get3A_918 = arith.index_cast %scan3A_79 : i32 to index
      %get3A_919 = arith.constant 1120 : index
      %get3A_920 = tpu.vector_load %arg8[%get3A_918, %get3A_919] {strides = array<i32>} : memref<16x2048xf32, #tpu.memory_space<vmem>>, vector<1x16xf32>,
      %get3A_921 = vector.shape_cast %get3A_920 : vector<1x16xf32> to vector<16xf32>
      %mul3A_922 = arith.constant 45.2548332 : f32
      %mul3A_923 = vector.broadcast %mul3A_922 : f32 to vector<16xf32>
      %mul3A_924 = arith.mulf %get3A_921, %mul3A_923 : vector<16xf32>
      %swap3A_925 = arith.index_cast %scan3A_79 : i32 to index
      %swap3A_926 = arith.constant 1120 : index
      %swap3A_927 = tpu.vector_load %arg8[%swap3A_925, %swap3A_926] {strides = array<i32>} : memref<16x2048xf32, #tpu.memory_space<vmem>>, vector<1x16xf32>,
      %swap3A_928 = vector.shape_cast %swap3A_927 : vector<1x16xf32> to vector<16xf32>
      %swap3A_929 = vector.shape_cast %mul3A_924 : vector<16xf32> to vector<1x16xf32>
      tpu.vector_store %arg8[%swap3A_925, %swap3A_926], %swap3A_929 {strides = array<i32>} : memref<16x2048xf32, #tpu.memory_space<vmem>>, vector<1x16xf32>,
      %get3A_930 = arith.index_cast %scan3A_79 : i32 to index
      %get3A_931 = arith.constant 1136 : index
      %get3A_932 = tpu.vector_load %arg8[%get3A_930, %get3A_931] {strides = array<i32>} : memref<16x2048xf32, #tpu.memory_space<vmem>>, vector<1x16xf32>,
      %get3A_933 = vector.shape_cast %get3A_932 : vector<1x16xf32> to vector<16xf32>
      %mul3A_934 = arith.constant 45.2548332 : f32
      %mul3A_935 = vector.broadcast %mul3A_934 : f32 to vector<16xf32>
      %mul3A_936 = arith.mulf %get3A_933, %mul3A_935 : vector<16xf32>
      %swap3A_937 = arith.index_cast %scan3A_79 : i32 to index
      %swap3A_938 = arith.constant 1136 : index
      %swap3A_939 = tpu.vector_load %arg8[%swap3A_937, %swap3A_938] {strides = array<i32>} : memref<16x2048xf32, #tpu.memory_space<vmem>>, vector<1x16xf32>,
      %swap3A_940 = vector.shape_cast %swap3A_939 : vector<1x16xf32> to vector<16xf32>
      %swap3A_941 = vector.shape_cast %mul3A_936 : vector<16xf32> to vector<1x16xf32>
      tpu.vector_store %arg8[%swap3A_937, %swap3A_938], %swap3A_941 {strides = array<i32>} : memref<16x2048xf32, #tpu.memory_space<vmem>>, vector<1x16xf32>,
      %get3A_942 = arith.index_cast %scan3A_79 : i32 to index
      %get3A_943 = arith.constant 1152 : index
      %get3A_944 = tpu.vector_load %arg8[%get3A_942, %get3A_943] {strides = array<i32>} : memref<16x2048xf32, #tpu.memory_space<vmem>>, vector<1x16xf32>,
      %get3A_945 = vector.shape_cast %get3A_944 : vector<1x16xf32> to vector<16xf32>
      %mul3A_946 = arith.constant 45.2548332 : f32
      %mul3A_947 = vector.broadcast %mul3A_946 : f32 to vector<16xf32>
      %mul3A_948 = arith.mulf %get3A_945, %mul3A_947 : vector<16xf32>
      %swap3A_949 = arith.index_cast %scan3A_79 : i32 to index
      %swap3A_950 = arith.constant 1152 : index
      %swap3A_951 = tpu.vector_load %arg8[%swap3A_949, %swap3A_950] {strides = array<i32>} : memref<16x2048xf32, #tpu.memory_space<vmem>>, vector<1x16xf32>,
      %swap3A_952 = vector.shape_cast %swap3A_951 : vector<1x16xf32> to vector<16xf32>
      %swap3A_953 = vector.shape_cast %mul3A_948 : vector<16xf32> to vector<1x16xf32>
      tpu.vector_store %arg8[%swap3A_949, %swap3A_950], %swap3A_953 {strides = array<i32>} : memref<16x2048xf32, #tpu.memory_space<vmem>>, vector<1x16xf32>,
      %get3A_954 = arith.index_cast %scan3A_79 : i32 to index
      %get3A_955 = arith.constant 1168 : index
      %get3A_956 = tpu.vector_load %arg8[%get3A_954, %get3A_955] {strides = array<i32>} : memref<16x2048xf32, #tpu.memory_space<vmem>>, vector<1x16xf32>,
      %get3A_957 = vector.shape_cast %get3A_956 : vector<1x16xf32> to vector<16xf32>
      %mul3A_958 = arith.constant 45.2548332 : f32
      %mul3A_959 = vector.broadcast %mul3A_958 : f32 to vector<16xf32>
      %mul3A_960 = arith.mulf %get3A_957, %mul3A_959 : vector<16xf32>
      %swap3A_961 = arith.index_cast %scan3A_79 : i32 to index
      %swap3A_962 = arith.constant 1168 : index
      %swap3A_963 = tpu.vector_load %arg8[%swap3A_961, %swap3A_962] {strides = array<i32>} : memref<16x2048xf32, #tpu.memory_space<vmem>>, vector<1x16xf32>,
      %swap3A_964 = vector.shape_cast %swap3A_963 : vector<1x16xf32> to vector<16xf32>
      %swap3A_965 = vector.shape_cast %mul3A_960 : vector<16xf32> to vector<1x16xf32>
      tpu.vector_store %arg8[%swap3A_961, %swap3A_962], %swap3A_965 {strides = array<i32>} : memref<16x2048xf32, #tpu.memory_space<vmem>>, vector<1x16xf32>,
      %get3A_966 = arith.index_cast %scan3A_79 : i32 to index
      %get3A_967 = arith.constant 1184 : index
      %get3A_968 = tpu.vector_load %arg8[%get3A_966, %get3A_967] {strides = array<i32>} : memref<16x2048xf32, #tpu.memory_space<vmem>>, vector<1x16xf32>,
      %get3A_969 = vector.shape_cast %get3A_968 : vector<1x16xf32> to vector<16xf32>
      %mul3A_970 = arith.constant 45.2548332 : f32
      %mul3A_971 = vector.broadcast %mul3A_970 : f32 to vector<16xf32>
      %mul3A_972 = arith.mulf %get3A_969, %mul3A_971 : vector<16xf32>
      %swap3A_973 = arith.index_cast %scan3A_79 : i32 to index
      %swap3A_974 = arith.constant 1184 : index
      %swap3A_975 = tpu.vector_load %arg8[%swap3A_973, %swap3A_974] {strides = array<i32>} : memref<16x2048xf32, #tpu.memory_space<vmem>>, vector<1x16xf32>,
      %swap3A_976 = vector.shape_cast %swap3A_975 : vector<1x16xf32> to vector<16xf32>
      %swap3A_977 = vector.shape_cast %mul3A_972 : vector<16xf32> to vector<1x16xf32>
      tpu.vector_store %arg8[%swap3A_973, %swap3A_974], %swap3A_977 {strides = array<i32>} : memref<16x2048xf32, #tpu.memory_space<vmem>>, vector<1x16xf32>,
      %get3A_978 = arith.index_cast %scan3A_79 : i32 to index
      %get3A_979 = arith.constant 1200 : index
      %get3A_980 = tpu.vector_load %arg8[%get3A_978, %get3A_979] {strides = array<i32>} : memref<16x2048xf32, #tpu.memory_space<vmem>>, vector<1x16xf32>,
      %get3A_981 = vector.shape_cast %get3A_980 : vector<1x16xf32> to vector<16xf32>
      %mul3A_982 = arith.constant 45.2548332 : f32
      %mul3A_983 = vector.broadcast %mul3A_982 : f32 to vector<16xf32>
      %mul3A_984 = arith.mulf %get3A_981, %mul3A_983 : vector<16xf32>
      %swap3A_985 = arith.index_cast %scan3A_79 : i32 to index
      %swap3A_986 = arith.constant 1200 : index
      %swap3A_987 = tpu.vector_load %arg8[%swap3A_985, %swap3A_986] {strides = array<i32>} : memref<16x2048xf32, #tpu.memory_space<vmem>>, vector<1x16xf32>,
      %swap3A_988 = vector.shape_cast %swap3A_987 : vector<1x16xf32> to vector<16xf32>
      %swap3A_989 = vector.shape_cast %mul3A_984 : vector<16xf32> to vector<1x16xf32>
      tpu.vector_store %arg8[%swap3A_985, %swap3A_986], %swap3A_989 {strides = array<i32>} : memref<16x2048xf32, #tpu.memory_space<vmem>>, vector<1x16xf32>,
      %get3A_990 = arith.index_cast %scan3A_79 : i32 to index
      %get3A_991 = arith.constant 1216 : index
      %get3A_992 = tpu.vector_load %arg8[%get3A_990, %get3A_991] {strides = array<i32>} : memref<16x2048xf32, #tpu.memory_space<vmem>>, vector<1x16xf32>,
      %get3A_993 = vector.shape_cast %get3A_992 : vector<1x16xf32> to vector<16xf32>
      %mul3A_994 = arith.constant 45.2548332 : f32
      %mul3A_995 = vector.broadcast %mul3A_994 : f32 to vector<16xf32>
      %mul3A_996 = arith.mulf %get3A_993, %mul3A_995 : vector<16xf32>
      %swap3A_997 = arith.index_cast %scan3A_79 : i32 to index
      %swap3A_998 = arith.constant 1216 : index
      %swap3A_999 = tpu.vector_load %arg8[%swap3A_997, %swap3A_998] {strides = array<i32>} : memref<16x2048xf32, #tpu.memory_space<vmem>>, vector<1x16xf32>,
      %swap3A_1000 = vector.shape_cast %swap3A_999 : vector<1x16xf32> to vector<16xf32>
      %swap3A_1001 = vector.shape_cast %mul3A_996 : vector<16xf32> to vector<1x16xf32>
      tpu.vector_store %arg8[%swap3A_997, %swap3A_998], %swap3A_1001 {strides = array<i32>} : memref<16x2048xf32, #tpu.memory_space<vmem>>, vector<1x16xf32>,
      %get3A_1002 = arith.index_cast %scan3A_79 : i32 to index
      %get3A_1003 = arith.constant 1232 : index
      %get3A_1004 = tpu.vector_load %arg8[%get3A_1002, %get3A_1003] {strides = array<i32>} : memref<16x2048xf32, #tpu.memory_space<vmem>>, vector<1x16xf32>,
      %get3A_1005 = vector.shape_cast %get3A_1004 : vector<1x16xf32> to vector<16xf32>
      %mul3A_1006 = arith.constant 45.2548332 : f32
      %mul3A_1007 = vector.broadcast %mul3A_1006 : f32 to vector<16xf32>
      %mul3A_1008 = arith.mulf %get3A_1005, %mul3A_1007 : vector<16xf32>
      %swap3A_1009 = arith.index_cast %scan3A_79 : i32 to index
      %swap3A_1010 = arith.constant 1232 : index
      %swap3A_1011 = tpu.vector_load %arg8[%swap3A_1009, %swap3A_1010] {strides = array<i32>} : memref<16x2048xf32, #tpu.memory_space<vmem>>, vector<1x16xf32>,
      %swap3A_1012 = vector.shape_cast %swap3A_1011 : vector<1x16xf32> to vector<16xf32>
      %swap3A_1013 = vector.shape_cast %mul3A_1008 : vector<16xf32> to vector<1x16xf32>
      tpu.vector_store %arg8[%swap3A_1009, %swap3A_1010], %swap3A_1013 {strides = array<i32>} : memref<16x2048xf32, #tpu.memory_space<vmem>>, vector<1x16xf32>,
      %get3A_1014 = arith.index_cast %scan3A_79 : i32 to index
      %get3A_1015 = arith.constant 1248 : index
      %get3A_1016 = tpu.vector_load %arg8[%get3A_1014, %get3A_1015] {strides = array<i32>} : memref<16x2048xf32, #tpu.memory_space<vmem>>, vector<1x16xf32>,
      %get3A_1017 = vector.shape_cast %get3A_1016 : vector<1x16xf32> to vector<16xf32>
      %mul3A_1018 = arith.constant 45.2548332 : f32
      %mul3A_1019 = vector.broadcast %mul3A_1018 : f32 to vector<16xf32>
      %mul3A_1020 = arith.mulf %get3A_1017, %mul3A_1019 : vector<16xf32>
      %swap3A_1021 = arith.index_cast %scan3A_79 : i32 to index
      %swap3A_1022 = arith.constant 1248 : index
      %swap3A_1023 = tpu.vector_load %arg8[%swap3A_1021, %swap3A_1022] {strides = array<i32>} : memref<16x2048xf32, #tpu.memory_space<vmem>>, vector<1x16xf32>,
      %swap3A_1024 = vector.shape_cast %swap3A_1023 : vector<1x16xf32> to vector<16xf32>
      %swap3A_1025 = vector.shape_cast %mul3A_1020 : vector<16xf32> to vector<1x16xf32>
      tpu.vector_store %arg8[%swap3A_1021, %swap3A_1022], %swap3A_1025 {strides = array<i32>} : memref<16x2048xf32, #tpu.memory_space<vmem>>, vector<1x16xf32>,
      %get3A_1026 = arith.index_cast %scan3A_79 : i32 to index
      %get3A_1027 = arith.constant 1264 : index
      %get3A_1028 = tpu.vector_load %arg8[%get3A_1026, %get3A_1027] {strides = array<i32>} : memref<16x2048xf32, #tpu.memory_space<vmem>>, vector<1x16xf32>,
      %get3A_1029 = vector.shape_cast %get3A_1028 : vector<1x16xf32> to vector<16xf32>
      %mul3A_1030 = arith.constant 45.2548332 : f32
      %mul3A_1031 = vector.broadcast %mul3A_1030 : f32 to vector<16xf32>
      %mul3A_1032 = arith.mulf %get3A_1029, %mul3A_1031 : vector<16xf32>
      %swap3A_1033 = arith.index_cast %scan3A_79 : i32 to index
      %swap3A_1034 = arith.constant 1264 : index
      %swap3A_1035 = tpu.vector_load %arg8[%swap3A_1033, %swap3A_1034] {strides = array<i32>} : memref<16x2048xf32, #tpu.memory_space<vmem>>, vector<1x16xf32>,
      %swap3A_1036 = vector.shape_cast %swap3A_1035 : vector<1x16xf32> to vector<16xf32>
      %swap3A_1037 = vector.shape_cast %mul3A_1032 : vector<16xf32> to vector<1x16xf32>
      tpu.vector_store %arg8[%swap3A_1033, %swap3A_1034], %swap3A_1037 {strides = array<i32>} : memref<16x2048xf32, #tpu.memory_space<vmem>>, vector<1x16xf32>,
      %get3A_1038 = arith.index_cast %scan3A_79 : i32 to index
      %get3A_1039 = arith.constant 1280 : index
      %get3A_1040 = tpu.vector_load %arg8[%get3A_1038, %get3A_1039] {strides = array<i32>} : memref<16x2048xf32, #tpu.memory_space<vmem>>, vector<1x16xf32>,
      %get3A_1041 = vector.shape_cast %get3A_1040 : vector<1x16xf32> to vector<16xf32>
      %mul3A_1042 = arith.constant 45.2548332 : f32
      %mul3A_1043 = vector.broadcast %mul3A_1042 : f32 to vector<16xf32>
      %mul3A_1044 = arith.mulf %get3A_1041, %mul3A_1043 : vector<16xf32>
      %swap3A_1045 = arith.index_cast %scan3A_79 : i32 to index
      %swap3A_1046 = arith.constant 1280 : index
      %swap3A_1047 = tpu.vector_load %arg8[%swap3A_1045, %swap3A_1046] {strides = array<i32>} : memref<16x2048xf32, #tpu.memory_space<vmem>>, vector<1x16xf32>,
      %swap3A_1048 = vector.shape_cast %swap3A_1047 : vector<1x16xf32> to vector<16xf32>
      %swap3A_1049 = vector.shape_cast %mul3A_1044 : vector<16xf32> to vector<1x16xf32>
      tpu.vector_store %arg8[%swap3A_1045, %swap3A_1046], %swap3A_1049 {strides = array<i32>} : memref<16x2048xf32, #tpu.memory_space<vmem>>, vector<1x16xf32>,
      %get3A_1050 = arith.index_cast %scan3A_79 : i32 to index
      %get3A_1051 = arith.constant 1296 : index
      %get3A_1052 = tpu.vector_load %arg8[%get3A_1050, %get3A_1051] {strides = array<i32>} : memref<16x2048xf32, #tpu.memory_space<vmem>>, vector<1x16xf32>,
      %get3A_1053 = vector.shape_cast %get3A_1052 : vector<1x16xf32> to vector<16xf32>
      %mul3A_1054 = arith.constant 45.2548332 : f32
      %mul3A_1055 = vector.broadcast %mul3A_1054 : f32 to vector<16xf32>
      %mul3A_1056 = arith.mulf %get3A_1053, %mul3A_1055 : vector<16xf32>
      %swap3A_1057 = arith.index_cast %scan3A_79 : i32 to index
      %swap3A_1058 = arith.constant 1296 : index
      %swap3A_1059 = tpu.vector_load %arg8[%swap3A_1057, %swap3A_1058] {strides = array<i32>} : memref<16x2048xf32, #tpu.memory_space<vmem>>, vector<1x16xf32>,
      %swap3A_1060 = vector.shape_cast %swap3A_1059 : vector<1x16xf32> to vector<16xf32>
      %swap3A_1061 = vector.shape_cast %mul3A_1056 : vector<16xf32> to vector<1x16xf32>
      tpu.vector_store %arg8[%swap3A_1057, %swap3A_1058], %swap3A_1061 {strides = array<i32>} : memref<16x2048xf32, #tpu.memory_space<vmem>>, vector<1x16xf32>,
      %get3A_1062 = arith.index_cast %scan3A_79 : i32 to index
      %get3A_1063 = arith.constant 1312 : index
      %get3A_1064 = tpu.vector_load %arg8[%get3A_1062, %get3A_1063] {strides = array<i32>} : memref<16x2048xf32, #tpu.memory_space<vmem>>, vector<1x16xf32>,
      %get3A_1065 = vector.shape_cast %get3A_1064 : vector<1x16xf32> to vector<16xf32>
      %mul3A_1066 = arith.constant 45.2548332 : f32
      %mul3A_1067 = vector.broadcast %mul3A_1066 : f32 to vector<16xf32>
      %mul3A_1068 = arith.mulf %get3A_1065, %mul3A_1067 : vector<16xf32>
      %swap3A_1069 = arith.index_cast %scan3A_79 : i32 to index
      %swap3A_1070 = arith.constant 1312 : index
      %swap3A_1071 = tpu.vector_load %arg8[%swap3A_1069, %swap3A_1070] {strides = array<i32>} : memref<16x2048xf32, #tpu.memory_space<vmem>>, vector<1x16xf32>,
      %swap3A_1072 = vector.shape_cast %swap3A_1071 : vector<1x16xf32> to vector<16xf32>
      %swap3A_1073 = vector.shape_cast %mul3A_1068 : vector<16xf32> to vector<1x16xf32>
      tpu.vector_store %arg8[%swap3A_1069, %swap3A_1070], %swap3A_1073 {strides = array<i32>} : memref<16x2048xf32, #tpu.memory_space<vmem>>, vector<1x16xf32>,
      %get3A_1074 = arith.index_cast %scan3A_79 : i32 to index
      %get3A_1075 = arith.constant 1328 : index
      %get3A_1076 = tpu.vector_load %arg8[%get3A_1074, %get3A_1075] {strides = array<i32>} : memref<16x2048xf32, #tpu.memory_space<vmem>>, vector<1x16xf32>,
      %get3A_1077 = vector.shape_cast %get3A_1076 : vector<1x16xf32> to vector<16xf32>
      %mul3A_1078 = arith.constant 45.2548332 : f32
      %mul3A_1079 = vector.broadcast %mul3A_1078 : f32 to vector<16xf32>
      %mul3A_1080 = arith.mulf %get3A_1077, %mul3A_1079 : vector<16xf32>
      %swap3A_1081 = arith.index_cast %scan3A_79 : i32 to index
      %swap3A_1082 = arith.constant 1328 : index
      %swap3A_1083 = tpu.vector_load %arg8[%swap3A_1081, %swap3A_1082] {strides = array<i32>} : memref<16x2048xf32, #tpu.memory_space<vmem>>, vector<1x16xf32>,
      %swap3A_1084 = vector.shape_cast %swap3A_1083 : vector<1x16xf32> to vector<16xf32>
      %swap3A_1085 = vector.shape_cast %mul3A_1080 : vector<16xf32> to vector<1x16xf32>
      tpu.vector_store %arg8[%swap3A_1081, %swap3A_1082], %swap3A_1085 {strides = array<i32>} : memref<16x2048xf32, #tpu.memory_space<vmem>>, vector<1x16xf32>,
      %get3A_1086 = arith.index_cast %scan3A_79 : i32 to index
      %get3A_1087 = arith.constant 1344 : index
      %get3A_1088 = tpu.vector_load %arg8[%get3A_1086, %get3A_1087] {strides = array<i32>} : memref<16x2048xf32, #tpu.memory_space<vmem>>, vector<1x16xf32>,
      %get3A_1089 = vector.shape_cast %get3A_1088 : vector<1x16xf32> to vector<16xf32>
      %mul3A_1090 = arith.constant 45.2548332 : f32
      %mul3A_1091 = vector.broadcast %mul3A_1090 : f32 to vector<16xf32>
      %mul3A_1092 = arith.mulf %get3A_1089, %mul3A_1091 : vector<16xf32>
      %swap3A_1093 = arith.index_cast %scan3A_79 : i32 to index
      %swap3A_1094 = arith.constant 1344 : index
      %swap3A_1095 = tpu.vector_load %arg8[%swap3A_1093, %swap3A_1094] {strides = array<i32>} : memref<16x2048xf32, #tpu.memory_space<vmem>>, vector<1x16xf32>,
      %swap3A_1096 = vector.shape_cast %swap3A_1095 : vector<1x16xf32> to vector<16xf32>
      %swap3A_1097 = vector.shape_cast %mul3A_1092 : vector<16xf32> to vector<1x16xf32>
      tpu.vector_store %arg8[%swap3A_1093, %swap3A_1094], %swap3A_1097 {strides = array<i32>} : memref<16x2048xf32, #tpu.memory_space<vmem>>, vector<1x16xf32>,
      %get3A_1098 = arith.index_cast %scan3A_79 : i32 to index
      %get3A_1099 = arith.constant 1360 : index
      %get3A_1100 = tpu.vector_load %arg8[%get3A_1098, %get3A_1099] {strides = array<i32>} : memref<16x2048xf32, #tpu.memory_space<vmem>>, vector<1x16xf32>,
      %get3A_1101 = vector.shape_cast %get3A_1100 : vector<1x16xf32> to vector<16xf32>
      %mul3A_1102 = arith.constant 45.2548332 : f32
      %mul3A_1103 = vector.broadcast %mul3A_1102 : f32 to vector<16xf32>
      %mul3A_1104 = arith.mulf %get3A_1101, %mul3A_1103 : vector<16xf32>
      %swap3A_1105 = arith.index_cast %scan3A_79 : i32 to index
      %swap3A_1106 = arith.constant 1360 : index
      %swap3A_1107 = tpu.vector_load %arg8[%swap3A_1105, %swap3A_1106] {strides = array<i32>} : memref<16x2048xf32, #tpu.memory_space<vmem>>, vector<1x16xf32>,
      %swap3A_1108 = vector.shape_cast %swap3A_1107 : vector<1x16xf32> to vector<16xf32>
      %swap3A_1109 = vector.shape_cast %mul3A_1104 : vector<16xf32> to vector<1x16xf32>
      tpu.vector_store %arg8[%swap3A_1105, %swap3A_1106], %swap3A_1109 {strides = array<i32>} : memref<16x2048xf32, #tpu.memory_space<vmem>>, vector<1x16xf32>,
      %get3A_1110 = arith.index_cast %scan3A_79 : i32 to index
      %get3A_1111 = arith.constant 1376 : index
      %get3A_1112 = tpu.vector_load %arg8[%get3A_1110, %get3A_1111] {strides = array<i32>} : memref<16x2048xf32, #tpu.memory_space<vmem>>, vector<1x16xf32>,
      %get3A_1113 = vector.shape_cast %get3A_1112 : vector<1x16xf32> to vector<16xf32>
      %mul3A_1114 = arith.constant 45.2548332 : f32
      %mul3A_1115 = vector.broadcast %mul3A_1114 : f32 to vector<16xf32>
      %mul3A_1116 = arith.mulf %get3A_1113, %mul3A_1115 : vector<16xf32>
      %swap3A_1117 = arith.index_cast %scan3A_79 : i32 to index
      %swap3A_1118 = arith.constant 1376 : index
      %swap3A_1119 = tpu.vector_load %arg8[%swap3A_1117, %swap3A_1118] {strides = array<i32>} : memref<16x2048xf32, #tpu.memory_space<vmem>>, vector<1x16xf32>,
      %swap3A_1120 = vector.shape_cast %swap3A_1119 : vector<1x16xf32> to vector<16xf32>
      %swap3A_1121 = vector.shape_cast %mul3A_1116 : vector<16xf32> to vector<1x16xf32>
      tpu.vector_store %arg8[%swap3A_1117, %swap3A_1118], %swap3A_1121 {strides = array<i32>} : memref<16x2048xf32, #tpu.memory_space<vmem>>, vector<1x16xf32>,
      %get3A_1122 = arith.index_cast %scan3A_79 : i32 to index
      %get3A_1123 = arith.constant 1392 : index
      %get3A_1124 = tpu.vector_load %arg8[%get3A_1122, %get3A_1123] {strides = array<i32>} : memref<16x2048xf32, #tpu.memory_space<vmem>>, vector<1x16xf32>,
      %get3A_1125 = vector.shape_cast %get3A_1124 : vector<1x16xf32> to vector<16xf32>
      %mul3A_1126 = arith.constant 45.2548332 : f32
      %mul3A_1127 = vector.broadcast %mul3A_1126 : f32 to vector<16xf32>
      %mul3A_1128 = arith.mulf %get3A_1125, %mul3A_1127 : vector<16xf32>
      %swap3A_1129 = arith.index_cast %scan3A_79 : i32 to index
      %swap3A_1130 = arith.constant 1392 : index
      %swap3A_1131 = tpu.vector_load %arg8[%swap3A_1129, %swap3A_1130] {strides = array<i32>} : memref<16x2048xf32, #tpu.memory_space<vmem>>, vector<1x16xf32>,
      %swap3A_1132 = vector.shape_cast %swap3A_1131 : vector<1x16xf32> to vector<16xf32>
      %swap3A_1133 = vector.shape_cast %mul3A_1128 : vector<16xf32> to vector<1x16xf32>
      tpu.vector_store %arg8[%swap3A_1129, %swap3A_1130], %swap3A_1133 {strides = array<i32>} : memref<16x2048xf32, #tpu.memory_space<vmem>>, vector<1x16xf32>,
      %get3A_1134 = arith.index_cast %scan3A_79 : i32 to index
      %get3A_1135 = arith.constant 1408 : index
      %get3A_1136 = tpu.vector_load %arg8[%get3A_1134, %get3A_1135] {strides = array<i32>} : memref<16x2048xf32, #tpu.memory_space<vmem>>, vector<1x16xf32>,
      %get3A_1137 = vector.shape_cast %get3A_1136 : vector<1x16xf32> to vector<16xf32>
      %mul3A_1138 = arith.constant 45.2548332 : f32
      %mul3A_1139 = vector.broadcast %mul3A_1138 : f32 to vector<16xf32>
      %mul3A_1140 = arith.mulf %get3A_1137, %mul3A_1139 : vector<16xf32>
      %swap3A_1141 = arith.index_cast %scan3A_79 : i32 to index
      %swap3A_1142 = arith.constant 1408 : index
      %swap3A_1143 = tpu.vector_load %arg8[%swap3A_1141, %swap3A_1142] {strides = array<i32>} : memref<16x2048xf32, #tpu.memory_space<vmem>>, vector<1x16xf32>,
      %swap3A_1144 = vector.shape_cast %swap3A_1143 : vector<1x16xf32> to vector<16xf32>
      %swap3A_1145 = vector.shape_cast %mul3A_1140 : vector<16xf32> to vector<1x16xf32>
      tpu.vector_store %arg8[%swap3A_1141, %swap3A_1142], %swap3A_1145 {strides = array<i32>} : memref<16x2048xf32, #tpu.memory_space<vmem>>, vector<1x16xf32>,
      %get3A_1146 = arith.index_cast %scan3A_79 : i32 to index
      %get3A_1147 = arith.constant 1424 : index
      %get3A_1148 = tpu.vector_load %arg8[%get3A_1146, %get3A_1147] {strides = array<i32>} : memref<16x2048xf32, #tpu.memory_space<vmem>>, vector<1x16xf32>,
      %get3A_1149 = vector.shape_cast %get3A_1148 : vector<1x16xf32> to vector<16xf32>
      %mul3A_1150 = arith.constant 45.2548332 : f32
      %mul3A_1151 = vector.broadcast %mul3A_1150 : f32 to vector<16xf32>
      %mul3A_1152 = arith.mulf %get3A_1149, %mul3A_1151 : vector<16xf32>
      %swap3A_1153 = arith.index_cast %scan3A_79 : i32 to index
      %swap3A_1154 = arith.constant 1424 : index
      %swap3A_1155 = tpu.vector_load %arg8[%swap3A_1153, %swap3A_1154] {strides = array<i32>} : memref<16x2048xf32, #tpu.memory_space<vmem>>, vector<1x16xf32>,
      %swap3A_1156 = vector.shape_cast %swap3A_1155 : vector<1x16xf32> to vector<16xf32>
      %swap3A_1157 = vector.shape_cast %mul3A_1152 : vector<16xf32> to vector<1x16xf32>
      tpu.vector_store %arg8[%swap3A_1153, %swap3A_1154], %swap3A_1157 {strides = array<i32>} : memref<16x2048xf32, #tpu.memory_space<vmem>>, vector<1x16xf32>,
      %get3A_1158 = arith.index_cast %scan3A_79 : i32 to index
      %get3A_1159 = arith.constant 1440 : index
      %get3A_1160 = tpu.vector_load %arg8[%get3A_1158, %get3A_1159] {strides = array<i32>} : memref<16x2048xf32, #tpu.memory_space<vmem>>, vector<1x16xf32>,
      %get3A_1161 = vector.shape_cast %get3A_1160 : vector<1x16xf32> to vector<16xf32>
      %mul3A_1162 = arith.constant 45.2548332 : f32
      %mul3A_1163 = vector.broadcast %mul3A_1162 : f32 to vector<16xf32>
      %mul3A_1164 = arith.mulf %get3A_1161, %mul3A_1163 : vector<16xf32>
      %swap3A_1165 = arith.index_cast %scan3A_79 : i32 to index
      %swap3A_1166 = arith.constant 1440 : index
      %swap3A_1167 = tpu.vector_load %arg8[%swap3A_1165, %swap3A_1166] {strides = array<i32>} : memref<16x2048xf32, #tpu.memory_space<vmem>>, vector<1x16xf32>,
      %swap3A_1168 = vector.shape_cast %swap3A_1167 : vector<1x16xf32> to vector<16xf32>
      %swap3A_1169 = vector.shape_cast %mul3A_1164 : vector<16xf32> to vector<1x16xf32>
      tpu.vector_store %arg8[%swap3A_1165, %swap3A_1166], %swap3A_1169 {strides = array<i32>} : memref<16x2048xf32, #tpu.memory_space<vmem>>, vector<1x16xf32>,
      %get3A_1170 = arith.index_cast %scan3A_79 : i32 to index
      %get3A_1171 = arith.constant 1456 : index
      %get3A_1172 = tpu.vector_load %arg8[%get3A_1170, %get3A_1171] {strides = array<i32>} : memref<16x2048xf32, #tpu.memory_space<vmem>>, vector<1x16xf32>,
      %get3A_1173 = vector.shape_cast %get3A_1172 : vector<1x16xf32> to vector<16xf32>
      %mul3A_1174 = arith.constant 45.2548332 : f32
      %mul3A_1175 = vector.broadcast %mul3A_1174 : f32 to vector<16xf32>
      %mul3A_1176 = arith.mulf %get3A_1173, %mul3A_1175 : vector<16xf32>
      %swap3A_1177 = arith.index_cast %scan3A_79 : i32 to index
      %swap3A_1178 = arith.constant 1456 : index
      %swap3A_1179 = tpu.vector_load %arg8[%swap3A_1177, %swap3A_1178] {strides = array<i32>} : memref<16x2048xf32, #tpu.memory_space<vmem>>, vector<1x16xf32>,
      %swap3A_1180 = vector.shape_cast %swap3A_1179 : vector<1x16xf32> to vector<16xf32>
      %swap3A_1181 = vector.shape_cast %mul3A_1176 : vector<16xf32> to vector<1x16xf32>
      tpu.vector_store %arg8[%swap3A_1177, %swap3A_1178], %swap3A_1181 {strides = array<i32>} : memref<16x2048xf32, #tpu.memory_space<vmem>>, vector<1x16xf32>,
      %get3A_1182 = arith.index_cast %scan3A_79 : i32 to index
      %get3A_1183 = arith.constant 1472 : index
      %get3A_1184 = tpu.vector_load %arg8[%get3A_1182, %get3A_1183] {strides = array<i32>} : memref<16x2048xf32, #tpu.memory_space<vmem>>, vector<1x16xf32>,
      %get3A_1185 = vector.shape_cast %get3A_1184 : vector<1x16xf32> to vector<16xf32>
      %mul3A_1186 = arith.constant 45.2548332 : f32
      %mul3A_1187 = vector.broadcast %mul3A_1186 : f32 to vector<16xf32>
      %mul3A_1188 = arith.mulf %get3A_1185, %mul3A_1187 : vector<16xf32>
      %swap3A_1189 = arith.index_cast %scan3A_79 : i32 to index
      %swap3A_1190 = arith.constant 1472 : index
      %swap3A_1191 = tpu.vector_load %arg8[%swap3A_1189, %swap3A_1190] {strides = array<i32>} : memref<16x2048xf32, #tpu.memory_space<vmem>>, vector<1x16xf32>,
      %swap3A_1192 = vector.shape_cast %swap3A_1191 : vector<1x16xf32> to vector<16xf32>
      %swap3A_1193 = vector.shape_cast %mul3A_1188 : vector<16xf32> to vector<1x16xf32>
      tpu.vector_store %arg8[%swap3A_1189, %swap3A_1190], %swap3A_1193 {strides = array<i32>} : memref<16x2048xf32, #tpu.memory_space<vmem>>, vector<1x16xf32>,
      %get3A_1194 = arith.index_cast %scan3A_79 : i32 to index
      %get3A_1195 = arith.constant 1488 : index
      %get3A_1196 = tpu.vector_load %arg8[%get3A_1194, %get3A_1195] {strides = array<i32>} : memref<16x2048xf32, #tpu.memory_space<vmem>>, vector<1x16xf32>,
      %get3A_1197 = vector.shape_cast %get3A_1196 : vector<1x16xf32> to vector<16xf32>
      %mul3A_1198 = arith.constant 45.2548332 : f32
      %mul3A_1199 = vector.broadcast %mul3A_1198 : f32 to vector<16xf32>
      %mul3A_1200 = arith.mulf %get3A_1197, %mul3A_1199 : vector<16xf32>
      %swap3A_1201 = arith.index_cast %scan3A_79 : i32 to index
      %swap3A_1202 = arith.constant 1488 : index
      %swap3A_1203 = tpu.vector_load %arg8[%swap3A_1201, %swap3A_1202] {strides = array<i32>} : memref<16x2048xf32, #tpu.memory_space<vmem>>, vector<1x16xf32>,
      %swap3A_1204 = vector.shape_cast %swap3A_1203 : vector<1x16xf32> to vector<16xf32>
      %swap3A_1205 = vector.shape_cast %mul3A_1200 : vector<16xf32> to vector<1x16xf32>
      tpu.vector_store %arg8[%swap3A_1201, %swap3A_1202], %swap3A_1205 {strides = array<i32>} : memref<16x2048xf32, #tpu.memory_space<vmem>>, vector<1x16xf32>,
      %get3A_1206 = arith.index_cast %scan3A_79 : i32 to index
      %get3A_1207 = arith.constant 1504 : index
      %get3A_1208 = tpu.vector_load %arg8[%get3A_1206, %get3A_1207] {strides = array<i32>} : memref<16x2048xf32, #tpu.memory_space<vmem>>, vector<1x16xf32>,
      %get3A_1209 = vector.shape_cast %get3A_1208 : vector<1x16xf32> to vector<16xf32>
      %mul3A_1210 = arith.constant 45.2548332 : f32
      %mul3A_1211 = vector.broadcast %mul3A_1210 : f32 to vector<16xf32>
      %mul3A_1212 = arith.mulf %get3A_1209, %mul3A_1211 : vector<16xf32>
      %swap3A_1213 = arith.index_cast %scan3A_79 : i32 to index
      %swap3A_1214 = arith.constant 1504 : index
      %swap3A_1215 = tpu.vector_load %arg8[%swap3A_1213, %swap3A_1214] {strides = array<i32>} : memref<16x2048xf32, #tpu.memory_space<vmem>>, vector<1x16xf32>,
      %swap3A_1216 = vector.shape_cast %swap3A_1215 : vector<1x16xf32> to vector<16xf32>
      %swap3A_1217 = vector.shape_cast %mul3A_1212 : vector<16xf32> to vector<1x16xf32>
      tpu.vector_store %arg8[%swap3A_1213, %swap3A_1214], %swap3A_1217 {strides = array<i32>} : memref<16x2048xf32, #tpu.memory_space<vmem>>, vector<1x16xf32>,
      %get3A_1218 = arith.index_cast %scan3A_79 : i32 to index
      %get3A_1219 = arith.constant 1520 : index
      %get3A_1220 = tpu.vector_load %arg8[%get3A_1218, %get3A_1219] {strides = array<i32>} : memref<16x2048xf32, #tpu.memory_space<vmem>>, vector<1x16xf32>,
      %get3A_1221 = vector.shape_cast %get3A_1220 : vector<1x16xf32> to vector<16xf32>
      %mul3A_1222 = arith.constant 45.2548332 : f32
      %mul3A_1223 = vector.broadcast %mul3A_1222 : f32 to vector<16xf32>
      %mul3A_1224 = arith.mulf %get3A_1221, %mul3A_1223 : vector<16xf32>
      %swap3A_1225 = arith.index_cast %scan3A_79 : i32 to index
      %swap3A_1226 = arith.constant 1520 : index
      %swap3A_1227 = tpu.vector_load %arg8[%swap3A_1225, %swap3A_1226] {strides = array<i32>} : memref<16x2048xf32, #tpu.memory_space<vmem>>, vector<1x16xf32>,
      %swap3A_1228 = vector.shape_cast %swap3A_1227 : vector<1x16xf32> to vector<16xf32>
      %swap3A_1229 = vector.shape_cast %mul3A_1224 : vector<16xf32> to vector<1x16xf32>
      tpu.vector_store %arg8[%swap3A_1225, %swap3A_1226], %swap3A_1229 {strides = array<i32>} : memref<16x2048xf32, #tpu.memory_space<vmem>>, vector<1x16xf32>,
      %get3A_1230 = arith.index_cast %scan3A_79 : i32 to index
      %get3A_1231 = arith.constant 1536 : index
      %get3A_1232 = tpu.vector_load %arg8[%get3A_1230, %get3A_1231] {strides = array<i32>} : memref<16x2048xf32, #tpu.memory_space<vmem>>, vector<1x16xf32>,
      %get3A_1233 = vector.shape_cast %get3A_1232 : vector<1x16xf32> to vector<16xf32>
      %mul3A_1234 = arith.constant 45.2548332 : f32
      %mul3A_1235 = vector.broadcast %mul3A_1234 : f32 to vector<16xf32>
      %mul3A_1236 = arith.mulf %get3A_1233, %mul3A_1235 : vector<16xf32>
      %swap3A_1237 = arith.index_cast %scan3A_79 : i32 to index
      %swap3A_1238 = arith.constant 1536 : index
      %swap3A_1239 = tpu.vector_load %arg8[%swap3A_1237, %swap3A_1238] {strides = array<i32>} : memref<16x2048xf32, #tpu.memory_space<vmem>>, vector<1x16xf32>,
      %swap3A_1240 = vector.shape_cast %swap3A_1239 : vector<1x16xf32> to vector<16xf32>
      %swap3A_1241 = vector.shape_cast %mul3A_1236 : vector<16xf32> to vector<1x16xf32>
      tpu.vector_store %arg8[%swap3A_1237, %swap3A_1238], %swap3A_1241 {strides = array<i32>} : memref<16x2048xf32, #tpu.memory_space<vmem>>, vector<1x16xf32>,
      %get3A_1242 = arith.index_cast %scan3A_79 : i32 to index
      %get3A_1243 = arith.constant 1552 : index
      %get3A_1244 = tpu.vector_load %arg8[%get3A_1242, %get3A_1243] {strides = array<i32>} : memref<16x2048xf32, #tpu.memory_space<vmem>>, vector<1x16xf32>,
      %get3A_1245 = vector.shape_cast %get3A_1244 : vector<1x16xf32> to vector<16xf32>
      %mul3A_1246 = arith.constant 45.2548332 : f32
      %mul3A_1247 = vector.broadcast %mul3A_1246 : f32 to vector<16xf32>
      %mul3A_1248 = arith.mulf %get3A_1245, %mul3A_1247 : vector<16xf32>
      %swap3A_1249 = arith.index_cast %scan3A_79 : i32 to index
      %swap3A_1250 = arith.constant 1552 : index
      %swap3A_1251 = tpu.vector_load %arg8[%swap3A_1249, %swap3A_1250] {strides = array<i32>} : memref<16x2048xf32, #tpu.memory_space<vmem>>, vector<1x16xf32>,
      %swap3A_1252 = vector.shape_cast %swap3A_1251 : vector<1x16xf32> to vector<16xf32>
      %swap3A_1253 = vector.shape_cast %mul3A_1248 : vector<16xf32> to vector<1x16xf32>
      tpu.vector_store %arg8[%swap3A_1249, %swap3A_1250], %swap3A_1253 {strides = array<i32>} : memref<16x2048xf32, #tpu.memory_space<vmem>>, vector<1x16xf32>,
      %get3A_1254 = arith.index_cast %scan3A_79 : i32 to index
      %get3A_1255 = arith.constant 1568 : index
      %get3A_1256 = tpu.vector_load %arg8[%get3A_1254, %get3A_1255] {strides = array<i32>} : memref<16x2048xf32, #tpu.memory_space<vmem>>, vector<1x16xf32>,
      %get3A_1257 = vector.shape_cast %get3A_1256 : vector<1x16xf32> to vector<16xf32>
      %mul3A_1258 = arith.constant 45.2548332 : f32
      %mul3A_1259 = vector.broadcast %mul3A_1258 : f32 to vector<16xf32>
      %mul3A_1260 = arith.mulf %get3A_1257, %mul3A_1259 : vector<16xf32>
      %swap3A_1261 = arith.index_cast %scan3A_79 : i32 to index
      %swap3A_1262 = arith.constant 1568 : index
      %swap3A_1263 = tpu.vector_load %arg8[%swap3A_1261, %swap3A_1262] {strides = array<i32>} : memref<16x2048xf32, #tpu.memory_space<vmem>>, vector<1x16xf32>,
      %swap3A_1264 = vector.shape_cast %swap3A_1263 : vector<1x16xf32> to vector<16xf32>
      %swap3A_1265 = vector.shape_cast %mul3A_1260 : vector<16xf32> to vector<1x16xf32>
      tpu.vector_store %arg8[%swap3A_1261, %swap3A_1262], %swap3A_1265 {strides = array<i32>} : memref<16x2048xf32, #tpu.memory_space<vmem>>, vector<1x16xf32>,
      %get3A_1266 = arith.index_cast %scan3A_79 : i32 to index
      %get3A_1267 = arith.constant 1584 : index
      %get3A_1268 = tpu.vector_load %arg8[%get3A_1266, %get3A_1267] {strides = array<i32>} : memref<16x2048xf32, #tpu.memory_space<vmem>>, vector<1x16xf32>,
      %get3A_1269 = vector.shape_cast %get3A_1268 : vector<1x16xf32> to vector<16xf32>
      %mul3A_1270 = arith.constant 45.2548332 : f32
      %mul3A_1271 = vector.broadcast %mul3A_1270 : f32 to vector<16xf32>
      %mul3A_1272 = arith.mulf %get3A_1269, %mul3A_1271 : vector<16xf32>
      %swap3A_1273 = arith.index_cast %scan3A_79 : i32 to index
      %swap3A_1274 = arith.constant 1584 : index
      %swap3A_1275 = tpu.vector_load %arg8[%swap3A_1273, %swap3A_1274] {strides = array<i32>} : memref<16x2048xf32, #tpu.memory_space<vmem>>, vector<1x16xf32>,
      %swap3A_1276 = vector.shape_cast %swap3A_1275 : vector<1x16xf32> to vector<16xf32>
      %swap3A_1277 = vector.shape_cast %mul3A_1272 : vector<16xf32> to vector<1x16xf32>
      tpu.vector_store %arg8[%swap3A_1273, %swap3A_1274], %swap3A_1277 {strides = array<i32>} : memref<16x2048xf32, #tpu.memory_space<vmem>>, vector<1x16xf32>,
      %get3A_1278 = arith.index_cast %scan3A_79 : i32 to index
      %get3A_1279 = arith.constant 1600 : index
      %get3A_1280 = tpu.vector_load %arg8[%get3A_1278, %get3A_1279] {strides = array<i32>} : memref<16x2048xf32, #tpu.memory_space<vmem>>, vector<1x16xf32>,
      %get3A_1281 = vector.shape_cast %get3A_1280 : vector<1x16xf32> to vector<16xf32>
      %mul3A_1282 = arith.constant 45.2548332 : f32
      %mul3A_1283 = vector.broadcast %mul3A_1282 : f32 to vector<16xf32>
      %mul3A_1284 = arith.mulf %get3A_1281, %mul3A_1283 : vector<16xf32>
      %swap3A_1285 = arith.index_cast %scan3A_79 : i32 to index
      %swap3A_1286 = arith.constant 1600 : index
      %swap3A_1287 = tpu.vector_load %arg8[%swap3A_1285, %swap3A_1286] {strides = array<i32>} : memref<16x2048xf32, #tpu.memory_space<vmem>>, vector<1x16xf32>,
      %swap3A_1288 = vector.shape_cast %swap3A_1287 : vector<1x16xf32> to vector<16xf32>
      %swap3A_1289 = vector.shape_cast %mul3A_1284 : vector<16xf32> to vector<1x16xf32>
      tpu.vector_store %arg8[%swap3A_1285, %swap3A_1286], %swap3A_1289 {strides = array<i32>} : memref<16x2048xf32, #tpu.memory_space<vmem>>, vector<1x16xf32>,
      %get3A_1290 = arith.index_cast %scan3A_79 : i32 to index
      %get3A_1291 = arith.constant 1616 : index
      %get3A_1292 = tpu.vector_load %arg8[%get3A_1290, %get3A_1291] {strides = array<i32>} : memref<16x2048xf32, #tpu.memory_space<vmem>>, vector<1x16xf32>,
      %get3A_1293 = vector.shape_cast %get3A_1292 : vector<1x16xf32> to vector<16xf32>
      %mul3A_1294 = arith.constant 45.2548332 : f32
      %mul3A_1295 = vector.broadcast %mul3A_1294 : f32 to vector<16xf32>
      %mul3A_1296 = arith.mulf %get3A_1293, %mul3A_1295 : vector<16xf32>
      %swap3A_1297 = arith.index_cast %scan3A_79 : i32 to index
      %swap3A_1298 = arith.constant 1616 : index
      %swap3A_1299 = tpu.vector_load %arg8[%swap3A_1297, %swap3A_1298] {strides = array<i32>} : memref<16x2048xf32, #tpu.memory_space<vmem>>, vector<1x16xf32>,
      %swap3A_1300 = vector.shape_cast %swap3A_1299 : vector<1x16xf32> to vector<16xf32>
      %swap3A_1301 = vector.shape_cast %mul3A_1296 : vector<16xf32> to vector<1x16xf32>
      tpu.vector_store %arg8[%swap3A_1297, %swap3A_1298], %swap3A_1301 {strides = array<i32>} : memref<16x2048xf32, #tpu.memory_space<vmem>>, vector<1x16xf32>,
      %get3A_1302 = arith.index_cast %scan3A_79 : i32 to index
      %get3A_1303 = arith.constant 1632 : index
      %get3A_1304 = tpu.vector_load %arg8[%get3A_1302, %get3A_1303] {strides = array<i32>} : memref<16x2048xf32, #tpu.memory_space<vmem>>, vector<1x16xf32>,
      %get3A_1305 = vector.shape_cast %get3A_1304 : vector<1x16xf32> to vector<16xf32>
      %mul3A_1306 = arith.constant 45.2548332 : f32
      %mul3A_1307 = vector.broadcast %mul3A_1306 : f32 to vector<16xf32>
      %mul3A_1308 = arith.mulf %get3A_1305, %mul3A_1307 : vector<16xf32>
      %swap3A_1309 = arith.index_cast %scan3A_79 : i32 to index
      %swap3A_1310 = arith.constant 1632 : index
      %swap3A_1311 = tpu.vector_load %arg8[%swap3A_1309, %swap3A_1310] {strides = array<i32>} : memref<16x2048xf32, #tpu.memory_space<vmem>>, vector<1x16xf32>,
      %swap3A_1312 = vector.shape_cast %swap3A_1311 : vector<1x16xf32> to vector<16xf32>
      %swap3A_1313 = vector.shape_cast %mul3A_1308 : vector<16xf32> to vector<1x16xf32>
      tpu.vector_store %arg8[%swap3A_1309, %swap3A_1310], %swap3A_1313 {strides = array<i32>} : memref<16x2048xf32, #tpu.memory_space<vmem>>, vector<1x16xf32>,
      %get3A_1314 = arith.index_cast %scan3A_79 : i32 to index
      %get3A_1315 = arith.constant 1648 : index
      %get3A_1316 = tpu.vector_load %arg8[%get3A_1314, %get3A_1315] {strides = array<i32>} : memref<16x2048xf32, #tpu.memory_space<vmem>>, vector<1x16xf32>,
      %get3A_1317 = vector.shape_cast %get3A_1316 : vector<1x16xf32> to vector<16xf32>
      %mul3A_1318 = arith.constant 45.2548332 : f32
      %mul3A_1319 = vector.broadcast %mul3A_1318 : f32 to vector<16xf32>
      %mul3A_1320 = arith.mulf %get3A_1317, %mul3A_1319 : vector<16xf32>
      %swap3A_1321 = arith.index_cast %scan3A_79 : i32 to index
      %swap3A_1322 = arith.constant 1648 : index
      %swap3A_1323 = tpu.vector_load %arg8[%swap3A_1321, %swap3A_1322] {strides = array<i32>} : memref<16x2048xf32, #tpu.memory_space<vmem>>, vector<1x16xf32>,
      %swap3A_1324 = vector.shape_cast %swap3A_1323 : vector<1x16xf32> to vector<16xf32>
      %swap3A_1325 = vector.shape_cast %mul3A_1320 : vector<16xf32> to vector<1x16xf32>
      tpu.vector_store %arg8[%swap3A_1321, %swap3A_1322], %swap3A_1325 {strides = array<i32>} : memref<16x2048xf32, #tpu.memory_space<vmem>>, vector<1x16xf32>,
      %get3A_1326 = arith.index_cast %scan3A_79 : i32 to index
      %get3A_1327 = arith.constant 1664 : index
      %get3A_1328 = tpu.vector_load %arg8[%get3A_1326, %get3A_1327] {strides = array<i32>} : memref<16x2048xf32, #tpu.memory_space<vmem>>, vector<1x16xf32>,
      %get3A_1329 = vector.shape_cast %get3A_1328 : vector<1x16xf32> to vector<16xf32>
      %mul3A_1330 = arith.constant 45.2548332 : f32
      %mul3A_1331 = vector.broadcast %mul3A_1330 : f32 to vector<16xf32>
      %mul3A_1332 = arith.mulf %get3A_1329, %mul3A_1331 : vector<16xf32>
      %swap3A_1333 = arith.index_cast %scan3A_79 : i32 to index
      %swap3A_1334 = arith.constant 1664 : index
      %swap3A_1335 = tpu.vector_load %arg8[%swap3A_1333, %swap3A_1334] {strides = array<i32>} : memref<16x2048xf32, #tpu.memory_space<vmem>>, vector<1x16xf32>,
      %swap3A_1336 = vector.shape_cast %swap3A_1335 : vector<1x16xf32> to vector<16xf32>
      %swap3A_1337 = vector.shape_cast %mul3A_1332 : vector<16xf32> to vector<1x16xf32>
      tpu.vector_store %arg8[%swap3A_1333, %swap3A_1334], %swap3A_1337 {strides = array<i32>} : memref<16x2048xf32, #tpu.memory_space<vmem>>, vector<1x16xf32>,
      %get3A_1338 = arith.index_cast %scan3A_79 : i32 to index
      %get3A_1339 = arith.constant 1680 : index
      %get3A_1340 = tpu.vector_load %arg8[%get3A_1338, %get3A_1339] {strides = array<i32>} : memref<16x2048xf32, #tpu.memory_space<vmem>>, vector<1x16xf32>,
      %get3A_1341 = vector.shape_cast %get3A_1340 : vector<1x16xf32> to vector<16xf32>
      %mul3A_1342 = arith.constant 45.2548332 : f32
      %mul3A_1343 = vector.broadcast %mul3A_1342 : f32 to vector<16xf32>
      %mul3A_1344 = arith.mulf %get3A_1341, %mul3A_1343 : vector<16xf32>
      %swap3A_1345 = arith.index_cast %scan3A_79 : i32 to index
      %swap3A_1346 = arith.constant 1680 : index
      %swap3A_1347 = tpu.vector_load %arg8[%swap3A_1345, %swap3A_1346] {strides = array<i32>} : memref<16x2048xf32, #tpu.memory_space<vmem>>, vector<1x16xf32>,
      %swap3A_1348 = vector.shape_cast %swap3A_1347 : vector<1x16xf32> to vector<16xf32>
      %swap3A_1349 = vector.shape_cast %mul3A_1344 : vector<16xf32> to vector<1x16xf32>
      tpu.vector_store %arg8[%swap3A_1345, %swap3A_1346], %swap3A_1349 {strides = array<i32>} : memref<16x2048xf32, #tpu.memory_space<vmem>>, vector<1x16xf32>,
      %get3A_1350 = arith.index_cast %scan3A_79 : i32 to index
      %get3A_1351 = arith.constant 1696 : index
      %get3A_1352 = tpu.vector_load %arg8[%get3A_1350, %get3A_1351] {strides = array<i32>} : memref<16x2048xf32, #tpu.memory_space<vmem>>, vector<1x16xf32>,
      %get3A_1353 = vector.shape_cast %get3A_1352 : vector<1x16xf32> to vector<16xf32>
      %mul3A_1354 = arith.constant 45.2548332 : f32
      %mul3A_1355 = vector.broadcast %mul3A_1354 : f32 to vector<16xf32>
      %mul3A_1356 = arith.mulf %get3A_1353, %mul3A_1355 : vector<16xf32>
      %swap3A_1357 = arith.index_cast %scan3A_79 : i32 to index
      %swap3A_1358 = arith.constant 1696 : index
      %swap3A_1359 = tpu.vector_load %arg8[%swap3A_1357, %swap3A_1358] {strides = array<i32>} : memref<16x2048xf32, #tpu.memory_space<vmem>>, vector<1x16xf32>,
      %swap3A_1360 = vector.shape_cast %swap3A_1359 : vector<1x16xf32> to vector<16xf32>
      %swap3A_1361 = vector.shape_cast %mul3A_1356 : vector<16xf32> to vector<1x16xf32>
      tpu.vector_store %arg8[%swap3A_1357, %swap3A_1358], %swap3A_1361 {strides = array<i32>} : memref<16x2048xf32, #tpu.memory_space<vmem>>, vector<1x16xf32>,
      %get3A_1362 = arith.index_cast %scan3A_79 : i32 to index
      %get3A_1363 = arith.constant 1712 : index
      %get3A_1364 = tpu.vector_load %arg8[%get3A_1362, %get3A_1363] {strides = array<i32>} : memref<16x2048xf32, #tpu.memory_space<vmem>>, vector<1x16xf32>,
      %get3A_1365 = vector.shape_cast %get3A_1364 : vector<1x16xf32> to vector<16xf32>
      %mul3A_1366 = arith.constant 45.2548332 : f32
      %mul3A_1367 = vector.broadcast %mul3A_1366 : f32 to vector<16xf32>
      %mul3A_1368 = arith.mulf %get3A_1365, %mul3A_1367 : vector<16xf32>
      %swap3A_1369 = arith.index_cast %scan3A_79 : i32 to index
      %swap3A_1370 = arith.constant 1712 : index
      %swap3A_1371 = tpu.vector_load %arg8[%swap3A_1369, %swap3A_1370] {strides = array<i32>} : memref<16x2048xf32, #tpu.memory_space<vmem>>, vector<1x16xf32>,
      %swap3A_1372 = vector.shape_cast %swap3A_1371 : vector<1x16xf32> to vector<16xf32>
      %swap3A_1373 = vector.shape_cast %mul3A_1368 : vector<16xf32> to vector<1x16xf32>
      tpu.vector_store %arg8[%swap3A_1369, %swap3A_1370], %swap3A_1373 {strides = array<i32>} : memref<16x2048xf32, #tpu.memory_space<vmem>>, vector<1x16xf32>,
      %get3A_1374 = arith.index_cast %scan3A_79 : i32 to index
      %get3A_1375 = arith.constant 1728 : index
      %get3A_1376 = tpu.vector_load %arg8[%get3A_1374, %get3A_1375] {strides = array<i32>} : memref<16x2048xf32, #tpu.memory_space<vmem>>, vector<1x16xf32>,
      %get3A_1377 = vector.shape_cast %get3A_1376 : vector<1x16xf32> to vector<16xf32>
      %mul3A_1378 = arith.constant 45.2548332 : f32
      %mul3A_1379 = vector.broadcast %mul3A_1378 : f32 to vector<16xf32>
      %mul3A_1380 = arith.mulf %get3A_1377, %mul3A_1379 : vector<16xf32>
      %swap3A_1381 = arith.index_cast %scan3A_79 : i32 to index
      %swap3A_1382 = arith.constant 1728 : index
      %swap3A_1383 = tpu.vector_load %arg8[%swap3A_1381, %swap3A_1382] {strides = array<i32>} : memref<16x2048xf32, #tpu.memory_space<vmem>>, vector<1x16xf32>,
      %swap3A_1384 = vector.shape_cast %swap3A_1383 : vector<1x16xf32> to vector<16xf32>
      %swap3A_1385 = vector.shape_cast %mul3A_1380 : vector<16xf32> to vector<1x16xf32>
      tpu.vector_store %arg8[%swap3A_1381, %swap3A_1382], %swap3A_1385 {strides = array<i32>} : memref<16x2048xf32, #tpu.memory_space<vmem>>, vector<1x16xf32>,
      %get3A_1386 = arith.index_cast %scan3A_79 : i32 to index
      %get3A_1387 = arith.constant 1744 : index
      %get3A_1388 = tpu.vector_load %arg8[%get3A_1386, %get3A_1387] {strides = array<i32>} : memref<16x2048xf32, #tpu.memory_space<vmem>>, vector<1x16xf32>,
      %get3A_1389 = vector.shape_cast %get3A_1388 : vector<1x16xf32> to vector<16xf32>
      %mul3A_1390 = arith.constant 45.2548332 : f32
      %mul3A_1391 = vector.broadcast %mul3A_1390 : f32 to vector<16xf32>
      %mul3A_1392 = arith.mulf %get3A_1389, %mul3A_1391 : vector<16xf32>
      %swap3A_1393 = arith.index_cast %scan3A_79 : i32 to index
      %swap3A_1394 = arith.constant 1744 : index
      %swap3A_1395 = tpu.vector_load %arg8[%swap3A_1393, %swap3A_1394] {strides = array<i32>} : memref<16x2048xf32, #tpu.memory_space<vmem>>, vector<1x16xf32>,
      %swap3A_1396 = vector.shape_cast %swap3A_1395 : vector<1x16xf32> to vector<16xf32>
      %swap3A_1397 = vector.shape_cast %mul3A_1392 : vector<16xf32> to vector<1x16xf32>
      tpu.vector_store %arg8[%swap3A_1393, %swap3A_1394], %swap3A_1397 {strides = array<i32>} : memref<16x2048xf32, #tpu.memory_space<vmem>>, vector<1x16xf32>,
      %get3A_1398 = arith.index_cast %scan3A_79 : i32 to index
      %get3A_1399 = arith.constant 1760 : index
      %get3A_1400 = tpu.vector_load %arg8[%get3A_1398, %get3A_1399] {strides = array<i32>} : memref<16x2048xf32, #tpu.memory_space<vmem>>, vector<1x16xf32>,
      %get3A_1401 = vector.shape_cast %get3A_1400 : vector<1x16xf32> to vector<16xf32>
      %mul3A_1402 = arith.constant 45.2548332 : f32
      %mul3A_1403 = vector.broadcast %mul3A_1402 : f32 to vector<16xf32>
      %mul3A_1404 = arith.mulf %get3A_1401, %mul3A_1403 : vector<16xf32>
      %swap3A_1405 = arith.index_cast %scan3A_79 : i32 to index
      %swap3A_1406 = arith.constant 1760 : index
      %swap3A_1407 = tpu.vector_load %arg8[%swap3A_1405, %swap3A_1406] {strides = array<i32>} : memref<16x2048xf32, #tpu.memory_space<vmem>>, vector<1x16xf32>,
      %swap3A_1408 = vector.shape_cast %swap3A_1407 : vector<1x16xf32> to vector<16xf32>
      %swap3A_1409 = vector.shape_cast %mul3A_1404 : vector<16xf32> to vector<1x16xf32>
      tpu.vector_store %arg8[%swap3A_1405, %swap3A_1406], %swap3A_1409 {strides = array<i32>} : memref<16x2048xf32, #tpu.memory_space<vmem>>, vector<1x16xf32>,
      %get3A_1410 = arith.index_cast %scan3A_79 : i32 to index
      %get3A_1411 = arith.constant 1776 : index
      %get3A_1412 = tpu.vector_load %arg8[%get3A_1410, %get3A_1411] {strides = array<i32>} : memref<16x2048xf32, #tpu.memory_space<vmem>>, vector<1x16xf32>,
      %get3A_1413 = vector.shape_cast %get3A_1412 : vector<1x16xf32> to vector<16xf32>
      %mul3A_1414 = arith.constant 45.2548332 : f32
      %mul3A_1415 = vector.broadcast %mul3A_1414 : f32 to vector<16xf32>
      %mul3A_1416 = arith.mulf %get3A_1413, %mul3A_1415 : vector<16xf32>
      %swap3A_1417 = arith.index_cast %scan3A_79 : i32 to index
      %swap3A_1418 = arith.constant 1776 : index
      %swap3A_1419 = tpu.vector_load %arg8[%swap3A_1417, %swap3A_1418] {strides = array<i32>} : memref<16x2048xf32, #tpu.memory_space<vmem>>, vector<1x16xf32>,
      %swap3A_1420 = vector.shape_cast %swap3A_1419 : vector<1x16xf32> to vector<16xf32>
      %swap3A_1421 = vector.shape_cast %mul3A_1416 : vector<16xf32> to vector<1x16xf32>
      tpu.vector_store %arg8[%swap3A_1417, %swap3A_1418], %swap3A_1421 {strides = array<i32>} : memref<16x2048xf32, #tpu.memory_space<vmem>>, vector<1x16xf32>,
      %get3A_1422 = arith.index_cast %scan3A_79 : i32 to index
      %get3A_1423 = arith.constant 1792 : index
      %get3A_1424 = tpu.vector_load %arg8[%get3A_1422, %get3A_1423] {strides = array<i32>} : memref<16x2048xf32, #tpu.memory_space<vmem>>, vector<1x16xf32>,
      %get3A_1425 = vector.shape_cast %get3A_1424 : vector<1x16xf32> to vector<16xf32>
      %mul3A_1426 = arith.constant 45.2548332 : f32
      %mul3A_1427 = vector.broadcast %mul3A_1426 : f32 to vector<16xf32>
      %mul3A_1428 = arith.mulf %get3A_1425, %mul3A_1427 : vector<16xf32>
      %swap3A_1429 = arith.index_cast %scan3A_79 : i32 to index
      %swap3A_1430 = arith.constant 1792 : index
      %swap3A_1431 = tpu.vector_load %arg8[%swap3A_1429, %swap3A_1430] {strides = array<i32>} : memref<16x2048xf32, #tpu.memory_space<vmem>>, vector<1x16xf32>,
      %swap3A_1432 = vector.shape_cast %swap3A_1431 : vector<1x16xf32> to vector<16xf32>
      %swap3A_1433 = vector.shape_cast %mul3A_1428 : vector<16xf32> to vector<1x16xf32>
      tpu.vector_store %arg8[%swap3A_1429, %swap3A_1430], %swap3A_1433 {strides = array<i32>} : memref<16x2048xf32, #tpu.memory_space<vmem>>, vector<1x16xf32>,
      %get3A_1434 = arith.index_cast %scan3A_79 : i32 to index
      %get3A_1435 = arith.constant 1808 : index
      %get3A_1436 = tpu.vector_load %arg8[%get3A_1434, %get3A_1435] {strides = array<i32>} : memref<16x2048xf32, #tpu.memory_space<vmem>>, vector<1x16xf32>,
      %get3A_1437 = vector.shape_cast %get3A_1436 : vector<1x16xf32> to vector<16xf32>
      %mul3A_1438 = arith.constant 45.2548332 : f32
      %mul3A_1439 = vector.broadcast %mul3A_1438 : f32 to vector<16xf32>
      %mul3A_1440 = arith.mulf %get3A_1437, %mul3A_1439 : vector<16xf32>
      %swap3A_1441 = arith.index_cast %scan3A_79 : i32 to index
      %swap3A_1442 = arith.constant 1808 : index
      %swap3A_1443 = tpu.vector_load %arg8[%swap3A_1441, %swap3A_1442] {strides = array<i32>} : memref<16x2048xf32, #tpu.memory_space<vmem>>, vector<1x16xf32>,
      %swap3A_1444 = vector.shape_cast %swap3A_1443 : vector<1x16xf32> to vector<16xf32>
      %swap3A_1445 = vector.shape_cast %mul3A_1440 : vector<16xf32> to vector<1x16xf32>
      tpu.vector_store %arg8[%swap3A_1441, %swap3A_1442], %swap3A_1445 {strides = array<i32>} : memref<16x2048xf32, #tpu.memory_space<vmem>>, vector<1x16xf32>,
      %get3A_1446 = arith.index_cast %scan3A_79 : i32 to index
      %get3A_1447 = arith.constant 1824 : index
      %get3A_1448 = tpu.vector_load %arg8[%get3A_1446, %get3A_1447] {strides = array<i32>} : memref<16x2048xf32, #tpu.memory_space<vmem>>, vector<1x16xf32>,
      %get3A_1449 = vector.shape_cast %get3A_1448 : vector<1x16xf32> to vector<16xf32>
      %mul3A_1450 = arith.constant 45.2548332 : f32
      %mul3A_1451 = vector.broadcast %mul3A_1450 : f32 to vector<16xf32>
      %mul3A_1452 = arith.mulf %get3A_1449, %mul3A_1451 : vector<16xf32>
      %swap3A_1453 = arith.index_cast %scan3A_79 : i32 to index
      %swap3A_1454 = arith.constant 1824 : index
      %swap3A_1455 = tpu.vector_load %arg8[%swap3A_1453, %swap3A_1454] {strides = array<i32>} : memref<16x2048xf32, #tpu.memory_space<vmem>>, vector<1x16xf32>,
      %swap3A_1456 = vector.shape_cast %swap3A_1455 : vector<1x16xf32> to vector<16xf32>
      %swap3A_1457 = vector.shape_cast %mul3A_1452 : vector<16xf32> to vector<1x16xf32>
      tpu.vector_store %arg8[%swap3A_1453, %swap3A_1454], %swap3A_1457 {strides = array<i32>} : memref<16x2048xf32, #tpu.memory_space<vmem>>, vector<1x16xf32>,
      %get3A_1458 = arith.index_cast %scan3A_79 : i32 to index
      %get3A_1459 = arith.constant 1840 : index
      %get3A_1460 = tpu.vector_load %arg8[%get3A_1458, %get3A_1459] {strides = array<i32>} : memref<16x2048xf32, #tpu.memory_space<vmem>>, vector<1x16xf32>,
      %get3A_1461 = vector.shape_cast %get3A_1460 : vector<1x16xf32> to vector<16xf32>
      %mul3A_1462 = arith.constant 45.2548332 : f32
      %mul3A_1463 = vector.broadcast %mul3A_1462 : f32 to vector<16xf32>
      %mul3A_1464 = arith.mulf %get3A_1461, %mul3A_1463 : vector<16xf32>
      %swap3A_1465 = arith.index_cast %scan3A_79 : i32 to index
      %swap3A_1466 = arith.constant 1840 : index
      %swap3A_1467 = tpu.vector_load %arg8[%swap3A_1465, %swap3A_1466] {strides = array<i32>} : memref<16x2048xf32, #tpu.memory_space<vmem>>, vector<1x16xf32>,
      %swap3A_1468 = vector.shape_cast %swap3A_1467 : vector<1x16xf32> to vector<16xf32>
      %swap3A_1469 = vector.shape_cast %mul3A_1464 : vector<16xf32> to vector<1x16xf32>
      tpu.vector_store %arg8[%swap3A_1465, %swap3A_1466], %swap3A_1469 {strides = array<i32>} : memref<16x2048xf32, #tpu.memory_space<vmem>>, vector<1x16xf32>,
      %get3A_1470 = arith.index_cast %scan3A_79 : i32 to index
      %get3A_1471 = arith.constant 1856 : index
      %get3A_1472 = tpu.vector_load %arg8[%get3A_1470, %get3A_1471] {strides = array<i32>} : memref<16x2048xf32, #tpu.memory_space<vmem>>, vector<1x16xf32>,
      %get3A_1473 = vector.shape_cast %get3A_1472 : vector<1x16xf32> to vector<16xf32>
      %mul3A_1474 = arith.constant 45.2548332 : f32
      %mul3A_1475 = vector.broadcast %mul3A_1474 : f32 to vector<16xf32>
      %mul3A_1476 = arith.mulf %get3A_1473, %mul3A_1475 : vector<16xf32>
      %swap3A_1477 = arith.index_cast %scan3A_79 : i32 to index
      %swap3A_1478 = arith.constant 1856 : index
      %swap3A_1479 = tpu.vector_load %arg8[%swap3A_1477, %swap3A_1478] {strides = array<i32>} : memref<16x2048xf32, #tpu.memory_space<vmem>>, vector<1x16xf32>,
      %swap3A_1480 = vector.shape_cast %swap3A_1479 : vector<1x16xf32> to vector<16xf32>
      %swap3A_1481 = vector.shape_cast %mul3A_1476 : vector<16xf32> to vector<1x16xf32>
      tpu.vector_store %arg8[%swap3A_1477, %swap3A_1478], %swap3A_1481 {strides = array<i32>} : memref<16x2048xf32, #tpu.memory_space<vmem>>, vector<1x16xf32>,
      %get3A_1482 = arith.index_cast %scan3A_79 : i32 to index
      %get3A_1483 = arith.constant 1872 : index
      %get3A_1484 = tpu.vector_load %arg8[%get3A_1482, %get3A_1483] {strides = array<i32>} : memref<16x2048xf32, #tpu.memory_space<vmem>>, vector<1x16xf32>,
      %get3A_1485 = vector.shape_cast %get3A_1484 : vector<1x16xf32> to vector<16xf32>
      %mul3A_1486 = arith.constant 45.2548332 : f32
      %mul3A_1487 = vector.broadcast %mul3A_1486 : f32 to vector<16xf32>
      %mul3A_1488 = arith.mulf %get3A_1485, %mul3A_1487 : vector<16xf32>
      %swap3A_1489 = arith.index_cast %scan3A_79 : i32 to index
      %swap3A_1490 = arith.constant 1872 : index
      %swap3A_1491 = tpu.vector_load %arg8[%swap3A_1489, %swap3A_1490] {strides = array<i32>} : memref<16x2048xf32, #tpu.memory_space<vmem>>, vector<1x16xf32>,
      %swap3A_1492 = vector.shape_cast %swap3A_1491 : vector<1x16xf32> to vector<16xf32>
      %swap3A_1493 = vector.shape_cast %mul3A_1488 : vector<16xf32> to vector<1x16xf32>
      tpu.vector_store %arg8[%swap3A_1489, %swap3A_1490], %swap3A_1493 {strides = array<i32>} : memref<16x2048xf32, #tpu.memory_space<vmem>>, vector<1x16xf32>,
      %get3A_1494 = arith.index_cast %scan3A_79 : i32 to index
      %get3A_1495 = arith.constant 1888 : index
      %get3A_1496 = tpu.vector_load %arg8[%get3A_1494, %get3A_1495] {strides = array<i32>} : memref<16x2048xf32, #tpu.memory_space<vmem>>, vector<1x16xf32>,
      %get3A_1497 = vector.shape_cast %get3A_1496 : vector<1x16xf32> to vector<16xf32>
      %mul3A_1498 = arith.constant 45.2548332 : f32
      %mul3A_1499 = vector.broadcast %mul3A_1498 : f32 to vector<16xf32>
      %mul3A_1500 = arith.mulf %get3A_1497, %mul3A_1499 : vector<16xf32>
      %swap3A_1501 = arith.index_cast %scan3A_79 : i32 to index
      %swap3A_1502 = arith.constant 1888 : index
      %swap3A_1503 = tpu.vector_load %arg8[%swap3A_1501, %swap3A_1502] {strides = array<i32>} : memref<16x2048xf32, #tpu.memory_space<vmem>>, vector<1x16xf32>,
      %swap3A_1504 = vector.shape_cast %swap3A_1503 : vector<1x16xf32> to vector<16xf32>
      %swap3A_1505 = vector.shape_cast %mul3A_1500 : vector<16xf32> to vector<1x16xf32>
      tpu.vector_store %arg8[%swap3A_1501, %swap3A_1502], %swap3A_1505 {strides = array<i32>} : memref<16x2048xf32, #tpu.memory_space<vmem>>, vector<1x16xf32>,
      %get3A_1506 = arith.index_cast %scan3A_79 : i32 to index
      %get3A_1507 = arith.constant 1904 : index
      %get3A_1508 = tpu.vector_load %arg8[%get3A_1506, %get3A_1507] {strides = array<i32>} : memref<16x2048xf32, #tpu.memory_space<vmem>>, vector<1x16xf32>,
      %get3A_1509 = vector.shape_cast %get3A_1508 : vector<1x16xf32> to vector<16xf32>
      %mul3A_1510 = arith.constant 45.2548332 : f32
      %mul3A_1511 = vector.broadcast %mul3A_1510 : f32 to vector<16xf32>
      %mul3A_1512 = arith.mulf %get3A_1509, %mul3A_1511 : vector<16xf32>
      %swap3A_1513 = arith.index_cast %scan3A_79 : i32 to index
      %swap3A_1514 = arith.constant 1904 : index
      %swap3A_1515 = tpu.vector_load %arg8[%swap3A_1513, %swap3A_1514] {strides = array<i32>} : memref<16x2048xf32, #tpu.memory_space<vmem>>, vector<1x16xf32>,
      %swap3A_1516 = vector.shape_cast %swap3A_1515 : vector<1x16xf32> to vector<16xf32>
      %swap3A_1517 = vector.shape_cast %mul3A_1512 : vector<16xf32> to vector<1x16xf32>
      tpu.vector_store %arg8[%swap3A_1513, %swap3A_1514], %swap3A_1517 {strides = array<i32>} : memref<16x2048xf32, #tpu.memory_space<vmem>>, vector<1x16xf32>,
      %get3A_1518 = arith.index_cast %scan3A_79 : i32 to index
      %get3A_1519 = arith.constant 1920 : index
      %get3A_1520 = tpu.vector_load %arg8[%get3A_1518, %get3A_1519] {strides = array<i32>} : memref<16x2048xf32, #tpu.memory_space<vmem>>, vector<1x16xf32>,
      %get3A_1521 = vector.shape_cast %get3A_1520 : vector<1x16xf32> to vector<16xf32>
      %mul3A_1522 = arith.constant 45.2548332 : f32
      %mul3A_1523 = vector.broadcast %mul3A_1522 : f32 to vector<16xf32>
      %mul3A_1524 = arith.mulf %get3A_1521, %mul3A_1523 : vector<16xf32>
      %swap3A_1525 = arith.index_cast %scan3A_79 : i32 to index
      %swap3A_1526 = arith.constant 1920 : index
      %swap3A_1527 = tpu.vector_load %arg8[%swap3A_1525, %swap3A_1526] {strides = array<i32>} : memref<16x2048xf32, #tpu.memory_space<vmem>>, vector<1x16xf32>,
      %swap3A_1528 = vector.shape_cast %swap3A_1527 : vector<1x16xf32> to vector<16xf32>
      %swap3A_1529 = vector.shape_cast %mul3A_1524 : vector<16xf32> to vector<1x16xf32>
      tpu.vector_store %arg8[%swap3A_1525, %swap3A_1526], %swap3A_1529 {strides = array<i32>} : memref<16x2048xf32, #tpu.memory_space<vmem>>, vector<1x16xf32>,
      %get3A_1530 = arith.index_cast %scan3A_79 : i32 to index
      %get3A_1531 = arith.constant 1936 : index
      %get3A_1532 = tpu.vector_load %arg8[%get3A_1530, %get3A_1531] {strides = array<i32>} : memref<16x2048xf32, #tpu.memory_space<vmem>>, vector<1x16xf32>,
      %get3A_1533 = vector.shape_cast %get3A_1532 : vector<1x16xf32> to vector<16xf32>
      %mul3A_1534 = arith.constant 45.2548332 : f32
      %mul3A_1535 = vector.broadcast %mul3A_1534 : f32 to vector<16xf32>
      %mul3A_1536 = arith.mulf %get3A_1533, %mul3A_1535 : vector<16xf32>
      %swap3A_1537 = arith.index_cast %scan3A_79 : i32 to index
      %swap3A_1538 = arith.constant 1936 : index
      %swap3A_1539 = tpu.vector_load %arg8[%swap3A_1537, %swap3A_1538] {strides = array<i32>} : memref<16x2048xf32, #tpu.memory_space<vmem>>, vector<1x16xf32>,
      %swap3A_1540 = vector.shape_cast %swap3A_1539 : vector<1x16xf32> to vector<16xf32>
      %swap3A_1541 = vector.shape_cast %mul3A_1536 : vector<16xf32> to vector<1x16xf32>
      tpu.vector_store %arg8[%swap3A_1537, %swap3A_1538], %swap3A_1541 {strides = array<i32>} : memref<16x2048xf32, #tpu.memory_space<vmem>>, vector<1x16xf32>,
      %get3A_1542 = arith.index_cast %scan3A_79 : i32 to index
      %get3A_1543 = arith.constant 1952 : index
      %get3A_1544 = tpu.vector_load %arg8[%get3A_1542, %get3A_1543] {strides = array<i32>} : memref<16x2048xf32, #tpu.memory_space<vmem>>, vector<1x16xf32>,
      %get3A_1545 = vector.shape_cast %get3A_1544 : vector<1x16xf32> to vector<16xf32>
      %mul3A_1546 = arith.constant 45.2548332 : f32
      %mul3A_1547 = vector.broadcast %mul3A_1546 : f32 to vector<16xf32>
      %mul3A_1548 = arith.mulf %get3A_1545, %mul3A_1547 : vector<16xf32>
      %swap3A_1549 = arith.index_cast %scan3A_79 : i32 to index
      %swap3A_1550 = arith.constant 1952 : index
      %swap3A_1551 = tpu.vector_load %arg8[%swap3A_1549, %swap3A_1550] {strides = array<i32>} : memref<16x2048xf32, #tpu.memory_space<vmem>>, vector<1x16xf32>,
      %swap3A_1552 = vector.shape_cast %swap3A_1551 : vector<1x16xf32> to vector<16xf32>
      %swap3A_1553 = vector.shape_cast %mul3A_1548 : vector<16xf32> to vector<1x16xf32>
      tpu.vector_store %arg8[%swap3A_1549, %swap3A_1550], %swap3A_1553 {strides = array<i32>} : memref<16x2048xf32, #tpu.memory_space<vmem>>, vector<1x16xf32>,
      %get3A_1554 = arith.index_cast %scan3A_79 : i32 to index
      %get3A_1555 = arith.constant 1968 : index
      %get3A_1556 = tpu.vector_load %arg8[%get3A_1554, %get3A_1555] {strides = array<i32>} : memref<16x2048xf32, #tpu.memory_space<vmem>>, vector<1x16xf32>,
      %get3A_1557 = vector.shape_cast %get3A_1556 : vector<1x16xf32> to vector<16xf32>
      %mul3A_1558 = arith.constant 45.2548332 : f32
      %mul3A_1559 = vector.broadcast %mul3A_1558 : f32 to vector<16xf32>
      %mul3A_1560 = arith.mulf %get3A_1557, %mul3A_1559 : vector<16xf32>
      %swap3A_1561 = arith.index_cast %scan3A_79 : i32 to index
      %swap3A_1562 = arith.constant 1968 : index
      %swap3A_1563 = tpu.vector_load %arg8[%swap3A_1561, %swap3A_1562] {strides = array<i32>} : memref<16x2048xf32, #tpu.memory_space<vmem>>, vector<1x16xf32>,
      %swap3A_1564 = vector.shape_cast %swap3A_1563 : vector<1x16xf32> to vector<16xf32>
      %swap3A_1565 = vector.shape_cast %mul3A_1560 : vector<16xf32> to vector<1x16xf32>
      tpu.vector_store %arg8[%swap3A_1561, %swap3A_1562], %swap3A_1565 {strides = array<i32>} : memref<16x2048xf32, #tpu.memory_space<vmem>>, vector<1x16xf32>,
      %get3A_1566 = arith.index_cast %scan3A_79 : i32 to index
      %get3A_1567 = arith.constant 1984 : index
      %get3A_1568 = tpu.vector_load %arg8[%get3A_1566, %get3A_1567] {strides = array<i32>} : memref<16x2048xf32, #tpu.memory_space<vmem>>, vector<1x16xf32>,
      %get3A_1569 = vector.shape_cast %get3A_1568 : vector<1x16xf32> to vector<16xf32>
      %mul3A_1570 = arith.constant 45.2548332 : f32
      %mul3A_1571 = vector.broadcast %mul3A_1570 : f32 to vector<16xf32>
      %mul3A_1572 = arith.mulf %get3A_1569, %mul3A_1571 : vector<16xf32>
      %swap3A_1573 = arith.index_cast %scan3A_79 : i32 to index
      %swap3A_1574 = arith.constant 1984 : index
      %swap3A_1575 = tpu.vector_load %arg8[%swap3A_1573, %swap3A_1574] {strides = array<i32>} : memref<16x2048xf32, #tpu.memory_space<vmem>>, vector<1x16xf32>,
      %swap3A_1576 = vector.shape_cast %swap3A_1575 : vector<1x16xf32> to vector<16xf32>
      %swap3A_1577 = vector.shape_cast %mul3A_1572 : vector<16xf32> to vector<1x16xf32>
      tpu.vector_store %arg8[%swap3A_1573, %swap3A_1574], %swap3A_1577 {strides = array<i32>} : memref<16x2048xf32, #tpu.memory_space<vmem>>, vector<1x16xf32>,
      %get3A_1578 = arith.index_cast %scan3A_79 : i32 to index
      %get3A_1579 = arith.constant 2000 : index
      %get3A_1580 = tpu.vector_load %arg8[%get3A_1578, %get3A_1579] {strides = array<i32>} : memref<16x2048xf32, #tpu.memory_space<vmem>>, vector<1x16xf32>,
      %get3A_1581 = vector.shape_cast %get3A_1580 : vector<1x16xf32> to vector<16xf32>
      %mul3A_1582 = arith.constant 45.2548332 : f32
      %mul3A_1583 = vector.broadcast %mul3A_1582 : f32 to vector<16xf32>
      %mul3A_1584 = arith.mulf %get3A_1581, %mul3A_1583 : vector<16xf32>
      %swap3A_1585 = arith.index_cast %scan3A_79 : i32 to index
      %swap3A_1586 = arith.constant 2000 : index
      %swap3A_1587 = tpu.vector_load %arg8[%swap3A_1585, %swap3A_1586] {strides = array<i32>} : memref<16x2048xf32, #tpu.memory_space<vmem>>, vector<1x16xf32>,
      %swap3A_1588 = vector.shape_cast %swap3A_1587 : vector<1x16xf32> to vector<16xf32>
      %swap3A_1589 = vector.shape_cast %mul3A_1584 : vector<16xf32> to vector<1x16xf32>
      tpu.vector_store %arg8[%swap3A_1585, %swap3A_1586], %swap3A_1589 {strides = array<i32>} : memref<16x2048xf32, #tpu.memory_space<vmem>>, vector<1x16xf32>,
      %get3A_1590 = arith.index_cast %scan3A_79 : i32 to index
      %get3A_1591 = arith.constant 2016 : index
      %get3A_1592 = tpu.vector_load %arg8[%get3A_1590, %get3A_1591] {strides = array<i32>} : memref<16x2048xf32, #tpu.memory_space<vmem>>, vector<1x16xf32>,
      %get3A_1593 = vector.shape_cast %get3A_1592 : vector<1x16xf32> to vector<16xf32>
      %mul3A_1594 = arith.constant 45.2548332 : f32
      %mul3A_1595 = vector.broadcast %mul3A_1594 : f32 to vector<16xf32>
      %mul3A_1596 = arith.mulf %get3A_1593, %mul3A_1595 : vector<16xf32>
      %swap3A_1597 = arith.index_cast %scan3A_79 : i32 to index
      %swap3A_1598 = arith.constant 2016 : index
      %swap3A_1599 = tpu.vector_load %arg8[%swap3A_1597, %swap3A_1598] {strides = array<i32>} : memref<16x2048xf32, #tpu.memory_space<vmem>>, vector<1x16xf32>,
      %swap3A_1600 = vector.shape_cast %swap3A_1599 : vector<1x16xf32> to vector<16xf32>
      %swap3A_1601 = vector.shape_cast %mul3A_1596 : vector<16xf32> to vector<1x16xf32>
      tpu.vector_store %arg8[%swap3A_1597, %swap3A_1598], %swap3A_1601 {strides = array<i32>} : memref<16x2048xf32, #tpu.memory_space<vmem>>, vector<1x16xf32>,
      %get3A_1602 = arith.index_cast %scan3A_79 : i32 to index
      %get3A_1603 = arith.constant 2032 : index
      %get3A_1604 = tpu.vector_load %arg8[%get3A_1602, %get3A_1603] {strides = array<i32>} : memref<16x2048xf32, #tpu.memory_space<vmem>>, vector<1x16xf32>,
      %get3A_1605 = vector.shape_cast %get3A_1604 : vector<1x16xf32> to vector<16xf32>
      %mul3A_1606 = arith.constant 45.2548332 : f32
      %mul3A_1607 = vector.broadcast %mul3A_1606 : f32 to vector<16xf32>
      %mul3A_1608 = arith.mulf %get3A_1605, %mul3A_1607 : vector<16xf32>
      %swap3A_1609 = arith.index_cast %scan3A_79 : i32 to index
      %swap3A_1610 = arith.constant 2032 : index
      %swap3A_1611 = tpu.vector_load %arg8[%swap3A_1609, %swap3A_1610] {strides = array<i32>} : memref<16x2048xf32, #tpu.memory_space<vmem>>, vector<1x16xf32>,
      %swap3A_1612 = vector.shape_cast %swap3A_1611 : vector<1x16xf32> to vector<16xf32>
      %swap3A_1613 = vector.shape_cast %mul3A_1608 : vector<16xf32> to vector<1x16xf32>
      tpu.vector_store %arg8[%swap3A_1609, %swap3A_1610], %swap3A_1613 {strides = array<i32>} : memref<16x2048xf32, #tpu.memory_space<vmem>>, vector<1x16xf32>,
    }
    %scan3A_7 = arith.constant 16 : i32
    %eq3A = arith.constant 0 : i32
    %eq3A_8 = arith.cmpi eq, %arg1, %eq3A : i32
    %convert_element_type3A = arith.extui %eq3A_8 : i1 to i32
    %cond3A = arith.constant 0 : i32
    %cond3A_9 = arith.cmpi ne, %convert_element_type3A, %cond3A : i32
    scf.if %cond3A_9 {
      %broadcast_in_dim3A = arith.constant 0.000000e+00 : f32
      %broadcast_in_dim3A_79 = vector.broadcast %broadcast_in_dim3A : f32 to vector<16xf32>
      %swap3A = arith.constant 0 : i32
      %swap3A_80 = arith.index_cast %swap3A : i32 to index
      %swap3A_81 = arith.constant 0 : index
      %swap3A_82 = tpu.vector_load %arg8[%swap3A_80, %swap3A_81] {strides = array<i32>} : memref<16x2048xf32, #tpu.memory_space<vmem>>, vector<1x16xf32>,
      %swap3A_83 = vector.shape_cast %swap3A_82 : vector<1x16xf32> to vector<16xf32>
      %swap3A_84 = vector.shape_cast %broadcast_in_dim3A_79 : vector<16xf32> to vector<1x16xf32>
      tpu.vector_store %arg8[%swap3A_80, %swap3A_81], %swap3A_84 {strides = array<i32>} : memref<16x2048xf32, #tpu.memory_space<vmem>>, vector<1x16xf32>,
      %broadcast_in_dim3A_85 = arith.constant 0.000000e+00 : f32
      %broadcast_in_dim3A_86 = vector.broadcast %broadcast_in_dim3A_85 : f32 to vector<16xf32>
      %swap3A_87 = arith.constant 0 : i32
      %swap3A_88 = arith.index_cast %swap3A_87 : i32 to index
      %swap3A_89 = arith.constant 16 : index
      %swap3A_90 = tpu.vector_load %arg8[%swap3A_88, %swap3A_89] {strides = array<i32>} : memref<16x2048xf32, #tpu.memory_space<vmem>>, vector<1x16xf32>,
      %swap3A_91 = vector.shape_cast %swap3A_90 : vector<1x16xf32> to vector<16xf32>
      %swap3A_92 = vector.shape_cast %broadcast_in_dim3A_86 : vector<16xf32> to vector<1x16xf32>
      tpu.vector_store %arg8[%swap3A_88, %swap3A_89], %swap3A_92 {strides = array<i32>} : memref<16x2048xf32, #tpu.memory_space<vmem>>, vector<1x16xf32>,
      %broadcast_in_dim3A_93 = arith.constant 0.000000e+00 : f32
      %broadcast_in_dim3A_94 = vector.broadcast %broadcast_in_dim3A_93 : f32 to vector<16xf32>
      %swap3A_95 = arith.constant 0 : i32
      %swap3A_96 = arith.index_cast %swap3A_95 : i32 to index
      %swap3A_97 = arith.constant 32 : index
      %swap3A_98 = tpu.vector_load %arg8[%swap3A_96, %swap3A_97] {strides = array<i32>} : memref<16x2048xf32, #tpu.memory_space<vmem>>, vector<1x16xf32>,
      %swap3A_99 = vector.shape_cast %swap3A_98 : vector<1x16xf32> to vector<16xf32>
      %swap3A_100 = vector.shape_cast %broadcast_in_dim3A_94 : vector<16xf32> to vector<1x16xf32>
      tpu.vector_store %arg8[%swap3A_96, %swap3A_97], %swap3A_100 {strides = array<i32>} : memref<16x2048xf32, #tpu.memory_space<vmem>>, vector<1x16xf32>,
      %broadcast_in_dim3A_101 = arith.constant 0.000000e+00 : f32
      %broadcast_in_dim3A_102 = vector.broadcast %broadcast_in_dim3A_101 : f32 to vector<16xf32>
      %swap3A_103 = arith.constant 0 : i32
      %swap3A_104 = arith.index_cast %swap3A_103 : i32 to index
      %swap3A_105 = arith.constant 48 : index
      %swap3A_106 = tpu.vector_load %arg8[%swap3A_104, %swap3A_105] {strides = array<i32>} : memref<16x2048xf32, #tpu.memory_space<vmem>>, vector<1x16xf32>,
      %swap3A_107 = vector.shape_cast %swap3A_106 : vector<1x16xf32> to vector<16xf32>
      %swap3A_108 = vector.shape_cast %broadcast_in_dim3A_102 : vector<16xf32> to vector<1x16xf32>
      tpu.vector_store %arg8[%swap3A_104, %swap3A_105], %swap3A_108 {strides = array<i32>} : memref<16x2048xf32, #tpu.memory_space<vmem>>, vector<1x16xf32>,
      %broadcast_in_dim3A_109 = arith.constant 0.000000e+00 : f32
      %broadcast_in_dim3A_110 = vector.broadcast %broadcast_in_dim3A_109 : f32 to vector<16xf32>
      %swap3A_111 = arith.constant 0 : i32
      %swap3A_112 = arith.index_cast %swap3A_111 : i32 to index
      %swap3A_113 = arith.constant 64 : index
      %swap3A_114 = tpu.vector_load %arg8[%swap3A_112, %swap3A_113] {strides = array<i32>} : memref<16x2048xf32, #tpu.memory_space<vmem>>, vector<1x16xf32>,
      %swap3A_115 = vector.shape_cast %swap3A_114 : vector<1x16xf32> to vector<16xf32>
      %swap3A_116 = vector.shape_cast %broadcast_in_dim3A_110 : vector<16xf32> to vector<1x16xf32>
      tpu.vector_store %arg8[%swap3A_112, %swap3A_113], %swap3A_116 {strides = array<i32>} : memref<16x2048xf32, #tpu.memory_space<vmem>>, vector<1x16xf32>,
      %broadcast_in_dim3A_117 = arith.constant 0.000000e+00 : f32
      %broadcast_in_dim3A_118 = vector.broadcast %broadcast_in_dim3A_117 : f32 to vector<16xf32>
      %swap3A_119 = arith.constant 0 : i32
      %swap3A_120 = arith.index_cast %swap3A_119 : i32 to index
      %swap3A_121 = arith.constant 80 : index
      %swap3A_122 = tpu.vector_load %arg8[%swap3A_120, %swap3A_121] {strides = array<i32>} : memref<16x2048xf32, #tpu.memory_space<vmem>>, vector<1x16xf32>,
      %swap3A_123 = vector.shape_cast %swap3A_122 : vector<1x16xf32> to vector<16xf32>
      %swap3A_124 = vector.shape_cast %broadcast_in_dim3A_118 : vector<16xf32> to vector<1x16xf32>
      tpu.vector_store %arg8[%swap3A_120, %swap3A_121], %swap3A_124 {strides = array<i32>} : memref<16x2048xf32, #tpu.memory_space<vmem>>, vector<1x16xf32>,
      %broadcast_in_dim3A_125 = arith.constant 0.000000e+00 : f32
      %broadcast_in_dim3A_126 = vector.broadcast %broadcast_in_dim3A_125 : f32 to vector<16xf32>
      %swap3A_127 = arith.constant 0 : i32
      %swap3A_128 = arith.index_cast %swap3A_127 : i32 to index
      %swap3A_129 = arith.constant 96 : index
      %swap3A_130 = tpu.vector_load %arg8[%swap3A_128, %swap3A_129] {strides = array<i32>} : memref<16x2048xf32, #tpu.memory_space<vmem>>, vector<1x16xf32>,
      %swap3A_131 = vector.shape_cast %swap3A_130 : vector<1x16xf32> to vector<16xf32>
      %swap3A_132 = vector.shape_cast %broadcast_in_dim3A_126 : vector<16xf32> to vector<1x16xf32>
      tpu.vector_store %arg8[%swap3A_128, %swap3A_129], %swap3A_132 {strides = array<i32>} : memref<16x2048xf32, #tpu.memory_space<vmem>>, vector<1x16xf32>,
      %broadcast_in_dim3A_133 = arith.constant 0.000000e+00 : f32
      %broadcast_in_dim3A_134 = vector.broadcast %broadcast_in_dim3A_133 : f32 to vector<16xf32>
      %swap3A_135 = arith.constant 0 : i32
      %swap3A_136 = arith.index_cast %swap3A_135 : i32 to index
      %swap3A_137 = arith.constant 112 : index
      %swap3A_138 = tpu.vector_load %arg8[%swap3A_136, %swap3A_137] {strides = array<i32>} : memref<16x2048xf32, #tpu.memory_space<vmem>>, vector<1x16xf32>,
      %swap3A_139 = vector.shape_cast %swap3A_138 : vector<1x16xf32> to vector<16xf32>
      %swap3A_140 = vector.shape_cast %broadcast_in_dim3A_134 : vector<16xf32> to vector<1x16xf32>
      tpu.vector_store %arg8[%swap3A_136, %swap3A_137], %swap3A_140 {strides = array<i32>} : memref<16x2048xf32, #tpu.memory_space<vmem>>, vector<1x16xf32>,
      %broadcast_in_dim3A_141 = arith.constant 0.000000e+00 : f32
      %broadcast_in_dim3A_142 = vector.broadcast %broadcast_in_dim3A_141 : f32 to vector<16xf32>
      %swap3A_143 = arith.constant 0 : i32
      %swap3A_144 = arith.index_cast %swap3A_143 : i32 to index
      %swap3A_145 = arith.constant 128 : index
      %swap3A_146 = tpu.vector_load %arg8[%swap3A_144, %swap3A_145] {strides = array<i32>} : memref<16x2048xf32, #tpu.memory_space<vmem>>, vector<1x16xf32>,
      %swap3A_147 = vector.shape_cast %swap3A_146 : vector<1x16xf32> to vector<16xf32>
      %swap3A_148 = vector.shape_cast %broadcast_in_dim3A_142 : vector<16xf32> to vector<1x16xf32>
      tpu.vector_store %arg8[%swap3A_144, %swap3A_145], %swap3A_148 {strides = array<i32>} : memref<16x2048xf32, #tpu.memory_space<vmem>>, vector<1x16xf32>,
      %broadcast_in_dim3A_149 = arith.constant 0.000000e+00 : f32
      %broadcast_in_dim3A_150 = vector.broadcast %broadcast_in_dim3A_149 : f32 to vector<16xf32>
      %swap3A_151 = arith.constant 0 : i32
      %swap3A_152 = arith.index_cast %swap3A_151 : i32 to index
      %swap3A_153 = arith.constant 144 : index
      %swap3A_154 = tpu.vector_load %arg8[%swap3A_152, %swap3A_153] {strides = array<i32>} : memref<16x2048xf32, #tpu.memory_space<vmem>>, vector<1x16xf32>,
      %swap3A_155 = vector.shape_cast %swap3A_154 : vector<1x16xf32> to vector<16xf32>
      %swap3A_156 = vector.shape_cast %broadcast_in_dim3A_150 : vector<16xf32> to vector<1x16xf32>
      tpu.vector_store %arg8[%swap3A_152, %swap3A_153], %swap3A_156 {strides = array<i32>} : memref<16x2048xf32, #tpu.memory_space<vmem>>, vector<1x16xf32>,
      %broadcast_in_dim3A_157 = arith.constant 0.000000e+00 : f32
      %broadcast_in_dim3A_158 = vector.broadcast %broadcast_in_dim3A_157 : f32 to vector<16xf32>
      %swap3A_159 = arith.constant 0 : i32
      %swap3A_160 = arith.index_cast %swap3A_159 : i32 to index
      %swap3A_161 = arith.constant 160 : index
      %swap3A_162 = tpu.vector_load %arg8[%swap3A_160, %swap3A_161] {strides = array<i32>} : memref<16x2048xf32, #tpu.memory_space<vmem>>, vector<1x16xf32>,
      %swap3A_163 = vector.shape_cast %swap3A_162 : vector<1x16xf32> to vector<16xf32>
      %swap3A_164 = vector.shape_cast %broadcast_in_dim3A_158 : vector<16xf32> to vector<1x16xf32>
      tpu.vector_store %arg8[%swap3A_160, %swap3A_161], %swap3A_164 {strides = array<i32>} : memref<16x2048xf32, #tpu.memory_space<vmem>>, vector<1x16xf32>,
      %broadcast_in_dim3A_165 = arith.constant 0.000000e+00 : f32
      %broadcast_in_dim3A_166 = vector.broadcast %broadcast_in_dim3A_165 : f32 to vector<16xf32>
      %swap3A_167 = arith.constant 0 : i32
      %swap3A_168 = arith.index_cast %swap3A_167 : i32 to index
      %swap3A_169 = arith.constant 176 : index
      %swap3A_170 = tpu.vector_load %arg8[%swap3A_168, %swap3A_169] {strides = array<i32>} : memref<16x2048xf32, #tpu.memory_space<vmem>>, vector<1x16xf32>,
      %swap3A_171 = vector.shape_cast %swap3A_170 : vector<1x16xf32> to vector<16xf32>
      %swap3A_172 = vector.shape_cast %broadcast_in_dim3A_166 : vector<16xf32> to vector<1x16xf32>
      tpu.vector_store %arg8[%swap3A_168, %swap3A_169], %swap3A_172 {strides = array<i32>} : memref<16x2048xf32, #tpu.memory_space<vmem>>, vector<1x16xf32>,
      %broadcast_in_dim3A_173 = arith.constant 0.000000e+00 : f32
      %broadcast_in_dim3A_174 = vector.broadcast %broadcast_in_dim3A_173 : f32 to vector<16xf32>
      %swap3A_175 = arith.constant 0 : i32
      %swap3A_176 = arith.index_cast %swap3A_175 : i32 to index
      %swap3A_177 = arith.constant 192 : index
      %swap3A_178 = tpu.vector_load %arg8[%swap3A_176, %swap3A_177] {strides = array<i32>} : memref<16x2048xf32, #tpu.memory_space<vmem>>, vector<1x16xf32>,
      %swap3A_179 = vector.shape_cast %swap3A_178 : vector<1x16xf32> to vector<16xf32>
      %swap3A_180 = vector.shape_cast %broadcast_in_dim3A_174 : vector<16xf32> to vector<1x16xf32>
      tpu.vector_store %arg8[%swap3A_176, %swap3A_177], %swap3A_180 {strides = array<i32>} : memref<16x2048xf32, #tpu.memory_space<vmem>>, vector<1x16xf32>,
      %broadcast_in_dim3A_181 = arith.constant 0.000000e+00 : f32
      %broadcast_in_dim3A_182 = vector.broadcast %broadcast_in_dim3A_181 : f32 to vector<16xf32>
      %swap3A_183 = arith.constant 0 : i32
      %swap3A_184 = arith.index_cast %swap3A_183 : i32 to index
      %swap3A_185 = arith.constant 208 : index
      %swap3A_186 = tpu.vector_load %arg8[%swap3A_184, %swap3A_185] {strides = array<i32>} : memref<16x2048xf32, #tpu.memory_space<vmem>>, vector<1x16xf32>,
      %swap3A_187 = vector.shape_cast %swap3A_186 : vector<1x16xf32> to vector<16xf32>
      %swap3A_188 = vector.shape_cast %broadcast_in_dim3A_182 : vector<16xf32> to vector<1x16xf32>
      tpu.vector_store %arg8[%swap3A_184, %swap3A_185], %swap3A_188 {strides = array<i32>} : memref<16x2048xf32, #tpu.memory_space<vmem>>, vector<1x16xf32>,
      %broadcast_in_dim3A_189 = arith.constant 0.000000e+00 : f32
      %broadcast_in_dim3A_190 = vector.broadcast %broadcast_in_dim3A_189 : f32 to vector<16xf32>
      %swap3A_191 = arith.constant 0 : i32
      %swap3A_192 = arith.index_cast %swap3A_191 : i32 to index
      %swap3A_193 = arith.constant 224 : index
      %swap3A_194 = tpu.vector_load %arg8[%swap3A_192, %swap3A_193] {strides = array<i32>} : memref<16x2048xf32, #tpu.memory_space<vmem>>, vector<1x16xf32>,
      %swap3A_195 = vector.shape_cast %swap3A_194 : vector<1x16xf32> to vector<16xf32>
      %swap3A_196 = vector.shape_cast %broadcast_in_dim3A_190 : vector<16xf32> to vector<1x16xf32>
      tpu.vector_store %arg8[%swap3A_192, %swap3A_193], %swap3A_196 {strides = array<i32>} : memref<16x2048xf32, #tpu.memory_space<vmem>>, vector<1x16xf32>,
      %broadcast_in_dim3A_197 = arith.constant 0.000000e+00 : f32
      %broadcast_in_dim3A_198 = vector.broadcast %broadcast_in_dim3A_197 : f32 to vector<16xf32>
      %swap3A_199 = arith.constant 0 : i32
      %swap3A_200 = arith.index_cast %swap3A_199 : i32 to index
      %swap3A_201 = arith.constant 240 : index
      %swap3A_202 = tpu.vector_load %arg8[%swap3A_200, %swap3A_201] {strides = array<i32>} : memref<16x2048xf32, #tpu.memory_space<vmem>>, vector<1x16xf32>,
      %swap3A_203 = vector.shape_cast %swap3A_202 : vector<1x16xf32> to vector<16xf32>
      %swap3A_204 = vector.shape_cast %broadcast_in_dim3A_198 : vector<16xf32> to vector<1x16xf32>
      tpu.vector_store %arg8[%swap3A_200, %swap3A_201], %swap3A_204 {strides = array<i32>} : memref<16x2048xf32, #tpu.memory_space<vmem>>, vector<1x16xf32>,
      %broadcast_in_dim3A_205 = arith.constant 0.000000e+00 : f32
      %broadcast_in_dim3A_206 = vector.broadcast %broadcast_in_dim3A_205 : f32 to vector<16xf32>
      %swap3A_207 = arith.constant 0 : i32
      %swap3A_208 = arith.index_cast %swap3A_207 : i32 to index
      %swap3A_209 = arith.constant 256 : index
      %swap3A_210 = tpu.vector_load %arg8[%swap3A_208, %swap3A_209] {strides = array<i32>} : memref<16x2048xf32, #tpu.memory_space<vmem>>, vector<1x16xf32>,
      %swap3A_211 = vector.shape_cast %swap3A_210 : vector<1x16xf32> to vector<16xf32>
      %swap3A_212 = vector.shape_cast %broadcast_in_dim3A_206 : vector<16xf32> to vector<1x16xf32>
      tpu.vector_store %arg8[%swap3A_208, %swap3A_209], %swap3A_212 {strides = array<i32>} : memref<16x2048xf32, #tpu.memory_space<vmem>>, vector<1x16xf32>,
      %broadcast_in_dim3A_213 = arith.constant 0.000000e+00 : f32
      %broadcast_in_dim3A_214 = vector.broadcast %broadcast_in_dim3A_213 : f32 to vector<16xf32>
      %swap3A_215 = arith.constant 0 : i32
      %swap3A_216 = arith.index_cast %swap3A_215 : i32 to index
      %swap3A_217 = arith.constant 272 : index
      %swap3A_218 = tpu.vector_load %arg8[%swap3A_216, %swap3A_217] {strides = array<i32>} : memref<16x2048xf32, #tpu.memory_space<vmem>>, vector<1x16xf32>,
      %swap3A_219 = vector.shape_cast %swap3A_218 : vector<1x16xf32> to vector<16xf32>
      %swap3A_220 = vector.shape_cast %broadcast_in_dim3A_214 : vector<16xf32> to vector<1x16xf32>
      tpu.vector_store %arg8[%swap3A_216, %swap3A_217], %swap3A_220 {strides = array<i32>} : memref<16x2048xf32, #tpu.memory_space<vmem>>, vector<1x16xf32>,
      %broadcast_in_dim3A_221 = arith.constant 0.000000e+00 : f32
      %broadcast_in_dim3A_222 = vector.broadcast %broadcast_in_dim3A_221 : f32 to vector<16xf32>
      %swap3A_223 = arith.constant 0 : i32
      %swap3A_224 = arith.index_cast %swap3A_223 : i32 to index
      %swap3A_225 = arith.constant 288 : index
      %swap3A_226 = tpu.vector_load %arg8[%swap3A_224, %swap3A_225] {strides = array<i32>} : memref<16x2048xf32, #tpu.memory_space<vmem>>, vector<1x16xf32>,
      %swap3A_227 = vector.shape_cast %swap3A_226 : vector<1x16xf32> to vector<16xf32>
      %swap3A_228 = vector.shape_cast %broadcast_in_dim3A_222 : vector<16xf32> to vector<1x16xf32>
      tpu.vector_store %arg8[%swap3A_224, %swap3A_225], %swap3A_228 {strides = array<i32>} : memref<16x2048xf32, #tpu.memory_space<vmem>>, vector<1x16xf32>,
      %broadcast_in_dim3A_229 = arith.constant 0.000000e+00 : f32
      %broadcast_in_dim3A_230 = vector.broadcast %broadcast_in_dim3A_229 : f32 to vector<16xf32>
      %swap3A_231 = arith.constant 0 : i32
      %swap3A_232 = arith.index_cast %swap3A_231 : i32 to index
      %swap3A_233 = arith.constant 304 : index
      %swap3A_234 = tpu.vector_load %arg8[%swap3A_232, %swap3A_233] {strides = array<i32>} : memref<16x2048xf32, #tpu.memory_space<vmem>>, vector<1x16xf32>,
      %swap3A_235 = vector.shape_cast %swap3A_234 : vector<1x16xf32> to vector<16xf32>
      %swap3A_236 = vector.shape_cast %broadcast_in_dim3A_230 : vector<16xf32> to vector<1x16xf32>
      tpu.vector_store %arg8[%swap3A_232, %swap3A_233], %swap3A_236 {strides = array<i32>} : memref<16x2048xf32, #tpu.memory_space<vmem>>, vector<1x16xf32>,
      %broadcast_in_dim3A_237 = arith.constant 0.000000e+00 : f32
      %broadcast_in_dim3A_238 = vector.broadcast %broadcast_in_dim3A_237 : f32 to vector<16xf32>
      %swap3A_239 = arith.constant 0 : i32
      %swap3A_240 = arith.index_cast %swap3A_239 : i32 to index
      %swap3A_241 = arith.constant 320 : index
      %swap3A_242 = tpu.vector_load %arg8[%swap3A_240, %swap3A_241] {strides = array<i32>} : memref<16x2048xf32, #tpu.memory_space<vmem>>, vector<1x16xf32>,
      %swap3A_243 = vector.shape_cast %swap3A_242 : vector<1x16xf32> to vector<16xf32>
      %swap3A_244 = vector.shape_cast %broadcast_in_dim3A_238 : vector<16xf32> to vector<1x16xf32>
      tpu.vector_store %arg8[%swap3A_240, %swap3A_241], %swap3A_244 {strides = array<i32>} : memref<16x2048xf32, #tpu.memory_space<vmem>>, vector<1x16xf32>,
      %broadcast_in_dim3A_245 = arith.constant 0.000000e+00 : f32
      %broadcast_in_dim3A_246 = vector.broadcast %broadcast_in_dim3A_245 : f32 to vector<16xf32>
      %swap3A_247 = arith.constant 0 : i32
      %swap3A_248 = arith.index_cast %swap3A_247 : i32 to index
      %swap3A_249 = arith.constant 336 : index
      %swap3A_250 = tpu.vector_load %arg8[%swap3A_248, %swap3A_249] {strides = array<i32>} : memref<16x2048xf32, #tpu.memory_space<vmem>>, vector<1x16xf32>,
      %swap3A_251 = vector.shape_cast %swap3A_250 : vector<1x16xf32> to vector<16xf32>
      %swap3A_252 = vector.shape_cast %broadcast_in_dim3A_246 : vector<16xf32> to vector<1x16xf32>
      tpu.vector_store %arg8[%swap3A_248, %swap3A_249], %swap3A_252 {strides = array<i32>} : memref<16x2048xf32, #tpu.memory_space<vmem>>, vector<1x16xf32>,
      %broadcast_in_dim3A_253 = arith.constant 0.000000e+00 : f32
      %broadcast_in_dim3A_254 = vector.broadcast %broadcast_in_dim3A_253 : f32 to vector<16xf32>
      %swap3A_255 = arith.constant 0 : i32
      %swap3A_256 = arith.index_cast %swap3A_255 : i32 to index
      %swap3A_257 = arith.constant 352 : index
      %swap3A_258 = tpu.vector_load %arg8[%swap3A_256, %swap3A_257] {strides = array<i32>} : memref<16x2048xf32, #tpu.memory_space<vmem>>, vector<1x16xf32>,
      %swap3A_259 = vector.shape_cast %swap3A_258 : vector<1x16xf32> to vector<16xf32>
      %swap3A_260 = vector.shape_cast %broadcast_in_dim3A_254 : vector<16xf32> to vector<1x16xf32>
      tpu.vector_store %arg8[%swap3A_256, %swap3A_257], %swap3A_260 {strides = array<i32>} : memref<16x2048xf32, #tpu.memory_space<vmem>>, vector<1x16xf32>,
      %broadcast_in_dim3A_261 = arith.constant 0.000000e+00 : f32
      %broadcast_in_dim3A_262 = vector.broadcast %broadcast_in_dim3A_261 : f32 to vector<16xf32>
      %swap3A_263 = arith.constant 0 : i32
      %swap3A_264 = arith.index_cast %swap3A_263 : i32 to index
      %swap3A_265 = arith.constant 368 : index
      %swap3A_266 = tpu.vector_load %arg8[%swap3A_264, %swap3A_265] {strides = array<i32>} : memref<16x2048xf32, #tpu.memory_space<vmem>>, vector<1x16xf32>,
      %swap3A_267 = vector.shape_cast %swap3A_266 : vector<1x16xf32> to vector<16xf32>
      %swap3A_268 = vector.shape_cast %broadcast_in_dim3A_262 : vector<16xf32> to vector<1x16xf32>
      tpu.vector_store %arg8[%swap3A_264, %swap3A_265], %swap3A_268 {strides = array<i32>} : memref<16x2048xf32, #tpu.memory_space<vmem>>, vector<1x16xf32>,
      %broadcast_in_dim3A_269 = arith.constant 0.000000e+00 : f32
      %broadcast_in_dim3A_270 = vector.broadcast %broadcast_in_dim3A_269 : f32 to vector<16xf32>
      %swap3A_271 = arith.constant 0 : i32
      %swap3A_272 = arith.index_cast %swap3A_271 : i32 to index
      %swap3A_273 = arith.constant 384 : index
      %swap3A_274 = tpu.vector_load %arg8[%swap3A_272, %swap3A_273] {strides = array<i32>} : memref<16x2048xf32, #tpu.memory_space<vmem>>, vector<1x16xf32>,
      %swap3A_275 = vector.shape_cast %swap3A_274 : vector<1x16xf32> to vector<16xf32>
      %swap3A_276 = vector.shape_cast %broadcast_in_dim3A_270 : vector<16xf32> to vector<1x16xf32>
      tpu.vector_store %arg8[%swap3A_272, %swap3A_273], %swap3A_276 {strides = array<i32>} : memref<16x2048xf32, #tpu.memory_space<vmem>>, vector<1x16xf32>,
      %broadcast_in_dim3A_277 = arith.constant 0.000000e+00 : f32
      %broadcast_in_dim3A_278 = vector.broadcast %broadcast_in_dim3A_277 : f32 to vector<16xf32>
      %swap3A_279 = arith.constant 0 : i32
      %swap3A_280 = arith.index_cast %swap3A_279 : i32 to index
      %swap3A_281 = arith.constant 400 : index
      %swap3A_282 = tpu.vector_load %arg8[%swap3A_280, %swap3A_281] {strides = array<i32>} : memref<16x2048xf32, #tpu.memory_space<vmem>>, vector<1x16xf32>,
      %swap3A_283 = vector.shape_cast %swap3A_282 : vector<1x16xf32> to vector<16xf32>
      %swap3A_284 = vector.shape_cast %broadcast_in_dim3A_278 : vector<16xf32> to vector<1x16xf32>
      tpu.vector_store %arg8[%swap3A_280, %swap3A_281], %swap3A_284 {strides = array<i32>} : memref<16x2048xf32, #tpu.memory_space<vmem>>, vector<1x16xf32>,
      %broadcast_in_dim3A_285 = arith.constant 0.000000e+00 : f32
      %broadcast_in_dim3A_286 = vector.broadcast %broadcast_in_dim3A_285 : f32 to vector<16xf32>
      %swap3A_287 = arith.constant 0 : i32
      %swap3A_288 = arith.index_cast %swap3A_287 : i32 to index
      %swap3A_289 = arith.constant 416 : index
      %swap3A_290 = tpu.vector_load %arg8[%swap3A_288, %swap3A_289] {strides = array<i32>} : memref<16x2048xf32, #tpu.memory_space<vmem>>, vector<1x16xf32>,
      %swap3A_291 = vector.shape_cast %swap3A_290 : vector<1x16xf32> to vector<16xf32>
      %swap3A_292 = vector.shape_cast %broadcast_in_dim3A_286 : vector<16xf32> to vector<1x16xf32>
      tpu.vector_store %arg8[%swap3A_288, %swap3A_289], %swap3A_292 {strides = array<i32>} : memref<16x2048xf32, #tpu.memory_space<vmem>>, vector<1x16xf32>,
      %broadcast_in_dim3A_293 = arith.constant 0.000000e+00 : f32
      %broadcast_in_dim3A_294 = vector.broadcast %broadcast_in_dim3A_293 : f32 to vector<16xf32>
      %swap3A_295 = arith.constant 0 : i32
      %swap3A_296 = arith.index_cast %swap3A_295 : i32 to index
      %swap3A_297 = arith.constant 432 : index
      %swap3A_298 = tpu.vector_load %arg8[%swap3A_296, %swap3A_297] {strides = array<i32>} : memref<16x2048xf32, #tpu.memory_space<vmem>>, vector<1x16xf32>,
      %swap3A_299 = vector.shape_cast %swap3A_298 : vector<1x16xf32> to vector<16xf32>
      %swap3A_300 = vector.shape_cast %broadcast_in_dim3A_294 : vector<16xf32> to vector<1x16xf32>
      tpu.vector_store %arg8[%swap3A_296, %swap3A_297], %swap3A_300 {strides = array<i32>} : memref<16x2048xf32, #tpu.memory_space<vmem>>, vector<1x16xf32>,
      %broadcast_in_dim3A_301 = arith.constant 0.000000e+00 : f32
      %broadcast_in_dim3A_302 = vector.broadcast %broadcast_in_dim3A_301 : f32 to vector<16xf32>
      %swap3A_303 = arith.constant 0 : i32
      %swap3A_304 = arith.index_cast %swap3A_303 : i32 to index
      %swap3A_305 = arith.constant 448 : index
      %swap3A_306 = tpu.vector_load %arg8[%swap3A_304, %swap3A_305] {strides = array<i32>} : memref<16x2048xf32, #tpu.memory_space<vmem>>, vector<1x16xf32>,
      %swap3A_307 = vector.shape_cast %swap3A_306 : vector<1x16xf32> to vector<16xf32>
      %swap3A_308 = vector.shape_cast %broadcast_in_dim3A_302 : vector<16xf32> to vector<1x16xf32>
      tpu.vector_store %arg8[%swap3A_304, %swap3A_305], %swap3A_308 {strides = array<i32>} : memref<16x2048xf32, #tpu.memory_space<vmem>>, vector<1x16xf32>,
      %broadcast_in_dim3A_309 = arith.constant 0.000000e+00 : f32
      %broadcast_in_dim3A_310 = vector.broadcast %broadcast_in_dim3A_309 : f32 to vector<16xf32>
      %swap3A_311 = arith.constant 0 : i32
      %swap3A_312 = arith.index_cast %swap3A_311 : i32 to index
      %swap3A_313 = arith.constant 464 : index
      %swap3A_314 = tpu.vector_load %arg8[%swap3A_312, %swap3A_313] {strides = array<i32>} : memref<16x2048xf32, #tpu.memory_space<vmem>>, vector<1x16xf32>,
      %swap3A_315 = vector.shape_cast %swap3A_314 : vector<1x16xf32> to vector<16xf32>
      %swap3A_316 = vector.shape_cast %broadcast_in_dim3A_310 : vector<16xf32> to vector<1x16xf32>
      tpu.vector_store %arg8[%swap3A_312, %swap3A_313], %swap3A_316 {strides = array<i32>} : memref<16x2048xf32, #tpu.memory_space<vmem>>, vector<1x16xf32>,
      %broadcast_in_dim3A_317 = arith.constant 0.000000e+00 : f32
      %broadcast_in_dim3A_318 = vector.broadcast %broadcast_in_dim3A_317 : f32 to vector<16xf32>
      %swap3A_319 = arith.constant 0 : i32
      %swap3A_320 = arith.index_cast %swap3A_319 : i32 to index
      %swap3A_321 = arith.constant 480 : index
      %swap3A_322 = tpu.vector_load %arg8[%swap3A_320, %swap3A_321] {strides = array<i32>} : memref<16x2048xf32, #tpu.memory_space<vmem>>, vector<1x16xf32>,
      %swap3A_323 = vector.shape_cast %swap3A_322 : vector<1x16xf32> to vector<16xf32>
      %swap3A_324 = vector.shape_cast %broadcast_in_dim3A_318 : vector<16xf32> to vector<1x16xf32>
      tpu.vector_store %arg8[%swap3A_320, %swap3A_321], %swap3A_324 {strides = array<i32>} : memref<16x2048xf32, #tpu.memory_space<vmem>>, vector<1x16xf32>,
      %broadcast_in_dim3A_325 = arith.constant 0.000000e+00 : f32
      %broadcast_in_dim3A_326 = vector.broadcast %broadcast_in_dim3A_325 : f32 to vector<16xf32>
      %swap3A_327 = arith.constant 0 : i32
      %swap3A_328 = arith.index_cast %swap3A_327 : i32 to index
      %swap3A_329 = arith.constant 496 : index
      %swap3A_330 = tpu.vector_load %arg8[%swap3A_328, %swap3A_329] {strides = array<i32>} : memref<16x2048xf32, #tpu.memory_space<vmem>>, vector<1x16xf32>,
      %swap3A_331 = vector.shape_cast %swap3A_330 : vector<1x16xf32> to vector<16xf32>
      %swap3A_332 = vector.shape_cast %broadcast_in_dim3A_326 : vector<16xf32> to vector<1x16xf32>
      tpu.vector_store %arg8[%swap3A_328, %swap3A_329], %swap3A_332 {strides = array<i32>} : memref<16x2048xf32, #tpu.memory_space<vmem>>, vector<1x16xf32>,
      %broadcast_in_dim3A_333 = arith.constant 0.000000e+00 : f32
      %broadcast_in_dim3A_334 = vector.broadcast %broadcast_in_dim3A_333 : f32 to vector<16xf32>
      %swap3A_335 = arith.constant 0 : i32
      %swap3A_336 = arith.index_cast %swap3A_335 : i32 to index
      %swap3A_337 = arith.constant 512 : index
      %swap3A_338 = tpu.vector_load %arg8[%swap3A_336, %swap3A_337] {strides = array<i32>} : memref<16x2048xf32, #tpu.memory_space<vmem>>, vector<1x16xf32>,
      %swap3A_339 = vector.shape_cast %swap3A_338 : vector<1x16xf32> to vector<16xf32>
      %swap3A_340 = vector.shape_cast %broadcast_in_dim3A_334 : vector<16xf32> to vector<1x16xf32>
      tpu.vector_store %arg8[%swap3A_336, %swap3A_337], %swap3A_340 {strides = array<i32>} : memref<16x2048xf32, #tpu.memory_space<vmem>>, vector<1x16xf32>,
      %broadcast_in_dim3A_341 = arith.constant 0.000000e+00 : f32
      %broadcast_in_dim3A_342 = vector.broadcast %broadcast_in_dim3A_341 : f32 to vector<16xf32>
      %swap3A_343 = arith.constant 0 : i32
      %swap3A_344 = arith.index_cast %swap3A_343 : i32 to index
      %swap3A_345 = arith.constant 528 : index
      %swap3A_346 = tpu.vector_load %arg8[%swap3A_344, %swap3A_345] {strides = array<i32>} : memref<16x2048xf32, #tpu.memory_space<vmem>>, vector<1x16xf32>,
      %swap3A_347 = vector.shape_cast %swap3A_346 : vector<1x16xf32> to vector<16xf32>
      %swap3A_348 = vector.shape_cast %broadcast_in_dim3A_342 : vector<16xf32> to vector<1x16xf32>
      tpu.vector_store %arg8[%swap3A_344, %swap3A_345], %swap3A_348 {strides = array<i32>} : memref<16x2048xf32, #tpu.memory_space<vmem>>, vector<1x16xf32>,
      %broadcast_in_dim3A_349 = arith.constant 0.000000e+00 : f32
      %broadcast_in_dim3A_350 = vector.broadcast %broadcast_in_dim3A_349 : f32 to vector<16xf32>
      %swap3A_351 = arith.constant 0 : i32
      %swap3A_352 = arith.index_cast %swap3A_351 : i32 to index
      %swap3A_353 = arith.constant 544 : index
      %swap3A_354 = tpu.vector_load %arg8[%swap3A_352, %swap3A_353] {strides = array<i32>} : memref<16x2048xf32, #tpu.memory_space<vmem>>, vector<1x16xf32>,
      %swap3A_355 = vector.shape_cast %swap3A_354 : vector<1x16xf32> to vector<16xf32>
      %swap3A_356 = vector.shape_cast %broadcast_in_dim3A_350 : vector<16xf32> to vector<1x16xf32>
      tpu.vector_store %arg8[%swap3A_352, %swap3A_353], %swap3A_356 {strides = array<i32>} : memref<16x2048xf32, #tpu.memory_space<vmem>>, vector<1x16xf32>,
      %broadcast_in_dim3A_357 = arith.constant 0.000000e+00 : f32
      %broadcast_in_dim3A_358 = vector.broadcast %broadcast_in_dim3A_357 : f32 to vector<16xf32>
      %swap3A_359 = arith.constant 0 : i32
      %swap3A_360 = arith.index_cast %swap3A_359 : i32 to index
      %swap3A_361 = arith.constant 560 : index
      %swap3A_362 = tpu.vector_load %arg8[%swap3A_360, %swap3A_361] {strides = array<i32>} : memref<16x2048xf32, #tpu.memory_space<vmem>>, vector<1x16xf32>,
      %swap3A_363 = vector.shape_cast %swap3A_362 : vector<1x16xf32> to vector<16xf32>
      %swap3A_364 = vector.shape_cast %broadcast_in_dim3A_358 : vector<16xf32> to vector<1x16xf32>
      tpu.vector_store %arg8[%swap3A_360, %swap3A_361], %swap3A_364 {strides = array<i32>} : memref<16x2048xf32, #tpu.memory_space<vmem>>, vector<1x16xf32>,
      %broadcast_in_dim3A_365 = arith.constant 0.000000e+00 : f32
      %broadcast_in_dim3A_366 = vector.broadcast %broadcast_in_dim3A_365 : f32 to vector<16xf32>
      %swap3A_367 = arith.constant 0 : i32
      %swap3A_368 = arith.index_cast %swap3A_367 : i32 to index
      %swap3A_369 = arith.constant 576 : index
      %swap3A_370 = tpu.vector_load %arg8[%swap3A_368, %swap3A_369] {strides = array<i32>} : memref<16x2048xf32, #tpu.memory_space<vmem>>, vector<1x16xf32>,
      %swap3A_371 = vector.shape_cast %swap3A_370 : vector<1x16xf32> to vector<16xf32>
      %swap3A_372 = vector.shape_cast %broadcast_in_dim3A_366 : vector<16xf32> to vector<1x16xf32>
      tpu.vector_store %arg8[%swap3A_368, %swap3A_369], %swap3A_372 {strides = array<i32>} : memref<16x2048xf32, #tpu.memory_space<vmem>>, vector<1x16xf32>,
      %broadcast_in_dim3A_373 = arith.constant 0.000000e+00 : f32
      %broadcast_in_dim3A_374 = vector.broadcast %broadcast_in_dim3A_373 : f32 to vector<16xf32>
      %swap3A_375 = arith.constant 0 : i32
      %swap3A_376 = arith.index_cast %swap3A_375 : i32 to index
      %swap3A_377 = arith.constant 592 : index
      %swap3A_378 = tpu.vector_load %arg8[%swap3A_376, %swap3A_377] {strides = array<i32>} : memref<16x2048xf32, #tpu.memory_space<vmem>>, vector<1x16xf32>,
      %swap3A_379 = vector.shape_cast %swap3A_378 : vector<1x16xf32> to vector<16xf32>
      %swap3A_380 = vector.shape_cast %broadcast_in_dim3A_374 : vector<16xf32> to vector<1x16xf32>
      tpu.vector_store %arg8[%swap3A_376, %swap3A_377], %swap3A_380 {strides = array<i32>} : memref<16x2048xf32, #tpu.memory_space<vmem>>, vector<1x16xf32>,
      %broadcast_in_dim3A_381 = arith.constant 0.000000e+00 : f32
      %broadcast_in_dim3A_382 = vector.broadcast %broadcast_in_dim3A_381 : f32 to vector<16xf32>
      %swap3A_383 = arith.constant 0 : i32
      %swap3A_384 = arith.index_cast %swap3A_383 : i32 to index
      %swap3A_385 = arith.constant 608 : index
      %swap3A_386 = tpu.vector_load %arg8[%swap3A_384, %swap3A_385] {strides = array<i32>} : memref<16x2048xf32, #tpu.memory_space<vmem>>, vector<1x16xf32>,
      %swap3A_387 = vector.shape_cast %swap3A_386 : vector<1x16xf32> to vector<16xf32>
      %swap3A_388 = vector.shape_cast %broadcast_in_dim3A_382 : vector<16xf32> to vector<1x16xf32>
      tpu.vector_store %arg8[%swap3A_384, %swap3A_385], %swap3A_388 {strides = array<i32>} : memref<16x2048xf32, #tpu.memory_space<vmem>>, vector<1x16xf32>,
      %broadcast_in_dim3A_389 = arith.constant 0.000000e+00 : f32
      %broadcast_in_dim3A_390 = vector.broadcast %broadcast_in_dim3A_389 : f32 to vector<16xf32>
      %swap3A_391 = arith.constant 0 : i32
      %swap3A_392 = arith.index_cast %swap3A_391 : i32 to index
      %swap3A_393 = arith.constant 624 : index
      %swap3A_394 = tpu.vector_load %arg8[%swap3A_392, %swap3A_393] {strides = array<i32>} : memref<16x2048xf32, #tpu.memory_space<vmem>>, vector<1x16xf32>,
      %swap3A_395 = vector.shape_cast %swap3A_394 : vector<1x16xf32> to vector<16xf32>
      %swap3A_396 = vector.shape_cast %broadcast_in_dim3A_390 : vector<16xf32> to vector<1x16xf32>
      tpu.vector_store %arg8[%swap3A_392, %swap3A_393], %swap3A_396 {strides = array<i32>} : memref<16x2048xf32, #tpu.memory_space<vmem>>, vector<1x16xf32>,
      %broadcast_in_dim3A_397 = arith.constant 0.000000e+00 : f32
      %broadcast_in_dim3A_398 = vector.broadcast %broadcast_in_dim3A_397 : f32 to vector<16xf32>
      %swap3A_399 = arith.constant 0 : i32
      %swap3A_400 = arith.index_cast %swap3A_399 : i32 to index
      %swap3A_401 = arith.constant 640 : index
      %swap3A_402 = tpu.vector_load %arg8[%swap3A_400, %swap3A_401] {strides = array<i32>} : memref<16x2048xf32, #tpu.memory_space<vmem>>, vector<1x16xf32>,
      %swap3A_403 = vector.shape_cast %swap3A_402 : vector<1x16xf32> to vector<16xf32>
      %swap3A_404 = vector.shape_cast %broadcast_in_dim3A_398 : vector<16xf32> to vector<1x16xf32>
      tpu.vector_store %arg8[%swap3A_400, %swap3A_401], %swap3A_404 {strides = array<i32>} : memref<16x2048xf32, #tpu.memory_space<vmem>>, vector<1x16xf32>,
      %broadcast_in_dim3A_405 = arith.constant 0.000000e+00 : f32
      %broadcast_in_dim3A_406 = vector.broadcast %broadcast_in_dim3A_405 : f32 to vector<16xf32>
      %swap3A_407 = arith.constant 0 : i32
      %swap3A_408 = arith.index_cast %swap3A_407 : i32 to index
      %swap3A_409 = arith.constant 656 : index
      %swap3A_410 = tpu.vector_load %arg8[%swap3A_408, %swap3A_409] {strides = array<i32>} : memref<16x2048xf32, #tpu.memory_space<vmem>>, vector<1x16xf32>,
      %swap3A_411 = vector.shape_cast %swap3A_410 : vector<1x16xf32> to vector<16xf32>
      %swap3A_412 = vector.shape_cast %broadcast_in_dim3A_406 : vector<16xf32> to vector<1x16xf32>
      tpu.vector_store %arg8[%swap3A_408, %swap3A_409], %swap3A_412 {strides = array<i32>} : memref<16x2048xf32, #tpu.memory_space<vmem>>, vector<1x16xf32>,
      %broadcast_in_dim3A_413 = arith.constant 0.000000e+00 : f32
      %broadcast_in_dim3A_414 = vector.broadcast %broadcast_in_dim3A_413 : f32 to vector<16xf32>
      %swap3A_415 = arith.constant 0 : i32
      %swap3A_416 = arith.index_cast %swap3A_415 : i32 to index
      %swap3A_417 = arith.constant 672 : index
      %swap3A_418 = tpu.vector_load %arg8[%swap3A_416, %swap3A_417] {strides = array<i32>} : memref<16x2048xf32, #tpu.memory_space<vmem>>, vector<1x16xf32>,
      %swap3A_419 = vector.shape_cast %swap3A_418 : vector<1x16xf32> to vector<16xf32>
      %swap3A_420 = vector.shape_cast %broadcast_in_dim3A_414 : vector<16xf32> to vector<1x16xf32>
      tpu.vector_store %arg8[%swap3A_416, %swap3A_417], %swap3A_420 {strides = array<i32>} : memref<16x2048xf32, #tpu.memory_space<vmem>>, vector<1x16xf32>,
      %broadcast_in_dim3A_421 = arith.constant 0.000000e+00 : f32
      %broadcast_in_dim3A_422 = vector.broadcast %broadcast_in_dim3A_421 : f32 to vector<16xf32>
      %swap3A_423 = arith.constant 0 : i32
      %swap3A_424 = arith.index_cast %swap3A_423 : i32 to index
      %swap3A_425 = arith.constant 688 : index
      %swap3A_426 = tpu.vector_load %arg8[%swap3A_424, %swap3A_425] {strides = array<i32>} : memref<16x2048xf32, #tpu.memory_space<vmem>>, vector<1x16xf32>,
      %swap3A_427 = vector.shape_cast %swap3A_426 : vector<1x16xf32> to vector<16xf32>
      %swap3A_428 = vector.shape_cast %broadcast_in_dim3A_422 : vector<16xf32> to vector<1x16xf32>
      tpu.vector_store %arg8[%swap3A_424, %swap3A_425], %swap3A_428 {strides = array<i32>} : memref<16x2048xf32, #tpu.memory_space<vmem>>, vector<1x16xf32>,
      %broadcast_in_dim3A_429 = arith.constant 0.000000e+00 : f32
      %broadcast_in_dim3A_430 = vector.broadcast %broadcast_in_dim3A_429 : f32 to vector<16xf32>
      %swap3A_431 = arith.constant 0 : i32
      %swap3A_432 = arith.index_cast %swap3A_431 : i32 to index
      %swap3A_433 = arith.constant 704 : index
      %swap3A_434 = tpu.vector_load %arg8[%swap3A_432, %swap3A_433] {strides = array<i32>} : memref<16x2048xf32, #tpu.memory_space<vmem>>, vector<1x16xf32>,
      %swap3A_435 = vector.shape_cast %swap3A_434 : vector<1x16xf32> to vector<16xf32>
      %swap3A_436 = vector.shape_cast %broadcast_in_dim3A_430 : vector<16xf32> to vector<1x16xf32>
      tpu.vector_store %arg8[%swap3A_432, %swap3A_433], %swap3A_436 {strides = array<i32>} : memref<16x2048xf32, #tpu.memory_space<vmem>>, vector<1x16xf32>,
      %broadcast_in_dim3A_437 = arith.constant 0.000000e+00 : f32
      %broadcast_in_dim3A_438 = vector.broadcast %broadcast_in_dim3A_437 : f32 to vector<16xf32>
      %swap3A_439 = arith.constant 0 : i32
      %swap3A_440 = arith.index_cast %swap3A_439 : i32 to index
      %swap3A_441 = arith.constant 720 : index
      %swap3A_442 = tpu.vector_load %arg8[%swap3A_440, %swap3A_441] {strides = array<i32>} : memref<16x2048xf32, #tpu.memory_space<vmem>>, vector<1x16xf32>,
      %swap3A_443 = vector.shape_cast %swap3A_442 : vector<1x16xf32> to vector<16xf32>
      %swap3A_444 = vector.shape_cast %broadcast_in_dim3A_438 : vector<16xf32> to vector<1x16xf32>
      tpu.vector_store %arg8[%swap3A_440, %swap3A_441], %swap3A_444 {strides = array<i32>} : memref<16x2048xf32, #tpu.memory_space<vmem>>, vector<1x16xf32>,
      %broadcast_in_dim3A_445 = arith.constant 0.000000e+00 : f32
      %broadcast_in_dim3A_446 = vector.broadcast %broadcast_in_dim3A_445 : f32 to vector<16xf32>
      %swap3A_447 = arith.constant 0 : i32
      %swap3A_448 = arith.index_cast %swap3A_447 : i32 to index
      %swap3A_449 = arith.constant 736 : index
      %swap3A_450 = tpu.vector_load %arg8[%swap3A_448, %swap3A_449] {strides = array<i32>} : memref<16x2048xf32, #tpu.memory_space<vmem>>, vector<1x16xf32>,
      %swap3A_451 = vector.shape_cast %swap3A_450 : vector<1x16xf32> to vector<16xf32>
      %swap3A_452 = vector.shape_cast %broadcast_in_dim3A_446 : vector<16xf32> to vector<1x16xf32>
      tpu.vector_store %arg8[%swap3A_448, %swap3A_449], %swap3A_452 {strides = array<i32>} : memref<16x2048xf32, #tpu.memory_space<vmem>>, vector<1x16xf32>,
      %broadcast_in_dim3A_453 = arith.constant 0.000000e+00 : f32
      %broadcast_in_dim3A_454 = vector.broadcast %broadcast_in_dim3A_453 : f32 to vector<16xf32>
      %swap3A_455 = arith.constant 0 : i32
      %swap3A_456 = arith.index_cast %swap3A_455 : i32 to index
      %swap3A_457 = arith.constant 752 : index
      %swap3A_458 = tpu.vector_load %arg8[%swap3A_456, %swap3A_457] {strides = array<i32>} : memref<16x2048xf32, #tpu.memory_space<vmem>>, vector<1x16xf32>,
      %swap3A_459 = vector.shape_cast %swap3A_458 : vector<1x16xf32> to vector<16xf32>
      %swap3A_460 = vector.shape_cast %broadcast_in_dim3A_454 : vector<16xf32> to vector<1x16xf32>
      tpu.vector_store %arg8[%swap3A_456, %swap3A_457], %swap3A_460 {strides = array<i32>} : memref<16x2048xf32, #tpu.memory_space<vmem>>, vector<1x16xf32>,
      %broadcast_in_dim3A_461 = arith.constant 0.000000e+00 : f32
      %broadcast_in_dim3A_462 = vector.broadcast %broadcast_in_dim3A_461 : f32 to vector<16xf32>
      %swap3A_463 = arith.constant 0 : i32
      %swap3A_464 = arith.index_cast %swap3A_463 : i32 to index
      %swap3A_465 = arith.constant 768 : index
      %swap3A_466 = tpu.vector_load %arg8[%swap3A_464, %swap3A_465] {strides = array<i32>} : memref<16x2048xf32, #tpu.memory_space<vmem>>, vector<1x16xf32>,
      %swap3A_467 = vector.shape_cast %swap3A_466 : vector<1x16xf32> to vector<16xf32>
      %swap3A_468 = vector.shape_cast %broadcast_in_dim3A_462 : vector<16xf32> to vector<1x16xf32>
      tpu.vector_store %arg8[%swap3A_464, %swap3A_465], %swap3A_468 {strides = array<i32>} : memref<16x2048xf32, #tpu.memory_space<vmem>>, vector<1x16xf32>,
      %broadcast_in_dim3A_469 = arith.constant 0.000000e+00 : f32
      %broadcast_in_dim3A_470 = vector.broadcast %broadcast_in_dim3A_469 : f32 to vector<16xf32>
      %swap3A_471 = arith.constant 0 : i32
      %swap3A_472 = arith.index_cast %swap3A_471 : i32 to index
      %swap3A_473 = arith.constant 784 : index
      %swap3A_474 = tpu.vector_load %arg8[%swap3A_472, %swap3A_473] {strides = array<i32>} : memref<16x2048xf32, #tpu.memory_space<vmem>>, vector<1x16xf32>,
      %swap3A_475 = vector.shape_cast %swap3A_474 : vector<1x16xf32> to vector<16xf32>
      %swap3A_476 = vector.shape_cast %broadcast_in_dim3A_470 : vector<16xf32> to vector<1x16xf32>
      tpu.vector_store %arg8[%swap3A_472, %swap3A_473], %swap3A_476 {strides = array<i32>} : memref<16x2048xf32, #tpu.memory_space<vmem>>, vector<1x16xf32>,
      %broadcast_in_dim3A_477 = arith.constant 0.000000e+00 : f32
      %broadcast_in_dim3A_478 = vector.broadcast %broadcast_in_dim3A_477 : f32 to vector<16xf32>
      %swap3A_479 = arith.constant 0 : i32
      %swap3A_480 = arith.index_cast %swap3A_479 : i32 to index
      %swap3A_481 = arith.constant 800 : index
      %swap3A_482 = tpu.vector_load %arg8[%swap3A_480, %swap3A_481] {strides = array<i32>} : memref<16x2048xf32, #tpu.memory_space<vmem>>, vector<1x16xf32>,
      %swap3A_483 = vector.shape_cast %swap3A_482 : vector<1x16xf32> to vector<16xf32>
      %swap3A_484 = vector.shape_cast %broadcast_in_dim3A_478 : vector<16xf32> to vector<1x16xf32>
      tpu.vector_store %arg8[%swap3A_480, %swap3A_481], %swap3A_484 {strides = array<i32>} : memref<16x2048xf32, #tpu.memory_space<vmem>>, vector<1x16xf32>,
      %broadcast_in_dim3A_485 = arith.constant 0.000000e+00 : f32
      %broadcast_in_dim3A_486 = vector.broadcast %broadcast_in_dim3A_485 : f32 to vector<16xf32>
      %swap3A_487 = arith.constant 0 : i32
      %swap3A_488 = arith.index_cast %swap3A_487 : i32 to index
      %swap3A_489 = arith.constant 816 : index
      %swap3A_490 = tpu.vector_load %arg8[%swap3A_488, %swap3A_489] {strides = array<i32>} : memref<16x2048xf32, #tpu.memory_space<vmem>>, vector<1x16xf32>,
      %swap3A_491 = vector.shape_cast %swap3A_490 : vector<1x16xf32> to vector<16xf32>
      %swap3A_492 = vector.shape_cast %broadcast_in_dim3A_486 : vector<16xf32> to vector<1x16xf32>
      tpu.vector_store %arg8[%swap3A_488, %swap3A_489], %swap3A_492 {strides = array<i32>} : memref<16x2048xf32, #tpu.memory_space<vmem>>, vector<1x16xf32>,
      %broadcast_in_dim3A_493 = arith.constant 0.000000e+00 : f32
      %broadcast_in_dim3A_494 = vector.broadcast %broadcast_in_dim3A_493 : f32 to vector<16xf32>
      %swap3A_495 = arith.constant 0 : i32
      %swap3A_496 = arith.index_cast %swap3A_495 : i32 to index
      %swap3A_497 = arith.constant 832 : index
      %swap3A_498 = tpu.vector_load %arg8[%swap3A_496, %swap3A_497] {strides = array<i32>} : memref<16x2048xf32, #tpu.memory_space<vmem>>, vector<1x16xf32>,
      %swap3A_499 = vector.shape_cast %swap3A_498 : vector<1x16xf32> to vector<16xf32>
      %swap3A_500 = vector.shape_cast %broadcast_in_dim3A_494 : vector<16xf32> to vector<1x16xf32>
      tpu.vector_store %arg8[%swap3A_496, %swap3A_497], %swap3A_500 {strides = array<i32>} : memref<16x2048xf32, #tpu.memory_space<vmem>>, vector<1x16xf32>,
      %broadcast_in_dim3A_501 = arith.constant 0.000000e+00 : f32
      %broadcast_in_dim3A_502 = vector.broadcast %broadcast_in_dim3A_501 : f32 to vector<16xf32>
      %swap3A_503 = arith.constant 0 : i32
      %swap3A_504 = arith.index_cast %swap3A_503 : i32 to index
      %swap3A_505 = arith.constant 848 : index
      %swap3A_506 = tpu.vector_load %arg8[%swap3A_504, %swap3A_505] {strides = array<i32>} : memref<16x2048xf32, #tpu.memory_space<vmem>>, vector<1x16xf32>,
      %swap3A_507 = vector.shape_cast %swap3A_506 : vector<1x16xf32> to vector<16xf32>
      %swap3A_508 = vector.shape_cast %broadcast_in_dim3A_502 : vector<16xf32> to vector<1x16xf32>
      tpu.vector_store %arg8[%swap3A_504, %swap3A_505], %swap3A_508 {strides = array<i32>} : memref<16x2048xf32, #tpu.memory_space<vmem>>, vector<1x16xf32>,
      %broadcast_in_dim3A_509 = arith.constant 0.000000e+00 : f32
      %broadcast_in_dim3A_510 = vector.broadcast %broadcast_in_dim3A_509 : f32 to vector<16xf32>
      %swap3A_511 = arith.constant 0 : i32
      %swap3A_512 = arith.index_cast %swap3A_511 : i32 to index
      %swap3A_513 = arith.constant 864 : index
      %swap3A_514 = tpu.vector_load %arg8[%swap3A_512, %swap3A_513] {strides = array<i32>} : memref<16x2048xf32, #tpu.memory_space<vmem>>, vector<1x16xf32>,
      %swap3A_515 = vector.shape_cast %swap3A_514 : vector<1x16xf32> to vector<16xf32>
      %swap3A_516 = vector.shape_cast %broadcast_in_dim3A_510 : vector<16xf32> to vector<1x16xf32>
      tpu.vector_store %arg8[%swap3A_512, %swap3A_513], %swap3A_516 {strides = array<i32>} : memref<16x2048xf32, #tpu.memory_space<vmem>>, vector<1x16xf32>,
      %broadcast_in_dim3A_517 = arith.constant 0.000000e+00 : f32
      %broadcast_in_dim3A_518 = vector.broadcast %broadcast_in_dim3A_517 : f32 to vector<16xf32>
      %swap3A_519 = arith.constant 0 : i32
      %swap3A_520 = arith.index_cast %swap3A_519 : i32 to index
      %swap3A_521 = arith.constant 880 : index
      %swap3A_522 = tpu.vector_load %arg8[%swap3A_520, %swap3A_521] {strides = array<i32>} : memref<16x2048xf32, #tpu.memory_space<vmem>>, vector<1x16xf32>,
      %swap3A_523 = vector.shape_cast %swap3A_522 : vector<1x16xf32> to vector<16xf32>
      %swap3A_524 = vector.shape_cast %broadcast_in_dim3A_518 : vector<16xf32> to vector<1x16xf32>
      tpu.vector_store %arg8[%swap3A_520, %swap3A_521], %swap3A_524 {strides = array<i32>} : memref<16x2048xf32, #tpu.memory_space<vmem>>, vector<1x16xf32>,
      %broadcast_in_dim3A_525 = arith.constant 0.000000e+00 : f32
      %broadcast_in_dim3A_526 = vector.broadcast %broadcast_in_dim3A_525 : f32 to vector<16xf32>
      %swap3A_527 = arith.constant 0 : i32
      %swap3A_528 = arith.index_cast %swap3A_527 : i32 to index
      %swap3A_529 = arith.constant 896 : index
      %swap3A_530 = tpu.vector_load %arg8[%swap3A_528, %swap3A_529] {strides = array<i32>} : memref<16x2048xf32, #tpu.memory_space<vmem>>, vector<1x16xf32>,
      %swap3A_531 = vector.shape_cast %swap3A_530 : vector<1x16xf32> to vector<16xf32>
      %swap3A_532 = vector.shape_cast %broadcast_in_dim3A_526 : vector<16xf32> to vector<1x16xf32>
      tpu.vector_store %arg8[%swap3A_528, %swap3A_529], %swap3A_532 {strides = array<i32>} : memref<16x2048xf32, #tpu.memory_space<vmem>>, vector<1x16xf32>,
      %broadcast_in_dim3A_533 = arith.constant 0.000000e+00 : f32
      %broadcast_in_dim3A_534 = vector.broadcast %broadcast_in_dim3A_533 : f32 to vector<16xf32>
      %swap3A_535 = arith.constant 0 : i32
      %swap3A_536 = arith.index_cast %swap3A_535 : i32 to index
      %swap3A_537 = arith.constant 912 : index
      %swap3A_538 = tpu.vector_load %arg8[%swap3A_536, %swap3A_537] {strides = array<i32>} : memref<16x2048xf32, #tpu.memory_space<vmem>>, vector<1x16xf32>,
      %swap3A_539 = vector.shape_cast %swap3A_538 : vector<1x16xf32> to vector<16xf32>
      %swap3A_540 = vector.shape_cast %broadcast_in_dim3A_534 : vector<16xf32> to vector<1x16xf32>
      tpu.vector_store %arg8[%swap3A_536, %swap3A_537], %swap3A_540 {strides = array<i32>} : memref<16x2048xf32, #tpu.memory_space<vmem>>, vector<1x16xf32>,
      %broadcast_in_dim3A_541 = arith.constant 0.000000e+00 : f32
      %broadcast_in_dim3A_542 = vector.broadcast %broadcast_in_dim3A_541 : f32 to vector<16xf32>
      %swap3A_543 = arith.constant 0 : i32
      %swap3A_544 = arith.index_cast %swap3A_543 : i32 to index
      %swap3A_545 = arith.constant 928 : index
      %swap3A_546 = tpu.vector_load %arg8[%swap3A_544, %swap3A_545] {strides = array<i32>} : memref<16x2048xf32, #tpu.memory_space<vmem>>, vector<1x16xf32>,
      %swap3A_547 = vector.shape_cast %swap3A_546 : vector<1x16xf32> to vector<16xf32>
      %swap3A_548 = vector.shape_cast %broadcast_in_dim3A_542 : vector<16xf32> to vector<1x16xf32>
      tpu.vector_store %arg8[%swap3A_544, %swap3A_545], %swap3A_548 {strides = array<i32>} : memref<16x2048xf32, #tpu.memory_space<vmem>>, vector<1x16xf32>,
      %broadcast_in_dim3A_549 = arith.constant 0.000000e+00 : f32
      %broadcast_in_dim3A_550 = vector.broadcast %broadcast_in_dim3A_549 : f32 to vector<16xf32>
      %swap3A_551 = arith.constant 0 : i32
      %swap3A_552 = arith.index_cast %swap3A_551 : i32 to index
      %swap3A_553 = arith.constant 944 : index
      %swap3A_554 = tpu.vector_load %arg8[%swap3A_552, %swap3A_553] {strides = array<i32>} : memref<16x2048xf32, #tpu.memory_space<vmem>>, vector<1x16xf32>,
      %swap3A_555 = vector.shape_cast %swap3A_554 : vector<1x16xf32> to vector<16xf32>
      %swap3A_556 = vector.shape_cast %broadcast_in_dim3A_550 : vector<16xf32> to vector<1x16xf32>
      tpu.vector_store %arg8[%swap3A_552, %swap3A_553], %swap3A_556 {strides = array<i32>} : memref<16x2048xf32, #tpu.memory_space<vmem>>, vector<1x16xf32>,
      %broadcast_in_dim3A_557 = arith.constant 0.000000e+00 : f32
      %broadcast_in_dim3A_558 = vector.broadcast %broadcast_in_dim3A_557 : f32 to vector<16xf32>
      %swap3A_559 = arith.constant 0 : i32
      %swap3A_560 = arith.index_cast %swap3A_559 : i32 to index
      %swap3A_561 = arith.constant 960 : index
      %swap3A_562 = tpu.vector_load %arg8[%swap3A_560, %swap3A_561] {strides = array<i32>} : memref<16x2048xf32, #tpu.memory_space<vmem>>, vector<1x16xf32>,
      %swap3A_563 = vector.shape_cast %swap3A_562 : vector<1x16xf32> to vector<16xf32>
      %swap3A_564 = vector.shape_cast %broadcast_in_dim3A_558 : vector<16xf32> to vector<1x16xf32>
      tpu.vector_store %arg8[%swap3A_560, %swap3A_561], %swap3A_564 {strides = array<i32>} : memref<16x2048xf32, #tpu.memory_space<vmem>>, vector<1x16xf32>,
      %broadcast_in_dim3A_565 = arith.constant 0.000000e+00 : f32
      %broadcast_in_dim3A_566 = vector.broadcast %broadcast_in_dim3A_565 : f32 to vector<16xf32>
      %swap3A_567 = arith.constant 0 : i32
      %swap3A_568 = arith.index_cast %swap3A_567 : i32 to index
      %swap3A_569 = arith.constant 976 : index
      %swap3A_570 = tpu.vector_load %arg8[%swap3A_568, %swap3A_569] {strides = array<i32>} : memref<16x2048xf32, #tpu.memory_space<vmem>>, vector<1x16xf32>,
      %swap3A_571 = vector.shape_cast %swap3A_570 : vector<1x16xf32> to vector<16xf32>
      %swap3A_572 = vector.shape_cast %broadcast_in_dim3A_566 : vector<16xf32> to vector<1x16xf32>
      tpu.vector_store %arg8[%swap3A_568, %swap3A_569], %swap3A_572 {strides = array<i32>} : memref<16x2048xf32, #tpu.memory_space<vmem>>, vector<1x16xf32>,
      %broadcast_in_dim3A_573 = arith.constant 0.000000e+00 : f32
      %broadcast_in_dim3A_574 = vector.broadcast %broadcast_in_dim3A_573 : f32 to vector<16xf32>
      %swap3A_575 = arith.constant 0 : i32
      %swap3A_576 = arith.index_cast %swap3A_575 : i32 to index
      %swap3A_577 = arith.constant 992 : index
      %swap3A_578 = tpu.vector_load %arg8[%swap3A_576, %swap3A_577] {strides = array<i32>} : memref<16x2048xf32, #tpu.memory_space<vmem>>, vector<1x16xf32>,
      %swap3A_579 = vector.shape_cast %swap3A_578 : vector<1x16xf32> to vector<16xf32>
      %swap3A_580 = vector.shape_cast %broadcast_in_dim3A_574 : vector<16xf32> to vector<1x16xf32>
      tpu.vector_store %arg8[%swap3A_576, %swap3A_577], %swap3A_580 {strides = array<i32>} : memref<16x2048xf32, #tpu.memory_space<vmem>>, vector<1x16xf32>,
      %broadcast_in_dim3A_581 = arith.constant 0.000000e+00 : f32
      %broadcast_in_dim3A_582 = vector.broadcast %broadcast_in_dim3A_581 : f32 to vector<16xf32>
      %swap3A_583 = arith.constant 0 : i32
      %swap3A_584 = arith.index_cast %swap3A_583 : i32 to index
      %swap3A_585 = arith.constant 1008 : index
      %swap3A_586 = tpu.vector_load %arg8[%swap3A_584, %swap3A_585] {strides = array<i32>} : memref<16x2048xf32, #tpu.memory_space<vmem>>, vector<1x16xf32>,
      %swap3A_587 = vector.shape_cast %swap3A_586 : vector<1x16xf32> to vector<16xf32>
      %swap3A_588 = vector.shape_cast %broadcast_in_dim3A_582 : vector<16xf32> to vector<1x16xf32>
      tpu.vector_store %arg8[%swap3A_584, %swap3A_585], %swap3A_588 {strides = array<i32>} : memref<16x2048xf32, #tpu.memory_space<vmem>>, vector<1x16xf32>,
      %broadcast_in_dim3A_589 = arith.constant 0.000000e+00 : f32
      %broadcast_in_dim3A_590 = vector.broadcast %broadcast_in_dim3A_589 : f32 to vector<16xf32>
      %swap3A_591 = arith.constant 0 : i32
      %swap3A_592 = arith.index_cast %swap3A_591 : i32 to index
      %swap3A_593 = arith.constant 1024 : index
      %swap3A_594 = tpu.vector_load %arg8[%swap3A_592, %swap3A_593] {strides = array<i32>} : memref<16x2048xf32, #tpu.memory_space<vmem>>, vector<1x16xf32>,
      %swap3A_595 = vector.shape_cast %swap3A_594 : vector<1x16xf32> to vector<16xf32>
      %swap3A_596 = vector.shape_cast %broadcast_in_dim3A_590 : vector<16xf32> to vector<1x16xf32>
      tpu.vector_store %arg8[%swap3A_592, %swap3A_593], %swap3A_596 {strides = array<i32>} : memref<16x2048xf32, #tpu.memory_space<vmem>>, vector<1x16xf32>,
      %broadcast_in_dim3A_597 = arith.constant 0.000000e+00 : f32
      %broadcast_in_dim3A_598 = vector.broadcast %broadcast_in_dim3A_597 : f32 to vector<16xf32>
      %swap3A_599 = arith.constant 0 : i32
      %swap3A_600 = arith.index_cast %swap3A_599 : i32 to index
      %swap3A_601 = arith.constant 1040 : index
      %swap3A_602 = tpu.vector_load %arg8[%swap3A_600, %swap3A_601] {strides = array<i32>} : memref<16x2048xf32, #tpu.memory_space<vmem>>, vector<1x16xf32>,
      %swap3A_603 = vector.shape_cast %swap3A_602 : vector<1x16xf32> to vector<16xf32>
      %swap3A_604 = vector.shape_cast %broadcast_in_dim3A_598 : vector<16xf32> to vector<1x16xf32>
      tpu.vector_store %arg8[%swap3A_600, %swap3A_601], %swap3A_604 {strides = array<i32>} : memref<16x2048xf32, #tpu.memory_space<vmem>>, vector<1x16xf32>,
      %broadcast_in_dim3A_605 = arith.constant 0.000000e+00 : f32
      %broadcast_in_dim3A_606 = vector.broadcast %broadcast_in_dim3A_605 : f32 to vector<16xf32>
      %swap3A_607 = arith.constant 0 : i32
      %swap3A_608 = arith.index_cast %swap3A_607 : i32 to index
      %swap3A_609 = arith.constant 1056 : index
      %swap3A_610 = tpu.vector_load %arg8[%swap3A_608, %swap3A_609] {strides = array<i32>} : memref<16x2048xf32, #tpu.memory_space<vmem>>, vector<1x16xf32>,
      %swap3A_611 = vector.shape_cast %swap3A_610 : vector<1x16xf32> to vector<16xf32>
      %swap3A_612 = vector.shape_cast %broadcast_in_dim3A_606 : vector<16xf32> to vector<1x16xf32>
      tpu.vector_store %arg8[%swap3A_608, %swap3A_609], %swap3A_612 {strides = array<i32>} : memref<16x2048xf32, #tpu.memory_space<vmem>>, vector<1x16xf32>,
      %broadcast_in_dim3A_613 = arith.constant 0.000000e+00 : f32
      %broadcast_in_dim3A_614 = vector.broadcast %broadcast_in_dim3A_613 : f32 to vector<16xf32>
      %swap3A_615 = arith.constant 0 : i32
      %swap3A_616 = arith.index_cast %swap3A_615 : i32 to index
      %swap3A_617 = arith.constant 1072 : index
      %swap3A_618 = tpu.vector_load %arg8[%swap3A_616, %swap3A_617] {strides = array<i32>} : memref<16x2048xf32, #tpu.memory_space<vmem>>, vector<1x16xf32>,
      %swap3A_619 = vector.shape_cast %swap3A_618 : vector<1x16xf32> to vector<16xf32>
      %swap3A_620 = vector.shape_cast %broadcast_in_dim3A_614 : vector<16xf32> to vector<1x16xf32>
      tpu.vector_store %arg8[%swap3A_616, %swap3A_617], %swap3A_620 {strides = array<i32>} : memref<16x2048xf32, #tpu.memory_space<vmem>>, vector<1x16xf32>,
      %broadcast_in_dim3A_621 = arith.constant 0.000000e+00 : f32
      %broadcast_in_dim3A_622 = vector.broadcast %broadcast_in_dim3A_621 : f32 to vector<16xf32>
      %swap3A_623 = arith.constant 0 : i32
      %swap3A_624 = arith.index_cast %swap3A_623 : i32 to index
      %swap3A_625 = arith.constant 1088 : index
      %swap3A_626 = tpu.vector_load %arg8[%swap3A_624, %swap3A_625] {strides = array<i32>} : memref<16x2048xf32, #tpu.memory_space<vmem>>, vector<1x16xf32>,
      %swap3A_627 = vector.shape_cast %swap3A_626 : vector<1x16xf32> to vector<16xf32>
      %swap3A_628 = vector.shape_cast %broadcast_in_dim3A_622 : vector<16xf32> to vector<1x16xf32>
      tpu.vector_store %arg8[%swap3A_624, %swap3A_625], %swap3A_628 {strides = array<i32>} : memref<16x2048xf32, #tpu.memory_space<vmem>>, vector<1x16xf32>,
      %broadcast_in_dim3A_629 = arith.constant 0.000000e+00 : f32
      %broadcast_in_dim3A_630 = vector.broadcast %broadcast_in_dim3A_629 : f32 to vector<16xf32>
      %swap3A_631 = arith.constant 0 : i32
      %swap3A_632 = arith.index_cast %swap3A_631 : i32 to index
      %swap3A_633 = arith.constant 1104 : index
      %swap3A_634 = tpu.vector_load %arg8[%swap3A_632, %swap3A_633] {strides = array<i32>} : memref<16x2048xf32, #tpu.memory_space<vmem>>, vector<1x16xf32>,
      %swap3A_635 = vector.shape_cast %swap3A_634 : vector<1x16xf32> to vector<16xf32>
      %swap3A_636 = vector.shape_cast %broadcast_in_dim3A_630 : vector<16xf32> to vector<1x16xf32>
      tpu.vector_store %arg8[%swap3A_632, %swap3A_633], %swap3A_636 {strides = array<i32>} : memref<16x2048xf32, #tpu.memory_space<vmem>>, vector<1x16xf32>,
      %broadcast_in_dim3A_637 = arith.constant 0.000000e+00 : f32
      %broadcast_in_dim3A_638 = vector.broadcast %broadcast_in_dim3A_637 : f32 to vector<16xf32>
      %swap3A_639 = arith.constant 0 : i32
      %swap3A_640 = arith.index_cast %swap3A_639 : i32 to index
      %swap3A_641 = arith.constant 1120 : index
      %swap3A_642 = tpu.vector_load %arg8[%swap3A_640, %swap3A_641] {strides = array<i32>} : memref<16x2048xf32, #tpu.memory_space<vmem>>, vector<1x16xf32>,
      %swap3A_643 = vector.shape_cast %swap3A_642 : vector<1x16xf32> to vector<16xf32>
      %swap3A_644 = vector.shape_cast %broadcast_in_dim3A_638 : vector<16xf32> to vector<1x16xf32>
      tpu.vector_store %arg8[%swap3A_640, %swap3A_641], %swap3A_644 {strides = array<i32>} : memref<16x2048xf32, #tpu.memory_space<vmem>>, vector<1x16xf32>,
      %broadcast_in_dim3A_645 = arith.constant 0.000000e+00 : f32
      %broadcast_in_dim3A_646 = vector.broadcast %broadcast_in_dim3A_645 : f32 to vector<16xf32>
      %swap3A_647 = arith.constant 0 : i32
      %swap3A_648 = arith.index_cast %swap3A_647 : i32 to index
      %swap3A_649 = arith.constant 1136 : index
      %swap3A_650 = tpu.vector_load %arg8[%swap3A_648, %swap3A_649] {strides = array<i32>} : memref<16x2048xf32, #tpu.memory_space<vmem>>, vector<1x16xf32>,
      %swap3A_651 = vector.shape_cast %swap3A_650 : vector<1x16xf32> to vector<16xf32>
      %swap3A_652 = vector.shape_cast %broadcast_in_dim3A_646 : vector<16xf32> to vector<1x16xf32>
      tpu.vector_store %arg8[%swap3A_648, %swap3A_649], %swap3A_652 {strides = array<i32>} : memref<16x2048xf32, #tpu.memory_space<vmem>>, vector<1x16xf32>,
      %broadcast_in_dim3A_653 = arith.constant 0.000000e+00 : f32
      %broadcast_in_dim3A_654 = vector.broadcast %broadcast_in_dim3A_653 : f32 to vector<16xf32>
      %swap3A_655 = arith.constant 0 : i32
      %swap3A_656 = arith.index_cast %swap3A_655 : i32 to index
      %swap3A_657 = arith.constant 1152 : index
      %swap3A_658 = tpu.vector_load %arg8[%swap3A_656, %swap3A_657] {strides = array<i32>} : memref<16x2048xf32, #tpu.memory_space<vmem>>, vector<1x16xf32>,
      %swap3A_659 = vector.shape_cast %swap3A_658 : vector<1x16xf32> to vector<16xf32>
      %swap3A_660 = vector.shape_cast %broadcast_in_dim3A_654 : vector<16xf32> to vector<1x16xf32>
      tpu.vector_store %arg8[%swap3A_656, %swap3A_657], %swap3A_660 {strides = array<i32>} : memref<16x2048xf32, #tpu.memory_space<vmem>>, vector<1x16xf32>,
      %broadcast_in_dim3A_661 = arith.constant 0.000000e+00 : f32
      %broadcast_in_dim3A_662 = vector.broadcast %broadcast_in_dim3A_661 : f32 to vector<16xf32>
      %swap3A_663 = arith.constant 0 : i32
      %swap3A_664 = arith.index_cast %swap3A_663 : i32 to index
      %swap3A_665 = arith.constant 1168 : index
      %swap3A_666 = tpu.vector_load %arg8[%swap3A_664, %swap3A_665] {strides = array<i32>} : memref<16x2048xf32, #tpu.memory_space<vmem>>, vector<1x16xf32>,
      %swap3A_667 = vector.shape_cast %swap3A_666 : vector<1x16xf32> to vector<16xf32>
      %swap3A_668 = vector.shape_cast %broadcast_in_dim3A_662 : vector<16xf32> to vector<1x16xf32>
      tpu.vector_store %arg8[%swap3A_664, %swap3A_665], %swap3A_668 {strides = array<i32>} : memref<16x2048xf32, #tpu.memory_space<vmem>>, vector<1x16xf32>,
      %broadcast_in_dim3A_669 = arith.constant 0.000000e+00 : f32
      %broadcast_in_dim3A_670 = vector.broadcast %broadcast_in_dim3A_669 : f32 to vector<16xf32>
      %swap3A_671 = arith.constant 0 : i32
      %swap3A_672 = arith.index_cast %swap3A_671 : i32 to index
      %swap3A_673 = arith.constant 1184 : index
      %swap3A_674 = tpu.vector_load %arg8[%swap3A_672, %swap3A_673] {strides = array<i32>} : memref<16x2048xf32, #tpu.memory_space<vmem>>, vector<1x16xf32>,
      %swap3A_675 = vector.shape_cast %swap3A_674 : vector<1x16xf32> to vector<16xf32>
      %swap3A_676 = vector.shape_cast %broadcast_in_dim3A_670 : vector<16xf32> to vector<1x16xf32>
      tpu.vector_store %arg8[%swap3A_672, %swap3A_673], %swap3A_676 {strides = array<i32>} : memref<16x2048xf32, #tpu.memory_space<vmem>>, vector<1x16xf32>,
      %broadcast_in_dim3A_677 = arith.constant 0.000000e+00 : f32
      %broadcast_in_dim3A_678 = vector.broadcast %broadcast_in_dim3A_677 : f32 to vector<16xf32>
      %swap3A_679 = arith.constant 0 : i32
      %swap3A_680 = arith.index_cast %swap3A_679 : i32 to index
      %swap3A_681 = arith.constant 1200 : index
      %swap3A_682 = tpu.vector_load %arg8[%swap3A_680, %swap3A_681] {strides = array<i32>} : memref<16x2048xf32, #tpu.memory_space<vmem>>, vector<1x16xf32>,
      %swap3A_683 = vector.shape_cast %swap3A_682 : vector<1x16xf32> to vector<16xf32>
      %swap3A_684 = vector.shape_cast %broadcast_in_dim3A_678 : vector<16xf32> to vector<1x16xf32>
      tpu.vector_store %arg8[%swap3A_680, %swap3A_681], %swap3A_684 {strides = array<i32>} : memref<16x2048xf32, #tpu.memory_space<vmem>>, vector<1x16xf32>,
      %broadcast_in_dim3A_685 = arith.constant 0.000000e+00 : f32
      %broadcast_in_dim3A_686 = vector.broadcast %broadcast_in_dim3A_685 : f32 to vector<16xf32>
      %swap3A_687 = arith.constant 0 : i32
      %swap3A_688 = arith.index_cast %swap3A_687 : i32 to index
      %swap3A_689 = arith.constant 1216 : index
      %swap3A_690 = tpu.vector_load %arg8[%swap3A_688, %swap3A_689] {strides = array<i32>} : memref<16x2048xf32, #tpu.memory_space<vmem>>, vector<1x16xf32>,
      %swap3A_691 = vector.shape_cast %swap3A_690 : vector<1x16xf32> to vector<16xf32>
      %swap3A_692 = vector.shape_cast %broadcast_in_dim3A_686 : vector<16xf32> to vector<1x16xf32>
      tpu.vector_store %arg8[%swap3A_688, %swap3A_689], %swap3A_692 {strides = array<i32>} : memref<16x2048xf32, #tpu.memory_space<vmem>>, vector<1x16xf32>,
      %broadcast_in_dim3A_693 = arith.constant 0.000000e+00 : f32
      %broadcast_in_dim3A_694 = vector.broadcast %broadcast_in_dim3A_693 : f32 to vector<16xf32>
      %swap3A_695 = arith.constant 0 : i32
      %swap3A_696 = arith.index_cast %swap3A_695 : i32 to index
      %swap3A_697 = arith.constant 1232 : index
      %swap3A_698 = tpu.vector_load %arg8[%swap3A_696, %swap3A_697] {strides = array<i32>} : memref<16x2048xf32, #tpu.memory_space<vmem>>, vector<1x16xf32>,
      %swap3A_699 = vector.shape_cast %swap3A_698 : vector<1x16xf32> to vector<16xf32>
      %swap3A_700 = vector.shape_cast %broadcast_in_dim3A_694 : vector<16xf32> to vector<1x16xf32>
      tpu.vector_store %arg8[%swap3A_696, %swap3A_697], %swap3A_700 {strides = array<i32>} : memref<16x2048xf32, #tpu.memory_space<vmem>>, vector<1x16xf32>,
      %broadcast_in_dim3A_701 = arith.constant 0.000000e+00 : f32
      %broadcast_in_dim3A_702 = vector.broadcast %broadcast_in_dim3A_701 : f32 to vector<16xf32>
      %swap3A_703 = arith.constant 0 : i32
      %swap3A_704 = arith.index_cast %swap3A_703 : i32 to index
      %swap3A_705 = arith.constant 1248 : index
      %swap3A_706 = tpu.vector_load %arg8[%swap3A_704, %swap3A_705] {strides = array<i32>} : memref<16x2048xf32, #tpu.memory_space<vmem>>, vector<1x16xf32>,
      %swap3A_707 = vector.shape_cast %swap3A_706 : vector<1x16xf32> to vector<16xf32>
      %swap3A_708 = vector.shape_cast %broadcast_in_dim3A_702 : vector<16xf32> to vector<1x16xf32>
      tpu.vector_store %arg8[%swap3A_704, %swap3A_705], %swap3A_708 {strides = array<i32>} : memref<16x2048xf32, #tpu.memory_space<vmem>>, vector<1x16xf32>,
      %broadcast_in_dim3A_709 = arith.constant 0.000000e+00 : f32
      %broadcast_in_dim3A_710 = vector.broadcast %broadcast_in_dim3A_709 : f32 to vector<16xf32>
      %swap3A_711 = arith.constant 0 : i32
      %swap3A_712 = arith.index_cast %swap3A_711 : i32 to index
      %swap3A_713 = arith.constant 1264 : index
      %swap3A_714 = tpu.vector_load %arg8[%swap3A_712, %swap3A_713] {strides = array<i32>} : memref<16x2048xf32, #tpu.memory_space<vmem>>, vector<1x16xf32>,
      %swap3A_715 = vector.shape_cast %swap3A_714 : vector<1x16xf32> to vector<16xf32>
      %swap3A_716 = vector.shape_cast %broadcast_in_dim3A_710 : vector<16xf32> to vector<1x16xf32>
      tpu.vector_store %arg8[%swap3A_712, %swap3A_713], %swap3A_716 {strides = array<i32>} : memref<16x2048xf32, #tpu.memory_space<vmem>>, vector<1x16xf32>,
      %broadcast_in_dim3A_717 = arith.constant 0.000000e+00 : f32
      %broadcast_in_dim3A_718 = vector.broadcast %broadcast_in_dim3A_717 : f32 to vector<16xf32>
      %swap3A_719 = arith.constant 0 : i32
      %swap3A_720 = arith.index_cast %swap3A_719 : i32 to index
      %swap3A_721 = arith.constant 1280 : index
      %swap3A_722 = tpu.vector_load %arg8[%swap3A_720, %swap3A_721] {strides = array<i32>} : memref<16x2048xf32, #tpu.memory_space<vmem>>, vector<1x16xf32>,
      %swap3A_723 = vector.shape_cast %swap3A_722 : vector<1x16xf32> to vector<16xf32>
      %swap3A_724 = vector.shape_cast %broadcast_in_dim3A_718 : vector<16xf32> to vector<1x16xf32>
      tpu.vector_store %arg8[%swap3A_720, %swap3A_721], %swap3A_724 {strides = array<i32>} : memref<16x2048xf32, #tpu.memory_space<vmem>>, vector<1x16xf32>,
      %broadcast_in_dim3A_725 = arith.constant 0.000000e+00 : f32
      %broadcast_in_dim3A_726 = vector.broadcast %broadcast_in_dim3A_725 : f32 to vector<16xf32>
      %swap3A_727 = arith.constant 0 : i32
      %swap3A_728 = arith.index_cast %swap3A_727 : i32 to index
      %swap3A_729 = arith.constant 1296 : index
      %swap3A_730 = tpu.vector_load %arg8[%swap3A_728, %swap3A_729] {strides = array<i32>} : memref<16x2048xf32, #tpu.memory_space<vmem>>, vector<1x16xf32>,
      %swap3A_731 = vector.shape_cast %swap3A_730 : vector<1x16xf32> to vector<16xf32>
      %swap3A_732 = vector.shape_cast %broadcast_in_dim3A_726 : vector<16xf32> to vector<1x16xf32>
      tpu.vector_store %arg8[%swap3A_728, %swap3A_729], %swap3A_732 {strides = array<i32>} : memref<16x2048xf32, #tpu.memory_space<vmem>>, vector<1x16xf32>,
      %broadcast_in_dim3A_733 = arith.constant 0.000000e+00 : f32
      %broadcast_in_dim3A_734 = vector.broadcast %broadcast_in_dim3A_733 : f32 to vector<16xf32>
      %swap3A_735 = arith.constant 0 : i32
      %swap3A_736 = arith.index_cast %swap3A_735 : i32 to index
      %swap3A_737 = arith.constant 1312 : index
      %swap3A_738 = tpu.vector_load %arg8[%swap3A_736, %swap3A_737] {strides = array<i32>} : memref<16x2048xf32, #tpu.memory_space<vmem>>, vector<1x16xf32>,
      %swap3A_739 = vector.shape_cast %swap3A_738 : vector<1x16xf32> to vector<16xf32>
      %swap3A_740 = vector.shape_cast %broadcast_in_dim3A_734 : vector<16xf32> to vector<1x16xf32>
      tpu.vector_store %arg8[%swap3A_736, %swap3A_737], %swap3A_740 {strides = array<i32>} : memref<16x2048xf32, #tpu.memory_space<vmem>>, vector<1x16xf32>,
      %broadcast_in_dim3A_741 = arith.constant 0.000000e+00 : f32
      %broadcast_in_dim3A_742 = vector.broadcast %broadcast_in_dim3A_741 : f32 to vector<16xf32>
      %swap3A_743 = arith.constant 0 : i32
      %swap3A_744 = arith.index_cast %swap3A_743 : i32 to index
      %swap3A_745 = arith.constant 1328 : index
      %swap3A_746 = tpu.vector_load %arg8[%swap3A_744, %swap3A_745] {strides = array<i32>} : memref<16x2048xf32, #tpu.memory_space<vmem>>, vector<1x16xf32>,
      %swap3A_747 = vector.shape_cast %swap3A_746 : vector<1x16xf32> to vector<16xf32>
      %swap3A_748 = vector.shape_cast %broadcast_in_dim3A_742 : vector<16xf32> to vector<1x16xf32>
      tpu.vector_store %arg8[%swap3A_744, %swap3A_745], %swap3A_748 {strides = array<i32>} : memref<16x2048xf32, #tpu.memory_space<vmem>>, vector<1x16xf32>,
      %broadcast_in_dim3A_749 = arith.constant 0.000000e+00 : f32
      %broadcast_in_dim3A_750 = vector.broadcast %broadcast_in_dim3A_749 : f32 to vector<16xf32>
      %swap3A_751 = arith.constant 0 : i32
      %swap3A_752 = arith.index_cast %swap3A_751 : i32 to index
      %swap3A_753 = arith.constant 1344 : index
      %swap3A_754 = tpu.vector_load %arg8[%swap3A_752, %swap3A_753] {strides = array<i32>} : memref<16x2048xf32, #tpu.memory_space<vmem>>, vector<1x16xf32>,
      %swap3A_755 = vector.shape_cast %swap3A_754 : vector<1x16xf32> to vector<16xf32>
      %swap3A_756 = vector.shape_cast %broadcast_in_dim3A_750 : vector<16xf32> to vector<1x16xf32>
      tpu.vector_store %arg8[%swap3A_752, %swap3A_753], %swap3A_756 {strides = array<i32>} : memref<16x2048xf32, #tpu.memory_space<vmem>>, vector<1x16xf32>,
      %broadcast_in_dim3A_757 = arith.constant 0.000000e+00 : f32
      %broadcast_in_dim3A_758 = vector.broadcast %broadcast_in_dim3A_757 : f32 to vector<16xf32>
      %swap3A_759 = arith.constant 0 : i32
      %swap3A_760 = arith.index_cast %swap3A_759 : i32 to index
      %swap3A_761 = arith.constant 1360 : index
      %swap3A_762 = tpu.vector_load %arg8[%swap3A_760, %swap3A_761] {strides = array<i32>} : memref<16x2048xf32, #tpu.memory_space<vmem>>, vector<1x16xf32>,
      %swap3A_763 = vector.shape_cast %swap3A_762 : vector<1x16xf32> to vector<16xf32>
      %swap3A_764 = vector.shape_cast %broadcast_in_dim3A_758 : vector<16xf32> to vector<1x16xf32>
      tpu.vector_store %arg8[%swap3A_760, %swap3A_761], %swap3A_764 {strides = array<i32>} : memref<16x2048xf32, #tpu.memory_space<vmem>>, vector<1x16xf32>,
      %broadcast_in_dim3A_765 = arith.constant 0.000000e+00 : f32
      %broadcast_in_dim3A_766 = vector.broadcast %broadcast_in_dim3A_765 : f32 to vector<16xf32>
      %swap3A_767 = arith.constant 0 : i32
      %swap3A_768 = arith.index_cast %swap3A_767 : i32 to index
      %swap3A_769 = arith.constant 1376 : index
      %swap3A_770 = tpu.vector_load %arg8[%swap3A_768, %swap3A_769] {strides = array<i32>} : memref<16x2048xf32, #tpu.memory_space<vmem>>, vector<1x16xf32>,
      %swap3A_771 = vector.shape_cast %swap3A_770 : vector<1x16xf32> to vector<16xf32>
      %swap3A_772 = vector.shape_cast %broadcast_in_dim3A_766 : vector<16xf32> to vector<1x16xf32>
      tpu.vector_store %arg8[%swap3A_768, %swap3A_769], %swap3A_772 {strides = array<i32>} : memref<16x2048xf32, #tpu.memory_space<vmem>>, vector<1x16xf32>,
      %broadcast_in_dim3A_773 = arith.constant 0.000000e+00 : f32
      %broadcast_in_dim3A_774 = vector.broadcast %broadcast_in_dim3A_773 : f32 to vector<16xf32>
      %swap3A_775 = arith.constant 0 : i32
      %swap3A_776 = arith.index_cast %swap3A_775 : i32 to index
      %swap3A_777 = arith.constant 1392 : index
      %swap3A_778 = tpu.vector_load %arg8[%swap3A_776, %swap3A_777] {strides = array<i32>} : memref<16x2048xf32, #tpu.memory_space<vmem>>, vector<1x16xf32>,
      %swap3A_779 = vector.shape_cast %swap3A_778 : vector<1x16xf32> to vector<16xf32>
      %swap3A_780 = vector.shape_cast %broadcast_in_dim3A_774 : vector<16xf32> to vector<1x16xf32>
      tpu.vector_store %arg8[%swap3A_776, %swap3A_777], %swap3A_780 {strides = array<i32>} : memref<16x2048xf32, #tpu.memory_space<vmem>>, vector<1x16xf32>,
      %broadcast_in_dim3A_781 = arith.constant 0.000000e+00 : f32
      %broadcast_in_dim3A_782 = vector.broadcast %broadcast_in_dim3A_781 : f32 to vector<16xf32>
      %swap3A_783 = arith.constant 0 : i32
      %swap3A_784 = arith.index_cast %swap3A_783 : i32 to index
      %swap3A_785 = arith.constant 1408 : index
      %swap3A_786 = tpu.vector_load %arg8[%swap3A_784, %swap3A_785] {strides = array<i32>} : memref<16x2048xf32, #tpu.memory_space<vmem>>, vector<1x16xf32>,
      %swap3A_787 = vector.shape_cast %swap3A_786 : vector<1x16xf32> to vector<16xf32>
      %swap3A_788 = vector.shape_cast %broadcast_in_dim3A_782 : vector<16xf32> to vector<1x16xf32>
      tpu.vector_store %arg8[%swap3A_784, %swap3A_785], %swap3A_788 {strides = array<i32>} : memref<16x2048xf32, #tpu.memory_space<vmem>>, vector<1x16xf32>,
      %broadcast_in_dim3A_789 = arith.constant 0.000000e+00 : f32
      %broadcast_in_dim3A_790 = vector.broadcast %broadcast_in_dim3A_789 : f32 to vector<16xf32>
      %swap3A_791 = arith.constant 0 : i32
      %swap3A_792 = arith.index_cast %swap3A_791 : i32 to index
      %swap3A_793 = arith.constant 1424 : index
      %swap3A_794 = tpu.vector_load %arg8[%swap3A_792, %swap3A_793] {strides = array<i32>} : memref<16x2048xf32, #tpu.memory_space<vmem>>, vector<1x16xf32>,
      %swap3A_795 = vector.shape_cast %swap3A_794 : vector<1x16xf32> to vector<16xf32>
      %swap3A_796 = vector.shape_cast %broadcast_in_dim3A_790 : vector<16xf32> to vector<1x16xf32>
      tpu.vector_store %arg8[%swap3A_792, %swap3A_793], %swap3A_796 {strides = array<i32>} : memref<16x2048xf32, #tpu.memory_space<vmem>>, vector<1x16xf32>,
      %broadcast_in_dim3A_797 = arith.constant 0.000000e+00 : f32
      %broadcast_in_dim3A_798 = vector.broadcast %broadcast_in_dim3A_797 : f32 to vector<16xf32>
      %swap3A_799 = arith.constant 0 : i32
      %swap3A_800 = arith.index_cast %swap3A_799 : i32 to index
      %swap3A_801 = arith.constant 1440 : index
      %swap3A_802 = tpu.vector_load %arg8[%swap3A_800, %swap3A_801] {strides = array<i32>} : memref<16x2048xf32, #tpu.memory_space<vmem>>, vector<1x16xf32>,
      %swap3A_803 = vector.shape_cast %swap3A_802 : vector<1x16xf32> to vector<16xf32>
      %swap3A_804 = vector.shape_cast %broadcast_in_dim3A_798 : vector<16xf32> to vector<1x16xf32>
      tpu.vector_store %arg8[%swap3A_800, %swap3A_801], %swap3A_804 {strides = array<i32>} : memref<16x2048xf32, #tpu.memory_space<vmem>>, vector<1x16xf32>,
      %broadcast_in_dim3A_805 = arith.constant 0.000000e+00 : f32
      %broadcast_in_dim3A_806 = vector.broadcast %broadcast_in_dim3A_805 : f32 to vector<16xf32>
      %swap3A_807 = arith.constant 0 : i32
      %swap3A_808 = arith.index_cast %swap3A_807 : i32 to index
      %swap3A_809 = arith.constant 1456 : index
      %swap3A_810 = tpu.vector_load %arg8[%swap3A_808, %swap3A_809] {strides = array<i32>} : memref<16x2048xf32, #tpu.memory_space<vmem>>, vector<1x16xf32>,
      %swap3A_811 = vector.shape_cast %swap3A_810 : vector<1x16xf32> to vector<16xf32>
      %swap3A_812 = vector.shape_cast %broadcast_in_dim3A_806 : vector<16xf32> to vector<1x16xf32>
      tpu.vector_store %arg8[%swap3A_808, %swap3A_809], %swap3A_812 {strides = array<i32>} : memref<16x2048xf32, #tpu.memory_space<vmem>>, vector<1x16xf32>,
      %broadcast_in_dim3A_813 = arith.constant 0.000000e+00 : f32
      %broadcast_in_dim3A_814 = vector.broadcast %broadcast_in_dim3A_813 : f32 to vector<16xf32>
      %swap3A_815 = arith.constant 0 : i32
      %swap3A_816 = arith.index_cast %swap3A_815 : i32 to index
      %swap3A_817 = arith.constant 1472 : index
      %swap3A_818 = tpu.vector_load %arg8[%swap3A_816, %swap3A_817] {strides = array<i32>} : memref<16x2048xf32, #tpu.memory_space<vmem>>, vector<1x16xf32>,
      %swap3A_819 = vector.shape_cast %swap3A_818 : vector<1x16xf32> to vector<16xf32>
      %swap3A_820 = vector.shape_cast %broadcast_in_dim3A_814 : vector<16xf32> to vector<1x16xf32>
      tpu.vector_store %arg8[%swap3A_816, %swap3A_817], %swap3A_820 {strides = array<i32>} : memref<16x2048xf32, #tpu.memory_space<vmem>>, vector<1x16xf32>,
      %broadcast_in_dim3A_821 = arith.constant 0.000000e+00 : f32
      %broadcast_in_dim3A_822 = vector.broadcast %broadcast_in_dim3A_821 : f32 to vector<16xf32>
      %swap3A_823 = arith.constant 0 : i32
      %swap3A_824 = arith.index_cast %swap3A_823 : i32 to index
      %swap3A_825 = arith.constant 1488 : index
      %swap3A_826 = tpu.vector_load %arg8[%swap3A_824, %swap3A_825] {strides = array<i32>} : memref<16x2048xf32, #tpu.memory_space<vmem>>, vector<1x16xf32>,
      %swap3A_827 = vector.shape_cast %swap3A_826 : vector<1x16xf32> to vector<16xf32>
      %swap3A_828 = vector.shape_cast %broadcast_in_dim3A_822 : vector<16xf32> to vector<1x16xf32>
      tpu.vector_store %arg8[%swap3A_824, %swap3A_825], %swap3A_828 {strides = array<i32>} : memref<16x2048xf32, #tpu.memory_space<vmem>>, vector<1x16xf32>,
      %broadcast_in_dim3A_829 = arith.constant 0.000000e+00 : f32
      %broadcast_in_dim3A_830 = vector.broadcast %broadcast_in_dim3A_829 : f32 to vector<16xf32>
      %swap3A_831 = arith.constant 0 : i32
      %swap3A_832 = arith.index_cast %swap3A_831 : i32 to index
      %swap3A_833 = arith.constant 1504 : index
      %swap3A_834 = tpu.vector_load %arg8[%swap3A_832, %swap3A_833] {strides = array<i32>} : memref<16x2048xf32, #tpu.memory_space<vmem>>, vector<1x16xf32>,
      %swap3A_835 = vector.shape_cast %swap3A_834 : vector<1x16xf32> to vector<16xf32>
      %swap3A_836 = vector.shape_cast %broadcast_in_dim3A_830 : vector<16xf32> to vector<1x16xf32>
      tpu.vector_store %arg8[%swap3A_832, %swap3A_833], %swap3A_836 {strides = array<i32>} : memref<16x2048xf32, #tpu.memory_space<vmem>>, vector<1x16xf32>,
      %broadcast_in_dim3A_837 = arith.constant 0.000000e+00 : f32
      %broadcast_in_dim3A_838 = vector.broadcast %broadcast_in_dim3A_837 : f32 to vector<16xf32>
      %swap3A_839 = arith.constant 0 : i32
      %swap3A_840 = arith.index_cast %swap3A_839 : i32 to index
      %swap3A_841 = arith.constant 1520 : index
      %swap3A_842 = tpu.vector_load %arg8[%swap3A_840, %swap3A_841] {strides = array<i32>} : memref<16x2048xf32, #tpu.memory_space<vmem>>, vector<1x16xf32>,
      %swap3A_843 = vector.shape_cast %swap3A_842 : vector<1x16xf32> to vector<16xf32>
      %swap3A_844 = vector.shape_cast %broadcast_in_dim3A_838 : vector<16xf32> to vector<1x16xf32>
      tpu.vector_store %arg8[%swap3A_840, %swap3A_841], %swap3A_844 {strides = array<i32>} : memref<16x2048xf32, #tpu.memory_space<vmem>>, vector<1x16xf32>,
      %broadcast_in_dim3A_845 = arith.constant 0.000000e+00 : f32
      %broadcast_in_dim3A_846 = vector.broadcast %broadcast_in_dim3A_845 : f32 to vector<16xf32>
      %swap3A_847 = arith.constant 0 : i32
      %swap3A_848 = arith.index_cast %swap3A_847 : i32 to index
      %swap3A_849 = arith.constant 1536 : index
      %swap3A_850 = tpu.vector_load %arg8[%swap3A_848, %swap3A_849] {strides = array<i32>} : memref<16x2048xf32, #tpu.memory_space<vmem>>, vector<1x16xf32>,
      %swap3A_851 = vector.shape_cast %swap3A_850 : vector<1x16xf32> to vector<16xf32>
      %swap3A_852 = vector.shape_cast %broadcast_in_dim3A_846 : vector<16xf32> to vector<1x16xf32>
      tpu.vector_store %arg8[%swap3A_848, %swap3A_849], %swap3A_852 {strides = array<i32>} : memref<16x2048xf32, #tpu.memory_space<vmem>>, vector<1x16xf32>,
      %broadcast_in_dim3A_853 = arith.constant 0.000000e+00 : f32
      %broadcast_in_dim3A_854 = vector.broadcast %broadcast_in_dim3A_853 : f32 to vector<16xf32>
      %swap3A_855 = arith.constant 0 : i32
      %swap3A_856 = arith.index_cast %swap3A_855 : i32 to index
      %swap3A_857 = arith.constant 1552 : index
      %swap3A_858 = tpu.vector_load %arg8[%swap3A_856, %swap3A_857] {strides = array<i32>} : memref<16x2048xf32, #tpu.memory_space<vmem>>, vector<1x16xf32>,
      %swap3A_859 = vector.shape_cast %swap3A_858 : vector<1x16xf32> to vector<16xf32>
      %swap3A_860 = vector.shape_cast %broadcast_in_dim3A_854 : vector<16xf32> to vector<1x16xf32>
      tpu.vector_store %arg8[%swap3A_856, %swap3A_857], %swap3A_860 {strides = array<i32>} : memref<16x2048xf32, #tpu.memory_space<vmem>>, vector<1x16xf32>,
      %broadcast_in_dim3A_861 = arith.constant 0.000000e+00 : f32
      %broadcast_in_dim3A_862 = vector.broadcast %broadcast_in_dim3A_861 : f32 to vector<16xf32>
      %swap3A_863 = arith.constant 0 : i32
      %swap3A_864 = arith.index_cast %swap3A_863 : i32 to index
      %swap3A_865 = arith.constant 1568 : index
      %swap3A_866 = tpu.vector_load %arg8[%swap3A_864, %swap3A_865] {strides = array<i32>} : memref<16x2048xf32, #tpu.memory_space<vmem>>, vector<1x16xf32>,
      %swap3A_867 = vector.shape_cast %swap3A_866 : vector<1x16xf32> to vector<16xf32>
      %swap3A_868 = vector.shape_cast %broadcast_in_dim3A_862 : vector<16xf32> to vector<1x16xf32>
      tpu.vector_store %arg8[%swap3A_864, %swap3A_865], %swap3A_868 {strides = array<i32>} : memref<16x2048xf32, #tpu.memory_space<vmem>>, vector<1x16xf32>,
      %broadcast_in_dim3A_869 = arith.constant 0.000000e+00 : f32
      %broadcast_in_dim3A_870 = vector.broadcast %broadcast_in_dim3A_869 : f32 to vector<16xf32>
      %swap3A_871 = arith.constant 0 : i32
      %swap3A_872 = arith.index_cast %swap3A_871 : i32 to index
      %swap3A_873 = arith.constant 1584 : index
      %swap3A_874 = tpu.vector_load %arg8[%swap3A_872, %swap3A_873] {strides = array<i32>} : memref<16x2048xf32, #tpu.memory_space<vmem>>, vector<1x16xf32>,
      %swap3A_875 = vector.shape_cast %swap3A_874 : vector<1x16xf32> to vector<16xf32>
      %swap3A_876 = vector.shape_cast %broadcast_in_dim3A_870 : vector<16xf32> to vector<1x16xf32>
      tpu.vector_store %arg8[%swap3A_872, %swap3A_873], %swap3A_876 {strides = array<i32>} : memref<16x2048xf32, #tpu.memory_space<vmem>>, vector<1x16xf32>,
      %broadcast_in_dim3A_877 = arith.constant 0.000000e+00 : f32
      %broadcast_in_dim3A_878 = vector.broadcast %broadcast_in_dim3A_877 : f32 to vector<16xf32>
      %swap3A_879 = arith.constant 0 : i32
      %swap3A_880 = arith.index_cast %swap3A_879 : i32 to index
      %swap3A_881 = arith.constant 1600 : index
      %swap3A_882 = tpu.vector_load %arg8[%swap3A_880, %swap3A_881] {strides = array<i32>} : memref<16x2048xf32, #tpu.memory_space<vmem>>, vector<1x16xf32>,
      %swap3A_883 = vector.shape_cast %swap3A_882 : vector<1x16xf32> to vector<16xf32>
      %swap3A_884 = vector.shape_cast %broadcast_in_dim3A_878 : vector<16xf32> to vector<1x16xf32>
      tpu.vector_store %arg8[%swap3A_880, %swap3A_881], %swap3A_884 {strides = array<i32>} : memref<16x2048xf32, #tpu.memory_space<vmem>>, vector<1x16xf32>,
      %broadcast_in_dim3A_885 = arith.constant 0.000000e+00 : f32
      %broadcast_in_dim3A_886 = vector.broadcast %broadcast_in_dim3A_885 : f32 to vector<16xf32>
      %swap3A_887 = arith.constant 0 : i32
      %swap3A_888 = arith.index_cast %swap3A_887 : i32 to index
      %swap3A_889 = arith.constant 1616 : index
      %swap3A_890 = tpu.vector_load %arg8[%swap3A_888, %swap3A_889] {strides = array<i32>} : memref<16x2048xf32, #tpu.memory_space<vmem>>, vector<1x16xf32>,
      %swap3A_891 = vector.shape_cast %swap3A_890 : vector<1x16xf32> to vector<16xf32>
      %swap3A_892 = vector.shape_cast %broadcast_in_dim3A_886 : vector<16xf32> to vector<1x16xf32>
      tpu.vector_store %arg8[%swap3A_888, %swap3A_889], %swap3A_892 {strides = array<i32>} : memref<16x2048xf32, #tpu.memory_space<vmem>>, vector<1x16xf32>,
      %broadcast_in_dim3A_893 = arith.constant 0.000000e+00 : f32
      %broadcast_in_dim3A_894 = vector.broadcast %broadcast_in_dim3A_893 : f32 to vector<16xf32>
      %swap3A_895 = arith.constant 0 : i32
      %swap3A_896 = arith.index_cast %swap3A_895 : i32 to index
      %swap3A_897 = arith.constant 1632 : index
      %swap3A_898 = tpu.vector_load %arg8[%swap3A_896, %swap3A_897] {strides = array<i32>} : memref<16x2048xf32, #tpu.memory_space<vmem>>, vector<1x16xf32>,
      %swap3A_899 = vector.shape_cast %swap3A_898 : vector<1x16xf32> to vector<16xf32>
      %swap3A_900 = vector.shape_cast %broadcast_in_dim3A_894 : vector<16xf32> to vector<1x16xf32>
      tpu.vector_store %arg8[%swap3A_896, %swap3A_897], %swap3A_900 {strides = array<i32>} : memref<16x2048xf32, #tpu.memory_space<vmem>>, vector<1x16xf32>,
      %broadcast_in_dim3A_901 = arith.constant 0.000000e+00 : f32
      %broadcast_in_dim3A_902 = vector.broadcast %broadcast_in_dim3A_901 : f32 to vector<16xf32>
      %swap3A_903 = arith.constant 0 : i32
      %swap3A_904 = arith.index_cast %swap3A_903 : i32 to index
      %swap3A_905 = arith.constant 1648 : index
      %swap3A_906 = tpu.vector_load %arg8[%swap3A_904, %swap3A_905] {strides = array<i32>} : memref<16x2048xf32, #tpu.memory_space<vmem>>, vector<1x16xf32>,
      %swap3A_907 = vector.shape_cast %swap3A_906 : vector<1x16xf32> to vector<16xf32>
      %swap3A_908 = vector.shape_cast %broadcast_in_dim3A_902 : vector<16xf32> to vector<1x16xf32>
      tpu.vector_store %arg8[%swap3A_904, %swap3A_905], %swap3A_908 {strides = array<i32>} : memref<16x2048xf32, #tpu.memory_space<vmem>>, vector<1x16xf32>,
      %broadcast_in_dim3A_909 = arith.constant 0.000000e+00 : f32
      %broadcast_in_dim3A_910 = vector.broadcast %broadcast_in_dim3A_909 : f32 to vector<16xf32>
      %swap3A_911 = arith.constant 0 : i32
      %swap3A_912 = arith.index_cast %swap3A_911 : i32 to index
      %swap3A_913 = arith.constant 1664 : index
      %swap3A_914 = tpu.vector_load %arg8[%swap3A_912, %swap3A_913] {strides = array<i32>} : memref<16x2048xf32, #tpu.memory_space<vmem>>, vector<1x16xf32>,
      %swap3A_915 = vector.shape_cast %swap3A_914 : vector<1x16xf32> to vector<16xf32>
      %swap3A_916 = vector.shape_cast %broadcast_in_dim3A_910 : vector<16xf32> to vector<1x16xf32>
      tpu.vector_store %arg8[%swap3A_912, %swap3A_913], %swap3A_916 {strides = array<i32>} : memref<16x2048xf32, #tpu.memory_space<vmem>>, vector<1x16xf32>,
      %broadcast_in_dim3A_917 = arith.constant 0.000000e+00 : f32
      %broadcast_in_dim3A_918 = vector.broadcast %broadcast_in_dim3A_917 : f32 to vector<16xf32>
      %swap3A_919 = arith.constant 0 : i32
      %swap3A_920 = arith.index_cast %swap3A_919 : i32 to index
      %swap3A_921 = arith.constant 1680 : index
      %swap3A_922 = tpu.vector_load %arg8[%swap3A_920, %swap3A_921] {strides = array<i32>} : memref<16x2048xf32, #tpu.memory_space<vmem>>, vector<1x16xf32>,
      %swap3A_923 = vector.shape_cast %swap3A_922 : vector<1x16xf32> to vector<16xf32>
      %swap3A_924 = vector.shape_cast %broadcast_in_dim3A_918 : vector<16xf32> to vector<1x16xf32>
      tpu.vector_store %arg8[%swap3A_920, %swap3A_921], %swap3A_924 {strides = array<i32>} : memref<16x2048xf32, #tpu.memory_space<vmem>>, vector<1x16xf32>,
      %broadcast_in_dim3A_925 = arith.constant 0.000000e+00 : f32
      %broadcast_in_dim3A_926 = vector.broadcast %broadcast_in_dim3A_925 : f32 to vector<16xf32>
      %swap3A_927 = arith.constant 0 : i32
      %swap3A_928 = arith.index_cast %swap3A_927 : i32 to index
      %swap3A_929 = arith.constant 1696 : index
      %swap3A_930 = tpu.vector_load %arg8[%swap3A_928, %swap3A_929] {strides = array<i32>} : memref<16x2048xf32, #tpu.memory_space<vmem>>, vector<1x16xf32>,
      %swap3A_931 = vector.shape_cast %swap3A_930 : vector<1x16xf32> to vector<16xf32>
      %swap3A_932 = vector.shape_cast %broadcast_in_dim3A_926 : vector<16xf32> to vector<1x16xf32>
      tpu.vector_store %arg8[%swap3A_928, %swap3A_929], %swap3A_932 {strides = array<i32>} : memref<16x2048xf32, #tpu.memory_space<vmem>>, vector<1x16xf32>,
      %broadcast_in_dim3A_933 = arith.constant 0.000000e+00 : f32
      %broadcast_in_dim3A_934 = vector.broadcast %broadcast_in_dim3A_933 : f32 to vector<16xf32>
      %swap3A_935 = arith.constant 0 : i32
      %swap3A_936 = arith.index_cast %swap3A_935 : i32 to index
      %swap3A_937 = arith.constant 1712 : index
      %swap3A_938 = tpu.vector_load %arg8[%swap3A_936, %swap3A_937] {strides = array<i32>} : memref<16x2048xf32, #tpu.memory_space<vmem>>, vector<1x16xf32>,
      %swap3A_939 = vector.shape_cast %swap3A_938 : vector<1x16xf32> to vector<16xf32>
      %swap3A_940 = vector.shape_cast %broadcast_in_dim3A_934 : vector<16xf32> to vector<1x16xf32>
      tpu.vector_store %arg8[%swap3A_936, %swap3A_937], %swap3A_940 {strides = array<i32>} : memref<16x2048xf32, #tpu.memory_space<vmem>>, vector<1x16xf32>,
      %broadcast_in_dim3A_941 = arith.constant 0.000000e+00 : f32
      %broadcast_in_dim3A_942 = vector.broadcast %broadcast_in_dim3A_941 : f32 to vector<16xf32>
      %swap3A_943 = arith.constant 0 : i32
      %swap3A_944 = arith.index_cast %swap3A_943 : i32 to index
      %swap3A_945 = arith.constant 1728 : index
      %swap3A_946 = tpu.vector_load %arg8[%swap3A_944, %swap3A_945] {strides = array<i32>} : memref<16x2048xf32, #tpu.memory_space<vmem>>, vector<1x16xf32>,
      %swap3A_947 = vector.shape_cast %swap3A_946 : vector<1x16xf32> to vector<16xf32>
      %swap3A_948 = vector.shape_cast %broadcast_in_dim3A_942 : vector<16xf32> to vector<1x16xf32>
      tpu.vector_store %arg8[%swap3A_944, %swap3A_945], %swap3A_948 {strides = array<i32>} : memref<16x2048xf32, #tpu.memory_space<vmem>>, vector<1x16xf32>,
      %broadcast_in_dim3A_949 = arith.constant 0.000000e+00 : f32
      %broadcast_in_dim3A_950 = vector.broadcast %broadcast_in_dim3A_949 : f32 to vector<16xf32>
      %swap3A_951 = arith.constant 0 : i32
      %swap3A_952 = arith.index_cast %swap3A_951 : i32 to index
      %swap3A_953 = arith.constant 1744 : index
      %swap3A_954 = tpu.vector_load %arg8[%swap3A_952, %swap3A_953] {strides = array<i32>} : memref<16x2048xf32, #tpu.memory_space<vmem>>, vector<1x16xf32>,
      %swap3A_955 = vector.shape_cast %swap3A_954 : vector<1x16xf32> to vector<16xf32>
      %swap3A_956 = vector.shape_cast %broadcast_in_dim3A_950 : vector<16xf32> to vector<1x16xf32>
      tpu.vector_store %arg8[%swap3A_952, %swap3A_953], %swap3A_956 {strides = array<i32>} : memref<16x2048xf32, #tpu.memory_space<vmem>>, vector<1x16xf32>,
      %broadcast_in_dim3A_957 = arith.constant 0.000000e+00 : f32
      %broadcast_in_dim3A_958 = vector.broadcast %broadcast_in_dim3A_957 : f32 to vector<16xf32>
      %swap3A_959 = arith.constant 0 : i32
      %swap3A_960 = arith.index_cast %swap3A_959 : i32 to index
      %swap3A_961 = arith.constant 1760 : index
      %swap3A_962 = tpu.vector_load %arg8[%swap3A_960, %swap3A_961] {strides = array<i32>} : memref<16x2048xf32, #tpu.memory_space<vmem>>, vector<1x16xf32>,
      %swap3A_963 = vector.shape_cast %swap3A_962 : vector<1x16xf32> to vector<16xf32>
      %swap3A_964 = vector.shape_cast %broadcast_in_dim3A_958 : vector<16xf32> to vector<1x16xf32>
      tpu.vector_store %arg8[%swap3A_960, %swap3A_961], %swap3A_964 {strides = array<i32>} : memref<16x2048xf32, #tpu.memory_space<vmem>>, vector<1x16xf32>,
      %broadcast_in_dim3A_965 = arith.constant 0.000000e+00 : f32
      %broadcast_in_dim3A_966 = vector.broadcast %broadcast_in_dim3A_965 : f32 to vector<16xf32>
      %swap3A_967 = arith.constant 0 : i32
      %swap3A_968 = arith.index_cast %swap3A_967 : i32 to index
      %swap3A_969 = arith.constant 1776 : index
      %swap3A_970 = tpu.vector_load %arg8[%swap3A_968, %swap3A_969] {strides = array<i32>} : memref<16x2048xf32, #tpu.memory_space<vmem>>, vector<1x16xf32>,
      %swap3A_971 = vector.shape_cast %swap3A_970 : vector<1x16xf32> to vector<16xf32>
      %swap3A_972 = vector.shape_cast %broadcast_in_dim3A_966 : vector<16xf32> to vector<1x16xf32>
      tpu.vector_store %arg8[%swap3A_968, %swap3A_969], %swap3A_972 {strides = array<i32>} : memref<16x2048xf32, #tpu.memory_space<vmem>>, vector<1x16xf32>,
      %broadcast_in_dim3A_973 = arith.constant 0.000000e+00 : f32
      %broadcast_in_dim3A_974 = vector.broadcast %broadcast_in_dim3A_973 : f32 to vector<16xf32>
      %swap3A_975 = arith.constant 0 : i32
      %swap3A_976 = arith.index_cast %swap3A_975 : i32 to index
      %swap3A_977 = arith.constant 1792 : index
      %swap3A_978 = tpu.vector_load %arg8[%swap3A_976, %swap3A_977] {strides = array<i32>} : memref<16x2048xf32, #tpu.memory_space<vmem>>, vector<1x16xf32>,
      %swap3A_979 = vector.shape_cast %swap3A_978 : vector<1x16xf32> to vector<16xf32>
      %swap3A_980 = vector.shape_cast %broadcast_in_dim3A_974 : vector<16xf32> to vector<1x16xf32>
      tpu.vector_store %arg8[%swap3A_976, %swap3A_977], %swap3A_980 {strides = array<i32>} : memref<16x2048xf32, #tpu.memory_space<vmem>>, vector<1x16xf32>,
      %broadcast_in_dim3A_981 = arith.constant 0.000000e+00 : f32
      %broadcast_in_dim3A_982 = vector.broadcast %broadcast_in_dim3A_981 : f32 to vector<16xf32>
      %swap3A_983 = arith.constant 0 : i32
      %swap3A_984 = arith.index_cast %swap3A_983 : i32 to index
      %swap3A_985 = arith.constant 1808 : index
      %swap3A_986 = tpu.vector_load %arg8[%swap3A_984, %swap3A_985] {strides = array<i32>} : memref<16x2048xf32, #tpu.memory_space<vmem>>, vector<1x16xf32>,
      %swap3A_987 = vector.shape_cast %swap3A_986 : vector<1x16xf32> to vector<16xf32>
      %swap3A_988 = vector.shape_cast %broadcast_in_dim3A_982 : vector<16xf32> to vector<1x16xf32>
      tpu.vector_store %arg8[%swap3A_984, %swap3A_985], %swap3A_988 {strides = array<i32>} : memref<16x2048xf32, #tpu.memory_space<vmem>>, vector<1x16xf32>,
      %broadcast_in_dim3A_989 = arith.constant 0.000000e+00 : f32
      %broadcast_in_dim3A_990 = vector.broadcast %broadcast_in_dim3A_989 : f32 to vector<16xf32>
      %swap3A_991 = arith.constant 0 : i32
      %swap3A_992 = arith.index_cast %swap3A_991 : i32 to index
      %swap3A_993 = arith.constant 1824 : index
      %swap3A_994 = tpu.vector_load %arg8[%swap3A_992, %swap3A_993] {strides = array<i32>} : memref<16x2048xf32, #tpu.memory_space<vmem>>, vector<1x16xf32>,
      %swap3A_995 = vector.shape_cast %swap3A_994 : vector<1x16xf32> to vector<16xf32>
      %swap3A_996 = vector.shape_cast %broadcast_in_dim3A_990 : vector<16xf32> to vector<1x16xf32>
      tpu.vector_store %arg8[%swap3A_992, %swap3A_993], %swap3A_996 {strides = array<i32>} : memref<16x2048xf32, #tpu.memory_space<vmem>>, vector<1x16xf32>,
      %broadcast_in_dim3A_997 = arith.constant 0.000000e+00 : f32
      %broadcast_in_dim3A_998 = vector.broadcast %broadcast_in_dim3A_997 : f32 to vector<16xf32>
      %swap3A_999 = arith.constant 0 : i32
      %swap3A_1000 = arith.index_cast %swap3A_999 : i32 to index
      %swap3A_1001 = arith.constant 1840 : index
      %swap3A_1002 = tpu.vector_load %arg8[%swap3A_1000, %swap3A_1001] {strides = array<i32>} : memref<16x2048xf32, #tpu.memory_space<vmem>>, vector<1x16xf32>,
      %swap3A_1003 = vector.shape_cast %swap3A_1002 : vector<1x16xf32> to vector<16xf32>
      %swap3A_1004 = vector.shape_cast %broadcast_in_dim3A_998 : vector<16xf32> to vector<1x16xf32>
      tpu.vector_store %arg8[%swap3A_1000, %swap3A_1001], %swap3A_1004 {strides = array<i32>} : memref<16x2048xf32, #tpu.memory_space<vmem>>, vector<1x16xf32>,
      %broadcast_in_dim3A_1005 = arith.constant 0.000000e+00 : f32
      %broadcast_in_dim3A_1006 = vector.broadcast %broadcast_in_dim3A_1005 : f32 to vector<16xf32>
      %swap3A_1007 = arith.constant 0 : i32
      %swap3A_1008 = arith.index_cast %swap3A_1007 : i32 to index
      %swap3A_1009 = arith.constant 1856 : index
      %swap3A_1010 = tpu.vector_load %arg8[%swap3A_1008, %swap3A_1009] {strides = array<i32>} : memref<16x2048xf32, #tpu.memory_space<vmem>>, vector<1x16xf32>,
      %swap3A_1011 = vector.shape_cast %swap3A_1010 : vector<1x16xf32> to vector<16xf32>
      %swap3A_1012 = vector.shape_cast %broadcast_in_dim3A_1006 : vector<16xf32> to vector<1x16xf32>
      tpu.vector_store %arg8[%swap3A_1008, %swap3A_1009], %swap3A_1012 {strides = array<i32>} : memref<16x2048xf32, #tpu.memory_space<vmem>>, vector<1x16xf32>,
      %broadcast_in_dim3A_1013 = arith.constant 0.000000e+00 : f32
      %broadcast_in_dim3A_1014 = vector.broadcast %broadcast_in_dim3A_1013 : f32 to vector<16xf32>
      %swap3A_1015 = arith.constant 0 : i32
      %swap3A_1016 = arith.index_cast %swap3A_1015 : i32 to index
      %swap3A_1017 = arith.constant 1872 : index
      %swap3A_1018 = tpu.vector_load %arg8[%swap3A_1016, %swap3A_1017] {strides = array<i32>} : memref<16x2048xf32, #tpu.memory_space<vmem>>, vector<1x16xf32>,
      %swap3A_1019 = vector.shape_cast %swap3A_1018 : vector<1x16xf32> to vector<16xf32>
      %swap3A_1020 = vector.shape_cast %broadcast_in_dim3A_1014 : vector<16xf32> to vector<1x16xf32>
      tpu.vector_store %arg8[%swap3A_1016, %swap3A_1017], %swap3A_1020 {strides = array<i32>} : memref<16x2048xf32, #tpu.memory_space<vmem>>, vector<1x16xf32>,
      %broadcast_in_dim3A_1021 = arith.constant 0.000000e+00 : f32
      %broadcast_in_dim3A_1022 = vector.broadcast %broadcast_in_dim3A_1021 : f32 to vector<16xf32>
      %swap3A_1023 = arith.constant 0 : i32
      %swap3A_1024 = arith.index_cast %swap3A_1023 : i32 to index
      %swap3A_1025 = arith.constant 1888 : index
      %swap3A_1026 = tpu.vector_load %arg8[%swap3A_1024, %swap3A_1025] {strides = array<i32>} : memref<16x2048xf32, #tpu.memory_space<vmem>>, vector<1x16xf32>,
      %swap3A_1027 = vector.shape_cast %swap3A_1026 : vector<1x16xf32> to vector<16xf32>
      %swap3A_1028 = vector.shape_cast %broadcast_in_dim3A_1022 : vector<16xf32> to vector<1x16xf32>
      tpu.vector_store %arg8[%swap3A_1024, %swap3A_1025], %swap3A_1028 {strides = array<i32>} : memref<16x2048xf32, #tpu.memory_space<vmem>>, vector<1x16xf32>,
      %broadcast_in_dim3A_1029 = arith.constant 0.000000e+00 : f32
      %broadcast_in_dim3A_1030 = vector.broadcast %broadcast_in_dim3A_1029 : f32 to vector<16xf32>
      %swap3A_1031 = arith.constant 0 : i32
      %swap3A_1032 = arith.index_cast %swap3A_1031 : i32 to index
      %swap3A_1033 = arith.constant 1904 : index
      %swap3A_1034 = tpu.vector_load %arg8[%swap3A_1032, %swap3A_1033] {strides = array<i32>} : memref<16x2048xf32, #tpu.memory_space<vmem>>, vector<1x16xf32>,
      %swap3A_1035 = vector.shape_cast %swap3A_1034 : vector<1x16xf32> to vector<16xf32>
      %swap3A_1036 = vector.shape_cast %broadcast_in_dim3A_1030 : vector<16xf32> to vector<1x16xf32>
      tpu.vector_store %arg8[%swap3A_1032, %swap3A_1033], %swap3A_1036 {strides = array<i32>} : memref<16x2048xf32, #tpu.memory_space<vmem>>, vector<1x16xf32>,
      %broadcast_in_dim3A_1037 = arith.constant 0.000000e+00 : f32
      %broadcast_in_dim3A_1038 = vector.broadcast %broadcast_in_dim3A_1037 : f32 to vector<16xf32>
      %swap3A_1039 = arith.constant 0 : i32
      %swap3A_1040 = arith.index_cast %swap3A_1039 : i32 to index
      %swap3A_1041 = arith.constant 1920 : index
      %swap3A_1042 = tpu.vector_load %arg8[%swap3A_1040, %swap3A_1041] {strides = array<i32>} : memref<16x2048xf32, #tpu.memory_space<vmem>>, vector<1x16xf32>,
      %swap3A_1043 = vector.shape_cast %swap3A_1042 : vector<1x16xf32> to vector<16xf32>
      %swap3A_1044 = vector.shape_cast %broadcast_in_dim3A_1038 : vector<16xf32> to vector<1x16xf32>
      tpu.vector_store %arg8[%swap3A_1040, %swap3A_1041], %swap3A_1044 {strides = array<i32>} : memref<16x2048xf32, #tpu.memory_space<vmem>>, vector<1x16xf32>,
      %broadcast_in_dim3A_1045 = arith.constant 0.000000e+00 : f32
      %broadcast_in_dim3A_1046 = vector.broadcast %broadcast_in_dim3A_1045 : f32 to vector<16xf32>
      %swap3A_1047 = arith.constant 0 : i32
      %swap3A_1048 = arith.index_cast %swap3A_1047 : i32 to index
      %swap3A_1049 = arith.constant 1936 : index
      %swap3A_1050 = tpu.vector_load %arg8[%swap3A_1048, %swap3A_1049] {strides = array<i32>} : memref<16x2048xf32, #tpu.memory_space<vmem>>, vector<1x16xf32>,
      %swap3A_1051 = vector.shape_cast %swap3A_1050 : vector<1x16xf32> to vector<16xf32>
      %swap3A_1052 = vector.shape_cast %broadcast_in_dim3A_1046 : vector<16xf32> to vector<1x16xf32>
      tpu.vector_store %arg8[%swap3A_1048, %swap3A_1049], %swap3A_1052 {strides = array<i32>} : memref<16x2048xf32, #tpu.memory_space<vmem>>, vector<1x16xf32>,
      %broadcast_in_dim3A_1053 = arith.constant 0.000000e+00 : f32
      %broadcast_in_dim3A_1054 = vector.broadcast %broadcast_in_dim3A_1053 : f32 to vector<16xf32>
      %swap3A_1055 = arith.constant 0 : i32
      %swap3A_1056 = arith.index_cast %swap3A_1055 : i32 to index
      %swap3A_1057 = arith.constant 1952 : index
      %swap3A_1058 = tpu.vector_load %arg8[%swap3A_1056, %swap3A_1057] {strides = array<i32>} : memref<16x2048xf32, #tpu.memory_space<vmem>>, vector<1x16xf32>,
      %swap3A_1059 = vector.shape_cast %swap3A_1058 : vector<1x16xf32> to vector<16xf32>
      %swap3A_1060 = vector.shape_cast %broadcast_in_dim3A_1054 : vector<16xf32> to vector<1x16xf32>
      tpu.vector_store %arg8[%swap3A_1056, %swap3A_1057], %swap3A_1060 {strides = array<i32>} : memref<16x2048xf32, #tpu.memory_space<vmem>>, vector<1x16xf32>,
      %broadcast_in_dim3A_1061 = arith.constant 0.000000e+00 : f32
      %broadcast_in_dim3A_1062 = vector.broadcast %broadcast_in_dim3A_1061 : f32 to vector<16xf32>
      %swap3A_1063 = arith.constant 0 : i32
      %swap3A_1064 = arith.index_cast %swap3A_1063 : i32 to index
      %swap3A_1065 = arith.constant 1968 : index
      %swap3A_1066 = tpu.vector_load %arg8[%swap3A_1064, %swap3A_1065] {strides = array<i32>} : memref<16x2048xf32, #tpu.memory_space<vmem>>, vector<1x16xf32>,
      %swap3A_1067 = vector.shape_cast %swap3A_1066 : vector<1x16xf32> to vector<16xf32>
      %swap3A_1068 = vector.shape_cast %broadcast_in_dim3A_1062 : vector<16xf32> to vector<1x16xf32>
      tpu.vector_store %arg8[%swap3A_1064, %swap3A_1065], %swap3A_1068 {strides = array<i32>} : memref<16x2048xf32, #tpu.memory_space<vmem>>, vector<1x16xf32>,
      %broadcast_in_dim3A_1069 = arith.constant 0.000000e+00 : f32
      %broadcast_in_dim3A_1070 = vector.broadcast %broadcast_in_dim3A_1069 : f32 to vector<16xf32>
      %swap3A_1071 = arith.constant 0 : i32
      %swap3A_1072 = arith.index_cast %swap3A_1071 : i32 to index
      %swap3A_1073 = arith.constant 1984 : index
      %swap3A_1074 = tpu.vector_load %arg8[%swap3A_1072, %swap3A_1073] {strides = array<i32>} : memref<16x2048xf32, #tpu.memory_space<vmem>>, vector<1x16xf32>,
      %swap3A_1075 = vector.shape_cast %swap3A_1074 : vector<1x16xf32> to vector<16xf32>
      %swap3A_1076 = vector.shape_cast %broadcast_in_dim3A_1070 : vector<16xf32> to vector<1x16xf32>
      tpu.vector_store %arg8[%swap3A_1072, %swap3A_1073], %swap3A_1076 {strides = array<i32>} : memref<16x2048xf32, #tpu.memory_space<vmem>>, vector<1x16xf32>,
      %broadcast_in_dim3A_1077 = arith.constant 0.000000e+00 : f32
      %broadcast_in_dim3A_1078 = vector.broadcast %broadcast_in_dim3A_1077 : f32 to vector<16xf32>
      %swap3A_1079 = arith.constant 0 : i32
      %swap3A_1080 = arith.index_cast %swap3A_1079 : i32 to index
      %swap3A_1081 = arith.constant 2000 : index
      %swap3A_1082 = tpu.vector_load %arg8[%swap3A_1080, %swap3A_1081] {strides = array<i32>} : memref<16x2048xf32, #tpu.memory_space<vmem>>, vector<1x16xf32>,
      %swap3A_1083 = vector.shape_cast %swap3A_1082 : vector<1x16xf32> to vector<16xf32>
      %swap3A_1084 = vector.shape_cast %broadcast_in_dim3A_1078 : vector<16xf32> to vector<1x16xf32>
      tpu.vector_store %arg8[%swap3A_1080, %swap3A_1081], %swap3A_1084 {strides = array<i32>} : memref<16x2048xf32, #tpu.memory_space<vmem>>, vector<1x16xf32>,
      %broadcast_in_dim3A_1085 = arith.constant 0.000000e+00 : f32
      %broadcast_in_dim3A_1086 = vector.broadcast %broadcast_in_dim3A_1085 : f32 to vector<16xf32>
      %swap3A_1087 = arith.constant 0 : i32
      %swap3A_1088 = arith.index_cast %swap3A_1087 : i32 to index
      %swap3A_1089 = arith.constant 2016 : index
      %swap3A_1090 = tpu.vector_load %arg8[%swap3A_1088, %swap3A_1089] {strides = array<i32>} : memref<16x2048xf32, #tpu.memory_space<vmem>>, vector<1x16xf32>,
      %swap3A_1091 = vector.shape_cast %swap3A_1090 : vector<1x16xf32> to vector<16xf32>
      %swap3A_1092 = vector.shape_cast %broadcast_in_dim3A_1086 : vector<16xf32> to vector<1x16xf32>
      tpu.vector_store %arg8[%swap3A_1088, %swap3A_1089], %swap3A_1092 {strides = array<i32>} : memref<16x2048xf32, #tpu.memory_space<vmem>>, vector<1x16xf32>,
      %broadcast_in_dim3A_1093 = arith.constant 0.000000e+00 : f32
      %broadcast_in_dim3A_1094 = vector.broadcast %broadcast_in_dim3A_1093 : f32 to vector<16xf32>
      %swap3A_1095 = arith.constant 0 : i32
      %swap3A_1096 = arith.index_cast %swap3A_1095 : i32 to index
      %swap3A_1097 = arith.constant 2032 : index
      %swap3A_1098 = tpu.vector_load %arg8[%swap3A_1096, %swap3A_1097] {strides = array<i32>} : memref<16x2048xf32, #tpu.memory_space<vmem>>, vector<1x16xf32>,
      %swap3A_1099 = vector.shape_cast %swap3A_1098 : vector<1x16xf32> to vector<16xf32>
      %swap3A_1100 = vector.shape_cast %broadcast_in_dim3A_1094 : vector<16xf32> to vector<1x16xf32>
      tpu.vector_store %arg8[%swap3A_1096, %swap3A_1097], %swap3A_1100 {strides = array<i32>} : memref<16x2048xf32, #tpu.memory_space<vmem>>, vector<1x16xf32>,
    } else {
    }
    "tpu.region"() ({
      %run_scoped3A = tpu.sem_alloc : memref<!tpu.dma_semaphore, #tpu.memory_space<semaphore_mem>>
      %dma_start3A_79 = arith.constant 0 : i32
      %dma_start3A_80 = tpu.memref_slice %arg5[%arg0, %mul3A_2, %dma_start3A_79] : memref<2x256x2048xf32, #tpu.memory_space<hbm>> -> memref<1x16x2048xf32, #tpu.memory_space<hbm>>
      %dma_start3A_81 = tpu.memref_squeeze %dma_start3A_80 : memref<1x16x2048xf32, #tpu.memory_space<hbm>> -> memref<16x2048xf32, #tpu.memory_space<hbm>>
      %dma_start3A_82 = arith.constant 0 : i32
      %dma_start3A_83 = tpu.memref_slice %arg5[%arg0, %mul3A_2, %dma_start3A_82] : memref<2x256x2048xf32, #tpu.memory_space<hbm>> -> memref<1x16x2048xf32, #tpu.memory_space<hbm>>
      %dma_start3A_84 = tpu.memref_squeeze %dma_start3A_83 : memref<1x16x2048xf32, #tpu.memory_space<hbm>> -> memref<16x2048xf32, #tpu.memory_space<hbm>>
      tpu.enqueue_dma source(%arg8 : memref<16x2048xf32, #tpu.memory_space<vmem>>) target(%dma_start3A_84 : memref<16x2048xf32, #tpu.memory_space<hbm>>) target_semaphore(%run_scoped3A : memref<!tpu.dma_semaphore, #tpu.memory_space<semaphore_mem>>)
      %dma_wait3A_85 = arith.constant 0 : i32
      %dma_wait3A_86 = tpu.memref_slice %arg5[%arg0, %mul3A_2, %dma_wait3A_85] : memref<2x256x2048xf32, #tpu.memory_space<hbm>> -> memref<1x16x2048xf32, #tpu.memory_space<hbm>>
      %dma_wait3A_87 = tpu.memref_squeeze %dma_wait3A_86 : memref<1x16x2048xf32, #tpu.memory_space<hbm>> -> memref<16x2048xf32, #tpu.memory_space<hbm>>
      %dma_wait3A_88 = arith.constant 0 : i32
      %dma_wait3A_89 = tpu.memref_slice %arg5[%arg0, %mul3A_2, %dma_wait3A_88] : memref<2x256x2048xf32, #tpu.memory_space<hbm>> -> memref<1x16x2048xf32, #tpu.memory_space<hbm>>
      %dma_wait3A_90 = tpu.memref_squeeze %dma_wait3A_89 : memref<1x16x2048xf32, #tpu.memory_space<hbm>> -> memref<16x2048xf32, #tpu.memory_space<hbm>>
      tpu.wait_dma2 semaphore(%run_scoped3A : memref<!tpu.dma_semaphore, #tpu.memory_space<semaphore_mem>>) src(%arg8 : memref<16x2048xf32, #tpu.memory_space<vmem>>) dst(%dma_wait3A_90 : memref<16x2048xf32, #tpu.memory_space<hbm>>)
      tpu.yield
    }) : () -> ()
    %barrier3A = arith.constant 0 : index
    tpu.barrier barrier_id(%barrier3A)
    "tpu.region"() ({
      %run_scoped3A = tpu.sem_alloc : memref<!tpu.dma_semaphore, #tpu.memory_space<semaphore_mem>>
      %dma_start3A_79 = arith.constant 0 : i32
      %dma_start3A_80 = arith.constant 0 : i32
      %dma_start3A_81 = tpu.memref_slice %arg2[%add3A, %dma_start3A_79, %dma_start3A_80] : memref<32x64x8xi32, #tpu.memory_space<hbm>> -> memref<1x64x8xi32, #tpu.memory_space<hbm>>
      %dma_start3A_82 = tpu.memref_squeeze %dma_start3A_81 : memref<1x64x8xi32, #tpu.memory_space<hbm>> -> memref<64x8xi32, #tpu.memory_space<hbm>>
      %dma_start3A_83 = arith.constant 0 : i32
      %dma_start3A_84 = arith.constant 0 : i32
      %dma_start3A_85 = tpu.memref_slice %arg2[%add3A, %dma_start3A_83, %dma_start3A_84] : memref<32x64x8xi32, #tpu.memory_space<hbm>> -> memref<1x64x8xi32, #tpu.memory_space<hbm>>
      %dma_start3A_86 = tpu.memref_squeeze %dma_start3A_85 : memref<1x64x8xi32, #tpu.memory_space<hbm>> -> memref<64x8xi32, #tpu.memory_space<hbm>>
      tpu.enqueue_dma source(%dma_start3A_86 : memref<64x8xi32, #tpu.memory_space<hbm>>) target(%arg6 : memref<64x8xi32, #tpu.memory_space<vmem>>) target_semaphore(%run_scoped3A : memref<!tpu.dma_semaphore, #tpu.memory_space<semaphore_mem>>)
      %dma_wait3A_87 = arith.constant 0 : i32
      %dma_wait3A_88 = arith.constant 0 : i32
      %dma_wait3A_89 = tpu.memref_slice %arg2[%add3A, %dma_wait3A_87, %dma_wait3A_88] : memref<32x64x8xi32, #tpu.memory_space<hbm>> -> memref<1x64x8xi32, #tpu.memory_space<hbm>>
      %dma_wait3A_90 = tpu.memref_squeeze %dma_wait3A_89 : memref<1x64x8xi32, #tpu.memory_space<hbm>> -> memref<64x8xi32, #tpu.memory_space<hbm>>
      %dma_wait3A_91 = arith.constant 0 : i32
      %dma_wait3A_92 = arith.constant 0 : i32
      %dma_wait3A_93 = tpu.memref_slice %arg2[%add3A, %dma_wait3A_91, %dma_wait3A_92] : memref<32x64x8xi32, #tpu.memory_space<hbm>> -> memref<1x64x8xi32, #tpu.memory_space<hbm>>
      %dma_wait3A_94 = tpu.memref_squeeze %dma_wait3A_93 : memref<1x64x8xi32, #tpu.memory_space<hbm>> -> memref<64x8xi32, #tpu.memory_space<hbm>>
      tpu.wait_dma2 semaphore(%run_scoped3A : memref<!tpu.dma_semaphore, #tpu.memory_space<semaphore_mem>>) src(%dma_wait3A_94 : memref<64x8xi32, #tpu.memory_space<hbm>>) dst(%arg6 : memref<64x8xi32, #tpu.memory_space<vmem>>)
      tpu.yield
    }) : () -> ()
    %dma_start3A = arith.constant 0 : i32
    %dma_start3A_10 = arith.constant 0 : i32
    %dma_start3A_11 = arith.constant 0 : i32
    %dma_start3A_12 = arith.constant 0 : i32
    %dma_start3A_13 = tpu.memref_slice %arg7[%dma_start3A_10, %dma_start3A_11, %dma_start3A_12] : memref<4x8x2048xf32, #tpu.memory_space<vmem>> -> memref<1x8x2048xf32, #tpu.memory_space<vmem>>
    %dma_start3A_14 = tpu.memref_squeeze %dma_start3A_13 : memref<1x8x2048xf32, #tpu.memory_space<vmem>> -> memref<8x2048xf32, #tpu.memory_space<vmem>>
    %dma_start3A_15 = arith.constant 0 : i32
    %dma_start3A_16 = tpu.memref_slice %arg6[%dma_start3A, %dma_start3A_15] : memref<64x8xi32, #tpu.memory_space<vmem>> -> memref<1x8xi32, #tpu.memory_space<vmem>>
    %dma_start3A_17 = tpu.memref_squeeze %dma_start3A_16 : memref<1x8xi32, #tpu.memory_space<vmem>> -> memref<8xi32, #tpu.memory_space<vmem>>
    %dma_start3A_18 = arith.constant 0 : i32
    %dma_start3A_19 = arith.constant 0 : i32
    %dma_start3A_20 = tpu.memref_slice %arg5[%arg0, %dma_start3A_18, %dma_start3A_19] : memref<2x256x2048xf32, #tpu.memory_space<hbm>> -> memref<1x256x2048xf32, #tpu.memory_space<hbm>>
    %dma_start3A_21 = tpu.memref_squeeze %dma_start3A_20 : memref<1x256x2048xf32, #tpu.memory_space<hbm>> -> memref<256x2048xf32, #tpu.memory_space<hbm>>
    %dma_start3A_22 = arith.constant 0 : i32
    %dma_start3A_23 = arith.constant 0 : i32
    %dma_start3A_24 = tpu.memref_slice %dma_start3A_21[%dma_start3A_22, %dma_start3A_23] : memref<256x2048xf32, #tpu.memory_space<hbm>> -> memref<256x2048xf32, #tpu.memory_space<hbm>>
    tpu.enqueue_indirect_dma source(%dma_start3A_24 : memref<256x2048xf32, #tpu.memory_space<hbm>>) target(%dma_start3A_14 : memref<8x2048xf32, #tpu.memory_space<vmem>>) offsets(%dma_start3A_17 : memref<8xi32, #tpu.memory_space<vmem>>) semaphore(%arg9 : memref<!tpu.dma_semaphore, #tpu.memory_space<semaphore_mem>>)
    %dma_start3A_25 = arith.constant 1 : i32
    %dma_start3A_26 = arith.constant 1 : i32
    %dma_start3A_27 = arith.constant 0 : i32
    %dma_start3A_28 = arith.constant 0 : i32
    %dma_start3A_29 = tpu.memref_slice %arg7[%dma_start3A_26, %dma_start3A_27, %dma_start3A_28] : memref<4x8x2048xf32, #tpu.memory_space<vmem>> -> memref<1x8x2048xf32, #tpu.memory_space<vmem>>
    %dma_start3A_30 = tpu.memref_squeeze %dma_start3A_29 : memref<1x8x2048xf32, #tpu.memory_space<vmem>> -> memref<8x2048xf32, #tpu.memory_space<vmem>>
    %dma_start3A_31 = arith.constant 0 : i32
    %dma_start3A_32 = tpu.memref_slice %arg6[%dma_start3A_25, %dma_start3A_31] : memref<64x8xi32, #tpu.memory_space<vmem>> -> memref<1x8xi32, #tpu.memory_space<vmem>>
    %dma_start3A_33 = tpu.memref_squeeze %dma_start3A_32 : memref<1x8xi32, #tpu.memory_space<vmem>> -> memref<8xi32, #tpu.memory_space<vmem>>
    %dma_start3A_34 = arith.constant 0 : i32
    %dma_start3A_35 = arith.constant 0 : i32
    %dma_start3A_36 = tpu.memref_slice %arg5[%arg0, %dma_start3A_34, %dma_start3A_35] : memref<2x256x2048xf32, #tpu.memory_space<hbm>> -> memref<1x256x2048xf32, #tpu.memory_space<hbm>>
    %dma_start3A_37 = tpu.memref_squeeze %dma_start3A_36 : memref<1x256x2048xf32, #tpu.memory_space<hbm>> -> memref<256x2048xf32, #tpu.memory_space<hbm>>
    %dma_start3A_38 = arith.constant 0 : i32
    %dma_start3A_39 = arith.constant 0 : i32
    %dma_start3A_40 = tpu.memref_slice %dma_start3A_37[%dma_start3A_38, %dma_start3A_39] : memref<256x2048xf32, #tpu.memory_space<hbm>> -> memref<256x2048xf32, #tpu.memory_space<hbm>>
    tpu.enqueue_indirect_dma source(%dma_start3A_40 : memref<256x2048xf32, #tpu.memory_space<hbm>>) target(%dma_start3A_30 : memref<8x2048xf32, #tpu.memory_space<vmem>>) offsets(%dma_start3A_33 : memref<8xi32, #tpu.memory_space<vmem>>) semaphore(%arg10 : memref<!tpu.dma_semaphore, #tpu.memory_space<semaphore_mem>>)
    %dma_start3A_41 = arith.constant 2 : i32
    %dma_start3A_42 = arith.constant 2 : i32
    %dma_start3A_43 = arith.constant 0 : i32
    %dma_start3A_44 = arith.constant 0 : i32
    %dma_start3A_45 = tpu.memref_slice %arg7[%dma_start3A_42, %dma_start3A_43, %dma_start3A_44] : memref<4x8x2048xf32, #tpu.memory_space<vmem>> -> memref<1x8x2048xf32, #tpu.memory_space<vmem>>
    %dma_start3A_46 = tpu.memref_squeeze %dma_start3A_45 : memref<1x8x2048xf32, #tpu.memory_space<vmem>> -> memref<8x2048xf32, #tpu.memory_space<vmem>>
    %dma_start3A_47 = arith.constant 0 : i32
    %dma_start3A_48 = tpu.memref_slice %arg6[%dma_start3A_41, %dma_start3A_47] : memref<64x8xi32, #tpu.memory_space<vmem>> -> memref<1x8xi32, #tpu.memory_space<vmem>>
    %dma_start3A_49 = tpu.memref_squeeze %dma_start3A_48 : memref<1x8xi32, #tpu.memory_space<vmem>> -> memref<8xi32, #tpu.memory_space<vmem>>
    %dma_start3A_50 = arith.constant 0 : i32
    %dma_start3A_51 = arith.constant 0 : i32
    %dma_start3A_52 = tpu.memref_slice %arg5[%arg0, %dma_start3A_50, %dma_start3A_51] : memref<2x256x2048xf32, #tpu.memory_space<hbm>> -> memref<1x256x2048xf32, #tpu.memory_space<hbm>>
    %dma_start3A_53 = tpu.memref_squeeze %dma_start3A_52 : memref<1x256x2048xf32, #tpu.memory_space<hbm>> -> memref<256x2048xf32, #tpu.memory_space<hbm>>
    %dma_start3A_54 = arith.constant 0 : i32
    %dma_start3A_55 = arith.constant 0 : i32
    %dma_start3A_56 = tpu.memref_slice %dma_start3A_53[%dma_start3A_54, %dma_start3A_55] : memref<256x2048xf32, #tpu.memory_space<hbm>> -> memref<256x2048xf32, #tpu.memory_space<hbm>>
    tpu.enqueue_indirect_dma source(%dma_start3A_56 : memref<256x2048xf32, #tpu.memory_space<hbm>>) target(%dma_start3A_46 : memref<8x2048xf32, #tpu.memory_space<vmem>>) offsets(%dma_start3A_49 : memref<8xi32, #tpu.memory_space<vmem>>) semaphore(%arg11 : memref<!tpu.dma_semaphore, #tpu.memory_space<semaphore_mem>>)
    %scan3A_57 = arith.constant 0 : i32
    %scan3A_58 = arith.constant 0 : i32
    %scan3A_59 = arith.constant 16 : i32
    %scan3A_60 = arith.addi %scan3A_58, %scan3A_59 : i32
    %scan3A_61 = arith.constant 1 : i32
    scf.for %scan3A_79 = %scan3A_58 to %scan3A_60 step %scan3A_61  : i32 {
      %mul3A_80 = arith.constant 4 : i32
      %mul3A_81 = arith.muli %scan3A_79, %mul3A_80 : i32
      %add3A_82 = arith.constant 0 : i32
      %add3A_83 = arith.addi %mul3A_81, %add3A_82 : i32
      %dma_wait3A_84 = arith.constant 0 : i32
      %dma_wait3A_85 = arith.constant 0 : i32
      %dma_wait3A_86 = arith.constant 0 : i32
      %dma_wait3A_87 = tpu.memref_slice %arg7[%dma_wait3A_84, %dma_wait3A_85, %dma_wait3A_86] : memref<4x8x2048xf32, #tpu.memory_space<vmem>> -> memref<1x8x2048xf32, #tpu.memory_space<vmem>>
      %dma_wait3A_88 = tpu.memref_squeeze %dma_wait3A_87 : memref<1x8x2048xf32, #tpu.memory_space<vmem>> -> memref<8x2048xf32, #tpu.memory_space<vmem>>
      %dma_wait3A_89 = arith.constant 0 : i32
      %dma_wait3A_90 = tpu.memref_slice %arg6[%add3A_83, %dma_wait3A_89] : memref<64x8xi32, #tpu.memory_space<vmem>> -> memref<1x8xi32, #tpu.memory_space<vmem>>
      %dma_wait3A_91 = tpu.memref_squeeze %dma_wait3A_90 : memref<1x8xi32, #tpu.memory_space<vmem>> -> memref<8xi32, #tpu.memory_space<vmem>>
      %dma_wait3A_92 = arith.constant 0 : i32
      %dma_wait3A_93 = arith.constant 0 : i32
      %dma_wait3A_94 = tpu.memref_slice %arg5[%arg0, %dma_wait3A_92, %dma_wait3A_93] : memref<2x256x2048xf32, #tpu.memory_space<hbm>> -> memref<1x256x2048xf32, #tpu.memory_space<hbm>>
      %dma_wait3A_95 = tpu.memref_squeeze %dma_wait3A_94 : memref<1x256x2048xf32, #tpu.memory_space<hbm>> -> memref<256x2048xf32, #tpu.memory_space<hbm>>
      %dma_wait3A_96 = arith.constant 0 : i32
      %dma_wait3A_97 = arith.constant 0 : i32
      %dma_wait3A_98 = tpu.memref_slice %dma_wait3A_95[%dma_wait3A_96, %dma_wait3A_97] : memref<256x2048xf32, #tpu.memory_space<hbm>> -> memref<256x2048xf32, #tpu.memory_space<hbm>>
      tpu.wait_indirect_dma semaphore(%arg9 : memref<!tpu.dma_semaphore, #tpu.memory_space<semaphore_mem>>) src(%dma_wait3A_98 : memref<256x2048xf32, #tpu.memory_space<hbm>>) dst(%dma_wait3A_88 : memref<8x2048xf32, #tpu.memory_space<vmem>>)
      %mul3A_99 = arith.constant 512 : i32
      %mul3A_100 = arith.muli %add3A, %mul3A_99 : i32
      %mul3A_101 = arith.constant 8 : i32
      %mul3A_102 = arith.muli %add3A_83, %mul3A_101 : i32
      %add3A_103 = arith.addi %mul3A_100, %mul3A_102 : i32
      %dma_start3A_104 = arith.constant 0 : i32
      %dma_start3A_105 = arith.constant 0 : i32
      %dma_start3A_106 = arith.constant 0 : i32
      %dma_start3A_107 = tpu.memref_slice %arg7[%dma_start3A_104, %dma_start3A_105, %dma_start3A_106] : memref<4x8x2048xf32, #tpu.memory_space<vmem>> -> memref<1x8x2048xf32, #tpu.memory_space<vmem>>
      %dma_start3A_108 = tpu.memref_squeeze %dma_start3A_107 : memref<1x8x2048xf32, #tpu.memory_space<vmem>> -> memref<8x2048xf32, #tpu.memory_space<vmem>>
      %dma_start3A_109 = arith.constant 0 : i32
      %dma_start3A_110 = tpu.memref_slice %arg4[%add3A_103, %dma_start3A_109] : memref<16384x2048xf32, #tpu.memory_space<hbm>> -> memref<8x2048xf32, #tpu.memory_space<hbm>>
      %dma_start3A_111 = arith.constant 0 : i32
      %dma_start3A_112 = tpu.memref_slice %arg4[%add3A_103, %dma_start3A_111] : memref<16384x2048xf32, #tpu.memory_space<hbm>> -> memref<8x2048xf32, #tpu.memory_space<hbm>>
      %dma_start3A_113 = arith.constant 0 : i32
      %dma_start3A_114 = arith.constant 0 : i32
      %dma_start3A_115 = tpu.memref_slice %arg7[%dma_start3A_104, %dma_start3A_113, %dma_start3A_114] : memref<4x8x2048xf32, #tpu.memory_space<vmem>> -> memref<1x8x2048xf32, #tpu.memory_space<vmem>>
      %dma_start3A_116 = tpu.memref_squeeze %dma_start3A_115 : memref<1x8x2048xf32, #tpu.memory_space<vmem>> -> memref<8x2048xf32, #tpu.memory_space<vmem>>
      tpu.enqueue_dma source(%dma_start3A_116 : memref<8x2048xf32, #tpu.memory_space<vmem>>) target(%dma_start3A_112 : memref<8x2048xf32, #tpu.memory_space<hbm>>) target_semaphore(%arg13 : memref<!tpu.dma_semaphore, #tpu.memory_space<semaphore_mem>>)
      %ge3A = arith.constant 1 : i32
      %ge3A_117 = arith.cmpi sge, %add3A_83, %ge3A : i32
      %convert_element_type3A_118 = arith.extui %ge3A_117 : i1 to i32
      %cond3A_119 = arith.constant 0 : i32
      %cond3A_120 = arith.cmpi ne, %convert_element_type3A_118, %cond3A_119 : i32
      scf.if %cond3A_120 {
        %sub3A_281 = arith.constant 1 : i32
        %sub3A_282 = arith.subi %add3A_83, %sub3A_281 : i32
        %mul3A_283 = arith.constant 512 : i32
        %mul3A_284 = arith.muli %add3A, %mul3A_283 : i32
        %mul3A_285 = arith.constant 8 : i32
        %mul3A_286 = arith.muli %sub3A_282, %mul3A_285 : i32
        %add3A_287 = arith.addi %mul3A_284, %mul3A_286 : i32
        %dma_wait3A_288 = arith.constant 3 : i32
        %dma_wait3A_289 = arith.constant 0 : i32
        %dma_wait3A_290 = arith.constant 0 : i32
        %dma_wait3A_291 = tpu.memref_slice %arg7[%dma_wait3A_288, %dma_wait3A_289, %dma_wait3A_290] : memref<4x8x2048xf32, #tpu.memory_space<vmem>> -> memref<1x8x2048xf32, #tpu.memory_space<vmem>>
        %dma_wait3A_292 = tpu.memref_squeeze %dma_wait3A_291 : memref<1x8x2048xf32, #tpu.memory_space<vmem>> -> memref<8x2048xf32, #tpu.memory_space<vmem>>
        %dma_wait3A_293 = arith.constant 0 : i32
        %dma_wait3A_294 = tpu.memref_slice %arg4[%add3A_287, %dma_wait3A_293] : memref<16384x2048xf32, #tpu.memory_space<hbm>> -> memref<8x2048xf32, #tpu.memory_space<hbm>>
        %dma_wait3A_295 = arith.constant 0 : i32
        %dma_wait3A_296 = tpu.memref_slice %arg4[%add3A_287, %dma_wait3A_295] : memref<16384x2048xf32, #tpu.memory_space<hbm>> -> memref<8x2048xf32, #tpu.memory_space<hbm>>
        %dma_wait3A_297 = arith.constant 0 : i32
        %dma_wait3A_298 = arith.constant 0 : i32
        %dma_wait3A_299 = tpu.memref_slice %arg7[%dma_wait3A_288, %dma_wait3A_297, %dma_wait3A_298] : memref<4x8x2048xf32, #tpu.memory_space<vmem>> -> memref<1x8x2048xf32, #tpu.memory_space<vmem>>
        %dma_wait3A_300 = tpu.memref_squeeze %dma_wait3A_299 : memref<1x8x2048xf32, #tpu.memory_space<vmem>> -> memref<8x2048xf32, #tpu.memory_space<vmem>>
        tpu.wait_dma2 semaphore(%arg16 : memref<!tpu.dma_semaphore, #tpu.memory_space<semaphore_mem>>) src(%dma_wait3A_300 : memref<8x2048xf32, #tpu.memory_space<vmem>>) dst(%dma_wait3A_296 : memref<8x2048xf32, #tpu.memory_space<hbm>>)
      } else {
      }
      %add3A_121 = arith.constant 4 : i32
      %add3A_122 = arith.addi %add3A_83, %add3A_121 : i32
      %sub3A = arith.constant 1 : i32
      %sub3A_123 = arith.subi %add3A_122, %sub3A : i32
      %lt3A = arith.constant 64 : i32
      %lt3A_124 = arith.cmpi slt, %sub3A_123, %lt3A : i32
      %convert_element_type3A_125 = arith.extui %lt3A_124 : i1 to i32
      %cond3A_126 = arith.constant 0 : i32
      %cond3A_127 = arith.cmpi ne, %convert_element_type3A_125, %cond3A_126 : i32
      scf.if %cond3A_127 {
        %add3A_281 = arith.constant 4 : i32
        %add3A_282 = arith.addi %add3A_83, %add3A_281 : i32
        %sub3A_283 = arith.constant 1 : i32
        %sub3A_284 = arith.subi %add3A_282, %sub3A_283 : i32
        %dma_start3A_285 = arith.constant 3 : i32
        %dma_start3A_286 = arith.constant 0 : i32
        %dma_start3A_287 = arith.constant 0 : i32
        %dma_start3A_288 = tpu.memref_slice %arg7[%dma_start3A_285, %dma_start3A_286, %dma_start3A_287] : memref<4x8x2048xf32, #tpu.memory_space<vmem>> -> memref<1x8x2048xf32, #tpu.memory_space<vmem>>
        %dma_start3A_289 = tpu.memref_squeeze %dma_start3A_288 : memref<1x8x2048xf32, #tpu.memory_space<vmem>> -> memref<8x2048xf32, #tpu.memory_space<vmem>>
        %dma_start3A_290 = arith.constant 0 : i32
        %dma_start3A_291 = tpu.memref_slice %arg6[%sub3A_284, %dma_start3A_290] : memref<64x8xi32, #tpu.memory_space<vmem>> -> memref<1x8xi32, #tpu.memory_space<vmem>>
        %dma_start3A_292 = tpu.memref_squeeze %dma_start3A_291 : memref<1x8xi32, #tpu.memory_space<vmem>> -> memref<8xi32, #tpu.memory_space<vmem>>
        %dma_start3A_293 = arith.constant 0 : i32
        %dma_start3A_294 = arith.constant 0 : i32
        %dma_start3A_295 = tpu.memref_slice %arg5[%arg0, %dma_start3A_293, %dma_start3A_294] : memref<2x256x2048xf32, #tpu.memory_space<hbm>> -> memref<1x256x2048xf32, #tpu.memory_space<hbm>>
        %dma_start3A_296 = tpu.memref_squeeze %dma_start3A_295 : memref<1x256x2048xf32, #tpu.memory_space<hbm>> -> memref<256x2048xf32, #tpu.memory_space<hbm>>
        %dma_start3A_297 = arith.constant 0 : i32
        %dma_start3A_298 = arith.constant 0 : i32
        %dma_start3A_299 = tpu.memref_slice %dma_start3A_296[%dma_start3A_297, %dma_start3A_298] : memref<256x2048xf32, #tpu.memory_space<hbm>> -> memref<256x2048xf32, #tpu.memory_space<hbm>>
        tpu.enqueue_indirect_dma source(%dma_start3A_299 : memref<256x2048xf32, #tpu.memory_space<hbm>>) target(%dma_start3A_289 : memref<8x2048xf32, #tpu.memory_space<vmem>>) offsets(%dma_start3A_292 : memref<8xi32, #tpu.memory_space<vmem>>) semaphore(%arg12 : memref<!tpu.dma_semaphore, #tpu.memory_space<semaphore_mem>>)
      } else {
      }
      %mul3A_128 = arith.constant 4 : i32
      %mul3A_129 = arith.muli %scan3A_79, %mul3A_128 : i32
      %add3A_130 = arith.constant 1 : i32
      %add3A_131 = arith.addi %mul3A_129, %add3A_130 : i32
      %dma_wait3A_132 = arith.constant 1 : i32
      %dma_wait3A_133 = arith.constant 0 : i32
      %dma_wait3A_134 = arith.constant 0 : i32
      %dma_wait3A_135 = tpu.memref_slice %arg7[%dma_wait3A_132, %dma_wait3A_133, %dma_wait3A_134] : memref<4x8x2048xf32, #tpu.memory_space<vmem>> -> memref<1x8x2048xf32, #tpu.memory_space<vmem>>
      %dma_wait3A_136 = tpu.memref_squeeze %dma_wait3A_135 : memref<1x8x2048xf32, #tpu.memory_space<vmem>> -> memref<8x2048xf32, #tpu.memory_space<vmem>>
      %dma_wait3A_137 = arith.constant 0 : i32
      %dma_wait3A_138 = tpu.memref_slice %arg6[%add3A_131, %dma_wait3A_137] : memref<64x8xi32, #tpu.memory_space<vmem>> -> memref<1x8xi32, #tpu.memory_space<vmem>>
      %dma_wait3A_139 = tpu.memref_squeeze %dma_wait3A_138 : memref<1x8xi32, #tpu.memory_space<vmem>> -> memref<8xi32, #tpu.memory_space<vmem>>
      %dma_wait3A_140 = arith.constant 0 : i32
      %dma_wait3A_141 = arith.constant 0 : i32
      %dma_wait3A_142 = tpu.memref_slice %arg5[%arg0, %dma_wait3A_140, %dma_wait3A_141] : memref<2x256x2048xf32, #tpu.memory_space<hbm>> -> memref<1x256x2048xf32, #tpu.memory_space<hbm>>
      %dma_wait3A_143 = tpu.memref_squeeze %dma_wait3A_142 : memref<1x256x2048xf32, #tpu.memory_space<hbm>> -> memref<256x2048xf32, #tpu.memory_space<hbm>>
      %dma_wait3A_144 = arith.constant 0 : i32
      %dma_wait3A_145 = arith.constant 0 : i32
      %dma_wait3A_146 = tpu.memref_slice %dma_wait3A_143[%dma_wait3A_144, %dma_wait3A_145] : memref<256x2048xf32, #tpu.memory_space<hbm>> -> memref<256x2048xf32, #tpu.memory_space<hbm>>
      tpu.wait_indirect_dma semaphore(%arg10 : memref<!tpu.dma_semaphore, #tpu.memory_space<semaphore_mem>>) src(%dma_wait3A_146 : memref<256x2048xf32, #tpu.memory_space<hbm>>) dst(%dma_wait3A_136 : memref<8x2048xf32, #tpu.memory_space<vmem>>)
      %mul3A_147 = arith.constant 512 : i32
      %mul3A_148 = arith.muli %add3A, %mul3A_147 : i32
      %mul3A_149 = arith.constant 8 : i32
      %mul3A_150 = arith.muli %add3A_131, %mul3A_149 : i32
      %add3A_151 = arith.addi %mul3A_148, %mul3A_150 : i32
      %dma_start3A_152 = arith.constant 1 : i32
      %dma_start3A_153 = arith.constant 0 : i32
      %dma_start3A_154 = arith.constant 0 : i32
      %dma_start3A_155 = tpu.memref_slice %arg7[%dma_start3A_152, %dma_start3A_153, %dma_start3A_154] : memref<4x8x2048xf32, #tpu.memory_space<vmem>> -> memref<1x8x2048xf32, #tpu.memory_space<vmem>>
      %dma_start3A_156 = tpu.memref_squeeze %dma_start3A_155 : memref<1x8x2048xf32, #tpu.memory_space<vmem>> -> memref<8x2048xf32, #tpu.memory_space<vmem>>
      %dma_start3A_157 = arith.constant 0 : i32
      %dma_start3A_158 = tpu.memref_slice %arg4[%add3A_151, %dma_start3A_157] : memref<16384x2048xf32, #tpu.memory_space<hbm>> -> memref<8x2048xf32, #tpu.memory_space<hbm>>
      %dma_start3A_159 = arith.constant 0 : i32
      %dma_start3A_160 = tpu.memref_slice %arg4[%add3A_151, %dma_start3A_159] : memref<16384x2048xf32, #tpu.memory_space<hbm>> -> memref<8x2048xf32, #tpu.memory_space<hbm>>
      %dma_start3A_161 = arith.constant 0 : i32
      %dma_start3A_162 = arith.constant 0 : i32
      %dma_start3A_163 = tpu.memref_slice %arg7[%dma_start3A_152, %dma_start3A_161, %dma_start3A_162] : memref<4x8x2048xf32, #tpu.memory_space<vmem>> -> memref<1x8x2048xf32, #tpu.memory_space<vmem>>
      %dma_start3A_164 = tpu.memref_squeeze %dma_start3A_163 : memref<1x8x2048xf32, #tpu.memory_space<vmem>> -> memref<8x2048xf32, #tpu.memory_space<vmem>>
      tpu.enqueue_dma source(%dma_start3A_164 : memref<8x2048xf32, #tpu.memory_space<vmem>>) target(%dma_start3A_160 : memref<8x2048xf32, #tpu.memory_space<hbm>>) target_semaphore(%arg14 : memref<!tpu.dma_semaphore, #tpu.memory_space<semaphore_mem>>)
      %ge3A_165 = arith.constant 1 : i32
      %ge3A_166 = arith.cmpi sge, %add3A_131, %ge3A_165 : i32
      %convert_element_type3A_167 = arith.extui %ge3A_166 : i1 to i32
      %cond3A_168 = arith.constant 0 : i32
      %cond3A_169 = arith.cmpi ne, %convert_element_type3A_167, %cond3A_168 : i32
      scf.if %cond3A_169 {
        %sub3A_281 = arith.constant 1 : i32
        %sub3A_282 = arith.subi %add3A_131, %sub3A_281 : i32
        %mul3A_283 = arith.constant 512 : i32
        %mul3A_284 = arith.muli %add3A, %mul3A_283 : i32
        %mul3A_285 = arith.constant 8 : i32
        %mul3A_286 = arith.muli %sub3A_282, %mul3A_285 : i32
        %add3A_287 = arith.addi %mul3A_284, %mul3A_286 : i32
        %dma_wait3A_288 = arith.constant 0 : i32
        %dma_wait3A_289 = arith.constant 0 : i32
        %dma_wait3A_290 = arith.constant 0 : i32
        %dma_wait3A_291 = tpu.memref_slice %arg7[%dma_wait3A_288, %dma_wait3A_289, %dma_wait3A_290] : memref<4x8x2048xf32, #tpu.memory_space<vmem>> -> memref<1x8x2048xf32, #tpu.memory_space<vmem>>
        %dma_wait3A_292 = tpu.memref_squeeze %dma_wait3A_291 : memref<1x8x2048xf32, #tpu.memory_space<vmem>> -> memref<8x2048xf32, #tpu.memory_space<vmem>>
        %dma_wait3A_293 = arith.constant 0 : i32
        %dma_wait3A_294 = tpu.memref_slice %arg4[%add3A_287, %dma_wait3A_293] : memref<16384x2048xf32, #tpu.memory_space<hbm>> -> memref<8x2048xf32, #tpu.memory_space<hbm>>
        %dma_wait3A_295 = arith.constant 0 : i32
        %dma_wait3A_296 = tpu.memref_slice %arg4[%add3A_287, %dma_wait3A_295] : memref<16384x2048xf32, #tpu.memory_space<hbm>> -> memref<8x2048xf32, #tpu.memory_space<hbm>>
        %dma_wait3A_297 = arith.constant 0 : i32
        %dma_wait3A_298 = arith.constant 0 : i32
        %dma_wait3A_299 = tpu.memref_slice %arg7[%dma_wait3A_288, %dma_wait3A_297, %dma_wait3A_298] : memref<4x8x2048xf32, #tpu.memory_space<vmem>> -> memref<1x8x2048xf32, #tpu.memory_space<vmem>>
        %dma_wait3A_300 = tpu.memref_squeeze %dma_wait3A_299 : memref<1x8x2048xf32, #tpu.memory_space<vmem>> -> memref<8x2048xf32, #tpu.memory_space<vmem>>
        tpu.wait_dma2 semaphore(%arg13 : memref<!tpu.dma_semaphore, #tpu.memory_space<semaphore_mem>>) src(%dma_wait3A_300 : memref<8x2048xf32, #tpu.memory_space<vmem>>) dst(%dma_wait3A_296 : memref<8x2048xf32, #tpu.memory_space<hbm>>)
      } else {
      }
      %add3A_170 = arith.constant 4 : i32
      %add3A_171 = arith.addi %add3A_131, %add3A_170 : i32
      %sub3A_172 = arith.constant 1 : i32
      %sub3A_173 = arith.subi %add3A_171, %sub3A_172 : i32
      %lt3A_174 = arith.constant 64 : i32
      %lt3A_175 = arith.cmpi slt, %sub3A_173, %lt3A_174 : i32
      %convert_element_type3A_176 = arith.extui %lt3A_175 : i1 to i32
      %cond3A_177 = arith.constant 0 : i32
      %cond3A_178 = arith.cmpi ne, %convert_element_type3A_176, %cond3A_177 : i32
      scf.if %cond3A_178 {
        %add3A_281 = arith.constant 4 : i32
        %add3A_282 = arith.addi %add3A_131, %add3A_281 : i32
        %sub3A_283 = arith.constant 1 : i32
        %sub3A_284 = arith.subi %add3A_282, %sub3A_283 : i32
        %dma_start3A_285 = arith.constant 0 : i32
        %dma_start3A_286 = arith.constant 0 : i32
        %dma_start3A_287 = arith.constant 0 : i32
        %dma_start3A_288 = tpu.memref_slice %arg7[%dma_start3A_285, %dma_start3A_286, %dma_start3A_287] : memref<4x8x2048xf32, #tpu.memory_space<vmem>> -> memref<1x8x2048xf32, #tpu.memory_space<vmem>>
        %dma_start3A_289 = tpu.memref_squeeze %dma_start3A_288 : memref<1x8x2048xf32, #tpu.memory_space<vmem>> -> memref<8x2048xf32, #tpu.memory_space<vmem>>
        %dma_start3A_290 = arith.constant 0 : i32
        %dma_start3A_291 = tpu.memref_slice %arg6[%sub3A_284, %dma_start3A_290] : memref<64x8xi32, #tpu.memory_space<vmem>> -> memref<1x8xi32, #tpu.memory_space<vmem>>
        %dma_start3A_292 = tpu.memref_squeeze %dma_start3A_291 : memref<1x8xi32, #tpu.memory_space<vmem>> -> memref<8xi32, #tpu.memory_space<vmem>>
        %dma_start3A_293 = arith.constant 0 : i32
        %dma_start3A_294 = arith.constant 0 : i32
        %dma_start3A_295 = tpu.memref_slice %arg5[%arg0, %dma_start3A_293, %dma_start3A_294] : memref<2x256x2048xf32, #tpu.memory_space<hbm>> -> memref<1x256x2048xf32, #tpu.memory_space<hbm>>
        %dma_start3A_296 = tpu.memref_squeeze %dma_start3A_295 : memref<1x256x2048xf32, #tpu.memory_space<hbm>> -> memref<256x2048xf32, #tpu.memory_space<hbm>>
        %dma_start3A_297 = arith.constant 0 : i32
        %dma_start3A_298 = arith.constant 0 : i32
        %dma_start3A_299 = tpu.memref_slice %dma_start3A_296[%dma_start3A_297, %dma_start3A_298] : memref<256x2048xf32, #tpu.memory_space<hbm>> -> memref<256x2048xf32, #tpu.memory_space<hbm>>
        tpu.enqueue_indirect_dma source(%dma_start3A_299 : memref<256x2048xf32, #tpu.memory_space<hbm>>) target(%dma_start3A_289 : memref<8x2048xf32, #tpu.memory_space<vmem>>) offsets(%dma_start3A_292 : memref<8xi32, #tpu.memory_space<vmem>>) semaphore(%arg9 : memref<!tpu.dma_semaphore, #tpu.memory_space<semaphore_mem>>)
      } else {
      }
      %mul3A_179 = arith.constant 4 : i32
      %mul3A_180 = arith.muli %scan3A_79, %mul3A_179 : i32
      %add3A_181 = arith.constant 2 : i32
      %add3A_182 = arith.addi %mul3A_180, %add3A_181 : i32
      %dma_wait3A_183 = arith.constant 2 : i32
      %dma_wait3A_184 = arith.constant 0 : i32
      %dma_wait3A_185 = arith.constant 0 : i32
      %dma_wait3A_186 = tpu.memref_slice %arg7[%dma_wait3A_183, %dma_wait3A_184, %dma_wait3A_185] : memref<4x8x2048xf32, #tpu.memory_space<vmem>> -> memref<1x8x2048xf32, #tpu.memory_space<vmem>>
      %dma_wait3A_187 = tpu.memref_squeeze %dma_wait3A_186 : memref<1x8x2048xf32, #tpu.memory_space<vmem>> -> memref<8x2048xf32, #tpu.memory_space<vmem>>
      %dma_wait3A_188 = arith.constant 0 : i32
      %dma_wait3A_189 = tpu.memref_slice %arg6[%add3A_182, %dma_wait3A_188] : memref<64x8xi32, #tpu.memory_space<vmem>> -> memref<1x8xi32, #tpu.memory_space<vmem>>
      %dma_wait3A_190 = tpu.memref_squeeze %dma_wait3A_189 : memref<1x8xi32, #tpu.memory_space<vmem>> -> memref<8xi32, #tpu.memory_space<vmem>>
      %dma_wait3A_191 = arith.constant 0 : i32
      %dma_wait3A_192 = arith.constant 0 : i32
      %dma_wait3A_193 = tpu.memref_slice %arg5[%arg0, %dma_wait3A_191, %dma_wait3A_192] : memref<2x256x2048xf32, #tpu.memory_space<hbm>> -> memref<1x256x2048xf32, #tpu.memory_space<hbm>>
      %dma_wait3A_194 = tpu.memref_squeeze %dma_wait3A_193 : memref<1x256x2048xf32, #tpu.memory_space<hbm>> -> memref<256x2048xf32, #tpu.memory_space<hbm>>
      %dma_wait3A_195 = arith.constant 0 : i32
      %dma_wait3A_196 = arith.constant 0 : i32
      %dma_wait3A_197 = tpu.memref_slice %dma_wait3A_194[%dma_wait3A_195, %dma_wait3A_196] : memref<256x2048xf32, #tpu.memory_space<hbm>> -> memref<256x2048xf32, #tpu.memory_space<hbm>>
      tpu.wait_indirect_dma semaphore(%arg11 : memref<!tpu.dma_semaphore, #tpu.memory_space<semaphore_mem>>) src(%dma_wait3A_197 : memref<256x2048xf32, #tpu.memory_space<hbm>>) dst(%dma_wait3A_187 : memref<8x2048xf32, #tpu.memory_space<vmem>>)
      %mul3A_198 = arith.constant 512 : i32
      %mul3A_199 = arith.muli %add3A, %mul3A_198 : i32
      %mul3A_200 = arith.constant 8 : i32
      %mul3A_201 = arith.muli %add3A_182, %mul3A_200 : i32
      %add3A_202 = arith.addi %mul3A_199, %mul3A_201 : i32
      %dma_start3A_203 = arith.constant 2 : i32
      %dma_start3A_204 = arith.constant 0 : i32
      %dma_start3A_205 = arith.constant 0 : i32
      %dma_start3A_206 = tpu.memref_slice %arg7[%dma_start3A_203, %dma_start3A_204, %dma_start3A_205] : memref<4x8x2048xf32, #tpu.memory_space<vmem>> -> memref<1x8x2048xf32, #tpu.memory_space<vmem>>
      %dma_start3A_207 = tpu.memref_squeeze %dma_start3A_206 : memref<1x8x2048xf32, #tpu.memory_space<vmem>> -> memref<8x2048xf32, #tpu.memory_space<vmem>>
      %dma_start3A_208 = arith.constant 0 : i32
      %dma_start3A_209 = tpu.memref_slice %arg4[%add3A_202, %dma_start3A_208] : memref<16384x2048xf32, #tpu.memory_space<hbm>> -> memref<8x2048xf32, #tpu.memory_space<hbm>>
      %dma_start3A_210 = arith.constant 0 : i32
      %dma_start3A_211 = tpu.memref_slice %arg4[%add3A_202, %dma_start3A_210] : memref<16384x2048xf32, #tpu.memory_space<hbm>> -> memref<8x2048xf32, #tpu.memory_space<hbm>>
      %dma_start3A_212 = arith.constant 0 : i32
      %dma_start3A_213 = arith.constant 0 : i32
      %dma_start3A_214 = tpu.memref_slice %arg7[%dma_start3A_203, %dma_start3A_212, %dma_start3A_213] : memref<4x8x2048xf32, #tpu.memory_space<vmem>> -> memref<1x8x2048xf32, #tpu.memory_space<vmem>>
      %dma_start3A_215 = tpu.memref_squeeze %dma_start3A_214 : memref<1x8x2048xf32, #tpu.memory_space<vmem>> -> memref<8x2048xf32, #tpu.memory_space<vmem>>
      tpu.enqueue_dma source(%dma_start3A_215 : memref<8x2048xf32, #tpu.memory_space<vmem>>) target(%dma_start3A_211 : memref<8x2048xf32, #tpu.memory_space<hbm>>) target_semaphore(%arg15 : memref<!tpu.dma_semaphore, #tpu.memory_space<semaphore_mem>>)
      %ge3A_216 = arith.constant 1 : i32
      %ge3A_217 = arith.cmpi sge, %add3A_182, %ge3A_216 : i32
      %convert_element_type3A_218 = arith.extui %ge3A_217 : i1 to i32
      %cond3A_219 = arith.constant 0 : i32
      %cond3A_220 = arith.cmpi ne, %convert_element_type3A_218, %cond3A_219 : i32
      scf.if %cond3A_220 {
        %sub3A_281 = arith.constant 1 : i32
        %sub3A_282 = arith.subi %add3A_182, %sub3A_281 : i32
        %mul3A_283 = arith.constant 512 : i32
        %mul3A_284 = arith.muli %add3A, %mul3A_283 : i32
        %mul3A_285 = arith.constant 8 : i32
        %mul3A_286 = arith.muli %sub3A_282, %mul3A_285 : i32
        %add3A_287 = arith.addi %mul3A_284, %mul3A_286 : i32
        %dma_wait3A_288 = arith.constant 1 : i32
        %dma_wait3A_289 = arith.constant 0 : i32
        %dma_wait3A_290 = arith.constant 0 : i32
        %dma_wait3A_291 = tpu.memref_slice %arg7[%dma_wait3A_288, %dma_wait3A_289, %dma_wait3A_290] : memref<4x8x2048xf32, #tpu.memory_space<vmem>> -> memref<1x8x2048xf32, #tpu.memory_space<vmem>>
        %dma_wait3A_292 = tpu.memref_squeeze %dma_wait3A_291 : memref<1x8x2048xf32, #tpu.memory_space<vmem>> -> memref<8x2048xf32, #tpu.memory_space<vmem>>
        %dma_wait3A_293 = arith.constant 0 : i32
        %dma_wait3A_294 = tpu.memref_slice %arg4[%add3A_287, %dma_wait3A_293] : memref<16384x2048xf32, #tpu.memory_space<hbm>> -> memref<8x2048xf32, #tpu.memory_space<hbm>>
        %dma_wait3A_295 = arith.constant 0 : i32
        %dma_wait3A_296 = tpu.memref_slice %arg4[%add3A_287, %dma_wait3A_295] : memref<16384x2048xf32, #tpu.memory_space<hbm>> -> memref<8x2048xf32, #tpu.memory_space<hbm>>
        %dma_wait3A_297 = arith.constant 0 : i32
        %dma_wait3A_298 = arith.constant 0 : i32
        %dma_wait3A_299 = tpu.memref_slice %arg7[%dma_wait3A_288, %dma_wait3A_297, %dma_wait3A_298] : memref<4x8x2048xf32, #tpu.memory_space<vmem>> -> memref<1x8x2048xf32, #tpu.memory_space<vmem>>
        %dma_wait3A_300 = tpu.memref_squeeze %dma_wait3A_299 : memref<1x8x2048xf32, #tpu.memory_space<vmem>> -> memref<8x2048xf32, #tpu.memory_space<vmem>>
        tpu.wait_dma2 semaphore(%arg14 : memref<!tpu.dma_semaphore, #tpu.memory_space<semaphore_mem>>) src(%dma_wait3A_300 : memref<8x2048xf32, #tpu.memory_space<vmem>>) dst(%dma_wait3A_296 : memref<8x2048xf32, #tpu.memory_space<hbm>>)
      } else {
      }
      %add3A_221 = arith.constant 4 : i32
      %add3A_222 = arith.addi %add3A_182, %add3A_221 : i32
      %sub3A_223 = arith.constant 1 : i32
      %sub3A_224 = arith.subi %add3A_222, %sub3A_223 : i32
      %lt3A_225 = arith.constant 64 : i32
      %lt3A_226 = arith.cmpi slt, %sub3A_224, %lt3A_225 : i32
      %convert_element_type3A_227 = arith.extui %lt3A_226 : i1 to i32
      %cond3A_228 = arith.constant 0 : i32
      %cond3A_229 = arith.cmpi ne, %convert_element_type3A_227, %cond3A_228 : i32
      scf.if %cond3A_229 {
        %add3A_281 = arith.constant 4 : i32
        %add3A_282 = arith.addi %add3A_182, %add3A_281 : i32
        %sub3A_283 = arith.constant 1 : i32
        %sub3A_284 = arith.subi %add3A_282, %sub3A_283 : i32
        %dma_start3A_285 = arith.constant 1 : i32
        %dma_start3A_286 = arith.constant 0 : i32
        %dma_start3A_287 = arith.constant 0 : i32
        %dma_start3A_288 = tpu.memref_slice %arg7[%dma_start3A_285, %dma_start3A_286, %dma_start3A_287] : memref<4x8x2048xf32, #tpu.memory_space<vmem>> -> memref<1x8x2048xf32, #tpu.memory_space<vmem>>
        %dma_start3A_289 = tpu.memref_squeeze %dma_start3A_288 : memref<1x8x2048xf32, #tpu.memory_space<vmem>> -> memref<8x2048xf32, #tpu.memory_space<vmem>>
        %dma_start3A_290 = arith.constant 0 : i32
        %dma_start3A_291 = tpu.memref_slice %arg6[%sub3A_284, %dma_start3A_290] : memref<64x8xi32, #tpu.memory_space<vmem>> -> memref<1x8xi32, #tpu.memory_space<vmem>>
        %dma_start3A_292 = tpu.memref_squeeze %dma_start3A_291 : memref<1x8xi32, #tpu.memory_space<vmem>> -> memref<8xi32, #tpu.memory_space<vmem>>
        %dma_start3A_293 = arith.constant 0 : i32
        %dma_start3A_294 = arith.constant 0 : i32
        %dma_start3A_295 = tpu.memref_slice %arg5[%arg0, %dma_start3A_293, %dma_start3A_294] : memref<2x256x2048xf32, #tpu.memory_space<hbm>> -> memref<1x256x2048xf32, #tpu.memory_space<hbm>>
        %dma_start3A_296 = tpu.memref_squeeze %dma_start3A_295 : memref<1x256x2048xf32, #tpu.memory_space<hbm>> -> memref<256x2048xf32, #tpu.memory_space<hbm>>
        %dma_start3A_297 = arith.constant 0 : i32
        %dma_start3A_298 = arith.constant 0 : i32
        %dma_start3A_299 = tpu.memref_slice %dma_start3A_296[%dma_start3A_297, %dma_start3A_298] : memref<256x2048xf32, #tpu.memory_space<hbm>> -> memref<256x2048xf32, #tpu.memory_space<hbm>>
        tpu.enqueue_indirect_dma source(%dma_start3A_299 : memref<256x2048xf32, #tpu.memory_space<hbm>>) target(%dma_start3A_289 : memref<8x2048xf32, #tpu.memory_space<vmem>>) offsets(%dma_start3A_292 : memref<8xi32, #tpu.memory_space<vmem>>) semaphore(%arg10 : memref<!tpu.dma_semaphore, #tpu.memory_space<semaphore_mem>>)
      } else {
      }
      %mul3A_230 = arith.constant 4 : i32
      %mul3A_231 = arith.muli %scan3A_79, %mul3A_230 : i32
      %add3A_232 = arith.constant 3 : i32
      %add3A_233 = arith.addi %mul3A_231, %add3A_232 : i32
      %dma_wait3A_234 = arith.constant 3 : i32
      %dma_wait3A_235 = arith.constant 0 : i32
      %dma_wait3A_236 = arith.constant 0 : i32
      %dma_wait3A_237 = tpu.memref_slice %arg7[%dma_wait3A_234, %dma_wait3A_235, %dma_wait3A_236] : memref<4x8x2048xf32, #tpu.memory_space<vmem>> -> memref<1x8x2048xf32, #tpu.memory_space<vmem>>
      %dma_wait3A_238 = tpu.memref_squeeze %dma_wait3A_237 : memref<1x8x2048xf32, #tpu.memory_space<vmem>> -> memref<8x2048xf32, #tpu.memory_space<vmem>>
      %dma_wait3A_239 = arith.constant 0 : i32
      %dma_wait3A_240 = tpu.memref_slice %arg6[%add3A_233, %dma_wait3A_239] : memref<64x8xi32, #tpu.memory_space<vmem>> -> memref<1x8xi32, #tpu.memory_space<vmem>>
      %dma_wait3A_241 = tpu.memref_squeeze %dma_wait3A_240 : memref<1x8xi32, #tpu.memory_space<vmem>> -> memref<8xi32, #tpu.memory_space<vmem>>
      %dma_wait3A_242 = arith.constant 0 : i32
      %dma_wait3A_243 = arith.constant 0 : i32
      %dma_wait3A_244 = tpu.memref_slice %arg5[%arg0, %dma_wait3A_242, %dma_wait3A_243] : memref<2x256x2048xf32, #tpu.memory_space<hbm>> -> memref<1x256x2048xf32, #tpu.memory_space<hbm>>
      %dma_wait3A_245 = tpu.memref_squeeze %dma_wait3A_244 : memref<1x256x2048xf32, #tpu.memory_space<hbm>> -> memref<256x2048xf32, #tpu.memory_space<hbm>>
      %dma_wait3A_246 = arith.constant 0 : i32
      %dma_wait3A_247 = arith.constant 0 : i32
      %dma_wait3A_248 = tpu.memref_slice %dma_wait3A_245[%dma_wait3A_246, %dma_wait3A_247] : memref<256x2048xf32, #tpu.memory_space<hbm>> -> memref<256x2048xf32, #tpu.memory_space<hbm>>
      tpu.wait_indirect_dma semaphore(%arg12 : memref<!tpu.dma_semaphore, #tpu.memory_space<semaphore_mem>>) src(%dma_wait3A_248 : memref<256x2048xf32, #tpu.memory_space<hbm>>) dst(%dma_wait3A_238 : memref<8x2048xf32, #tpu.memory_space<vmem>>)
      %mul3A_249 = arith.constant 512 : i32
      %mul3A_250 = arith.muli %add3A, %mul3A_249 : i32
      %mul3A_251 = arith.constant 8 : i32
      %mul3A_252 = arith.muli %add3A_233, %mul3A_251 : i32
      %add3A_253 = arith.addi %mul3A_250, %mul3A_252 : i32
      %dma_start3A_254 = arith.constant 3 : i32
      %dma_start3A_255 = arith.constant 0 : i32
      %dma_start3A_256 = arith.constant 0 : i32
      %dma_start3A_257 = tpu.memref_slice %arg7[%dma_start3A_254, %dma_start3A_255, %dma_start3A_256] : memref<4x8x2048xf32, #tpu.memory_space<vmem>> -> memref<1x8x2048xf32, #tpu.memory_space<vmem>>
      %dma_start3A_258 = tpu.memref_squeeze %dma_start3A_257 : memref<1x8x2048xf32, #tpu.memory_space<vmem>> -> memref<8x2048xf32, #tpu.memory_space<vmem>>
      %dma_start3A_259 = arith.constant 0 : i32
      %dma_start3A_260 = tpu.memref_slice %arg4[%add3A_253, %dma_start3A_259] : memref<16384x2048xf32, #tpu.memory_space<hbm>> -> memref<8x2048xf32, #tpu.memory_space<hbm>>
      %dma_start3A_261 = arith.constant 0 : i32
      %dma_start3A_262 = tpu.memref_slice %arg4[%add3A_253, %dma_start3A_261] : memref<16384x2048xf32, #tpu.memory_space<hbm>> -> memref<8x2048xf32, #tpu.memory_space<hbm>>
      %dma_start3A_263 = arith.constant 0 : i32
      %dma_start3A_264 = arith.constant 0 : i32
      %dma_start3A_265 = tpu.memref_slice %arg7[%dma_start3A_254, %dma_start3A_263, %dma_start3A_264] : memref<4x8x2048xf32, #tpu.memory_space<vmem>> -> memref<1x8x2048xf32, #tpu.memory_space<vmem>>
      %dma_start3A_266 = tpu.memref_squeeze %dma_start3A_265 : memref<1x8x2048xf32, #tpu.memory_space<vmem>> -> memref<8x2048xf32, #tpu.memory_space<vmem>>
      tpu.enqueue_dma source(%dma_start3A_266 : memref<8x2048xf32, #tpu.memory_space<vmem>>) target(%dma_start3A_262 : memref<8x2048xf32, #tpu.memory_space<hbm>>) target_semaphore(%arg16 : memref<!tpu.dma_semaphore, #tpu.memory_space<semaphore_mem>>)
      %ge3A_267 = arith.constant 1 : i32
      %ge3A_268 = arith.cmpi sge, %add3A_233, %ge3A_267 : i32
      %convert_element_type3A_269 = arith.extui %ge3A_268 : i1 to i32
      %cond3A_270 = arith.constant 0 : i32
      %cond3A_271 = arith.cmpi ne, %convert_element_type3A_269, %cond3A_270 : i32
      scf.if %cond3A_271 {
        %sub3A_281 = arith.constant 1 : i32
        %sub3A_282 = arith.subi %add3A_233, %sub3A_281 : i32
        %mul3A_283 = arith.constant 512 : i32
        %mul3A_284 = arith.muli %add3A, %mul3A_283 : i32
        %mul3A_285 = arith.constant 8 : i32
        %mul3A_286 = arith.muli %sub3A_282, %mul3A_285 : i32
        %add3A_287 = arith.addi %mul3A_284, %mul3A_286 : i32
        %dma_wait3A_288 = arith.constant 2 : i32
        %dma_wait3A_289 = arith.constant 0 : i32
        %dma_wait3A_290 = arith.constant 0 : i32
        %dma_wait3A_291 = tpu.memref_slice %arg7[%dma_wait3A_288, %dma_wait3A_289, %dma_wait3A_290] : memref<4x8x2048xf32, #tpu.memory_space<vmem>> -> memref<1x8x2048xf32, #tpu.memory_space<vmem>>
        %dma_wait3A_292 = tpu.memref_squeeze %dma_wait3A_291 : memref<1x8x2048xf32, #tpu.memory_space<vmem>> -> memref<8x2048xf32, #tpu.memory_space<vmem>>
        %dma_wait3A_293 = arith.constant 0 : i32
        %dma_wait3A_294 = tpu.memref_slice %arg4[%add3A_287, %dma_wait3A_293] : memref<16384x2048xf32, #tpu.memory_space<hbm>> -> memref<8x2048xf32, #tpu.memory_space<hbm>>
        %dma_wait3A_295 = arith.constant 0 : i32
        %dma_wait3A_296 = tpu.memref_slice %arg4[%add3A_287, %dma_wait3A_295] : memref<16384x2048xf32, #tpu.memory_space<hbm>> -> memref<8x2048xf32, #tpu.memory_space<hbm>>
        %dma_wait3A_297 = arith.constant 0 : i32
        %dma_wait3A_298 = arith.constant 0 : i32
        %dma_wait3A_299 = tpu.memref_slice %arg7[%dma_wait3A_288, %dma_wait3A_297, %dma_wait3A_298] : memref<4x8x2048xf32, #tpu.memory_space<vmem>> -> memref<1x8x2048xf32, #tpu.memory_space<vmem>>
        %dma_wait3A_300 = tpu.memref_squeeze %dma_wait3A_299 : memref<1x8x2048xf32, #tpu.memory_space<vmem>> -> memref<8x2048xf32, #tpu.memory_space<vmem>>
        tpu.wait_dma2 semaphore(%arg15 : memref<!tpu.dma_semaphore, #tpu.memory_space<semaphore_mem>>) src(%dma_wait3A_300 : memref<8x2048xf32, #tpu.memory_space<vmem>>) dst(%dma_wait3A_296 : memref<8x2048xf32, #tpu.memory_space<hbm>>)
      } else {
      }
      %add3A_272 = arith.constant 4 : i32
      %add3A_273 = arith.addi %add3A_233, %add3A_272 : i32
      %sub3A_274 = arith.constant 1 : i32
      %sub3A_275 = arith.subi %add3A_273, %sub3A_274 : i32
      %lt3A_276 = arith.constant 64 : i32
      %lt3A_277 = arith.cmpi slt, %sub3A_275, %lt3A_276 : i32
      %convert_element_type3A_278 = arith.extui %lt3A_277 : i1 to i32
      %cond3A_279 = arith.constant 0 : i32
      %cond3A_280 = arith.cmpi ne, %convert_element_type3A_278, %cond3A_279 : i32
      scf.if %cond3A_280 {
        %add3A_281 = arith.constant 4 : i32
        %add3A_282 = arith.addi %add3A_233, %add3A_281 : i32
        %sub3A_283 = arith.constant 1 : i32
        %sub3A_284 = arith.subi %add3A_282, %sub3A_283 : i32
        %dma_start3A_285 = arith.constant 2 : i32
        %dma_start3A_286 = arith.constant 0 : i32
        %dma_start3A_287 = arith.constant 0 : i32
        %dma_start3A_288 = tpu.memref_slice %arg7[%dma_start3A_285, %dma_start3A_286, %dma_start3A_287] : memref<4x8x2048xf32, #tpu.memory_space<vmem>> -> memref<1x8x2048xf32, #tpu.memory_space<vmem>>
        %dma_start3A_289 = tpu.memref_squeeze %dma_start3A_288 : memref<1x8x2048xf32, #tpu.memory_space<vmem>> -> memref<8x2048xf32, #tpu.memory_space<vmem>>
        %dma_start3A_290 = arith.constant 0 : i32
        %dma_start3A_291 = tpu.memref_slice %arg6[%sub3A_284, %dma_start3A_290] : memref<64x8xi32, #tpu.memory_space<vmem>> -> memref<1x8xi32, #tpu.memory_space<vmem>>
        %dma_start3A_292 = tpu.memref_squeeze %dma_start3A_291 : memref<1x8xi32, #tpu.memory_space<vmem>> -> memref<8xi32, #tpu.memory_space<vmem>>
        %dma_start3A_293 = arith.constant 0 : i32
        %dma_start3A_294 = arith.constant 0 : i32
        %dma_start3A_295 = tpu.memref_slice %arg5[%arg0, %dma_start3A_293, %dma_start3A_294] : memref<2x256x2048xf32, #tpu.memory_space<hbm>> -> memref<1x256x2048xf32, #tpu.memory_space<hbm>>
        %dma_start3A_296 = tpu.memref_squeeze %dma_start3A_295 : memref<1x256x2048xf32, #tpu.memory_space<hbm>> -> memref<256x2048xf32, #tpu.memory_space<hbm>>
        %dma_start3A_297 = arith.constant 0 : i32
        %dma_start3A_298 = arith.constant 0 : i32
        %dma_start3A_299 = tpu.memref_slice %dma_start3A_296[%dma_start3A_297, %dma_start3A_298] : memref<256x2048xf32, #tpu.memory_space<hbm>> -> memref<256x2048xf32, #tpu.memory_space<hbm>>
        tpu.enqueue_indirect_dma source(%dma_start3A_299 : memref<256x2048xf32, #tpu.memory_space<hbm>>) target(%dma_start3A_289 : memref<8x2048xf32, #tpu.memory_space<vmem>>) offsets(%dma_start3A_292 : memref<8xi32, #tpu.memory_space<vmem>>) semaphore(%arg11 : memref<!tpu.dma_semaphore, #tpu.memory_space<semaphore_mem>>)
      } else {
      }
    }
    %scan3A_62 = arith.constant 16 : i32
    %mul3A_63 = arith.constant 512 : i32
    %mul3A_64 = arith.muli %add3A, %mul3A_63 : i32
    %add3A_65 = arith.constant 504 : i32
    %add3A_66 = arith.addi %mul3A_64, %add3A_65 : i32
    %dma_wait3A = arith.constant 3 : i32
    %dma_wait3A_67 = arith.constant 0 : i32
    %dma_wait3A_68 = arith.constant 0 : i32
    %dma_wait3A_69 = tpu.memref_slice %arg7[%dma_wait3A, %dma_wait3A_67, %dma_wait3A_68] : memref<4x8x2048xf32, #tpu.memory_space<vmem>> -> memref<1x8x2048xf32, #tpu.memory_space<vmem>>
    %dma_wait3A_70 = tpu.memref_squeeze %dma_wait3A_69 : memref<1x8x2048xf32, #tpu.memory_space<vmem>> -> memref<8x2048xf32, #tpu.memory_space<vmem>>
    %dma_wait3A_71 = arith.constant 0 : i32
    %dma_wait3A_72 = tpu.memref_slice %arg4[%add3A_66, %dma_wait3A_71] : memref<16384x2048xf32, #tpu.memory_space<hbm>> -> memref<8x2048xf32, #tpu.memory_space<hbm>>
    %dma_wait3A_73 = arith.constant 0 : i32
    %dma_wait3A_74 = tpu.memref_slice %arg4[%add3A_66, %dma_wait3A_73] : memref<16384x2048xf32, #tpu.memory_space<hbm>> -> memref<8x2048xf32, #tpu.memory_space<hbm>>
    %dma_wait3A_75 = arith.constant 0 : i32
    %dma_wait3A_76 = arith.constant 0 : i32
    %dma_wait3A_77 = tpu.memref_slice %arg7[%dma_wait3A, %dma_wait3A_75, %dma_wait3A_76] : memref<4x8x2048xf32, #tpu.memory_space<vmem>> -> memref<1x8x2048xf32, #tpu.memory_space<vmem>>
    %dma_wait3A_78 = tpu.memref_squeeze %dma_wait3A_77 : memref<1x8x2048xf32, #tpu.memory_space<vmem>> -> memref<8x2048xf32, #tpu.memory_space<vmem>>
    tpu.wait_dma2 semaphore(%arg16 : memref<!tpu.dma_semaphore, #tpu.memory_space<semaphore_mem>>) src(%dma_wait3A_78 : memref<8x2048xf32, #tpu.memory_space<vmem>>) dst(%dma_wait3A_74 : memref<8x2048xf32, #tpu.memory_space<hbm>>)
    return
  }
}

</mosaic_0001>

<sc_bundles>
// kernel: kernel.3.cloned.1.call-start
scs
__scs_entry_jumppad:
0x0: {  	(pc) =	sbr.rel $0x88, $3  }
0x1: {  	(tag) =	ssettag $0x0;
	lr =	simm.s32 $0x1  }
0x2: {  	[smem:$0x3F9F] =	sst lr;
	_ =	strace $0xD0000000  }
0x3: {  	_ = 	snop  }
0x4: {  	_ = 	snop  }
0x5: {  	_ = 	snop  }
0x6: {  	_ = 	snop  }
0x7: {  	_ = 	snop  }
__scs_overlays_trampoline_lowered:
0x8: {  	[smem:$0x3FAE] =	sst s0  }
0x9: {  	[smem:$0x3FAF] =	sst s1  }
0xa: {  	[smem:$0x3FB0] =	sst s2  }
0xb: {  	[smem:$0x3FB1] =	sst s3  }
0xc: {  	[smem:$0x3FB2] =	sst s4  }
0xd: {  	[smem:$0x3FB3] =	sst s5  }
0xe: {  	[smem:$0x3FB4] =	sst s6  }
0xf: {  	[smem:$0x3FB5] =	sst s7  }
0x10: {  	[smem:$0x3FB6] =	sst s8  }
0x11: {  	[smem:$0x3FB7] =	sst s9;
	s0 =	simm.s32 @!p0 $0x0  }
0x12: {  	s1 =	sld [smem:$0x3F9D];
	s0 =	simm.s32 @p0 $0x1  }
0x13: {  	[smem:$0x3FB8] =	sst s0;
	s0 =	simm.s32 @!p1 $0x0  }
0x14: {  	s2 =	sld [smem:$0x3F9C];
	s0 =	simm.s32 @p1 $0x1  }
0x15: {  	[smem:$0x3FB9] =	sst s0;
	s0 =	simm.s32 @!p2 $0x0  }
0x16: {  	s3 =	sld [smem:$0x3FDB];
	s0 =	simm.s32 @p2 $0x1  }
0x17: {  	s4 =	simm.s32 $0x1BF5;
	[smem:$0x3FBB] =	sst s0  }
0x18: {  	s0 =	sld [smem:$0x3F9E];
	_ =	swait.ge [sflag:s4], $0x0  }
0x19: {  	s7 =	sld [smem:$0x3F9F]  }
0x1a: {  	s8 =	sadd.s32 $0xFFFFE003, lr  }
0x1b: {  	s9 =	sadd.s32 $0xFFFFFEF7, lr;
	s5 =	simm.s32 $0xFFFFFFFF;
	p2 =	slt.u32 s8, $0xFFFFF086  }
0x1c: {  	p1 =	slt.u32 s9, $0xF7A;
	s5 =	simm.s32 @!p2 $0x0  }
0x1d: {  	s5 =	simm.s32 @p1 $0x1;
	p0 =	seq.s32 s7, s2  }
0x1e: {  	s7 =	smul.u32 @!p0 $0xF7A, s2;
	p2 =	seq.s32 @!p0 s5, $0x0  }
0x1f: {  	s9 =	smul.u32 $0xF7A, s1;
	s8 =	simm.s32 @!p0 $0x1BF5;
	p2 =	por !p2, p0  }
0x20: {  	[sflag:s8] =	ssyncset.s32 @!p0 $0xFFFFF086;
	s6 =	sadd.s32 @!p0 s3, s7;
	s7 =	simm.s32 @!p0 $0x108  }
0x21: {  	s3 =	sadd.s32 s3, s9;
	s6 =	sadd.s32 @!p0 $0x88, s6;
	s7 =	simm.s32 @p2 $0x1082  }
0x22: {  	[simem:s7], [sflag:s8] =	dma.local @!p0 [hbm:s6], $0xF7A  }
0x23: {  	s9 =	sor.u32 $0xD0000000, s2;
	s6 =	simm.s32 $0x108;
	_ =	swait.ge @!p0 [sflag:s8], $0x0  }
0x24: {  	s3 =	sadd.s32 $0x88, s3;
	s6 =	simm.s32 @!p1 $0x1082;
	[sflag:s4] =	ssyncset.s32 $0xFFFFF086  }
0x25: {  	[simem:s6], [sflag:s4] =	dma.local [hbm:s3], $0xF7A  }
0x26: {  	[smem:$0x3F9F] =	sst s1;
	(tag) =	ssettag s2;
	_ =	strace s9  }
0x27: {  	s1 =	sld [smem:$0x3FAF]  }
0x28: {  	s2 =	sld [smem:$0x3FB0]  }
0x29: {  	s4 =	sld [smem:$0x3FB2]  }
0x2a: {  	p0 =	seq.s32 s5, $0x0;
	s5 =	sld [smem:$0x3FB3]  }
0x2b: {  	s6 =	sld [smem:$0x3FB4]  }
0x2c: {  	s7 =	sld [smem:$0x3FB5]  }
0x2d: {  	s3 =	simm.s32 $0x108;
	s8 =	sld [smem:$0x3FB6]  }
0x2e: {  	s3 =	simm.s32 @!p0 $0x1082;
	s9 =	sld [smem:$0x3FB7]  }
0x2f: {  	lr =	sadd.s32 s0, s3;
	s0 =	sld [smem:$0x3FAE]  }
0x30: {  	s3 =	sld [smem:$0x3FB1]  }
0x31: {  	[smem:$0x3FBA] =	sst s10  }
0x32: {  	s10 =	sld [smem:$0x3FB8];
	_ =	sdelay $0x3  }
0x33: {  	p0 =	seq.s32 s10, $0x1;
	s10 =	sld [smem:$0x3FBA];
	_ =	sdelay $0x3  }
0x34: {  	[smem:$0x3FBA] =	sst s10  }
0x35: {  	s10 =	sld [smem:$0x3FB9];
	_ =	sdelay $0x3  }
0x36: {  	p1 =	seq.s32 s10, $0x1;
	s10 =	sld [smem:$0x3FBA];
	_ =	sdelay $0x3  }
0x37: {  	[smem:$0x3FBA] =	sst s10  }
0x38: {  	s10 =	sld [smem:$0x3FBB]  }
0x39: {  	_ = 	snop;
	(pc) =	sbr.ind lr, $3  }
0x3a: {  	_ = 	snop  }
0x3b: {  	_ = 	snop  }
0x3c: {  	p2 =	seq.s32 s10, $0x1;
	s10 =	sld [smem:$0x3FBA]  }
0x3d: {  	_ =	shalt  }
0x3e: {  	_ =	shalt  }
0x3f: {  	_ =	shalt  }
0x40: {  	_ =	shalt  }
0x41: {  	_ =	shalt  }
0x42: {  	_ =	shalt  }
0x43: {  	_ =	shalt  }
0x44: {  	_ =	shalt  }
0x45: {  	_ =	shalt  }
0x46: {  	_ =	shalt  }
0x47: {  	_ =	shalt  }
0x48: {  	_ =	shalt  }
0x49: {  	_ =	shalt  }
0x4a: {  	_ =	shalt  }
0x4b: {  	_ =	shalt  }
0x4c: {  	_ =	shalt  }
0x4d: {  	_ =	shalt  }
0x4e: {  	_ =	shalt  }
0x4f: {  	_ =	shalt  }
0x50: {  	_ =	shalt  }
0x51: {  	_ =	shalt  }
0x52: {  	_ =	shalt  }
0x53: {  	_ =	shalt  }
0x54: {  	_ =	shalt  }
0x55: {  	_ =	shalt  }
0x56: {  	_ =	shalt  }
0x57: {  	_ =	shalt  }
0x58: {  	_ =	shalt  }
0x59: {  	_ =	shalt  }
0x5a: {  	_ =	shalt  }
0x5b: {  	_ =	shalt  }
0x5c: {  	_ =	shalt  }
0x5d: {  	_ =	shalt  }
0x5e: {  	_ =	shalt  }
0x5f: {  	_ =	shalt  }
0x60: {  	_ =	shalt  }
0x61: {  	_ =	shalt  }
0x62: {  	_ =	shalt  }
0x63: {  	_ =	shalt  }
0x64: {  	_ =	shalt  }
0x65: {  	_ =	shalt  }
0x66: {  	_ =	shalt  }
0x67: {  	_ =	shalt  }
0x68: {  	_ =	shalt  }
0x69: {  	_ =	shalt  }
0x6a: {  	_ =	shalt  }
0x6b: {  	_ =	shalt  }
0x6c: {  	_ =	shalt  }
0x6d: {  	_ =	shalt  }
0x6e: {  	_ =	shalt  }
0x6f: {  	_ =	shalt  }
0x70: {  	_ =	shalt  }
0x71: {  	_ =	shalt  }
0x72: {  	_ =	shalt  }
0x73: {  	_ =	shalt  }
0x74: {  	_ =	shalt  }
0x75: {  	_ =	shalt  }
0x76: {  	_ =	shalt  }
0x77: {  	_ =	shalt  }
0x78: {  	_ =	shalt  }
0x79: {  	_ =	shalt  }
0x7a: {  	_ =	shalt  }
0x7b: {  	_ =	shalt  }
0x7c: {  	_ =	shalt  }
0x7d: {  	_ =	shalt  }
0x7e: {  	_ =	shalt  }
0x7f: {  	_ =	shalt  }
0x80: {  	_ =	shalt  }
0x81: {  	_ =	shalt  }
0x82: {  	_ =	shalt  }
0x83: {  	_ =	shalt  }
0x84: {  	_ =	shalt  }
0x85: {  	_ =	shalt  }
0x86: {  	_ =	shalt  }
0x87: {  	_ =	shalt  }
.Lfunc_end0:
.L_simem_size_0:
called_computation_lowered:
.L_overlay_start_0:
0x88: {  	s2 =	sld [smem:$0x3FD9]  }
0x89: {  	s3 =	sld [smem:$0x3FFE];
	_ =	sdelay $0x1  }
0x8a: {  	s1 =	srdreg.scid  }
0x8b: {  	s0 =	sand.u32 $0x1, s1  }
0x8c: {  	s17 =	sshll.u32 s0, $0xA;
	s2 =	sadd.s32 s3, s2  }
0x8d: {  	s2 =	sadd.s32 s2, s17  }
0x8e: {  	[smem:$0x3FC6] =	sst s2  }
0x8f: {  	_ = 	snop  }
0x90: {  	s2 =	sld [smem:$0x3FC8]  }
0x91: {  	s18 =	sld [smem:$0x3FD0];
	(tm) =	ssettm $0x1  }
0x92: {  	s4 =	sld [smem:$0x3FFB];
	_ =	sdelay $0x3  }
0x93: {  	_ =	strace s4  }
0x94: {  	s4 =	sld [smem:$0x3FFC];
	_ =	sdelay $0x3  }
0x95: {  	_ =	strace s4  }
0x96: {  	s4 =	sld [smem:$0x3FFD];
	_ =	sdelay $0x3  }
0x97: {  	_ =	strace s4  }
0x98: {  	_ =	strace $0x8FFFFFFF  }
0x99: {  	s19 =	sld [smem:$0x3FDB];
	_ =	sdelay $0x1  }
0x9a: {  	s5 =	simm.s32 $_scs_section_size  }
0x9b: {  	s6 =	simm.s32 $_size__tile_overlayer_lowered;
	s7 =	simm.s32 $_tile_overlayer_lowered  }
0x9c: {  	s22 =	simm.s32 $0x1BFF;
	s21 =	sshll.u32 s7, $0x1;
	s4 =	sadd.s32 s5, s19  }
0x9d: {  	s8 =	simm.s32 $0x0;
	s20 =	sshll.u32 s6, $0x1;
	s6 =	sadd.s32 s21, s4  }
0x9e: {  	[timem:s8], [sflag:s22] =	dma.local [hbm:s6], s20  }
0x9f: {  	_ =	swait.ge [sflag:s22], s20  }
0xa0: {  	s5 =	ssub.s32 $0x0, s20;
	[sflag:s22] =	ssyncset.done $0x0  }
0xa1: {  	[sflag:s22] =	ssyncadd.s32 s5;
	_ =	sdelay $0x1  }
0xa2: {  	s23 =	simm.s32 $0x1B8B  }
0xa3: {  	_ =	swait.ge [sflag:s23], $0x1  }
0xa4: {  	[sflag:s23] =	ssyncset.done $0x0  }
0xa5: {  	s25 =	simm.s32 $0x1B8E;
	s24 =	sld [smem:$0x3FFE];
	[sflag:s23] =	ssyncadd.s32 $0xFFFFFFFF  }
0xa6: {  	s26 =	simm.s32 $execute0_lowered;
	[smem:$0x3FD2] =	sst s25  }
0xa7: {  	s6 =	sshll.u32 s26, $0x1;
	_ =	strace $0x80000046;
	[dreg:$0x1] =	wrdreg $0xFFFFFFFF  }
0xa8: {  	s28 =	simm.s32 $_size_execute0_lowered;
	s4 =	sadd.s32 s4, s6;
	[dreg:$0x0] =	wrdreg $0x0  }
0xa9: {  	s6 =	sshll.u32 s28, $0x1;
	[dreg:$0x2] =	wrdreg s4  }
0xaa: {  	[dreg:$0x3] =	wrdreg s6  }
0xab: {  	[dreg:$0x4] =	wrdreg $0xC0  }
0xac: {  	_ =	task [dreg:s8], $0x5FFFF  }
0xad: {  	[dreg:$0x1] =	wrdreg $0xFFFFFFFF  }
0xae: {  	[dreg:$0x0] =	wrdreg $0x60  }
0xaf: {  	[dreg:$0x2] =	wrdreg s24  }
0xb0: {  	[dreg:$0x3] =	wrdreg s2  }
0xb1: {  	[dreg:$0x4] =	wrdreg s18  }
0xb2: {  	[dreg:$0x5] =	wrdreg $0x9  }
0xb3: {  	_ =	task.clear_ibuf [dreg:s8], $0x6FFFF;
	_ =	strace $0x90000046  }
0xb4: {  	s29 =	simm.s32 $0x9;
	_ =	strace $0x80000048  }
0xb5: {  	_ =	swait.ge [sflag:s29], $0x1  }
0xb6: {  	[sflag:s29] =	ssyncadd.s32 $0xFFFFFFFF  }
0xb7: {  	_ =	strace $0x90000048  }
0xb8: {  	_ =	sfence  }
0xb9: {  	s30 =	sld [smem:$0x0];
	_ =	sdelay $0x2  }
0xba: {  	s31 =	sshll.u32 s1, $0xD;
	s1 =	sshrl.u32 s1, $0x2  }
0xbb: {  	s3 =	sand.u32 $0x4000, s31;
	s1 =	sadd.s32 s1, s30  }
0xbc: {  	s0 =	sor.u32 s3, s0;
	s1 =	sshll.u32 s1, $0x11  }
0xbd: {  	s0 =	sor.u32 s1, s0  }
0xbe: {  	s0 =	sadd.s32 $0x8F2B, s0  }
0xbf: {  	[sflag:s0] =	ssyncadd.remote.s32 $0x1  }
0xc0: {  	_ =	sfence.sel $0xFFFF  }
0xc1: {  	[dreg:$0x0] =	wrdreg $0xFFFFFFFF;
	(pc) =	sbr.abs _section_cstart, $3  }
0xc2: {  	[dreg:$0x1] =	wrdreg $0xFFFFFFFF  }
0xc3: {  	_ =	task.clear_ibuf [dreg:s8], $0x2FFFF;
	_ =	strace $0x9FFFFFFF  }
0xc4: {  	(tm) =	ssettm $0x7FFFFFFF  }
0xc5: {  	_ =	shalt  }
tec
execute0_lowered:
.L_overlay_start_1:
0x0: {  	(tag) =	ssettag $0x1  }
0x1: {  	s0 =	rddreg [dreg:$0x0]  }
0x2: {  	s2 =	rddreg [dreg:$0x1]  }
0x3: {  	s3 =	rddreg [dreg:$0x2]  }
0x4: {  	s1 =	srdreg.scid;
	s4 =	stileid.u32;
	s12 =	simm.s32 $0x9  }
0x5: {  	s18 =	simm.s32 $0x6000;
	s13 =	simm.s32 $0x1;
	s14 =	simm.s32 $0xE000  }
0x6: {  	s16 =	simm.s32 $0xF000;
	s17 =	simm.s32 $0xF800;
	s19 =	simm.s32 $0x10000  }
0x7: {  	s20 =	simm.s32 $0x10800;
	s21 =	simm.s32 $0x11000;
	s22 =	simm.s32 $0x11800  }
0x8: {  	s23 =	simm.s32 $0x2;
	s24 =	simm.s32 $0x5;
	s6 =	sand.u32 $0x1, s1  }
0x9: {  	s1 =	simm.s32 $0x0;
	s5 =	sshll.u32 s4, $0xB;
	s8 =	sshll.u32 s4, $0xC  }
0xa: {  	s29 =	sshll.u32 s4, $0x12;
	p0 =	sne.s32 s4, $0x0;
	s7 =	sshll.u32 s6, $0xA  }
0xb: {  	[smem:$0x7FF] =	sst s1;
	s25 =	ssub.s32 $0x2, s6;
	s10 =	sshll.u32 s6, $0x10  }
0xc: {  	s2 =	sadd.s32 s2, s8;
	s31 =	sshll.u32 s6, $0x11;
	s6 =	simm.s32 $0x0  }
0xd: {  	s5 =	sor.u32 s7, s5;
	_ =	strace $0x80000047;
	s9 =	sshrl.u32 s25, $0x1  }
0xe: {  	[dreg:$0x4] =	wrdreg s2;
	s2 =	simm.s32 $0x4;
	s5 =	sadd.s32 s5, s0  }
0xf: {  	s0 =	sadd.s32 $0x8800, s0;
	s7 =	ssub.s32 s25, s9;
	s25 =	simm.s32 $0x3  }
.Ltmp0:
0x10: {  	s11 =	sadd.s32 s0, s8;
	s28 =	sadd.s32 $0x800, s5;
	(pc) =	sbr.rel .LBB2_1-.Ltmp0, $4  }
0x11: {  	s5 =	sadd.s32 s0, s10;
	s30 =	smax.u32 s7, $0x1;
	s0 =	sadd.s32 s29, s3  }
0x12: {  	v1 =	vlaneseq.u32;
	s8 =	simm.s32 $0x6;
	s3 =	simm.s32 $0x7;
	[dreg:$0x6] =	wrdreg s28  }
0x13: {  	v0 =	vimm.f32 $0.0e+00;
	v2 =	vshrl.u32 v1, $0x3;
	s26 =	sadd.s32 s10, s11;
	[dreg:$0x7] =	wrdreg s30;
	s7 =	sadd.s32 s31, s0  }
0x14: {  	vm0 =	vmmov $0xffff;
	v1 =	vand.u32 $0x7, v1;
	v2 =	vmul.u32 $0x8, v2;
	s10 =	simm.s32 $0x12000;
	[dreg:$0x5] =	wrdreg s26;
	s26 =	simm.s32 $0xA000  }
.LBB2_8:
0x15: {  	s4 =	simm.s32 $0x8  }
0x16: {  	_ =	swait.ge [sflag:s4], $0x4000  }
0x17: {  	s6 =	rddreg [dreg:$0x8]  }
0x18: {  	s0 =	rddreg [dreg:$0x7];
	s6 =	sadd.s32 $0x1, s6  }
0x19: {  	p1 =	sne.s32 s6, s0  }
.Ltmp1:
0x1a: {  	_ = 	snop;
	(pc) =	sbr.rel @!p1 .LBB2_9-.Ltmp1, $3  }
0x1b: {  	_ =	sdelay $0x1  }
0x1c: {  	[sflag:s4] =	ssyncset.done $0x0  }
0x1d: {  	s10 =	simm.s32 $0x12000;
	s12 =	simm.s32 $0x9;
	[sflag:s4] =	ssyncadd.s32 $0xFFFFC000  }
.LBB2_1:
0x1e: {  	[dreg:$0x8] =	wrdreg s6  }
0x1f: {  	s0 =	rddreg [dreg:$0x4]  }
0x20: {  	[tilespmem:s10], [sflag:$0x9] =	stream.linear.gather [hbm4b:s0+s1], $0x8000, $0x38;
	[tilespmem:$0x1A000] =	vst v63  }
0x21: {  	_ =	swait.ge [sflag:s12], $0x8000  }
0x22: {  	s4 =	simm.s32 $0xFFFF8000;
	s9 =	simm.s32 $0x0;
	[sflag:s12] =	ssyncset.done $0x0  }
0x23: {  	s6 =	simm.s32 $0x0;
	s28 =	simm.s32 $0x0;
	[sflag:s12] =	ssyncadd.s32 $0xFFFF8000  }
.LBB2_2:
0x24: {  	s0 =	sadd.s32 $0x8000, s4  }
0x25: {  	s11 =	sand.u32 $0x380, s28;
	s0 =	sand.u32 $0x4000, s0  }
0x26: {  	s29 =	sor.u32 s11, s0  }
0x27: {  	v3 =	vld [tilespmem:s29+$0x12000]  }
0x28: {  	v4 =	vld [tilespmem:s29+$0x12010]  }
0x29: {  	v6 =	vld [tilespmem:s29+$0x12030]  }
0x2a: {  	v8 =	vld [tilespmem:s29+$0x12050]  }
0x2b: {  	v5 =	vld [tilespmem:s29+$0x12020]  }
0x2c: {  	v12 =	vld [tilespmem:s29+$0x12070];
	v3 =	vmul.f32 $4.525483320e+01, v3  }
0x2d: {  	v7 =	vld [tilespmem:s29+$0x12040];
	v4 =	vmul.f32 $4.525483320e+01, v4  }
0x2e: {  	v15 =	vld [tilespmem:s29+$0x12410];
	v13 =	vmul.f32 $4.525483320e+01, v6;
	[tilespmem:s29+$0x12000] =	vst v3  }
0x2f: {  	v9 =	vld [tilespmem:s29+$0x12060];
	v16 =	vmul.f32 $4.525483320e+01, v8;
	[tilespmem:s29+$0x12010] =	vst v4  }
0x30: {  	v18 =	vld [tilespmem:s29+$0x12430];
	v3 =	vmul.f32 $4.525483320e+01, v5;
	[tilespmem:s29+$0x12030] =	vst v13  }
0x31: {  	v14 =	vld [tilespmem:s29+$0x12400];
	v19 =	vmul.f32 $4.525483320e+01, v12;
	[tilespmem:s29+$0x12050] =	vst v16  }
0x32: {  	v21 =	vld [tilespmem:s29+$0x12450];
	[tilespmem:s29+$0x12020] =	vst v3;
	v3 =	vmul.f32 $4.525483320e+01, v7  }
0x33: {  	v17 =	vld [tilespmem:s29+$0x12420];
	v22 =	vmul.f32 $4.525483320e+01, v15;
	[tilespmem:s29+$0x12070] =	vst v19  }
0x34: {  	v24 =	vld [tilespmem:s29+$0x12470];
	[tilespmem:s29+$0x12040] =	vst v3;
	v3 =	vmul.f32 $4.525483320e+01, v9  }
0x35: {  	v20 =	vld [tilespmem:s29+$0x12440];
	v25 =	vmul.f32 $4.525483320e+01, v18;
	[tilespmem:s29+$0x12410] =	vst v22  }
0x36: {  	v27 =	vld [tilespmem:s29+$0x12810];
	[tilespmem:s29+$0x12060] =	vst v3;
	v3 =	vmul.f32 $4.525483320e+01, v14  }
0x37: {  	v23 =	vld [tilespmem:s29+$0x12460];
	v28 =	vmul.f32 $4.525483320e+01, v21;
	[tilespmem:s29+$0x12430] =	vst v25  }
0x38: {  	v30 =	vld [tilespmem:s29+$0x12830];
	[tilespmem:s29+$0x12400] =	vst v3;
	v3 =	vmul.f32 $4.525483320e+01, v17  }
0x39: {  	v26 =	vld [tilespmem:s29+$0x12800];
	v31 =	vmul.f32 $4.525483320e+01, v24;
	[tilespmem:s29+$0x12450] =	vst v28  }
0x3a: {  	v33 =	vld [tilespmem:s29+$0x12850];
	[tilespmem:s29+$0x12420] =	vst v3;
	v3 =	vmul.f32 $4.525483320e+01, v20  }
0x3b: {  	v29 =	vld [tilespmem:s29+$0x12820];
	v34 =	vmul.f32 $4.525483320e+01, v27;
	[tilespmem:s29+$0x12470] =	vst v31  }
0x3c: {  	v36 =	vld [tilespmem:s29+$0x12870];
	[tilespmem:s29+$0x12440] =	vst v3;
	v3 =	vmul.f32 $4.525483320e+01, v23  }
0x3d: {  	v32 =	vld [tilespmem:s29+$0x12840];
	v37 =	vmul.f32 $4.525483320e+01, v30;
	[tilespmem:s29+$0x12810] =	vst v34  }
0x3e: {  	v39 =	vld [tilespmem:s29+$0x12C10];
	[tilespmem:s29+$0x12460] =	vst v3;
	v3 =	vmul.f32 $4.525483320e+01, v26  }
0x3f: {  	v35 =	vld [tilespmem:s29+$0x12860];
	v40 =	vmul.f32 $4.525483320e+01, v33;
	[tilespmem:s29+$0x12830] =	vst v37  }
0x40: {  	v42 =	vld [tilespmem:s29+$0x12C30];
	[tilespmem:s29+$0x12800] =	vst v3;
	v3 =	vmul.f32 $4.525483320e+01, v29  }
0x41: {  	v38 =	vld [tilespmem:s29+$0x12C00];
	v43 =	vmul.f32 $4.525483320e+01, v36;
	[tilespmem:s29+$0x12850] =	vst v40  }
0x42: {  	v45 =	vld [tilespmem:s29+$0x12C50];
	[tilespmem:s29+$0x12820] =	vst v3;
	v3 =	vmul.f32 $4.525483320e+01, v32  }
0x43: {  	v41 =	vld [tilespmem:s29+$0x12C20];
	v46 =	vmul.f32 $4.525483320e+01, v39;
	[tilespmem:s29+$0x12870] =	vst v43  }
0x44: {  	v48 =	vld [tilespmem:s29+$0x12C70];
	[tilespmem:s29+$0x12840] =	vst v3;
	v3 =	vmul.f32 $4.525483320e+01, v35  }
0x45: {  	v44 =	vld [tilespmem:s29+$0x12C40];
	v49 =	vmul.f32 $4.525483320e+01, v42;
	[tilespmem:s29+$0x12C10] =	vst v46  }
0x46: {  	v51 =	vld [tilespmem:s29+$0x13010];
	[tilespmem:s29+$0x12860] =	vst v3;
	v3 =	vmul.f32 $4.525483320e+01, v38  }
0x47: {  	v47 =	vld [tilespmem:s29+$0x12C60];
	v52 =	vmul.f32 $4.525483320e+01, v45;
	[tilespmem:s29+$0x12C30] =	vst v49  }
0x48: {  	v54 =	vld [tilespmem:s29+$0x13030];
	[tilespmem:s29+$0x12C00] =	vst v3;
	v3 =	vmul.f32 $4.525483320e+01, v41  }
0x49: {  	v50 =	vld [tilespmem:s29+$0x13000];
	v55 =	vmul.f32 $4.525483320e+01, v48;
	[tilespmem:s29+$0x12C50] =	vst v52  }
0x4a: {  	v57 =	vld [tilespmem:s29+$0x13050];
	[tilespmem:s29+$0x12C20] =	vst v3;
	v3 =	vmul.f32 $4.525483320e+01, v44  }
0x4b: {  	v53 =	vld [tilespmem:s29+$0x13020];
	v58 =	vmul.f32 $4.525483320e+01, v51;
	[tilespmem:s29+$0x12C70] =	vst v55  }
0x4c: {  	v60 =	vld [tilespmem:s29+$0x13070];
	[tilespmem:s29+$0x12C40] =	vst v3;
	v3 =	vmul.f32 $4.525483320e+01, v47  }
0x4d: {  	v56 =	vld [tilespmem:s29+$0x13040];
	v61 =	vmul.f32 $4.525483320e+01, v54;
	[tilespmem:s29+$0x13010] =	vst v58  }
0x4e: {  	v63 =	vld [tilespmem:s29+$0x13410];
	[tilespmem:s29+$0x12C60] =	vst v3;
	v3 =	vmul.f32 $4.525483320e+01, v50  }
0x4f: {  	v59 =	vld [tilespmem:s29+$0x13060];
	v11 =	vmul.f32 $4.525483320e+01, v57;
	[tilespmem:s29+$0x13030] =	vst v61  }
0x50: {  	v13 =	vld [tilespmem:s29+$0x13430];
	[tilespmem:s29+$0x13000] =	vst v3;
	v3 =	vmul.f32 $4.525483320e+01, v53  }
0x51: {  	v62 =	vld [tilespmem:s29+$0x13400];
	[tilespmem:s29+$0x13050] =	vst v11;
	v14 =	vmul.f32 $4.525483320e+01, v60  }
0x52: {  	v58 =	vld [tilespmem:s29+$0x14430];
	[tilespmem:s29+$0x13020] =	vst v3;
	v3 =	vmul.f32 $4.525483320e+01, v56  }
0x53: {  	v12 =	vld [tilespmem:s29+$0x13420];
	[tilespmem:s29+$0x13070] =	vst v14;
	v17 =	vmul.f32 $4.525483320e+01, v63  }
0x54: {  	v16 =	vld [tilespmem:s29+$0x13450];
	[tilespmem:s29+$0x13040] =	vst v3;
	v3 =	vmul.f32 $4.525483320e+01, v59  }
0x55: {  	v15 =	vld [tilespmem:s29+$0x13440];
	[tilespmem:s29+$0x13410] =	vst v17;
	v20 =	vmul.f32 $4.525483320e+01, v13  }
0x56: {  	v61 =	vld [tilespmem:s29+$0x14460];
	[tilespmem:s29+$0x13060] =	vst v3;
	v3 =	vmul.f32 $4.525483320e+01, v62  }
0x57: {  	v18 =	vld [tilespmem:s29+$0x13460];
	v13 =	vmul.f32 $4.525483320e+01, v58;
	[tilespmem:s29+$0x13430] =	vst v20  }
0x58: {  	v19 =	vld [tilespmem:s29+$0x13470];
	[tilespmem:s29+$0x13400] =	vst v3;
	v3 =	vmul.f32 $4.525483320e+01, v12  }
0x59: {  	v21 =	vld [tilespmem:s29+$0x13800];
	v23 =	vmul.f32 $4.525483320e+01, v16;
	[tilespmem:s29+$0x14430] =	vst v13  }
0x5a: {  	v22 =	vld [tilespmem:s29+$0x13810];
	[tilespmem:s29+$0x13420] =	vst v3;
	v3 =	vmul.f32 $4.525483320e+01, v15  }
0x5b: {  	v24 =	vld [tilespmem:s29+$0x13820];
	v16 =	vmul.f32 $4.525483320e+01, v61;
	[tilespmem:s29+$0x13450] =	vst v23  }
0x5c: {  	v25 =	vld [tilespmem:s29+$0x13830];
	[tilespmem:s29+$0x13440] =	vst v3;
	v3 =	vmul.f32 $4.525483320e+01, v18  }
0x5d: {  	v27 =	vld [tilespmem:s29+$0x13840];
	v26 =	vmul.f32 $4.525483320e+01, v19;
	[tilespmem:s29+$0x14460] =	vst v16  }
0x5e: {  	v28 =	vld [tilespmem:s29+$0x13850];
	[tilespmem:s29+$0x13460] =	vst v3;
	v3 =	vmul.f32 $4.525483320e+01, v21  }
0x5f: {  	v30 =	vld [tilespmem:s29+$0x13860];
	[tilespmem:s29+$0x13470] =	vst v26;
	v29 =	vmul.f32 $4.525483320e+01, v22  }
0x60: {  	v31 =	vld [tilespmem:s29+$0x13870];
	[tilespmem:s29+$0x13800] =	vst v3;
	v3 =	vmul.f32 $4.525483320e+01, v24  }
0x61: {  	v33 =	vld [tilespmem:s29+$0x13C00];
	[tilespmem:s29+$0x13810] =	vst v29;
	v32 =	vmul.f32 $4.525483320e+01, v25  }
0x62: {  	v34 =	vld [tilespmem:s29+$0x13C10];
	[tilespmem:s29+$0x13820] =	vst v3;
	v3 =	vmul.f32 $4.525483320e+01, v27  }
0x63: {  	v36 =	vld [tilespmem:s29+$0x13C20];
	[tilespmem:s29+$0x13830] =	vst v32;
	v35 =	vmul.f32 $4.525483320e+01, v28  }
0x64: {  	v37 =	vld [tilespmem:s29+$0x13C30];
	[tilespmem:s29+$0x13840] =	vst v3;
	v3 =	vmul.f32 $4.525483320e+01, v30  }
0x65: {  	v39 =	vld [tilespmem:s29+$0x13C50];
	[tilespmem:s29+$0x13850] =	vst v35;
	v38 =	vmul.f32 $4.525483320e+01, v31  }
0x66: {  	v40 =	vld [tilespmem:s29+$0x13C60];
	[tilespmem:s29+$0x13860] =	vst v3;
	v3 =	vmul.f32 $4.525483320e+01, v33  }
0x67: {  	v42 =	vld [tilespmem:s29+$0x13C70];
	[tilespmem:s29+$0x13870] =	vst v38;
	v41 =	vmul.f32 $4.525483320e+01, v34  }
0x68: {  	v43 =	vld [tilespmem:s29+$0x14000];
	[tilespmem:s29+$0x13C00] =	vst v3;
	v3 =	vmul.f32 $4.525483320e+01, v36  }
0x69: {  	v45 =	vld [tilespmem:s29+$0x14010];
	[tilespmem:s29+$0x13C10] =	vst v41;
	v44 =	vmul.f32 $4.525483320e+01, v37  }
0x6a: {  	v46 =	vld [tilespmem:s29+$0x14020];
	[tilespmem:s29+$0x13C20] =	vst v3;
	v3 =	vmul.f32 $4.525483320e+01, v39  }
0x6b: {  	v48 =	vld [tilespmem:s29+$0x14030];
	[tilespmem:s29+$0x13C30] =	vst v44;
	v47 =	vmul.f32 $4.525483320e+01, v40  }
0x6c: {  	v49 =	vld [tilespmem:s29+$0x14050];
	[tilespmem:s29+$0x13C50] =	vst v3;
	v3 =	vmul.f32 $4.525483320e+01, v42  }
0x6d: {  	v51 =	vld [tilespmem:s29+$0x14060];
	[tilespmem:s29+$0x13C60] =	vst v47;
	v50 =	vmul.f32 $4.525483320e+01, v43  }
0x6e: {  	v47 =	vld [tilespmem:s29+$0x15420];
	[tilespmem:s29+$0x13C70] =	vst v3;
	v3 =	vmul.f32 $4.525483320e+01, v45  }
0x6f: {  	v54 =	vld [tilespmem:s29+$0x14400];
	[tilespmem:s29+$0x14000] =	vst v50;
	v53 =	vmul.f32 $4.525483320e+01, v46  }
0x70: {  	v52 =	vld [tilespmem:s29+$0x14070];
	[tilespmem:s29+$0x14010] =	vst v3;
	v3 =	vmul.f32 $4.525483320e+01, v48  }
0x71: {  	v57 =	vld [tilespmem:s29+$0x14420];
	[tilespmem:s29+$0x14020] =	vst v53;
	v56 =	vmul.f32 $4.525483320e+01, v49  }
0x72: {  	v50 =	vld [tilespmem:s29+$0x15450];
	[tilespmem:s29+$0x14030] =	vst v3;
	v3 =	vmul.f32 $4.525483320e+01, v51  }
0x73: {  	v60 =	vld [tilespmem:s29+$0x14450];
	v8 =	vmul.f32 $4.525483320e+01, v47;
	[tilespmem:s29+$0x14050] =	vst v56  }
0x74: {  	v55 =	vld [tilespmem:s29+$0x14410];
	[tilespmem:s29+$0x14060] =	vst v3;
	v3 =	vmul.f32 $4.525483320e+01, v54  }
0x75: {  	v63 =	vld [tilespmem:s29+$0x14470];
	v59 =	vmul.f32 $4.525483320e+01, v52;
	[tilespmem:s29+$0x15420] =	vst v8  }
0x76: {  	v53 =	vld [tilespmem:s29+$0x15470];
	[tilespmem:s29+$0x14400] =	vst v3;
	v3 =	vmul.f32 $4.525483320e+01, v57  }
0x77: {  	v14 =	vld [tilespmem:s29+$0x14810];
	v5 =	vmul.f32 $4.525483320e+01, v50;
	[tilespmem:s29+$0x14070] =	vst v59  }
0x78: {  	v12 =	vld [tilespmem:s29+$0x14800];
	[tilespmem:s29+$0x14420] =	vst v3;
	v3 =	vmul.f32 $4.525483320e+01, v60  }
0x79: {  	v17 =	vld [tilespmem:s29+$0x14830];
	v62 =	vmul.f32 $4.525483320e+01, v55;
	[tilespmem:s29+$0x15450] =	vst v5  }
0x7a: {  	v15 =	vld [tilespmem:s29+$0x14820];
	[tilespmem:s29+$0x14450] =	vst v3;
	v3 =	vmul.f32 $4.525483320e+01, v63  }
0x7b: {  	v20 =	vld [tilespmem:s29+$0x14860];
	v7 =	vmul.f32 $4.525483320e+01, v53;
	[tilespmem:s29+$0x14410] =	vst v62  }
0x7c: {  	v18 =	vld [tilespmem:s29+$0x14850];
	[tilespmem:s29+$0x14470] =	vst v3;
	v3 =	vmul.f32 $4.525483320e+01, v14  }
0x7d: {  	v23 =	vld [tilespmem:s29+$0x14C00];
	[tilespmem:s29+$0x15470] =	vst v7;
	v19 =	vmul.f32 $4.525483320e+01, v12  }
0x7e: {  	v21 =	vld [tilespmem:s29+$0x14870];
	[tilespmem:s29+$0x14810] =	vst v3;
	v3 =	vmul.f32 $4.525483320e+01, v17  }
0x7f: {  	v26 =	vld [tilespmem:s29+$0x14C20];
	[tilespmem:s29+$0x14800] =	vst v19;
	v22 =	vmul.f32 $4.525483320e+01, v15  }
0x80: {  	v24 =	vld [tilespmem:s29+$0x14C10];
	[tilespmem:s29+$0x14830] =	vst v3;
	v3 =	vmul.f32 $4.525483320e+01, v20  }
0x81: {  	v29 =	vld [tilespmem:s29+$0x14C50];
	[tilespmem:s29+$0x14820] =	vst v22;
	v25 =	vmul.f32 $4.525483320e+01, v18  }
0x82: {  	v27 =	vld [tilespmem:s29+$0x14C30];
	[tilespmem:s29+$0x14860] =	vst v3;
	v3 =	vmul.f32 $4.525483320e+01, v23  }
0x83: {  	v32 =	vld [tilespmem:s29+$0x14C70];
	[tilespmem:s29+$0x14850] =	vst v25;
	v28 =	vmul.f32 $4.525483320e+01, v21  }
0x84: {  	v30 =	vld [tilespmem:s29+$0x14C60];
	[tilespmem:s29+$0x14C00] =	vst v3;
	v3 =	vmul.f32 $4.525483320e+01, v26  }
0x85: {  	v35 =	vld [tilespmem:s29+$0x15010];
	[tilespmem:s29+$0x14870] =	vst v28;
	v31 =	vmul.f32 $4.525483320e+01, v24  }
0x86: {  	v33 =	vld [tilespmem:s29+$0x15000];
	[tilespmem:s29+$0x14C20] =	vst v3;
	v3 =	vmul.f32 $4.525483320e+01, v29  }
0x87: {  	v38 =	vld [tilespmem:s29+$0x15030];
	[tilespmem:s29+$0x14C10] =	vst v31;
	v34 =	vmul.f32 $4.525483320e+01, v27  }
0x88: {  	v36 =	vld [tilespmem:s29+$0x15020];
	[tilespmem:s29+$0x14C50] =	vst v3;
	v3 =	vmul.f32 $4.525483320e+01, v32  }
0x89: {  	v41 =	vld [tilespmem:s29+$0x15060];
	[tilespmem:s29+$0x14C30] =	vst v34;
	v37 =	vmul.f32 $4.525483320e+01, v30  }
0x8a: {  	v39 =	vld [tilespmem:s29+$0x15050];
	[tilespmem:s29+$0x14C70] =	vst v3;
	v3 =	vmul.f32 $4.525483320e+01, v35  }
0x8b: {  	v44 =	vld [tilespmem:s29+$0x15400];
	[tilespmem:s29+$0x14C60] =	vst v37;
	v40 =	vmul.f32 $4.525483320e+01, v33  }
0x8c: {  	v42 =	vld [tilespmem:s29+$0x15070];
	[tilespmem:s29+$0x15010] =	vst v3;
	v3 =	vmul.f32 $4.525483320e+01, v38  }
0x8d: {  	[tilespmem:s29+$0x15000] =	vst v40;
	v43 =	vmul.f32 $4.525483320e+01, v36;
	v45 =	vld [tilespmem:s29+$0x15410]  }
0x8e: {  	v48 =	vld [tilespmem:s29+$0x15430];
	[tilespmem:s29+$0x15030] =	vst v3;
	v3 =	vmul.f32 $4.525483320e+01, v41  }
0x8f: {  	[tilespmem:s29+$0x15020] =	vst v43;
	v46 =	vmul.f32 $4.525483320e+01, v39;
	v51 =	vld [tilespmem:s29+$0x15460]  }
0x90: {  	[tilespmem:s29+$0x15060] =	vst v3;
	v3 =	vmul.f32 $4.525483320e+01, v44  }
0x91: {  	v58 =	vld [tilespmem:s29+$0x15040];
	[tilespmem:s29+$0x15050] =	vst v46;
	v49 =	vmul.f32 $4.525483320e+01, v42  }
0x92: {  	v52 =	vmul.f32 $4.525483320e+01, v45;
	[tilespmem:s29+$0x15400] =	vst v3;
	v3 =	vld [tilespmem:s29+$0x13C40]  }
0x93: {  	s11 =	sand.u32 $0x7, s9;
	v56 =	vld [tilespmem:s29+$0x14840];
	[tilespmem:s29+$0x15070] =	vst v49;
	v9 =	vmul.f32 $4.525483320e+01, v48  }
0x94: {  	s0 =	sshll.u32 s11, $0x7;
	v55 =	vld [tilespmem:s29+$0x14440];
	[tilespmem:s29+$0x15410] =	vst v52;
	v6 =	vmul.f32 $4.525483320e+01, v51  }
0x95: {  	s0 =	sadd.s32 s0, s6;
	v54 =	vld [tilespmem:s29+$0x14040];
	[tilespmem:s29+$0x15430] =	vst v9  }
0x96: {  	s15 =	sor.u32 $0x3800, s0;
	v62 =	vmul.f32 $4.525483320e+01, v58;
	v57 =	vld [tilespmem:s29+$0x14C40];
	[tilespmem:s29+$0x15460] =	vst v6  }
0x97: {  	v60 =	vld [tilespmem:s15+$0x12000];
	v3 =	vmul.f32 $4.525483320e+01, v3  }
0x98: {  	v59 =	vld [tilespmem:s29+$0x15440];
	v61 =	vmul.f32 $4.525483320e+01, v56;
	[tilespmem:s29+$0x15040] =	vst v62  }
0x99: {  	[tilespmem:s29+$0x13C40] =	vst v3;
	v3 =	vmul.f32 $4.525483320e+01, v55  }
0x9a: {  	[tilespmem:s29+$0x14840] =	vst v61;
	v4 =	vmul.f32 $4.525483320e+01, v54  }
0x9b: {  	[tilespmem:s29+$0x14440] =	vst v3;
	v3 =	vmul.f32 $4.525483320e+01, v57  }
0x9c: {  	[tilespmem:s29+$0x14040] =	vst v4;
	v63 =	vmul.f32 $4.525483320e+01, v60  }
0x9d: {  	[tilespmem:s29+$0x14C40] =	vst v3;
	v3 =	vmul.f32 $4.525483320e+01, v59  }
0x9e: {  	[tilespmem:s15+$0x12000] =	vst v63  }
0x9f: {  	s30 =	sor.u32 $0x3810, s0;
	[tilespmem:s29+$0x15440] =	vst v3  }
0xa0: {  	v3 =	vld [tilespmem:s30+$0x12000];
	_ =	sdelay $0x4  }
0xa1: {  	v3 =	vmul.f32 $4.525483320e+01, v3;
	_ =	sdelay $0x1  }
0xa2: {  	s31 =	sor.u32 $0x3820, s0;
	[tilespmem:s30+$0x12000] =	vst v3  }
0xa3: {  	v3 =	vld [tilespmem:s31+$0x12000];
	_ =	sdelay $0x4  }
0xa4: {  	v3 =	vmul.f32 $4.525483320e+01, v3;
	_ =	sdelay $0x1  }
0xa5: {  	s15 =	sor.u32 $0x3830, s0;
	[tilespmem:s31+$0x12000] =	vst v3  }
0xa6: {  	v3 =	vld [tilespmem:s15+$0x12000];
	_ =	sdelay $0x4  }
0xa7: {  	v3 =	vmul.f32 $4.525483320e+01, v3;
	_ =	sdelay $0x1  }
0xa8: {  	s29 =	sor.u32 $0x3840, s0;
	[tilespmem:s15+$0x12000] =	vst v3  }
0xa9: {  	v3 =	vld [tilespmem:s29+$0x12000];
	_ =	sdelay $0x4  }
0xaa: {  	v3 =	vmul.f32 $4.525483320e+01, v3;
	_ =	sdelay $0x1  }
0xab: {  	s30 =	sor.u32 $0x3850, s0;
	[tilespmem:s29+$0x12000] =	vst v3  }
0xac: {  	v3 =	vld [tilespmem:s30+$0x12000];
	_ =	sdelay $0x4  }
0xad: {  	v3 =	vmul.f32 $4.525483320e+01, v3;
	_ =	sdelay $0x1  }
0xae: {  	s31 =	sor.u32 $0x3860, s0;
	[tilespmem:s30+$0x12000] =	vst v3  }
0xaf: {  	v3 =	vld [tilespmem:s31+$0x12000];
	_ =	sdelay $0x4  }
0xb0: {  	v3 =	vmul.f32 $4.525483320e+01, v3;
	_ =	sdelay $0x1  }
0xb1: {  	s15 =	sor.u32 $0x3870, s0;
	[tilespmem:s31+$0x12000] =	vst v3  }
0xb2: {  	v3 =	vld [tilespmem:s15+$0x12000];
	_ =	sdelay $0x4  }
0xb3: {  	v3 =	vmul.f32 $4.525483320e+01, v3;
	_ =	sdelay $0x1  }
0xb4: {  	s29 =	sor.u32 $0x3C00, s0;
	[tilespmem:s15+$0x12000] =	vst v3  }
0xb5: {  	v3 =	vld [tilespmem:s29+$0x12000];
	_ =	sdelay $0x4  }
0xb6: {  	v3 =	vmul.f32 $4.525483320e+01, v3;
	_ =	sdelay $0x1  }
0xb7: {  	s30 =	sor.u32 $0x3C10, s0;
	[tilespmem:s29+$0x12000] =	vst v3  }
0xb8: {  	v3 =	vld [tilespmem:s30+$0x12000];
	_ =	sdelay $0x4  }
0xb9: {  	v3 =	vmul.f32 $4.525483320e+01, v3;
	_ =	sdelay $0x1  }
0xba: {  	s31 =	sor.u32 $0x3C20, s0;
	[tilespmem:s30+$0x12000] =	vst v3  }
0xbb: {  	v3 =	vld [tilespmem:s31+$0x12000];
	_ =	sdelay $0x4  }
0xbc: {  	v3 =	vmul.f32 $4.525483320e+01, v3;
	_ =	sdelay $0x1  }
0xbd: {  	s15 =	sor.u32 $0x3C30, s0;
	[tilespmem:s31+$0x12000] =	vst v3  }
0xbe: {  	v3 =	vld [tilespmem:s15+$0x12000];
	_ =	sdelay $0x4  }
0xbf: {  	v3 =	vmul.f32 $4.525483320e+01, v3;
	_ =	sdelay $0x1  }
0xc0: {  	s29 =	sor.u32 $0x3C40, s0;
	[tilespmem:s15+$0x12000] =	vst v3  }
0xc1: {  	v3 =	vld [tilespmem:s29+$0x12000];
	_ =	sdelay $0x4  }
0xc2: {  	v3 =	vmul.f32 $4.525483320e+01, v3;
	_ =	sdelay $0x1  }
0xc3: {  	s30 =	sor.u32 $0x3C50, s0;
	[tilespmem:s29+$0x12000] =	vst v3  }
0xc4: {  	v3 =	vld [tilespmem:s30+$0x12000];
	_ =	sdelay $0x4  }
0xc5: {  	v3 =	vmul.f32 $4.525483320e+01, v3;
	_ =	sdelay $0x1  }
0xc6: {  	s31 =	sor.u32 $0x3C60, s0;
	[tilespmem:s30+$0x12000] =	vst v3  }
0xc7: {  	v3 =	vld [tilespmem:s31+$0x12000];
	_ =	sdelay $0x4  }
0xc8: {  	v3 =	vmul.f32 $4.525483320e+01, v3;
	_ =	sdelay $0x1  }
0xc9: {  	s0 =	sor.u32 $0x3C70, s0;
	[tilespmem:s31+$0x12000] =	vst v3  }
0xca: {  	v3 =	vld [tilespmem:s0+$0x12000];
	_ =	sdelay $0x1  }
0xcb: {  	p1 =	sne.s32 s28, $0x780  }
.Ltmp2:
0xcc: {  	_ = 	snop;
	(pc) =	sbr.rel @p1 .LBB2_2-.Ltmp2, $4  }
0xcd: {  	_ = 	snop  }
0xce: {  	v3 =	vmul.f32 $4.525483320e+01, v3  }
0xcf: {  	s4 =	sadd.s32 $0x800, s4  }
0xd0: {  	s28 =	sadd.s32 $0x80, s28;
	s9 =	sadd.s32 $0x1, s9;
	s6 =	sadd.s32 $0x800, s6;
	[tilespmem:s0+$0x12000] =	vst v3  }
.Ltmp3:
0xd1: {  	(pc) =	sbr.rel @p0 .LBB2_5-.Ltmp3, $1  }
0xd2: {  	_ =	sdelay $0x3  }
0xd3: {  	[tilespmem:$0x12000] =	vst v0  }
0xd4: {  	[tilespmem:$0x12010] =	vst v0  }
0xd5: {  	[tilespmem:$0x12020] =	vst v0  }
0xd6: {  	[tilespmem:$0x12030] =	vst v0  }
0xd7: {  	[tilespmem:$0x12040] =	vst v0  }
0xd8: {  	[tilespmem:$0x12050] =	vst v0  }
0xd9: {  	[tilespmem:$0x12060] =	vst v0  }
0xda: {  	[tilespmem:$0x12070] =	vst v0  }
0xdb: {  	[tilespmem:$0x12400] =	vst v0  }
0xdc: {  	[tilespmem:$0x12410] =	vst v0  }
0xdd: {  	[tilespmem:$0x12420] =	vst v0  }
0xde: {  	[tilespmem:$0x12430] =	vst v0  }
0xdf: {  	[tilespmem:$0x12440] =	vst v0  }
0xe0: {  	[tilespmem:$0x12450] =	vst v0  }
0xe1: {  	[tilespmem:$0x12460] =	vst v0  }
0xe2: {  	[tilespmem:$0x12470] =	vst v0  }
0xe3: {  	[tilespmem:$0x12800] =	vst v0  }
0xe4: {  	[tilespmem:$0x12810] =	vst v0  }
0xe5: {  	[tilespmem:$0x12820] =	vst v0  }
0xe6: {  	[tilespmem:$0x12830] =	vst v0  }
0xe7: {  	[tilespmem:$0x12840] =	vst v0  }
0xe8: {  	[tilespmem:$0x12850] =	vst v0  }
0xe9: {  	[tilespmem:$0x12860] =	vst v0  }
0xea: {  	[tilespmem:$0x12870] =	vst v0  }
0xeb: {  	[tilespmem:$0x12C00] =	vst v0  }
0xec: {  	[tilespmem:$0x12C10] =	vst v0  }
0xed: {  	[tilespmem:$0x12C20] =	vst v0  }
0xee: {  	[tilespmem:$0x12C30] =	vst v0  }
0xef: {  	[tilespmem:$0x12C40] =	vst v0  }
0xf0: {  	[tilespmem:$0x12C50] =	vst v0  }
0xf1: {  	[tilespmem:$0x12C60] =	vst v0  }
0xf2: {  	[tilespmem:$0x12C70] =	vst v0  }
0xf3: {  	[tilespmem:$0x13000] =	vst v0  }
0xf4: {  	[tilespmem:$0x13010] =	vst v0  }
0xf5: {  	[tilespmem:$0x13020] =	vst v0  }
0xf6: {  	[tilespmem:$0x13030] =	vst v0  }
0xf7: {  	[tilespmem:$0x13040] =	vst v0  }
0xf8: {  	[tilespmem:$0x13050] =	vst v0  }
0xf9: {  	[tilespmem:$0x13060] =	vst v0  }
0xfa: {  	[tilespmem:$0x13070] =	vst v0  }
0xfb: {  	[tilespmem:$0x13400] =	vst v0  }
0xfc: {  	[tilespmem:$0x13410] =	vst v0  }
0xfd: {  	[tilespmem:$0x13420] =	vst v0  }
0xfe: {  	[tilespmem:$0x13430] =	vst v0  }
0xff: {  	[tilespmem:$0x13440] =	vst v0  }
0x100: {  	[tilespmem:$0x13450] =	vst v0  }
0x101: {  	[tilespmem:$0x13460] =	vst v0  }
0x102: {  	[tilespmem:$0x13470] =	vst v0  }
0x103: {  	[tilespmem:$0x13800] =	vst v0  }
0x104: {  	[tilespmem:$0x13810] =	vst v0  }
0x105: {  	[tilespmem:$0x13820] =	vst v0  }
0x106: {  	[tilespmem:$0x13830] =	vst v0  }
0x107: {  	[tilespmem:$0x13840] =	vst v0  }
0x108: {  	[tilespmem:$0x13850] =	vst v0  }
0x109: {  	[tilespmem:$0x13860] =	vst v0  }
0x10a: {  	[tilespmem:$0x13870] =	vst v0  }
0x10b: {  	[tilespmem:$0x13C00] =	vst v0  }
0x10c: {  	[tilespmem:$0x13C10] =	vst v0  }
0x10d: {  	[tilespmem:$0x13C20] =	vst v0  }
0x10e: {  	[tilespmem:$0x13C30] =	vst v0  }
0x10f: {  	[tilespmem:$0x13C40] =	vst v0  }
0x110: {  	[tilespmem:$0x13C50] =	vst v0  }
0x111: {  	[tilespmem:$0x13C60] =	vst v0  }
0x112: {  	[tilespmem:$0x13C70] =	vst v0  }
0x113: {  	[tilespmem:$0x14000] =	vst v0  }
0x114: {  	[tilespmem:$0x14010] =	vst v0  }
0x115: {  	[tilespmem:$0x14020] =	vst v0  }
0x116: {  	[tilespmem:$0x14030] =	vst v0  }
0x117: {  	[tilespmem:$0x14040] =	vst v0  }
0x118: {  	[tilespmem:$0x14050] =	vst v0  }
0x119: {  	[tilespmem:$0x14060] =	vst v0  }
0x11a: {  	[tilespmem:$0x14070] =	vst v0  }
0x11b: {  	[tilespmem:$0x14400] =	vst v0  }
0x11c: {  	[tilespmem:$0x14410] =	vst v0  }
0x11d: {  	[tilespmem:$0x14420] =	vst v0  }
0x11e: {  	[tilespmem:$0x14430] =	vst v0  }
0x11f: {  	[tilespmem:$0x14440] =	vst v0  }
0x120: {  	[tilespmem:$0x14450] =	vst v0  }
0x121: {  	[tilespmem:$0x14460] =	vst v0  }
0x122: {  	[tilespmem:$0x14470] =	vst v0  }
0x123: {  	[tilespmem:$0x14800] =	vst v0  }
0x124: {  	[tilespmem:$0x14810] =	vst v0  }
0x125: {  	[tilespmem:$0x14820] =	vst v0  }
0x126: {  	[tilespmem:$0x14830] =	vst v0  }
0x127: {  	[tilespmem:$0x14840] =	vst v0  }
0x128: {  	[tilespmem:$0x14850] =	vst v0  }
0x129: {  	[tilespmem:$0x14860] =	vst v0  }
0x12a: {  	[tilespmem:$0x14870] =	vst v0  }
0x12b: {  	[tilespmem:$0x14C00] =	vst v0  }
0x12c: {  	[tilespmem:$0x14C10] =	vst v0  }
0x12d: {  	[tilespmem:$0x14C20] =	vst v0  }
0x12e: {  	[tilespmem:$0x14C30] =	vst v0  }
0x12f: {  	[tilespmem:$0x14C40] =	vst v0  }
0x130: {  	[tilespmem:$0x14C50] =	vst v0  }
0x131: {  	[tilespmem:$0x14C60] =	vst v0  }
0x132: {  	[tilespmem:$0x14C70] =	vst v0  }
0x133: {  	[tilespmem:$0x15000] =	vst v0  }
0x134: {  	[tilespmem:$0x15010] =	vst v0  }
0x135: {  	[tilespmem:$0x15020] =	vst v0  }
0x136: {  	[tilespmem:$0x15030] =	vst v0  }
0x137: {  	[tilespmem:$0x15040] =	vst v0  }
0x138: {  	[tilespmem:$0x15050] =	vst v0  }
0x139: {  	[tilespmem:$0x15060] =	vst v0  }
0x13a: {  	[tilespmem:$0x15070] =	vst v0  }
0x13b: {  	[tilespmem:$0x15400] =	vst v0  }
0x13c: {  	[tilespmem:$0x15410] =	vst v0  }
0x13d: {  	[tilespmem:$0x15420] =	vst v0  }
0x13e: {  	[tilespmem:$0x15430] =	vst v0  }
0x13f: {  	[tilespmem:$0x15440] =	vst v0  }
0x140: {  	[tilespmem:$0x15450] =	vst v0  }
0x141: {  	[tilespmem:$0x15460] =	vst v0  }
0x142: {  	[tilespmem:$0x15470] =	vst v0  }
0x143: {  	[tilespmem:$0x15800] =	vst v0  }
0x144: {  	[tilespmem:$0x15810] =	vst v0  }
0x145: {  	[tilespmem:$0x15820] =	vst v0  }
0x146: {  	[tilespmem:$0x15830] =	vst v0  }
0x147: {  	[tilespmem:$0x15840] =	vst v0  }
0x148: {  	[tilespmem:$0x15850] =	vst v0  }
0x149: {  	[tilespmem:$0x15860] =	vst v0  }
0x14a: {  	[tilespmem:$0x15870] =	vst v0  }
0x14b: {  	[tilespmem:$0x15C00] =	vst v0  }
0x14c: {  	[tilespmem:$0x15C10] =	vst v0  }
0x14d: {  	[tilespmem:$0x15C20] =	vst v0  }
0x14e: {  	[tilespmem:$0x15C30] =	vst v0  }
0x14f: {  	[tilespmem:$0x15C40] =	vst v0  }
0x150: {  	[tilespmem:$0x15C50] =	vst v0  }
0x151: {  	[tilespmem:$0x15C60] =	vst v0  }
0x152: {  	[tilespmem:$0x15C70] =	vst v0  }
.LBB2_5:
0x153: {  	s4 =	simm.s32 $0x0;
	s0 =	rddreg [dreg:$0x5]  }
0x154: {  	[hbm4b:s0+s4] =	stream.linear.scatter [tilespmem:s10], [sflag:$0x9], $0x8000, $0x38;
	[tilespmem:$0x1A000] =	vst v63  }
0x155: {  	_ =	swait.ge [sflag:s12], $0x8000  }
0x156: {  	[sflag:s12] =	ssyncset.done $0x0  }
0x157: {  	[sflag:s12] =	ssyncadd.s32 $0xFFFF8000  }
0x158: {  	[bflag:$0x0] =	sbarrier.arrive $0xFFFF  }
0x159: {  	s15 =	rddreg [dreg:$0x6]  }
0x15a: {  	[tilespmem:s4], [sflag:$0x9] =	stream.linear.gather [hbm4b:s15+s4], $0x2000, $0x38;
	[tilespmem:$0x1A000] =	vst v63  }
0x15b: {  	_ =	swait.ge [sflag:s12], $0x2000  }
0x15c: {  	[sflag:s12] =	ssyncset.done $0x0  }
0x15d: {  	[sflag:s12] =	ssyncadd.s32 $0xFFFFE000  }
0x15e: {  	v3 =	vld.msk [tilespmem:$0x0], $0xff;
	_ =	sdelay $0x4  }
0x15f: {  	v4 =	vshll.u32 v3, $0x4  }
0x160: {  	v3 =	vand.u32 $0x7, v3;
	v4 =	vand.u32 $0xFFFFFF80, v4  }
0x161: {  	v3 =	vor.u32 v3, v4  }
0x162: {  	v3 =	vperm.xlane v3, v1;
	_ =	sdelay $0x1  }
0x163: {  	v3 =	vadd.s32 v2, v3;
	_ =	sdelay $0x3  }
0x164: {  	s6 =	simm.s32 $0x2000  }
0x165: {  	[tilespmem:s6], [sflag:$0x1] =	stream.indirect_vreg.gather [hbm4b:s5+s4], $0x80, v3, vm0, $0xb8;
	[tilespmem:$0x1A000] =	vst v63  }
0x166: {  	s9 =	simm.s32 $0x2800;
	s6 =	sadd.s32 $0x100, s5  }
0x167: {  	[tilespmem:s9], [sflag:$0x1] =	stream.indirect_vreg.gather [hbm4b:s6+s4], $0x80, v3, vm0, $0xb8;
	[tilespmem:$0x1A000] =	vst v63  }
0x168: {  	s10 =	simm.s32 $0x3000;
	s9 =	sadd.s32 $0x200, s5  }
0x169: {  	[tilespmem:s10], [sflag:$0x1] =	stream.indirect_vreg.gather [hbm4b:s9+s4], $0x80, v3, vm0, $0xb8;
	[tilespmem:$0x1A000] =	vst v63  }
0x16a: {  	s28 =	sadd.s32 $0x300, s5;
	s11 =	simm.s32 $0x3800  }
0x16b: {  	[tilespmem:s11], [sflag:$0x1] =	stream.indirect_vreg.gather [hbm4b:s28+s4], $0x80, v3, vm0, $0xb8;
	[tilespmem:$0x1A000] =	vst v63  }
0x16c: {  	s29 =	sadd.s32 $0x400, s5;
	s12 =	simm.s32 $0x4000  }
0x16d: {  	[tilespmem:s12], [sflag:$0x1] =	stream.indirect_vreg.gather [hbm4b:s29+s4], $0x80, v3, vm0, $0xb8;
	[tilespmem:$0x1A000] =	vst v63  }
0x16e: {  	s30 =	sadd.s32 $0x500, s5;
	s15 =	simm.s32 $0x4800  }
0x16f: {  	[tilespmem:s15], [sflag:$0x1] =	stream.indirect_vreg.gather [hbm4b:s30+s4], $0x80, v3, vm0, $0xb8;
	[tilespmem:$0x1A000] =	vst v63  }
0x170: {  	s31 =	sadd.s32 $0x600, s5;
	s10 =	simm.s32 $0x5000  }
0x171: {  	[tilespmem:s10], [sflag:$0x1] =	stream.indirect_vreg.gather [hbm4b:s31+s4], $0x80, v3, vm0, $0xb8;
	[tilespmem:$0x1A000] =	vst v63  }
0x172: {  	s0 =	sadd.s32 $0x700, s5;
	s11 =	simm.s32 $0x5800  }
0x173: {  	[tilespmem:s11], [sflag:$0x1] =	stream.indirect_vreg.gather [hbm4b:s0+s4], $0x80, v3, vm0, $0xb8;
	[tilespmem:$0x1A000] =	vst v63  }
0x174: {  	v3 =	vld.msk [tilespmem:$0x80], $0xff;
	_ =	sdelay $0x4  }
0x175: {  	v62 =	vshll.u32 v3, $0x4  }
0x176: {  	v3 =	vand.u32 $0x7, v3;
	v4 =	vand.u32 $0xFFFFFF80, v62  }
0x177: {  	v3 =	vor.u32 v3, v4  }
0x178: {  	v3 =	vperm.xlane v3, v1;
	_ =	sdelay $0x1  }
0x179: {  	v3 =	vadd.s32 v2, v3;
	_ =	sdelay $0x4  }
0x17a: {  	[tilespmem:s18], [sflag:$0x2] =	stream.indirect_vreg.gather [hbm4b:s5+s4], $0x80, v3, vm0, $0xb8;
	[tilespmem:$0x1A000] =	vst v63  }
0x17b: {  	s12 =	simm.s32 $0x6800  }
0x17c: {  	[tilespmem:s12], [sflag:$0x2] =	stream.indirect_vreg.gather [hbm4b:s6+s4], $0x80, v3, vm0, $0xb8;
	[tilespmem:$0x1A000] =	vst v63  }
0x17d: {  	s15 =	simm.s32 $0x7000  }
0x17e: {  	[tilespmem:s15], [sflag:$0x2] =	stream.indirect_vreg.gather [hbm4b:s9+s4], $0x80, v3, vm0, $0xb8;
	[tilespmem:$0x1A000] =	vst v63  }
0x17f: {  	s11 =	simm.s32 $0x7800  }
0x180: {  	[tilespmem:s11], [sflag:$0x2] =	stream.indirect_vreg.gather [hbm4b:s28+s4], $0x80, v3, vm0, $0xb8;
	[tilespmem:$0x1A000] =	vst v63  }
0x181: {  	s12 =	simm.s32 $0x8000  }
0x182: {  	[tilespmem:s12], [sflag:$0x2] =	stream.indirect_vreg.gather [hbm4b:s29+s4], $0x80, v3, vm0, $0xb8;
	[tilespmem:$0x1A000] =	vst v63  }
0x183: {  	s15 =	simm.s32 $0x8800  }
0x184: {  	[tilespmem:s15], [sflag:$0x2] =	stream.indirect_vreg.gather [hbm4b:s30+s4], $0x80, v3, vm0, $0xb8;
	[tilespmem:$0x1A000] =	vst v63  }
0x185: {  	s11 =	simm.s32 $0x9000  }
0x186: {  	[tilespmem:s11], [sflag:$0x2] =	stream.indirect_vreg.gather [hbm4b:s31+s4], $0x80, v3, vm0, $0xb8;
	[tilespmem:$0x1A000] =	vst v63  }
0x187: {  	s12 =	simm.s32 $0x9800  }
0x188: {  	[tilespmem:s12], [sflag:$0x2] =	stream.indirect_vreg.gather [hbm4b:s0+s4], $0x80, v3, vm0, $0xb8;
	[tilespmem:$0x1A000] =	vst v63  }
0x189: {  	v3 =	vld.msk [tilespmem:$0x100], $0xff;
	_ =	sdelay $0x4  }
0x18a: {  	v63 =	vshll.u32 v3, $0x4  }
0x18b: {  	v3 =	vand.u32 $0x7, v3;
	v4 =	vand.u32 $0xFFFFFF80, v63  }
0x18c: {  	v3 =	vor.u32 v3, v4  }
0x18d: {  	v3 =	vperm.xlane v3, v1;
	_ =	sdelay $0x1  }
0x18e: {  	v3 =	vadd.s32 v2, v3;
	_ =	sdelay $0x4  }
0x18f: {  	[tilespmem:s26], [sflag:$0x3] =	stream.indirect_vreg.gather [hbm4b:s5+s4], $0x80, v3, vm0, $0xb8;
	[tilespmem:$0x1A000] =	vst v63  }
0x190: {  	s15 =	simm.s32 $0xA800  }
0x191: {  	[tilespmem:s15], [sflag:$0x3] =	stream.indirect_vreg.gather [hbm4b:s6+s4], $0x80, v3, vm0, $0xb8;
	[tilespmem:$0x1A000] =	vst v63  }
0x192: {  	s11 =	simm.s32 $0xB000  }
0x193: {  	[tilespmem:s11], [sflag:$0x3] =	stream.indirect_vreg.gather [hbm4b:s9+s4], $0x80, v3, vm0, $0xb8;
	[tilespmem:$0x1A000] =	vst v63  }
0x194: {  	s12 =	simm.s32 $0xB800  }
0x195: {  	[tilespmem:s12], [sflag:$0x3] =	stream.indirect_vreg.gather [hbm4b:s28+s4], $0x80, v3, vm0, $0xb8;
	[tilespmem:$0x1A000] =	vst v63  }
0x196: {  	s15 =	simm.s32 $0xC000  }
0x197: {  	[tilespmem:s15], [sflag:$0x3] =	stream.indirect_vreg.gather [hbm4b:s29+s4], $0x80, v3, vm0, $0xb8;
	[tilespmem:$0x1A000] =	vst v63  }
0x198: {  	s11 =	simm.s32 $0xC800  }
0x199: {  	[tilespmem:s11], [sflag:$0x3] =	stream.indirect_vreg.gather [hbm4b:s30+s4], $0x80, v3, vm0, $0xb8;
	[tilespmem:$0x1A000] =	vst v63  }
0x19a: {  	s12 =	simm.s32 $0xD000  }
0x19b: {  	[tilespmem:s12], [sflag:$0x3] =	stream.indirect_vreg.gather [hbm4b:s31+s4], $0x80, v3, vm0, $0xb8;
	[tilespmem:$0x1A000] =	vst v63  }
0x19c: {  	s15 =	simm.s32 $0xD800;
	s11 =	simm.s32 $0x300  }
0x19d: {  	[tilespmem:s15], [sflag:$0x3] =	stream.indirect_vreg.gather [hbm4b:s0+s4], $0x80, v3, vm0, $0xb8;
	[tilespmem:$0x1A000] =	vst v63  }
.LBB2_6:
0x19e: {  	_ =	swait.ge [sflag:s13], $0x4000  }
0x19f: {  	s12 =	sadd.s32 s4, s7;
	[sflag:s13] =	ssyncset.done $0x0  }
0x1a0: {  	s10 =	simm.s32 $0x2000;
	p1 =	seq.s32 s4, $0x0;
	[sflag:s13] =	ssyncadd.s32 $0xFFFFC000  }
0x1a1: {  	[hbm4b:s12+s1] =	stream.linear.scatter [tilespmem:s10], [sflag:$0x5], $0x4000, $0x38;
	[tilespmem:$0x1A000] =	vst v63  }
0x1a2: {  	s10 =	simm.s32 @!p1 $0x8  }
0x1a3: {  	_ =	swait.ge @!p1 [sflag:s10], $0x4000  }
0x1a4: {  	[sflag:s10] =	ssyncset.done @!p1 $0x0  }
0x1a5: {  	[sflag:s10] =	ssyncadd.s32 @!p1 $0xFFFFC000  }
0x1a6: {  	v3 =	vld.msk [tilespmem:s11+$0xFFFFFE80], $0xff;
	_ =	sdelay $0x4  }
0x1a7: {  	v4 =	vshll.u32 v3, $0x4  }
0x1a8: {  	v3 =	vand.u32 $0x7, v3;
	v4 =	vand.u32 $0xFFFFFF80, v4  }
0x1a9: {  	v3 =	vor.u32 v3, v4  }
0x1aa: {  	v3 =	vperm.xlane v3, v1;
	_ =	sdelay $0x1  }
0x1ab: {  	v3 =	vadd.s32 v2, v3;
	_ =	sdelay $0x4  }
0x1ac: {  	[tilespmem:s14], [sflag:$0x4] =	stream.indirect_vreg.gather [hbm4b:s5+s1], $0x80, v3, vm0, $0xb8;
	[tilespmem:$0x1A000] =	vst v63  }
0x1ad: {  	s15 =	simm.s32 $0xE800  }
0x1ae: {  	[tilespmem:s15], [sflag:$0x4] =	stream.indirect_vreg.gather [hbm4b:s6+s1], $0x80, v3, vm0, $0xb8;
	[tilespmem:$0x1A000] =	vst v63  }
0x1af: {  	_ = 	snop  }
0x1b0: {  	[tilespmem:s16], [sflag:$0x4] =	stream.indirect_vreg.gather [hbm4b:s9+s1], $0x80, v3, vm0, $0xb8;
	[tilespmem:$0x1A000] =	vst v63  }
0x1b1: {  	_ = 	snop  }
0x1b2: {  	[tilespmem:s17], [sflag:$0x4] =	stream.indirect_vreg.gather [hbm4b:s28+s1], $0x80, v3, vm0, $0xb8;
	[tilespmem:$0x1A000] =	vst v63  }
0x1b3: {  	_ = 	snop  }
0x1b4: {  	[tilespmem:s19], [sflag:$0x4] =	stream.indirect_vreg.gather [hbm4b:s29+s1], $0x80, v3, vm0, $0xb8;
	[tilespmem:$0x1A000] =	vst v63  }
0x1b5: {  	_ = 	snop  }
0x1b6: {  	[tilespmem:s20], [sflag:$0x4] =	stream.indirect_vreg.gather [hbm4b:s30+s1], $0x80, v3, vm0, $0xb8;
	[tilespmem:$0x1A000] =	vst v63  }
0x1b7: {  	_ = 	snop  }
0x1b8: {  	[tilespmem:s21], [sflag:$0x4] =	stream.indirect_vreg.gather [hbm4b:s31+s1], $0x80, v3, vm0, $0xb8;
	[tilespmem:$0x1A000] =	vst v63  }
0x1b9: {  	_ = 	snop  }
0x1ba: {  	[tilespmem:s22], [sflag:$0x4] =	stream.indirect_vreg.gather [hbm4b:s0+s1], $0x80, v3, vm0, $0xb8;
	[tilespmem:$0x1A000] =	vst v63  }
0x1bb: {  	_ =	swait.ge [sflag:s23], $0x4000  }
0x1bc: {  	[sflag:s23] =	ssyncset.done $0x0  }
0x1bd: {  	s15 =	sadd.s32 $0x800, s12;
	[sflag:s23] =	ssyncadd.s32 $0xFFFFC000  }
0x1be: {  	[hbm4b:s15+s1] =	stream.linear.scatter [tilespmem:s18], [sflag:$0x6], $0x4000, $0x38;
	[tilespmem:$0x1A000] =	vst v63  }
0x1bf: {  	_ =	swait.ge [sflag:s24], $0x4000  }
0x1c0: {  	[sflag:s24] =	ssyncset.done $0x0  }
0x1c1: {  	p1 =	seq.s32 s4, $0x1E000;
	[sflag:s24] =	ssyncadd.s32 $0xFFFFC000  }
0x1c2: {  	v3 =	vld.msk @!p1 [tilespmem:s11+$0xFFFFFF00], $0xff;
	_ =	sdelay $0x4  }
0x1c3: {  	v4 =	vshll.u32 @!p1 v3, $0x4  }
0x1c4: {  	v5 =	vlaneseq.u32 @!p1;
	v3 =	vand.u32 @!p1 $0x7, v3;
	v4 =	vand.u32 @!p1 $0xFFFFFF80, v4  }
0x1c5: {  	v3 =	vor.u32 @!p1 v3, v4;
	v4 =	vand.u32 @!p1 $0x7, v5;
	v5 =	vshrl.u32 @!p1 v5, $0x3  }
0x1c6: {  	v3 =	vperm.xlane @!p1 v3, v4;
	v5 =	vmul.u32 @!p1 $0x8, v5;
	_ =	sdelay $0x1  }
0x1c7: {  	v3 =	vadd.s32 @!p1 v5, v3;
	_ =	sdelay $0x3  }
0x1c8: {  	vm1 =	vmmov @!p1 $0xffff;
	s10 =	simm.s32 @!p1 $0x0;
	s15 =	simm.s32 @!p1 $0x2000  }
0x1c9: {  	[tilespmem:s15], [sflag:$0x1] =	stream.indirect_vreg.gather @!p1 [hbm4b:s5+s10], $0x80, v3, vm1, $0xb8;
	[tilespmem:$0x1A000] =	vst v63  }
0x1ca: {  	s15 =	simm.s32 @!p1 $0x2800  }
0x1cb: {  	[tilespmem:s15], [sflag:$0x1] =	stream.indirect_vreg.gather @!p1 [hbm4b:s6+s10], $0x80, v3, vm1, $0xb8;
	[tilespmem:$0x1A000] =	vst v63  }
0x1cc: {  	s15 =	simm.s32 @!p1 $0x3000  }
0x1cd: {  	[tilespmem:s15], [sflag:$0x1] =	stream.indirect_vreg.gather @!p1 [hbm4b:s9+s10], $0x80, v3, vm1, $0xb8;
	[tilespmem:$0x1A000] =	vst v63  }
0x1ce: {  	s15 =	simm.s32 @!p1 $0x3800  }
0x1cf: {  	[tilespmem:s15], [sflag:$0x1] =	stream.indirect_vreg.gather @!p1 [hbm4b:s28+s10], $0x80, v3, vm1, $0xb8;
	[tilespmem:$0x1A000] =	vst v63  }
0x1d0: {  	s15 =	simm.s32 @!p1 $0x4000  }
0x1d1: {  	[tilespmem:s15], [sflag:$0x1] =	stream.indirect_vreg.gather @!p1 [hbm4b:s29+s10], $0x80, v3, vm1, $0xb8;
	[tilespmem:$0x1A000] =	vst v63  }
0x1d2: {  	s15 =	simm.s32 @!p1 $0x4800  }
0x1d3: {  	[tilespmem:s15], [sflag:$0x1] =	stream.indirect_vreg.gather @!p1 [hbm4b:s30+s10], $0x80, v3, vm1, $0xb8;
	[tilespmem:$0x1A000] =	vst v63  }
0x1d4: {  	s15 =	simm.s32 @!p1 $0x5000  }
0x1d5: {  	[tilespmem:s15], [sflag:$0x1] =	stream.indirect_vreg.gather @!p1 [hbm4b:s31+s10], $0x80, v3, vm1, $0xb8;
	[tilespmem:$0x1A000] =	vst v63  }
0x1d6: {  	s15 =	simm.s32 @!p1 $0x5800  }
0x1d7: {  	[tilespmem:s15], [sflag:$0x1] =	stream.indirect_vreg.gather @!p1 [hbm4b:s0+s10], $0x80, v3, vm1, $0xb8;
	[tilespmem:$0x1A000] =	vst v63  }
0x1d8: {  	_ =	swait.ge [sflag:s25], $0x4000  }
0x1d9: {  	[sflag:s25] =	ssyncset.done $0x0  }
0x1da: {  	s15 =	sadd.s32 $0x1000, s12;
	[sflag:s25] =	ssyncadd.s32 $0xFFFFC000  }
0x1db: {  	[hbm4b:s15+s1] =	stream.linear.scatter [tilespmem:s26], [sflag:$0x7], $0x4000, $0x38;
	[tilespmem:$0x1A000] =	vst v63  }
0x1dc: {  	_ =	swait.ge [sflag:s8], $0x4000  }
0x1dd: {  	[sflag:s8] =	ssyncset.done $0x0  }
0x1de: {  	[sflag:s8] =	ssyncadd.s32 $0xFFFFC000  }
0x1df: {  	v3 =	vld.msk @!p1 [tilespmem:s11+$0xFFFFFF80], $0xff;
	_ =	sdelay $0x4  }
0x1e0: {  	v6 =	vshll.u32 @!p1 v3, $0x4  }
0x1e1: {  	v3 =	vand.u32 @!p1 $0x7, v3;
	v6 =	vand.u32 @!p1 $0xFFFFFF80, v6  }
0x1e2: {  	v3 =	vor.u32 @!p1 v3, v6  }
0x1e3: {  	v3 =	vperm.xlane @!p1 v3, v4;
	_ =	sdelay $0x1  }
0x1e4: {  	v3 =	vadd.s32 @!p1 v5, v3;
	_ =	sdelay $0x3  }
0x1e5: {  	s15 =	simm.s32 @!p1 $0x6000  }
0x1e6: {  	[tilespmem:s15], [sflag:$0x2] =	stream.indirect_vreg.gather @!p1 [hbm4b:s5+s10], $0x80, v3, vm1, $0xb8;
	[tilespmem:$0x1A000] =	vst v63  }
0x1e7: {  	s15 =	simm.s32 @!p1 $0x6800  }
0x1e8: {  	[tilespmem:s15], [sflag:$0x2] =	stream.indirect_vreg.gather @!p1 [hbm4b:s6+s10], $0x80, v3, vm1, $0xb8;
	[tilespmem:$0x1A000] =	vst v63  }
0x1e9: {  	s15 =	simm.s32 @!p1 $0x7000  }
0x1ea: {  	[tilespmem:s15], [sflag:$0x2] =	stream.indirect_vreg.gather @!p1 [hbm4b:s9+s10], $0x80, v3, vm1, $0xb8;
	[tilespmem:$0x1A000] =	vst v63  }
0x1eb: {  	s15 =	simm.s32 @!p1 $0x7800  }
0x1ec: {  	[tilespmem:s15], [sflag:$0x2] =	stream.indirect_vreg.gather @!p1 [hbm4b:s28+s10], $0x80, v3, vm1, $0xb8;
	[tilespmem:$0x1A000] =	vst v63  }
0x1ed: {  	s15 =	simm.s32 @!p1 $0x8000  }
0x1ee: {  	[tilespmem:s15], [sflag:$0x2] =	stream.indirect_vreg.gather @!p1 [hbm4b:s29+s10], $0x80, v3, vm1, $0xb8;
	[tilespmem:$0x1A000] =	vst v63  }
0x1ef: {  	s15 =	simm.s32 @!p1 $0x8800  }
0x1f0: {  	[tilespmem:s15], [sflag:$0x2] =	stream.indirect_vreg.gather @!p1 [hbm4b:s30+s10], $0x80, v3, vm1, $0xb8;
	[tilespmem:$0x1A000] =	vst v63  }
0x1f1: {  	s15 =	simm.s32 @!p1 $0x9000  }
0x1f2: {  	[tilespmem:s15], [sflag:$0x2] =	stream.indirect_vreg.gather @!p1 [hbm4b:s31+s10], $0x80, v3, vm1, $0xb8;
	[tilespmem:$0x1A000] =	vst v63  }
0x1f3: {  	s15 =	simm.s32 @!p1 $0x9800  }
0x1f4: {  	[tilespmem:s15], [sflag:$0x2] =	stream.indirect_vreg.gather @!p1 [hbm4b:s0+s10], $0x80, v3, vm1, $0xb8;
	[tilespmem:$0x1A000] =	vst v63  }
0x1f5: {  	_ =	swait.ge [sflag:s2], $0x4000  }
0x1f6: {  	[sflag:s2] =	ssyncset.done $0x0  }
.Ltmp4:
0x1f7: {  	s15 =	sadd.s32 $0x1800, s12;
	[sflag:s2] =	ssyncadd.s32 $0xFFFFC000;
	(pc) =	sbr.rel @p1 .LBB2_8-.Ltmp4, $4  }
0x1f8: {  	[hbm4b:s15+s1] =	stream.linear.scatter [tilespmem:s14], [sflag:$0x8], $0x4000, $0x38;
	[tilespmem:$0x1A000] =	vst v63  }
0x1f9: {  	_ =	swait.ge [sflag:s3], $0x4000  }
0x1fa: {  	[sflag:s3] =	ssyncset.done $0x0  }
0x1fb: {  	[sflag:s3] =	ssyncadd.s32 $0xFFFFC000  }
0x1fc: {  	v3 =	vld.msk [tilespmem:s11+$0x0], $0xff;
	_ =	sdelay $0x4  }
0x1fd: {  	v4 =	vshll.u32 v3, $0x4  }
0x1fe: {  	v3 =	vand.u32 $0x7, v3;
	v4 =	vand.u32 $0xFFFFFF80, v4  }
0x1ff: {  	v3 =	vor.u32 v3, v4  }
0x200: {  	v3 =	vperm.xlane v3, v1;
	_ =	sdelay $0x1  }
0x201: {  	v3 =	vadd.s32 v2, v3;
	_ =	sdelay $0x4  }
0x202: {  	[tilespmem:s26], [sflag:$0x3] =	stream.indirect_vreg.gather [hbm4b:s5+s1], $0x80, v3, vm0, $0xb8;
	[tilespmem:$0x1A000] =	vst v63  }
0x203: {  	s10 =	simm.s32 $0xA800  }
0x204: {  	[tilespmem:s10], [sflag:$0x3] =	stream.indirect_vreg.gather [hbm4b:s6+s1], $0x80, v3, vm0, $0xb8;
	[tilespmem:$0x1A000] =	vst v63  }
0x205: {  	s12 =	simm.s32 $0xB000  }
0x206: {  	[tilespmem:s12], [sflag:$0x3] =	stream.indirect_vreg.gather [hbm4b:s9+s1], $0x80, v3, vm0, $0xb8;
	[tilespmem:$0x1A000] =	vst v63  }
0x207: {  	s15 =	simm.s32 $0xB800  }
0x208: {  	[tilespmem:s15], [sflag:$0x3] =	stream.indirect_vreg.gather [hbm4b:s28+s1], $0x80, v3, vm0, $0xb8;
	[tilespmem:$0x1A000] =	vst v63  }
0x209: {  	s12 =	simm.s32 $0xC000  }
0x20a: {  	[tilespmem:s12], [sflag:$0x3] =	stream.indirect_vreg.gather [hbm4b:s29+s1], $0x80, v3, vm0, $0xb8;
	[tilespmem:$0x1A000] =	vst v63  }
0x20b: {  	s15 =	simm.s32 $0xC800  }
0x20c: {  	[tilespmem:s15], [sflag:$0x3] =	stream.indirect_vreg.gather [hbm4b:s30+s1], $0x80, v3, vm0, $0xb8;
	[tilespmem:$0x1A000] =	vst v63  }
.Ltmp5:
0x20d: {  	_ = 	snop;
	(pc) =	sbr.rel .LBB2_6-.Ltmp5, $4  }
0x20e: {  	s12 =	simm.s32 $0xD000  }
0x20f: {  	[tilespmem:s12], [sflag:$0x3] =	stream.indirect_vreg.gather [hbm4b:s31+s1], $0x80, v3, vm0, $0xb8;
	[tilespmem:$0x1A000] =	vst v63  }
0x210: {  	s4 =	sadd.s32 $0x2000, s4;
	s11 =	sadd.s32 $0x200, s11;
	s15 =	simm.s32 $0xD800  }
0x211: {  	[tilespmem:s15], [sflag:$0x3] =	stream.indirect_vreg.gather [hbm4b:s0+s1], $0x80, v3, vm0, $0xb8;
	[tilespmem:$0x1A000] =	vst v63  }
.LBB2_9:
0x212: {  	_ =	sfence.sel $0x180000  }
0x213: {  	[bflag:$0x0] =	sbarrier.arrive $0xFFFF  }
0x214: {  	_ =	strace $0x90000047  }
0x215: {  	[bflag:$0x2] =	sbarrier.arrive $0xFFFF  }
0x216: {  	s0 =	rddreg [dreg:$0x3]  }
0x217: {  	s0 =	sadd.s32 @!p0 $0x100000, s0  }
0x218: {  	[sflag:s0] =	ssyncadd.tile.s32 @!p0 $0x1;
	_ =	shalt  }
.Lfunc_end2:
_tile_overlayer_lowered:
.L_overlay_start_2:
0x219: {  	(tag) =	ssettag $0x2  }
0x21a: {  	s0 =	rddreg [dreg:$0x0];
	s2 =	stileid.u32  }
0x21b: {  	s1 =	rddreg [dreg:$0x1];
	p0 =	sne.s32 s2, $0x0  }
0x21c: {  	s3 =	rddreg [dreg:$0x2];
	[bflag:$0x3] =	sbarrier.arrive $0xFFFF;
	s2 =	simm.s32 @!p0 $0x1C09  }
0x21d: {  	[timem:s3], [sflag:s2] =	dma.local @!p0 [hbm:s0], s1  }
0x21e: {  	s0 =	simm.s32 @!p0 $0x9  }
0x21f: {  	_ =	swait.ge @!p0 [sflag:s0], s1  }
0x220: {  	s1 =	ssub.s32 @!p0 $0x0, s1;
	[sflag:s0] =	ssyncset.done @!p0 $0x0  }
0x221: {  	[sflag:s0] =	ssyncadd.s32 @!p0 s1  }
0x222: {  	[bflag:$0x3] =	sbarrier.arrive $0xFFFF  }
0x223: {  	_ =	shalt  }

</sc_bundles>
